<compile_context>
chip_gen: v7x
topology: tpu7x:2x2x1
jax: 0.10.2.dev20260603
libtpu: 0.0.44.dev20260713+nightly
codegen_flags: <defaults>
</compile_context>

<pallas_src>
import functools

import jax
import jax.numpy as jnp
from jax import lax
from jax.experimental import pallas as pl
from jax.experimental.pallas import tpu as pltpu
from jax.experimental.pallas import tpu_sc as plsc

N = 10000
E = 320000
D = 128

NC = 2
NS = 16
NW = NC * NS
LANES = 16

CH = 64
EPAD = 327680
TCH = EPAD // CH
CPW = EPAD // (NW * CH)
K = 4
NH = 4
HCPW = CPW // NH
NPAD = 10112
RPS = NPAD // NS

_mesh = plsc.VectorSubcoreMesh(core_axis_name="c", subcore_axis_name="s")


def _deg_body(dst_hbm, zeros_hbm, out_hbm, dstv, ones_v, deg_sh, sem):
    c = lax.axis_index("c")
    s = lax.axis_index("s")
    wid = s * NC + c

    @pl.loop(0, CH // LANES)
    def _(i):
        ones_v[pl.ds(i * LANES, LANES)] = jnp.full((LANES,), 1.0, jnp.float32)

    @pl.when(s == 0)
    def _():
        pltpu.sync_copy(zeros_hbm, deg_sh)

    pltpu.sync_copy(dst_hbm.at[pl.ds(wid * CPW, CPW)], dstv)
    plsc.subcore_barrier()

    @pl.loop(0, CPW)
    def _(i):
        pltpu.async_copy(ones_v, deg_sh.at[dstv.at[i]], sem, add=True)

    @pl.loop(0, CPW)
    def _(i):
        pltpu.make_async_copy(ones_v, deg_sh.at[dstv.at[0]], sem).wait()

    plsc.subcore_barrier()

    @pl.when(s == 0)
    def _():
        pltpu.sync_copy(deg_sh, out_hbm.at[c])


def _msg_body(xs_hbm, src_hbm, dst_hbm, zeros_hbm, out_hbm,
              srcv, dstv, rows, acc_sh, gsem, ssem):
    c = lax.axis_index("c")
    s = lax.axis_index("s")
    wid = s * NC + c

    pltpu.sync_copy(zeros_hbm.at[pl.ds(s * RPS, RPS)],
                    acc_sh.at[pl.ds(s * RPS, RPS)])
    plsc.subcore_barrier()

    def gather(i, b):
        return pltpu.async_copy(xs_hbm.at[srcv.at[i]], rows.at[b], gsem.at[b])

    def wait_gather(b):
        pltpu.make_async_copy(xs_hbm.at[srcv.at[0]], rows.at[b],
                              gsem.at[b]).wait()

    def scatter(i, b):
        return pltpu.async_copy(rows.at[b], acc_sh.at[dstv.at[i]],
                                ssem.at[b], add=True)

    def wait_scatter(b):
        pltpu.make_async_copy(rows.at[b], acc_sh.at[dstv.at[0]],
                              ssem.at[b]).wait()

    for h in range(NH):
        pltpu.sync_copy(src_hbm.at[pl.ds(wid * CPW + h * HCPW, HCPW)], srcv)
        pltpu.sync_copy(dst_hbm.at[pl.ds(wid * CPW + h * HCPW, HCPW)], dstv)
        for b in range(K):
            gather(b, b)

        @pl.loop(0, HCPW // K - 1)
        def _(g):
            for b in range(K):
                wait_gather(b)
                scatter(g * K + b, b)
            for b in range(K):
                wait_scatter(b)
                gather((g + 1) * K + b, b)

        for b in range(K):
            wait_gather(b)
            scatter(HCPW - K + b, b)
        for b in range(K):
            wait_scatter(b)

    plsc.subcore_barrier()
    pltpu.sync_copy(acc_sh.at[pl.ds(s * RPS, RPS)],
                    out_hbm.at[c, pl.ds(s * RPS, RPS)])


@functools.partial(pl.kernel,
                   out_type=jax.ShapeDtypeStruct((NC, NPAD), jnp.float32),
                   mesh=_mesh,
                   scratch_types=[
                       pltpu.VMEM((CPW, CH), jnp.int32),
                       pltpu.VMEM((CH,), jnp.float32),
                       pltpu.VMEM_SHARED((NPAD,), jnp.float32),
                       pltpu.SemaphoreType.DMA,
                   ])
def _deg_kernel(dst_hbm, zeros_hbm, out_hbm, dstv, ones_v, deg_sh, sem):
    _deg_body(dst_hbm, zeros_hbm, out_hbm, dstv, ones_v, deg_sh, sem)


@functools.partial(pl.kernel,
                   out_type=jax.ShapeDtypeStruct((NC, NPAD, D), jnp.float32),
                   mesh=_mesh,
                   scratch_types=[
                       pltpu.VMEM((HCPW, CH), jnp.int32),
                       pltpu.VMEM((HCPW, CH), jnp.int32),
                       pltpu.VMEM((K, CH, D), jnp.float32),
                       pltpu.VMEM_SHARED((NPAD, D), jnp.float32),
                       pltpu.SemaphoreType.DMA((K,)),
                       pltpu.SemaphoreType.DMA((K,)),
                   ])
def _msg_kernel(xs_hbm, src_hbm, dst_hbm, zeros_hbm, out_hbm,
                srcv, dstv, rows, acc_sh, gsem, ssem):
    _msg_body(xs_hbm, src_hbm, dst_hbm, zeros_hbm, out_hbm,
              srcv, dstv, rows, acc_sh, gsem, ssem)


def _xs_body(degt_ref, x_ref, xs_ref, dis_ref):
    deg = degt_ref[:N, 0:1] + degt_ref[:N, 1:2] + 1.0
    dis = lax.rsqrt(deg)
    dis_ref[...] = dis
    xs_ref[...] = x_ref[...] * dis


def _final_body(acc_ref, xs_ref, dis_ref, w_ref, gamma_ref, beta_ref, out_ref):
    a = acc_ref[0, :N, :] + acc_ref[1, :N, :] + xs_ref[...]
    z = a * dis_ref[...]
    y = jnp.dot(z, w_ref[...], preferred_element_type=jnp.float32)
    mean = jnp.mean(y, axis=0, keepdims=True)
    var = jnp.mean((y - mean) ** 2, axis=0, keepdims=True)
    out = (y - mean) * lax.rsqrt(var + 1e-5) * gamma_ref[...] + beta_ref[...]
    out_ref[...] = jnp.maximum(out, 0.0)


def kernel(x, edge_index, W, b, gamma, beta):
    del b
    ei = edge_index.astype(jnp.int32)
    pad = EPAD - E
    ar = jnp.arange(pad, dtype=jnp.int32)
    src = jnp.concatenate([ei[0], ar % N]).reshape(TCH, CH)
    dst = jnp.concatenate([ei[1], N + ar % (NPAD - N)]).reshape(TCH, CH)
    zeros1 = jnp.zeros((NPAD,), jnp.float32)
    zeros2 = jnp.zeros((NPAD, D), jnp.float32)

    degp = _deg_kernel(dst, zeros1)
    degt = jnp.transpose(degp)

    xs, dis = pl.pallas_call(
        _xs_body,
        out_shape=[jax.ShapeDtypeStruct((N, D), jnp.float32),
                   jax.ShapeDtypeStruct((N, 1), jnp.float32)],
    )(degt, x)

    acc = _msg_kernel(xs, src, dst, zeros2)

    out = pl.pallas_call(
        _final_body,
        out_shape=jax.ShapeDtypeStruct((N, D), jnp.float32),
    )(acc, xs, dis, W, gamma.reshape(1, D), beta.reshape(1, D))
    return out

# --- scband reference (transcript-rebuilt; emitter-appended) ---
"""Pipeline reference for scband-gnnblock-15324443312752 (READ-ONLY COPY).

The authoritative reference and input builder live on the scoring server;
editing this copy changes nothing except your own understanding.
"""

import jax, jax.numpy as jnp
import numpy as np

N_NODES = 10000
N_EDGES = 320000
D_IN = 128
D_OUT = 128

def setup_inputs(seed: int = 0) -> dict:
    key = jax.random.key(seed)
    k1, k2, k3, k4 = jax.random.split(key, 4)
    x = jax.random.normal(k1, (N_NODES, D_IN), dtype=jnp.float32)
    edge_index = jax.random.randint(k2, (2, N_EDGES), 0, N_NODES, dtype=jnp.int64)
    # GCNConv linear weight (glorot-ish) and bias
    W = jax.random.normal(k3, (D_IN, D_OUT), dtype=jnp.float32) * (1.0 / np.sqrt(D_IN))
    b = jnp.zeros((D_OUT,), dtype=jnp.float32)
    # BatchNorm1d affine params
    gamma = jnp.ones((D_OUT,), dtype=jnp.float32)
    beta = jnp.zeros((D_OUT,), dtype=jnp.float32)
    return {"x": x, "edge_index": edge_index, "W": W, "b": b, "gamma": gamma, "beta": beta}

def reference(x, edge_index, W, b, gamma, beta):
    N = x.shape[0]
    # GCNConv with add_self_loops=True, normalize=True
    loop = jnp.arange(N, dtype=edge_index.dtype)
    src = jnp.concatenate([edge_index[0], loop])
    dst = jnp.concatenate([edge_index[1], loop])
    # degree computed over destination (col) with unit edge weights
    deg = jnp.zeros((N,), dtype=x.dtype).at[dst].add(1.0)
    deg_inv_sqrt = jnp.where(deg > 0, jax.lax.rsqrt(deg), 0.0)
    norm = deg_inv_sqrt[src] * deg_inv_sqrt[dst]
    h = x @ W
    msg = h[src] * norm[:, None]
    out = jnp.zeros((N, W.shape[1]), dtype=x.dtype).at[dst].add(msg)
    out = out + b
    # BatchNorm1d (training mode: batch statistics, biased variance)
    mean = jnp.mean(out, axis=0)
    var = jnp.mean((out - mean) ** 2, axis=0)
    out = (out - mean) / jnp.sqrt(var + 1e-5) * gamma + beta
    return jax.nn.relu(out)

if __name__ == "__main__":
    import jax
    _d = setup_inputs()
    print(jax.jit(kernel)(*tuple(_d.values())))

</pallas_src>

<mosaic_0001>
#map = affine_map<(d0, d1) -> (0, 0)>
#map1 = affine_map<(d0, d1) -> (0)>
module attributes {stable_mosaic.version = 14 : i64} {
  func.func @_deg_kernel(%arg0: i32, %arg1: i32, %arg2: memref<5120x64xi32, #tpu.memory_space<hbm>>, %arg3: memref<10112xf32, #tpu.memory_space<hbm>>, %arg4: memref<2x10112xf32, #tpu.memory_space<hbm>>, %arg5: memref<160x64xi32, #tpu.memory_space<vmem>>, %arg6: memref<64xf32, #tpu.memory_space<vmem>>, %arg7: memref<10112xf32, #tpu.memory_space<vmem_shared>>, %arg8: memref<!tpu.dma_semaphore, #tpu.memory_space<semaphore_mem>>) attributes {dimension_semantics = [#tpu.dimension_semantics<core_parallel>, #tpu.dimension_semantics<subcore_parallel>], iteration_bounds = array<i64: 2, 16>, scalar_prefetch = 0 : i64, scratch_operands = 4 : i64, tpu.core_type = #tpu.core_type<sc_vector_subcore>, window_params = [{transform_indices = #map}, {transform_indices = #map1}, {transform_indices = #map}]} {
    %mul3A = arith.constant 2 : i32
    %mul3A_0 = arith.muli %arg1, %mul3A : i32
    %add3A = arith.addi %mul3A_0, %arg0 : i32
    %scan3A = arith.constant 0 : i32
    %scan3A_1 = arith.constant 4 : i32
    %scan3A_2 = arith.addi %scan3A, %scan3A_1 : i32
    %scan3A_3 = arith.constant 1 : i32
    scf.for %scan3A_25 = %scan3A to %scan3A_2 step %scan3A_3  : i32 {
      %mul3A_26 = arith.constant 1 : i32
      %mul3A_27 = arith.muli %scan3A_25, %mul3A_26 : i32
      %add3A_28 = arith.constant 0 : i32
      %add3A_29 = arith.addi %add3A_28, %mul3A_27 : i32
      %broadcast_in_dim3A = arith.constant 1.000000e+00 : f32
      %broadcast_in_dim3A_30 = vector.broadcast %broadcast_in_dim3A : f32 to vector<16xf32>
      %mul3A_31 = arith.constant 16 : i32
      %mul3A_32 = arith.muli %add3A_29, %mul3A_31 : i32
      %swap3A = arith.index_cast %mul3A_32 : i32 to index
      %swap3A_33 = tpu.vector_load %arg6[%swap3A] {strides = array<i32>} : memref<64xf32, #tpu.memory_space<vmem>>, vector<16xf32>,
      %swap3A_34 = vector.shape_cast %swap3A_33 : vector<16xf32> to vector<16xf32>
      %swap3A_35 = vector.shape_cast %broadcast_in_dim3A_30 : vector<16xf32> to vector<16xf32>
      tpu.vector_store %arg6[%swap3A], %swap3A_35 {strides = array<i32>} : memref<64xf32, #tpu.memory_space<vmem>>, vector<16xf32>,
    }
    %scan3A_4 = arith.constant 4 : i32
    %eq3A = arith.constant 0 : i32
    %eq3A_5 = arith.cmpi eq, %arg1, %eq3A : i32
    %convert_element_type3A = arith.extui %eq3A_5 : i1 to i32
    %cond3A = arith.constant 0 : i32
    %cond3A_6 = arith.cmpi ne, %convert_element_type3A, %cond3A : i32
    scf.if %cond3A_6 {
      "tpu.region"() ({
        %run_scoped3A = tpu.sem_alloc : memref<!tpu.dma_semaphore, #tpu.memory_space<semaphore_mem>>
        tpu.enqueue_dma source(%arg3 : memref<10112xf32, #tpu.memory_space<hbm>>) target(%arg7 : memref<10112xf32, #tpu.memory_space<vmem_shared>>) target_semaphore(%run_scoped3A : memref<!tpu.dma_semaphore, #tpu.memory_space<semaphore_mem>>)
        tpu.wait_dma2 semaphore(%run_scoped3A : memref<!tpu.dma_semaphore, #tpu.memory_space<semaphore_mem>>) src(%arg3 : memref<10112xf32, #tpu.memory_space<hbm>>) dst(%arg7 : memref<10112xf32, #tpu.memory_space<vmem_shared>>)
        tpu.yield
      }) : () -> ()
    } else {
    }
    %mul3A_7 = arith.constant 160 : i32
    %mul3A_8 = arith.muli %add3A, %mul3A_7 : i32
    "tpu.region"() ({
      %run_scoped3A = tpu.sem_alloc : memref<!tpu.dma_semaphore, #tpu.memory_space<semaphore_mem>>
      %dma_start3A = arith.constant 0 : i32
      %dma_start3A_25 = tpu.memref_slice %arg2[%mul3A_8, %dma_start3A] : memref<5120x64xi32, #tpu.memory_space<hbm>> -> memref<160x64xi32, #tpu.memory_space<hbm>>
      %dma_start3A_26 = arith.constant 0 : i32
      %dma_start3A_27 = tpu.memref_slice %arg2[%mul3A_8, %dma_start3A_26] : memref<5120x64xi32, #tpu.memory_space<hbm>> -> memref<160x64xi32, #tpu.memory_space<hbm>>
      tpu.enqueue_dma source(%dma_start3A_27 : memref<160x64xi32, #tpu.memory_space<hbm>>) target(%arg5 : memref<160x64xi32, #tpu.memory_space<vmem>>) target_semaphore(%run_scoped3A : memref<!tpu.dma_semaphore, #tpu.memory_space<semaphore_mem>>)
      %dma_wait3A = arith.constant 0 : i32
      %dma_wait3A_28 = tpu.memref_slice %arg2[%mul3A_8, %dma_wait3A] : memref<5120x64xi32, #tpu.memory_space<hbm>> -> memref<160x64xi32, #tpu.memory_space<hbm>>
      %dma_wait3A_29 = arith.constant 0 : i32
      %dma_wait3A_30 = tpu.memref_slice %arg2[%mul3A_8, %dma_wait3A_29] : memref<5120x64xi32, #tpu.memory_space<hbm>> -> memref<160x64xi32, #tpu.memory_space<hbm>>
      tpu.wait_dma2 semaphore(%run_scoped3A : memref<!tpu.dma_semaphore, #tpu.memory_space<semaphore_mem>>) src(%dma_wait3A_30 : memref<160x64xi32, #tpu.memory_space<hbm>>) dst(%arg5 : memref<160x64xi32, #tpu.memory_space<vmem>>)
      tpu.yield
    }) : () -> ()
    %barrier3A = arith.constant 0 : index
    tpu.barrier barrier_id(%barrier3A)
    %scan3A_9 = arith.constant 0 : i32
    %scan3A_10 = arith.constant 160 : i32
    %scan3A_11 = arith.addi %scan3A_9, %scan3A_10 : i32
    %scan3A_12 = arith.constant 1 : i32
    scf.for %scan3A_25 = %scan3A_9 to %scan3A_11 step %scan3A_12  : i32 {
      %mul3A_26 = arith.constant 1 : i32
      %mul3A_27 = arith.muli %scan3A_25, %mul3A_26 : i32
      %add3A_28 = arith.constant 0 : i32
      %add3A_29 = arith.addi %add3A_28, %mul3A_27 : i32
      %dma_start3A = arith.constant 0 : i32
      %dma_start3A_30 = tpu.memref_slice %arg5[%add3A_29, %dma_start3A] : memref<160x64xi32, #tpu.memory_space<vmem>> -> memref<1x64xi32, #tpu.memory_space<vmem>>
      %dma_start3A_31 = tpu.memref_squeeze %dma_start3A_30 : memref<1x64xi32, #tpu.memory_space<vmem>> -> memref<64xi32, #tpu.memory_space<vmem>>
      %dma_start3A_32 = arith.constant 0 : i32
      %dma_start3A_33 = tpu.memref_slice %arg7[%dma_start3A_32] : memref<10112xf32, #tpu.memory_space<vmem_shared>> -> memref<10112xf32, #tpu.memory_space<vmem_shared>>
      tpu.enqueue_indirect_dma source(%arg6 : memref<64xf32, #tpu.memory_space<vmem>>) target(%dma_start3A_33 : memref<10112xf32, #tpu.memory_space<vmem_shared>>) offsets(%dma_start3A_31 : memref<64xi32, #tpu.memory_space<vmem>>) semaphore(%arg8 : memref<!tpu.dma_semaphore, #tpu.memory_space<semaphore_mem>>) {add = true}
    }
    %scan3A_13 = arith.constant 160 : i32
    %scan3A_14 = arith.constant 0 : i32
    %scan3A_15 = arith.constant 160 : i32
    %scan3A_16 = arith.addi %scan3A_14, %scan3A_15 : i32
    %scan3A_17 = arith.constant 1 : i32
    scf.for %scan3A_25 = %scan3A_14 to %scan3A_16 step %scan3A_17  : i32 {
      %mul3A_26 = arith.constant 1 : i32
      %mul3A_27 = arith.muli %scan3A_25, %mul3A_26 : i32
      %add3A_28 = arith.constant 0 : i32
      %add3A_29 = arith.addi %add3A_28, %mul3A_27 : i32
      %dma_wait3A = arith.constant 0 : i32
      %dma_wait3A_30 = arith.constant 0 : i32
      %dma_wait3A_31 = tpu.memref_slice %arg5[%dma_wait3A, %dma_wait3A_30] : memref<160x64xi32, #tpu.memory_space<vmem>> -> memref<1x64xi32, #tpu.memory_space<vmem>>
      %dma_wait3A_32 = tpu.memref_squeeze %dma_wait3A_31 : memref<1x64xi32, #tpu.memory_space<vmem>> -> memref<64xi32, #tpu.memory_space<vmem>>
      %dma_wait3A_33 = arith.constant 0 : i32
      %dma_wait3A_34 = tpu.memref_slice %arg7[%dma_wait3A_33] : memref<10112xf32, #tpu.memory_space<vmem_shared>> -> memref<10112xf32, #tpu.memory_space<vmem_shared>>
      tpu.wait_indirect_dma semaphore(%arg8 : memref<!tpu.dma_semaphore, #tpu.memory_space<semaphore_mem>>) src(%arg6 : memref<64xf32, #tpu.memory_space<vmem>>) dst(%dma_wait3A_34 : memref<10112xf32, #tpu.memory_space<vmem_shared>>)
    }
    %scan3A_18 = arith.constant 160 : i32
    %barrier3A_19 = arith.constant 0 : index
    tpu.barrier barrier_id(%barrier3A_19)
    %eq3A_20 = arith.constant 0 : i32
    %eq3A_21 = arith.cmpi eq, %arg1, %eq3A_20 : i32
    %convert_element_type3A_22 = arith.extui %eq3A_21 : i1 to i32
    %cond3A_23 = arith.constant 0 : i32
    %cond3A_24 = arith.cmpi ne, %convert_element_type3A_22, %cond3A_23 : i32
    scf.if %cond3A_24 {
      "tpu.region"() ({
        %run_scoped3A = tpu.sem_alloc : memref<!tpu.dma_semaphore, #tpu.memory_space<semaphore_mem>>
        %dma_start3A = arith.constant 0 : i32
        %dma_start3A_25 = tpu.memref_slice %arg4[%arg0, %dma_start3A] : memref<2x10112xf32, #tpu.memory_space<hbm>> -> memref<1x10112xf32, #tpu.memory_space<hbm>>
        %dma_start3A_26 = tpu.memref_squeeze %dma_start3A_25 : memref<1x10112xf32, #tpu.memory_space<hbm>> -> memref<10112xf32, #tpu.memory_space<hbm>>
        tpu.enqueue_dma source(%arg7 : memref<10112xf32, #tpu.memory_space<vmem_shared>>) target(%dma_start3A_26 : memref<10112xf32, #tpu.memory_space<hbm>>) target_semaphore(%run_scoped3A : memref<!tpu.dma_semaphore, #tpu.memory_space<semaphore_mem>>)
        %dma_wait3A = arith.constant 0 : i32
        %dma_wait3A_27 = tpu.memref_slice %arg4[%arg0, %dma_wait3A] : memref<2x10112xf32, #tpu.memory_space<hbm>> -> memref<1x10112xf32, #tpu.memory_space<hbm>>
        %dma_wait3A_28 = tpu.memref_squeeze %dma_wait3A_27 : memref<1x10112xf32, #tpu.memory_space<hbm>> -> memref<10112xf32, #tpu.memory_space<hbm>>
        tpu.wait_dma2 semaphore(%run_scoped3A : memref<!tpu.dma_semaphore, #tpu.memory_space<semaphore_mem>>) src(%arg7 : memref<10112xf32, #tpu.memory_space<vmem_shared>>) dst(%dma_wait3A_28 : memref<10112xf32, #tpu.memory_space<hbm>>)
        tpu.yield
      }) : () -> ()
    } else {
    }
    return
  }
}

#map = affine_map<(d0, d1) -> (0, 0)>
#map1 = affine_map<(d0, d1) -> (0, 0, 0)>
module attributes {stable_mosaic.version = 14 : i64} {
  func.func @_msg_kernel(%arg0: i32, %arg1: i32, %arg2: memref<10000x128xf32, #tpu.memory_space<hbm>>, %arg3: memref<5120x64xi32, #tpu.memory_space<hbm>>, %arg4: memref<5120x64xi32, #tpu.memory_space<hbm>>, %arg5: memref<10112x128xf32, #tpu.memory_space<hbm>>, %arg6: memref<2x10112x128xf32, #tpu.memory_space<hbm>>, %arg7: memref<40x64xi32, #tpu.memory_space<vmem>>, %arg8: memref<40x64xi32, #tpu.memory_space<vmem>>, %arg9: memref<4x64x128xf32, #tpu.memory_space<vmem>>, %arg10: memref<10112x128xf32, #tpu.memory_space<vmem_shared>>, %arg11: memref<4x!tpu.dma_semaphore, #tpu.memory_space<semaphore_mem>>, %arg12: memref<4x!tpu.dma_semaphore, #tpu.memory_space<semaphore_mem>>) attributes {dimension_semantics = [#tpu.dimension_semantics<core_parallel>, #tpu.dimension_semantics<subcore_parallel>], iteration_bounds = array<i64: 2, 16>, scalar_prefetch = 0 : i64, scratch_operands = 6 : i64, tpu.core_type = #tpu.core_type<sc_vector_subcore>, window_params = [{transform_indices = #map}, {transform_indices = #map}, {transform_indices = #map}, {transform_indices = #map}, {transform_indices = #map1}]} {
    %mul3A = arith.constant 2 : i32
    %mul3A_0 = arith.muli %arg1, %mul3A : i32
    %add3A = arith.addi %mul3A_0, %arg0 : i32
    %mul3A_1 = arith.constant 632 : i32
    %mul3A_2 = arith.muli %arg1, %mul3A_1 : i32
    %mul3A_3 = arith.constant 632 : i32
    %mul3A_4 = arith.muli %arg1, %mul3A_3 : i32
    "tpu.region"() ({
      %run_scoped3A = tpu.sem_alloc : memref<!tpu.dma_semaphore, #tpu.memory_space<semaphore_mem>>
      %dma_start3A_1019 = arith.constant 0 : i32
      %dma_start3A_1020 = tpu.memref_slice %arg10[%mul3A_4, %dma_start3A_1019] : memref<10112x128xf32, #tpu.memory_space<vmem_shared>> -> memref<632x128xf32, #tpu.memory_space<vmem_shared>>
      %dma_start3A_1021 = arith.constant 0 : i32
      %dma_start3A_1022 = tpu.memref_slice %arg5[%mul3A_2, %dma_start3A_1021] : memref<10112x128xf32, #tpu.memory_space<hbm>> -> memref<632x128xf32, #tpu.memory_space<hbm>>
      tpu.enqueue_dma source(%dma_start3A_1022 : memref<632x128xf32, #tpu.memory_space<hbm>>) target(%dma_start3A_1020 : memref<632x128xf32, #tpu.memory_space<vmem_shared>>) target_semaphore(%run_scoped3A : memref<!tpu.dma_semaphore, #tpu.memory_space<semaphore_mem>>)
      %dma_wait3A_1023 = arith.constant 0 : i32
      %dma_wait3A_1024 = tpu.memref_slice %arg10[%mul3A_4, %dma_wait3A_1023] : memref<10112x128xf32, #tpu.memory_space<vmem_shared>> -> memref<632x128xf32, #tpu.memory_space<vmem_shared>>
      %dma_wait3A_1025 = arith.constant 0 : i32
      %dma_wait3A_1026 = tpu.memref_slice %arg5[%mul3A_2, %dma_wait3A_1025] : memref<10112x128xf32, #tpu.memory_space<hbm>> -> memref<632x128xf32, #tpu.memory_space<hbm>>
      tpu.wait_dma2 semaphore(%run_scoped3A : memref<!tpu.dma_semaphore, #tpu.memory_space<semaphore_mem>>) src(%dma_wait3A_1026 : memref<632x128xf32, #tpu.memory_space<hbm>>) dst(%dma_wait3A_1024 : memref<632x128xf32, #tpu.memory_space<vmem_shared>>)
      tpu.yield
    }) : () -> ()
    %barrier3A = arith.constant 0 : index
    tpu.barrier barrier_id(%barrier3A)
    %mul3A_5 = arith.constant 160 : i32
    %mul3A_6 = arith.muli %add3A, %mul3A_5 : i32
    %add3A_7 = arith.constant 0 : i32
    %add3A_8 = arith.addi %mul3A_6, %add3A_7 : i32
    "tpu.region"() ({
      %run_scoped3A = tpu.sem_alloc : memref<!tpu.dma_semaphore, #tpu.memory_space<semaphore_mem>>
      %dma_start3A_1019 = arith.constant 0 : i32
      %dma_start3A_1020 = tpu.memref_slice %arg3[%add3A_8, %dma_start3A_1019] : memref<5120x64xi32, #tpu.memory_space<hbm>> -> memref<40x64xi32, #tpu.memory_space<hbm>>
      %dma_start3A_1021 = arith.constant 0 : i32
      %dma_start3A_1022 = tpu.memref_slice %arg3[%add3A_8, %dma_start3A_1021] : memref<5120x64xi32, #tpu.memory_space<hbm>> -> memref<40x64xi32, #tpu.memory_space<hbm>>
      tpu.enqueue_dma source(%dma_start3A_1022 : memref<40x64xi32, #tpu.memory_space<hbm>>) target(%arg7 : memref<40x64xi32, #tpu.memory_space<vmem>>) target_semaphore(%run_scoped3A : memref<!tpu.dma_semaphore, #tpu.memory_space<semaphore_mem>>)
      %dma_wait3A_1023 = arith.constant 0 : i32
      %dma_wait3A_1024 = tpu.memref_slice %arg3[%add3A_8, %dma_wait3A_1023] : memref<5120x64xi32, #tpu.memory_space<hbm>> -> memref<40x64xi32, #tpu.memory_space<hbm>>
      %dma_wait3A_1025 = arith.constant 0 : i32
      %dma_wait3A_1026 = tpu.memref_slice %arg3[%add3A_8, %dma_wait3A_1025] : memref<5120x64xi32, #tpu.memory_space<hbm>> -> memref<40x64xi32, #tpu.memory_space<hbm>>
      tpu.wait_dma2 semaphore(%run_scoped3A : memref<!tpu.dma_semaphore, #tpu.memory_space<semaphore_mem>>) src(%dma_wait3A_1026 : memref<40x64xi32, #tpu.memory_space<hbm>>) dst(%arg7 : memref<40x64xi32, #tpu.memory_space<vmem>>)
      tpu.yield
    }) : () -> ()
    %mul3A_9 = arith.constant 160 : i32
    %mul3A_10 = arith.muli %add3A, %mul3A_9 : i32
    %add3A_11 = arith.constant 0 : i32
    %add3A_12 = arith.addi %mul3A_10, %add3A_11 : i32
    "tpu.region"() ({
      %run_scoped3A = tpu.sem_alloc : memref<!tpu.dma_semaphore, #tpu.memory_space<semaphore_mem>>
      %dma_start3A_1019 = arith.constant 0 : i32
      %dma_start3A_1020 = tpu.memref_slice %arg4[%add3A_12, %dma_start3A_1019] : memref<5120x64xi32, #tpu.memory_space<hbm>> -> memref<40x64xi32, #tpu.memory_space<hbm>>
      %dma_start3A_1021 = arith.constant 0 : i32
      %dma_start3A_1022 = tpu.memref_slice %arg4[%add3A_12, %dma_start3A_1021] : memref<5120x64xi32, #tpu.memory_space<hbm>> -> memref<40x64xi32, #tpu.memory_space<hbm>>
      tpu.enqueue_dma source(%dma_start3A_1022 : memref<40x64xi32, #tpu.memory_space<hbm>>) target(%arg8 : memref<40x64xi32, #tpu.memory_space<vmem>>) target_semaphore(%run_scoped3A : memref<!tpu.dma_semaphore, #tpu.memory_space<semaphore_mem>>)
      %dma_wait3A_1023 = arith.constant 0 : i32
      %dma_wait3A_1024 = tpu.memref_slice %arg4[%add3A_12, %dma_wait3A_1023] : memref<5120x64xi32, #tpu.memory_space<hbm>> -> memref<40x64xi32, #tpu.memory_space<hbm>>
      %dma_wait3A_1025 = arith.constant 0 : i32
      %dma_wait3A_1026 = tpu.memref_slice %arg4[%add3A_12, %dma_wait3A_1025] : memref<5120x64xi32, #tpu.memory_space<hbm>> -> memref<40x64xi32, #tpu.memory_space<hbm>>
      tpu.wait_dma2 semaphore(%run_scoped3A : memref<!tpu.dma_semaphore, #tpu.memory_space<semaphore_mem>>) src(%dma_wait3A_1026 : memref<40x64xi32, #tpu.memory_space<hbm>>) dst(%arg8 : memref<40x64xi32, #tpu.memory_space<vmem>>)
      tpu.yield
    }) : () -> ()
    %dma_start3A = arith.constant 0 : i32
    %dma_start3A_13 = arith.constant 0 : i32
    %dma_start3A_14 = arith.constant 0 : i32
    %dma_start3A_15 = arith.constant 0 : i32
    %dma_start3A_16 = arith.constant 0 : i32
    %dma_start3A_17 = tpu.memref_slice %arg9[%dma_start3A_13, %dma_start3A_15, %dma_start3A_16] : memref<4x64x128xf32, #tpu.memory_space<vmem>> -> memref<1x64x128xf32, #tpu.memory_space<vmem>>
    %dma_start3A_18 = tpu.memref_squeeze %dma_start3A_17 : memref<1x64x128xf32, #tpu.memory_space<vmem>> -> memref<64x128xf32, #tpu.memory_space<vmem>>
    %dma_start3A_19 = arith.constant 0 : i32
    %dma_start3A_20 = tpu.memref_slice %arg7[%dma_start3A, %dma_start3A_19] : memref<40x64xi32, #tpu.memory_space<vmem>> -> memref<1x64xi32, #tpu.memory_space<vmem>>
    %dma_start3A_21 = tpu.memref_squeeze %dma_start3A_20 : memref<1x64xi32, #tpu.memory_space<vmem>> -> memref<64xi32, #tpu.memory_space<vmem>>
    %dma_start3A_22 = arith.constant 0 : i32
    %dma_start3A_23 = arith.constant 0 : i32
    %dma_start3A_24 = tpu.memref_slice %arg2[%dma_start3A_22, %dma_start3A_23] : memref<10000x128xf32, #tpu.memory_space<hbm>> -> memref<10000x128xf32, #tpu.memory_space<hbm>>
    %dma_start3A_25 = tpu.memref_slice %arg11[%dma_start3A_14] : memref<4x!tpu.dma_semaphore, #tpu.memory_space<semaphore_mem>> -> memref<1x!tpu.dma_semaphore, #tpu.memory_space<semaphore_mem>>
    %dma_start3A_26 = tpu.memref_squeeze %dma_start3A_25 : memref<1x!tpu.dma_semaphore, #tpu.memory_space<semaphore_mem>> -> memref<!tpu.dma_semaphore, #tpu.memory_space<semaphore_mem>>
    tpu.enqueue_indirect_dma source(%dma_start3A_24 : memref<10000x128xf32, #tpu.memory_space<hbm>>) target(%dma_start3A_18 : memref<64x128xf32, #tpu.memory_space<vmem>>) offsets(%dma_start3A_21 : memref<64xi32, #tpu.memory_space<vmem>>) semaphore(%dma_start3A_26 : memref<!tpu.dma_semaphore, #tpu.memory_space<semaphore_mem>>)
    %dma_start3A_27 = arith.constant 1 : i32
    %dma_start3A_28 = arith.constant 1 : i32
    %dma_start3A_29 = arith.constant 1 : i32
    %dma_start3A_30 = arith.constant 0 : i32
    %dma_start3A_31 = arith.constant 0 : i32
    %dma_start3A_32 = tpu.memref_slice %arg9[%dma_start3A_28, %dma_start3A_30, %dma_start3A_31] : memref<4x64x128xf32, #tpu.memory_space<vmem>> -> memref<1x64x128xf32, #tpu.memory_space<vmem>>
    %dma_start3A_33 = tpu.memref_squeeze %dma_start3A_32 : memref<1x64x128xf32, #tpu.memory_space<vmem>> -> memref<64x128xf32, #tpu.memory_space<vmem>>
    %dma_start3A_34 = arith.constant 0 : i32
    %dma_start3A_35 = tpu.memref_slice %arg7[%dma_start3A_27, %dma_start3A_34] : memref<40x64xi32, #tpu.memory_space<vmem>> -> memref<1x64xi32, #tpu.memory_space<vmem>>
    %dma_start3A_36 = tpu.memref_squeeze %dma_start3A_35 : memref<1x64xi32, #tpu.memory_space<vmem>> -> memref<64xi32, #tpu.memory_space<vmem>>
    %dma_start3A_37 = arith.constant 0 : i32
    %dma_start3A_38 = arith.constant 0 : i32
    %dma_start3A_39 = tpu.memref_slice %arg2[%dma_start3A_37, %dma_start3A_38] : memref<10000x128xf32, #tpu.memory_space<hbm>> -> memref<10000x128xf32, #tpu.memory_space<hbm>>
    %dma_start3A_40 = tpu.memref_slice %arg11[%dma_start3A_29] : memref<4x!tpu.dma_semaphore, #tpu.memory_space<semaphore_mem>> -> memref<1x!tpu.dma_semaphore, #tpu.memory_space<semaphore_mem>>
    %dma_start3A_41 = tpu.memref_squeeze %dma_start3A_40 : memref<1x!tpu.dma_semaphore, #tpu.memory_space<semaphore_mem>> -> memref<!tpu.dma_semaphore, #tpu.memory_space<semaphore_mem>>
    tpu.enqueue_indirect_dma source(%dma_start3A_39 : memref<10000x128xf32, #tpu.memory_space<hbm>>) target(%dma_start3A_33 : memref<64x128xf32, #tpu.memory_space<vmem>>) offsets(%dma_start3A_36 : memref<64xi32, #tpu.memory_space<vmem>>) semaphore(%dma_start3A_41 : memref<!tpu.dma_semaphore, #tpu.memory_space<semaphore_mem>>)
    %dma_start3A_42 = arith.constant 2 : i32
    %dma_start3A_43 = arith.constant 2 : i32
    %dma_start3A_44 = arith.constant 2 : i32
    %dma_start3A_45 = arith.constant 0 : i32
    %dma_start3A_46 = arith.constant 0 : i32
    %dma_start3A_47 = tpu.memref_slice %arg9[%dma_start3A_43, %dma_start3A_45, %dma_start3A_46] : memref<4x64x128xf32, #tpu.memory_space<vmem>> -> memref<1x64x128xf32, #tpu.memory_space<vmem>>
    %dma_start3A_48 = tpu.memref_squeeze %dma_start3A_47 : memref<1x64x128xf32, #tpu.memory_space<vmem>> -> memref<64x128xf32, #tpu.memory_space<vmem>>
    %dma_start3A_49 = arith.constant 0 : i32
    %dma_start3A_50 = tpu.memref_slice %arg7[%dma_start3A_42, %dma_start3A_49] : memref<40x64xi32, #tpu.memory_space<vmem>> -> memref<1x64xi32, #tpu.memory_space<vmem>>
    %dma_start3A_51 = tpu.memref_squeeze %dma_start3A_50 : memref<1x64xi32, #tpu.memory_space<vmem>> -> memref<64xi32, #tpu.memory_space<vmem>>
    %dma_start3A_52 = arith.constant 0 : i32
    %dma_start3A_53 = arith.constant 0 : i32
    %dma_start3A_54 = tpu.memref_slice %arg2[%dma_start3A_52, %dma_start3A_53] : memref<10000x128xf32, #tpu.memory_space<hbm>> -> memref<10000x128xf32, #tpu.memory_space<hbm>>
    %dma_start3A_55 = tpu.memref_slice %arg11[%dma_start3A_44] : memref<4x!tpu.dma_semaphore, #tpu.memory_space<semaphore_mem>> -> memref<1x!tpu.dma_semaphore, #tpu.memory_space<semaphore_mem>>
    %dma_start3A_56 = tpu.memref_squeeze %dma_start3A_55 : memref<1x!tpu.dma_semaphore, #tpu.memory_space<semaphore_mem>> -> memref<!tpu.dma_semaphore, #tpu.memory_space<semaphore_mem>>
    tpu.enqueue_indirect_dma source(%dma_start3A_54 : memref<10000x128xf32, #tpu.memory_space<hbm>>) target(%dma_start3A_48 : memref<64x128xf32, #tpu.memory_space<vmem>>) offsets(%dma_start3A_51 : memref<64xi32, #tpu.memory_space<vmem>>) semaphore(%dma_start3A_56 : memref<!tpu.dma_semaphore, #tpu.memory_space<semaphore_mem>>)
    %dma_start3A_57 = arith.constant 3 : i32
    %dma_start3A_58 = arith.constant 3 : i32
    %dma_start3A_59 = arith.constant 3 : i32
    %dma_start3A_60 = arith.constant 0 : i32
    %dma_start3A_61 = arith.constant 0 : i32
    %dma_start3A_62 = tpu.memref_slice %arg9[%dma_start3A_58, %dma_start3A_60, %dma_start3A_61] : memref<4x64x128xf32, #tpu.memory_space<vmem>> -> memref<1x64x128xf32, #tpu.memory_space<vmem>>
    %dma_start3A_63 = tpu.memref_squeeze %dma_start3A_62 : memref<1x64x128xf32, #tpu.memory_space<vmem>> -> memref<64x128xf32, #tpu.memory_space<vmem>>
    %dma_start3A_64 = arith.constant 0 : i32
    %dma_start3A_65 = tpu.memref_slice %arg7[%dma_start3A_57, %dma_start3A_64] : memref<40x64xi32, #tpu.memory_space<vmem>> -> memref<1x64xi32, #tpu.memory_space<vmem>>
    %dma_start3A_66 = tpu.memref_squeeze %dma_start3A_65 : memref<1x64xi32, #tpu.memory_space<vmem>> -> memref<64xi32, #tpu.memory_space<vmem>>
    %dma_start3A_67 = arith.constant 0 : i32
    %dma_start3A_68 = arith.constant 0 : i32
    %dma_start3A_69 = tpu.memref_slice %arg2[%dma_start3A_67, %dma_start3A_68] : memref<10000x128xf32, #tpu.memory_space<hbm>> -> memref<10000x128xf32, #tpu.memory_space<hbm>>
    %dma_start3A_70 = tpu.memref_slice %arg11[%dma_start3A_59] : memref<4x!tpu.dma_semaphore, #tpu.memory_space<semaphore_mem>> -> memref<1x!tpu.dma_semaphore, #tpu.memory_space<semaphore_mem>>
    %dma_start3A_71 = tpu.memref_squeeze %dma_start3A_70 : memref<1x!tpu.dma_semaphore, #tpu.memory_space<semaphore_mem>> -> memref<!tpu.dma_semaphore, #tpu.memory_space<semaphore_mem>>
    tpu.enqueue_indirect_dma source(%dma_start3A_69 : memref<10000x128xf32, #tpu.memory_space<hbm>>) target(%dma_start3A_63 : memref<64x128xf32, #tpu.memory_space<vmem>>) offsets(%dma_start3A_66 : memref<64xi32, #tpu.memory_space<vmem>>) semaphore(%dma_start3A_71 : memref<!tpu.dma_semaphore, #tpu.memory_space<semaphore_mem>>)
    %scan3A = arith.constant 0 : i32
    %scan3A_72 = arith.constant 9 : i32
    %scan3A_73 = arith.addi %scan3A, %scan3A_72 : i32
    %scan3A_74 = arith.constant 1 : i32
    scf.for %scan3A_1019 = %scan3A to %scan3A_73 step %scan3A_74  : i32 {
      %mul3A_1020 = arith.constant 1 : i32
      %mul3A_1021 = arith.muli %scan3A_1019, %mul3A_1020 : i32
      %add3A_1022 = arith.constant 0 : i32
      %add3A_1023 = arith.addi %add3A_1022, %mul3A_1021 : i32
      %dma_wait3A_1024 = arith.constant 0 : i32
      %dma_wait3A_1025 = arith.constant 0 : i32
      %dma_wait3A_1026 = arith.constant 0 : i32
      %dma_wait3A_1027 = arith.constant 0 : i32
      %dma_wait3A_1028 = arith.constant 0 : i32
      %dma_wait3A_1029 = tpu.memref_slice %arg9[%dma_wait3A_1025, %dma_wait3A_1027, %dma_wait3A_1028] : memref<4x64x128xf32, #tpu.memory_space<vmem>> -> memref<1x64x128xf32, #tpu.memory_space<vmem>>
      %dma_wait3A_1030 = tpu.memref_squeeze %dma_wait3A_1029 : memref<1x64x128xf32, #tpu.memory_space<vmem>> -> memref<64x128xf32, #tpu.memory_space<vmem>>
      %dma_wait3A_1031 = arith.constant 0 : i32
      %dma_wait3A_1032 = tpu.memref_slice %arg7[%dma_wait3A_1024, %dma_wait3A_1031] : memref<40x64xi32, #tpu.memory_space<vmem>> -> memref<1x64xi32, #tpu.memory_space<vmem>>
      %dma_wait3A_1033 = tpu.memref_squeeze %dma_wait3A_1032 : memref<1x64xi32, #tpu.memory_space<vmem>> -> memref<64xi32, #tpu.memory_space<vmem>>
      %dma_wait3A_1034 = arith.constant 0 : i32
      %dma_wait3A_1035 = arith.constant 0 : i32
      %dma_wait3A_1036 = tpu.memref_slice %arg2[%dma_wait3A_1034, %dma_wait3A_1035] : memref<10000x128xf32, #tpu.memory_space<hbm>> -> memref<10000x128xf32, #tpu.memory_space<hbm>>
      %dma_wait3A_1037 = tpu.memref_slice %arg11[%dma_wait3A_1026] : memref<4x!tpu.dma_semaphore, #tpu.memory_space<semaphore_mem>> -> memref<1x!tpu.dma_semaphore, #tpu.memory_space<semaphore_mem>>
      %dma_wait3A_1038 = tpu.memref_squeeze %dma_wait3A_1037 : memref<1x!tpu.dma_semaphore, #tpu.memory_space<semaphore_mem>> -> memref<!tpu.dma_semaphore, #tpu.memory_space<semaphore_mem>>
      tpu.wait_indirect_dma semaphore(%dma_wait3A_1038 : memref<!tpu.dma_semaphore, #tpu.memory_space<semaphore_mem>>) src(%dma_wait3A_1036 : memref<10000x128xf32, #tpu.memory_space<hbm>>) dst(%dma_wait3A_1030 : memref<64x128xf32, #tpu.memory_space<vmem>>)
      %mul3A_1039 = arith.constant 4 : i32
      %mul3A_1040 = arith.muli %add3A_1023, %mul3A_1039 : i32
      %add3A_1041 = arith.constant 0 : i32
      %add3A_1042 = arith.addi %mul3A_1040, %add3A_1041 : i32
      %dma_start3A_1043 = arith.constant 0 : i32
      %dma_start3A_1044 = arith.constant 0 : i32
      %dma_start3A_1045 = arith.constant 0 : i32
      %dma_start3A_1046 = arith.constant 0 : i32
      %dma_start3A_1047 = tpu.memref_slice %arg9[%dma_start3A_1043, %dma_start3A_1045, %dma_start3A_1046] : memref<4x64x128xf32, #tpu.memory_space<vmem>> -> memref<1x64x128xf32, #tpu.memory_space<vmem>>
      %dma_start3A_1048 = tpu.memref_squeeze %dma_start3A_1047 : memref<1x64x128xf32, #tpu.memory_space<vmem>> -> memref<64x128xf32, #tpu.memory_space<vmem>>
      %dma_start3A_1049 = arith.constant 0 : i32
      %dma_start3A_1050 = tpu.memref_slice %arg8[%add3A_1042, %dma_start3A_1049] : memref<40x64xi32, #tpu.memory_space<vmem>> -> memref<1x64xi32, #tpu.memory_space<vmem>>
      %dma_start3A_1051 = tpu.memref_squeeze %dma_start3A_1050 : memref<1x64xi32, #tpu.memory_space<vmem>> -> memref<64xi32, #tpu.memory_space<vmem>>
      %dma_start3A_1052 = arith.constant 0 : i32
      %dma_start3A_1053 = arith.constant 0 : i32
      %dma_start3A_1054 = tpu.memref_slice %arg10[%dma_start3A_1052, %dma_start3A_1053] : memref<10112x128xf32, #tpu.memory_space<vmem_shared>> -> memref<10112x128xf32, #tpu.memory_space<vmem_shared>>
      %dma_start3A_1055 = tpu.memref_slice %arg12[%dma_start3A_1044] : memref<4x!tpu.dma_semaphore, #tpu.memory_space<semaphore_mem>> -> memref<1x!tpu.dma_semaphore, #tpu.memory_space<semaphore_mem>>
      %dma_start3A_1056 = tpu.memref_squeeze %dma_start3A_1055 : memref<1x!tpu.dma_semaphore, #tpu.memory_space<semaphore_mem>> -> memref<!tpu.dma_semaphore, #tpu.memory_space<semaphore_mem>>
      tpu.enqueue_indirect_dma source(%dma_start3A_1048 : memref<64x128xf32, #tpu.memory_space<vmem>>) target(%dma_start3A_1054 : memref<10112x128xf32, #tpu.memory_space<vmem_shared>>) offsets(%dma_start3A_1051 : memref<64xi32, #tpu.memory_space<vmem>>) semaphore(%dma_start3A_1056 : memref<!tpu.dma_semaphore, #tpu.memory_space<semaphore_mem>>) {add = true}
      %dma_wait3A_1057 = arith.constant 0 : i32
      %dma_wait3A_1058 = arith.constant 1 : i32
      %dma_wait3A_1059 = arith.constant 1 : i32
      %dma_wait3A_1060 = arith.constant 0 : i32
      %dma_wait3A_1061 = arith.constant 0 : i32
      %dma_wait3A_1062 = tpu.memref_slice %arg9[%dma_wait3A_1058, %dma_wait3A_1060, %dma_wait3A_1061] : memref<4x64x128xf32, #tpu.memory_space<vmem>> -> memref<1x64x128xf32, #tpu.memory_space<vmem>>
      %dma_wait3A_1063 = tpu.memref_squeeze %dma_wait3A_1062 : memref<1x64x128xf32, #tpu.memory_space<vmem>> -> memref<64x128xf32, #tpu.memory_space<vmem>>
      %dma_wait3A_1064 = arith.constant 0 : i32
      %dma_wait3A_1065 = tpu.memref_slice %arg7[%dma_wait3A_1057, %dma_wait3A_1064] : memref<40x64xi32, #tpu.memory_space<vmem>> -> memref<1x64xi32, #tpu.memory_space<vmem>>
      %dma_wait3A_1066 = tpu.memref_squeeze %dma_wait3A_1065 : memref<1x64xi32, #tpu.memory_space<vmem>> -> memref<64xi32, #tpu.memory_space<vmem>>
      %dma_wait3A_1067 = arith.constant 0 : i32
      %dma_wait3A_1068 = arith.constant 0 : i32
      %dma_wait3A_1069 = tpu.memref_slice %arg2[%dma_wait3A_1067, %dma_wait3A_1068] : memref<10000x128xf32, #tpu.memory_space<hbm>> -> memref<10000x128xf32, #tpu.memory_space<hbm>>
      %dma_wait3A_1070 = tpu.memref_slice %arg11[%dma_wait3A_1059] : memref<4x!tpu.dma_semaphore, #tpu.memory_space<semaphore_mem>> -> memref<1x!tpu.dma_semaphore, #tpu.memory_space<semaphore_mem>>
      %dma_wait3A_1071 = tpu.memref_squeeze %dma_wait3A_1070 : memref<1x!tpu.dma_semaphore, #tpu.memory_space<semaphore_mem>> -> memref<!tpu.dma_semaphore, #tpu.memory_space<semaphore_mem>>
      tpu.wait_indirect_dma semaphore(%dma_wait3A_1071 : memref<!tpu.dma_semaphore, #tpu.memory_space<semaphore_mem>>) src(%dma_wait3A_1069 : memref<10000x128xf32, #tpu.memory_space<hbm>>) dst(%dma_wait3A_1063 : memref<64x128xf32, #tpu.memory_space<vmem>>)
      %mul3A_1072 = arith.constant 4 : i32
      %mul3A_1073 = arith.muli %add3A_1023, %mul3A_1072 : i32
      %add3A_1074 = arith.constant 1 : i32
      %add3A_1075 = arith.addi %mul3A_1073, %add3A_1074 : i32
      %dma_start3A_1076 = arith.constant 1 : i32
      %dma_start3A_1077 = arith.constant 1 : i32
      %dma_start3A_1078 = arith.constant 0 : i32
      %dma_start3A_1079 = arith.constant 0 : i32
      %dma_start3A_1080 = tpu.memref_slice %arg9[%dma_start3A_1076, %dma_start3A_1078, %dma_start3A_1079] : memref<4x64x128xf32, #tpu.memory_space<vmem>> -> memref<1x64x128xf32, #tpu.memory_space<vmem>>
      %dma_start3A_1081 = tpu.memref_squeeze %dma_start3A_1080 : memref<1x64x128xf32, #tpu.memory_space<vmem>> -> memref<64x128xf32, #tpu.memory_space<vmem>>
      %dma_start3A_1082 = arith.constant 0 : i32
      %dma_start3A_1083 = tpu.memref_slice %arg8[%add3A_1075, %dma_start3A_1082] : memref<40x64xi32, #tpu.memory_space<vmem>> -> memref<1x64xi32, #tpu.memory_space<vmem>>
      %dma_start3A_1084 = tpu.memref_squeeze %dma_start3A_1083 : memref<1x64xi32, #tpu.memory_space<vmem>> -> memref<64xi32, #tpu.memory_space<vmem>>
      %dma_start3A_1085 = arith.constant 0 : i32
      %dma_start3A_1086 = arith.constant 0 : i32
      %dma_start3A_1087 = tpu.memref_slice %arg10[%dma_start3A_1085, %dma_start3A_1086] : memref<10112x128xf32, #tpu.memory_space<vmem_shared>> -> memref<10112x128xf32, #tpu.memory_space<vmem_shared>>
      %dma_start3A_1088 = tpu.memref_slice %arg12[%dma_start3A_1077] : memref<4x!tpu.dma_semaphore, #tpu.memory_space<semaphore_mem>> -> memref<1x!tpu.dma_semaphore, #tpu.memory_space<semaphore_mem>>
      %dma_start3A_1089 = tpu.memref_squeeze %dma_start3A_1088 : memref<1x!tpu.dma_semaphore, #tpu.memory_space<semaphore_mem>> -> memref<!tpu.dma_semaphore, #tpu.memory_space<semaphore_mem>>
      tpu.enqueue_indirect_dma source(%dma_start3A_1081 : memref<64x128xf32, #tpu.memory_space<vmem>>) target(%dma_start3A_1087 : memref<10112x128xf32, #tpu.memory_space<vmem_shared>>) offsets(%dma_start3A_1084 : memref<64xi32, #tpu.memory_space<vmem>>) semaphore(%dma_start3A_1089 : memref<!tpu.dma_semaphore, #tpu.memory_space<semaphore_mem>>) {add = true}
      %dma_wait3A_1090 = arith.constant 0 : i32
      %dma_wait3A_1091 = arith.constant 2 : i32
      %dma_wait3A_1092 = arith.constant 2 : i32
      %dma_wait3A_1093 = arith.constant 0 : i32
      %dma_wait3A_1094 = arith.constant 0 : i32
      %dma_wait3A_1095 = tpu.memref_slice %arg9[%dma_wait3A_1091, %dma_wait3A_1093, %dma_wait3A_1094] : memref<4x64x128xf32, #tpu.memory_space<vmem>> -> memref<1x64x128xf32, #tpu.memory_space<vmem>>
      %dma_wait3A_1096 = tpu.memref_squeeze %dma_wait3A_1095 : memref<1x64x128xf32, #tpu.memory_space<vmem>> -> memref<64x128xf32, #tpu.memory_space<vmem>>
      %dma_wait3A_1097 = arith.constant 0 : i32
      %dma_wait3A_1098 = tpu.memref_slice %arg7[%dma_wait3A_1090, %dma_wait3A_1097] : memref<40x64xi32, #tpu.memory_space<vmem>> -> memref<1x64xi32, #tpu.memory_space<vmem>>
      %dma_wait3A_1099 = tpu.memref_squeeze %dma_wait3A_1098 : memref<1x64xi32, #tpu.memory_space<vmem>> -> memref<64xi32, #tpu.memory_space<vmem>>
      %dma_wait3A_1100 = arith.constant 0 : i32
      %dma_wait3A_1101 = arith.constant 0 : i32
      %dma_wait3A_1102 = tpu.memref_slice %arg2[%dma_wait3A_1100, %dma_wait3A_1101] : memref<10000x128xf32, #tpu.memory_space<hbm>> -> memref<10000x128xf32, #tpu.memory_space<hbm>>
      %dma_wait3A_1103 = tpu.memref_slice %arg11[%dma_wait3A_1092] : memref<4x!tpu.dma_semaphore, #tpu.memory_space<semaphore_mem>> -> memref<1x!tpu.dma_semaphore, #tpu.memory_space<semaphore_mem>>
      %dma_wait3A_1104 = tpu.memref_squeeze %dma_wait3A_1103 : memref<1x!tpu.dma_semaphore, #tpu.memory_space<semaphore_mem>> -> memref<!tpu.dma_semaphore, #tpu.memory_space<semaphore_mem>>
      tpu.wait_indirect_dma semaphore(%dma_wait3A_1104 : memref<!tpu.dma_semaphore, #tpu.memory_space<semaphore_mem>>) src(%dma_wait3A_1102 : memref<10000x128xf32, #tpu.memory_space<hbm>>) dst(%dma_wait3A_1096 : memref<64x128xf32, #tpu.memory_space<vmem>>)
      %mul3A_1105 = arith.constant 4 : i32
      %mul3A_1106 = arith.muli %add3A_1023, %mul3A_1105 : i32
      %add3A_1107 = arith.constant 2 : i32
      %add3A_1108 = arith.addi %mul3A_1106, %add3A_1107 : i32
      %dma_start3A_1109 = arith.constant 2 : i32
      %dma_start3A_1110 = arith.constant 2 : i32
      %dma_start3A_1111 = arith.constant 0 : i32
      %dma_start3A_1112 = arith.constant 0 : i32
      %dma_start3A_1113 = tpu.memref_slice %arg9[%dma_start3A_1109, %dma_start3A_1111, %dma_start3A_1112] : memref<4x64x128xf32, #tpu.memory_space<vmem>> -> memref<1x64x128xf32, #tpu.memory_space<vmem>>
      %dma_start3A_1114 = tpu.memref_squeeze %dma_start3A_1113 : memref<1x64x128xf32, #tpu.memory_space<vmem>> -> memref<64x128xf32, #tpu.memory_space<vmem>>
      %dma_start3A_1115 = arith.constant 0 : i32
      %dma_start3A_1116 = tpu.memref_slice %arg8[%add3A_1108, %dma_start3A_1115] : memref<40x64xi32, #tpu.memory_space<vmem>> -> memref<1x64xi32, #tpu.memory_space<vmem>>
      %dma_start3A_1117 = tpu.memref_squeeze %dma_start3A_1116 : memref<1x64xi32, #tpu.memory_space<vmem>> -> memref<64xi32, #tpu.memory_space<vmem>>
      %dma_start3A_1118 = arith.constant 0 : i32
      %dma_start3A_1119 = arith.constant 0 : i32
      %dma_start3A_1120 = tpu.memref_slice %arg10[%dma_start3A_1118, %dma_start3A_1119] : memref<10112x128xf32, #tpu.memory_space<vmem_shared>> -> memref<10112x128xf32, #tpu.memory_space<vmem_shared>>
      %dma_start3A_1121 = tpu.memref_slice %arg12[%dma_start3A_1110] : memref<4x!tpu.dma_semaphore, #tpu.memory_space<semaphore_mem>> -> memref<1x!tpu.dma_semaphore, #tpu.memory_space<semaphore_mem>>
      %dma_start3A_1122 = tpu.memref_squeeze %dma_start3A_1121 : memref<1x!tpu.dma_semaphore, #tpu.memory_space<semaphore_mem>> -> memref<!tpu.dma_semaphore, #tpu.memory_space<semaphore_mem>>
      tpu.enqueue_indirect_dma source(%dma_start3A_1114 : memref<64x128xf32, #tpu.memory_space<vmem>>) target(%dma_start3A_1120 : memref<10112x128xf32, #tpu.memory_space<vmem_shared>>) offsets(%dma_start3A_1117 : memref<64xi32, #tpu.memory_space<vmem>>) semaphore(%dma_start3A_1122 : memref<!tpu.dma_semaphore, #tpu.memory_space<semaphore_mem>>) {add = true}
      %dma_wait3A_1123 = arith.constant 0 : i32
      %dma_wait3A_1124 = arith.constant 3 : i32
      %dma_wait3A_1125 = arith.constant 3 : i32
      %dma_wait3A_1126 = arith.constant 0 : i32
      %dma_wait3A_1127 = arith.constant 0 : i32
      %dma_wait3A_1128 = tpu.memref_slice %arg9[%dma_wait3A_1124, %dma_wait3A_1126, %dma_wait3A_1127] : memref<4x64x128xf32, #tpu.memory_space<vmem>> -> memref<1x64x128xf32, #tpu.memory_space<vmem>>
      %dma_wait3A_1129 = tpu.memref_squeeze %dma_wait3A_1128 : memref<1x64x128xf32, #tpu.memory_space<vmem>> -> memref<64x128xf32, #tpu.memory_space<vmem>>
      %dma_wait3A_1130 = arith.constant 0 : i32
      %dma_wait3A_1131 = tpu.memref_slice %arg7[%dma_wait3A_1123, %dma_wait3A_1130] : memref<40x64xi32, #tpu.memory_space<vmem>> -> memref<1x64xi32, #tpu.memory_space<vmem>>
      %dma_wait3A_1132 = tpu.memref_squeeze %dma_wait3A_1131 : memref<1x64xi32, #tpu.memory_space<vmem>> -> memref<64xi32, #tpu.memory_space<vmem>>
      %dma_wait3A_1133 = arith.constant 0 : i32
      %dma_wait3A_1134 = arith.constant 0 : i32
      %dma_wait3A_1135 = tpu.memref_slice %arg2[%dma_wait3A_1133, %dma_wait3A_1134] : memref<10000x128xf32, #tpu.memory_space<hbm>> -> memref<10000x128xf32, #tpu.memory_space<hbm>>
      %dma_wait3A_1136 = tpu.memref_slice %arg11[%dma_wait3A_1125] : memref<4x!tpu.dma_semaphore, #tpu.memory_space<semaphore_mem>> -> memref<1x!tpu.dma_semaphore, #tpu.memory_space<semaphore_mem>>
      %dma_wait3A_1137 = tpu.memref_squeeze %dma_wait3A_1136 : memref<1x!tpu.dma_semaphore, #tpu.memory_space<semaphore_mem>> -> memref<!tpu.dma_semaphore, #tpu.memory_space<semaphore_mem>>
      tpu.wait_indirect_dma semaphore(%dma_wait3A_1137 : memref<!tpu.dma_semaphore, #tpu.memory_space<semaphore_mem>>) src(%dma_wait3A_1135 : memref<10000x128xf32, #tpu.memory_space<hbm>>) dst(%dma_wait3A_1129 : memref<64x128xf32, #tpu.memory_space<vmem>>)
      %mul3A_1138 = arith.constant 4 : i32
      %mul3A_1139 = arith.muli %add3A_1023, %mul3A_1138 : i32
      %add3A_1140 = arith.constant 3 : i32
      %add3A_1141 = arith.addi %mul3A_1139, %add3A_1140 : i32
      %dma_start3A_1142 = arith.constant 3 : i32
      %dma_start3A_1143 = arith.constant 3 : i32
      %dma_start3A_1144 = arith.constant 0 : i32
      %dma_start3A_1145 = arith.constant 0 : i32
      %dma_start3A_1146 = tpu.memref_slice %arg9[%dma_start3A_1142, %dma_start3A_1144, %dma_start3A_1145] : memref<4x64x128xf32, #tpu.memory_space<vmem>> -> memref<1x64x128xf32, #tpu.memory_space<vmem>>
      %dma_start3A_1147 = tpu.memref_squeeze %dma_start3A_1146 : memref<1x64x128xf32, #tpu.memory_space<vmem>> -> memref<64x128xf32, #tpu.memory_space<vmem>>
      %dma_start3A_1148 = arith.constant 0 : i32
      %dma_start3A_1149 = tpu.memref_slice %arg8[%add3A_1141, %dma_start3A_1148] : memref<40x64xi32, #tpu.memory_space<vmem>> -> memref<1x64xi32, #tpu.memory_space<vmem>>
      %dma_start3A_1150 = tpu.memref_squeeze %dma_start3A_1149 : memref<1x64xi32, #tpu.memory_space<vmem>> -> memref<64xi32, #tpu.memory_space<vmem>>
      %dma_start3A_1151 = arith.constant 0 : i32
      %dma_start3A_1152 = arith.constant 0 : i32
      %dma_start3A_1153 = tpu.memref_slice %arg10[%dma_start3A_1151, %dma_start3A_1152] : memref<10112x128xf32, #tpu.memory_space<vmem_shared>> -> memref<10112x128xf32, #tpu.memory_space<vmem_shared>>
      %dma_start3A_1154 = tpu.memref_slice %arg12[%dma_start3A_1143] : memref<4x!tpu.dma_semaphore, #tpu.memory_space<semaphore_mem>> -> memref<1x!tpu.dma_semaphore, #tpu.memory_space<semaphore_mem>>
      %dma_start3A_1155 = tpu.memref_squeeze %dma_start3A_1154 : memref<1x!tpu.dma_semaphore, #tpu.memory_space<semaphore_mem>> -> memref<!tpu.dma_semaphore, #tpu.memory_space<semaphore_mem>>
      tpu.enqueue_indirect_dma source(%dma_start3A_1147 : memref<64x128xf32, #tpu.memory_space<vmem>>) target(%dma_start3A_1153 : memref<10112x128xf32, #tpu.memory_space<vmem_shared>>) offsets(%dma_start3A_1150 : memref<64xi32, #tpu.memory_space<vmem>>) semaphore(%dma_start3A_1155 : memref<!tpu.dma_semaphore, #tpu.memory_space<semaphore_mem>>) {add = true}
      %dma_wait3A_1156 = arith.constant 0 : i32
      %dma_wait3A_1157 = arith.constant 0 : i32
      %dma_wait3A_1158 = arith.constant 0 : i32
      %dma_wait3A_1159 = arith.constant 0 : i32
      %dma_wait3A_1160 = arith.constant 0 : i32
      %dma_wait3A_1161 = tpu.memref_slice %arg9[%dma_wait3A_1156, %dma_wait3A_1159, %dma_wait3A_1160] : memref<4x64x128xf32, #tpu.memory_space<vmem>> -> memref<1x64x128xf32, #tpu.memory_space<vmem>>
      %dma_wait3A_1162 = tpu.memref_squeeze %dma_wait3A_1161 : memref<1x64x128xf32, #tpu.memory_space<vmem>> -> memref<64x128xf32, #tpu.memory_space<vmem>>
      %dma_wait3A_1163 = arith.constant 0 : i32
      %dma_wait3A_1164 = tpu.memref_slice %arg8[%dma_wait3A_1157, %dma_wait3A_1163] : memref<40x64xi32, #tpu.memory_space<vmem>> -> memref<1x64xi32, #tpu.memory_space<vmem>>
      %dma_wait3A_1165 = tpu.memref_squeeze %dma_wait3A_1164 : memref<1x64xi32, #tpu.memory_space<vmem>> -> memref<64xi32, #tpu.memory_space<vmem>>
      %dma_wait3A_1166 = arith.constant 0 : i32
      %dma_wait3A_1167 = arith.constant 0 : i32
      %dma_wait3A_1168 = tpu.memref_slice %arg10[%dma_wait3A_1166, %dma_wait3A_1167] : memref<10112x128xf32, #tpu.memory_space<vmem_shared>> -> memref<10112x128xf32, #tpu.memory_space<vmem_shared>>
      %dma_wait3A_1169 = tpu.memref_slice %arg12[%dma_wait3A_1158] : memref<4x!tpu.dma_semaphore, #tpu.memory_space<semaphore_mem>> -> memref<1x!tpu.dma_semaphore, #tpu.memory_space<semaphore_mem>>
      %dma_wait3A_1170 = tpu.memref_squeeze %dma_wait3A_1169 : memref<1x!tpu.dma_semaphore, #tpu.memory_space<semaphore_mem>> -> memref<!tpu.dma_semaphore, #tpu.memory_space<semaphore_mem>>
      tpu.wait_indirect_dma semaphore(%dma_wait3A_1170 : memref<!tpu.dma_semaphore, #tpu.memory_space<semaphore_mem>>) src(%dma_wait3A_1162 : memref<64x128xf32, #tpu.memory_space<vmem>>) dst(%dma_wait3A_1168 : memref<10112x128xf32, #tpu.memory_space<vmem_shared>>)
      %add3A_1171 = arith.constant 1 : i32
      %add3A_1172 = arith.addi %add3A_1023, %add3A_1171 : i32
      %mul3A_1173 = arith.constant 4 : i32
      %mul3A_1174 = arith.muli %add3A_1172, %mul3A_1173 : i32
      %add3A_1175 = arith.constant 0 : i32
      %add3A_1176 = arith.addi %mul3A_1174, %add3A_1175 : i32
      %dma_start3A_1177 = arith.constant 0 : i32
      %dma_start3A_1178 = arith.constant 0 : i32
      %dma_start3A_1179 = arith.constant 0 : i32
      %dma_start3A_1180 = arith.constant 0 : i32
      %dma_start3A_1181 = tpu.memref_slice %arg9[%dma_start3A_1177, %dma_start3A_1179, %dma_start3A_1180] : memref<4x64x128xf32, #tpu.memory_space<vmem>> -> memref<1x64x128xf32, #tpu.memory_space<vmem>>
      %dma_start3A_1182 = tpu.memref_squeeze %dma_start3A_1181 : memref<1x64x128xf32, #tpu.memory_space<vmem>> -> memref<64x128xf32, #tpu.memory_space<vmem>>
      %dma_start3A_1183 = arith.constant 0 : i32
      %dma_start3A_1184 = tpu.memref_slice %arg7[%add3A_1176, %dma_start3A_1183] : memref<40x64xi32, #tpu.memory_space<vmem>> -> memref<1x64xi32, #tpu.memory_space<vmem>>
      %dma_start3A_1185 = tpu.memref_squeeze %dma_start3A_1184 : memref<1x64xi32, #tpu.memory_space<vmem>> -> memref<64xi32, #tpu.memory_space<vmem>>
      %dma_start3A_1186 = arith.constant 0 : i32
      %dma_start3A_1187 = arith.constant 0 : i32
      %dma_start3A_1188 = tpu.memref_slice %arg2[%dma_start3A_1186, %dma_start3A_1187] : memref<10000x128xf32, #tpu.memory_space<hbm>> -> memref<10000x128xf32, #tpu.memory_space<hbm>>
      %dma_start3A_1189 = tpu.memref_slice %arg11[%dma_start3A_1178] : memref<4x!tpu.dma_semaphore, #tpu.memory_space<semaphore_mem>> -> memref<1x!tpu.dma_semaphore, #tpu.memory_space<semaphore_mem>>
      %dma_start3A_1190 = tpu.memref_squeeze %dma_start3A_1189 : memref<1x!tpu.dma_semaphore, #tpu.memory_space<semaphore_mem>> -> memref<!tpu.dma_semaphore, #tpu.memory_space<semaphore_mem>>
      tpu.enqueue_indirect_dma source(%dma_start3A_1188 : memref<10000x128xf32, #tpu.memory_space<hbm>>) target(%dma_start3A_1182 : memref<64x128xf32, #tpu.memory_space<vmem>>) offsets(%dma_start3A_1185 : memref<64xi32, #tpu.memory_space<vmem>>) semaphore(%dma_start3A_1190 : memref<!tpu.dma_semaphore, #tpu.memory_space<semaphore_mem>>)
      %dma_wait3A_1191 = arith.constant 1 : i32
      %dma_wait3A_1192 = arith.constant 0 : i32
      %dma_wait3A_1193 = arith.constant 1 : i32
      %dma_wait3A_1194 = arith.constant 0 : i32
      %dma_wait3A_1195 = arith.constant 0 : i32
      %dma_wait3A_1196 = tpu.memref_slice %arg9[%dma_wait3A_1191, %dma_wait3A_1194, %dma_wait3A_1195] : memref<4x64x128xf32, #tpu.memory_space<vmem>> -> memref<1x64x128xf32, #tpu.memory_space<vmem>>
      %dma_wait3A_1197 = tpu.memref_squeeze %dma_wait3A_1196 : memref<1x64x128xf32, #tpu.memory_space<vmem>> -> memref<64x128xf32, #tpu.memory_space<vmem>>
      %dma_wait3A_1198 = arith.constant 0 : i32
      %dma_wait3A_1199 = tpu.memref_slice %arg8[%dma_wait3A_1192, %dma_wait3A_1198] : memref<40x64xi32, #tpu.memory_space<vmem>> -> memref<1x64xi32, #tpu.memory_space<vmem>>
      %dma_wait3A_1200 = tpu.memref_squeeze %dma_wait3A_1199 : memref<1x64xi32, #tpu.memory_space<vmem>> -> memref<64xi32, #tpu.memory_space<vmem>>
      %dma_wait3A_1201 = arith.constant 0 : i32
      %dma_wait3A_1202 = arith.constant 0 : i32
      %dma_wait3A_1203 = tpu.memref_slice %arg10[%dma_wait3A_1201, %dma_wait3A_1202] : memref<10112x128xf32, #tpu.memory_space<vmem_shared>> -> memref<10112x128xf32, #tpu.memory_space<vmem_shared>>
      %dma_wait3A_1204 = tpu.memref_slice %arg12[%dma_wait3A_1193] : memref<4x!tpu.dma_semaphore, #tpu.memory_space<semaphore_mem>> -> memref<1x!tpu.dma_semaphore, #tpu.memory_space<semaphore_mem>>
      %dma_wait3A_1205 = tpu.memref_squeeze %dma_wait3A_1204 : memref<1x!tpu.dma_semaphore, #tpu.memory_space<semaphore_mem>> -> memref<!tpu.dma_semaphore, #tpu.memory_space<semaphore_mem>>
      tpu.wait_indirect_dma semaphore(%dma_wait3A_1205 : memref<!tpu.dma_semaphore, #tpu.memory_space<semaphore_mem>>) src(%dma_wait3A_1197 : memref<64x128xf32, #tpu.memory_space<vmem>>) dst(%dma_wait3A_1203 : memref<10112x128xf32, #tpu.memory_space<vmem_shared>>)
      %add3A_1206 = arith.constant 1 : i32
      %add3A_1207 = arith.addi %add3A_1023, %add3A_1206 : i32
      %mul3A_1208 = arith.constant 4 : i32
      %mul3A_1209 = arith.muli %add3A_1207, %mul3A_1208 : i32
      %add3A_1210 = arith.constant 1 : i32
      %add3A_1211 = arith.addi %mul3A_1209, %add3A_1210 : i32
      %dma_start3A_1212 = arith.constant 1 : i32
      %dma_start3A_1213 = arith.constant 1 : i32
      %dma_start3A_1214 = arith.constant 0 : i32
      %dma_start3A_1215 = arith.constant 0 : i32
      %dma_start3A_1216 = tpu.memref_slice %arg9[%dma_start3A_1212, %dma_start3A_1214, %dma_start3A_1215] : memref<4x64x128xf32, #tpu.memory_space<vmem>> -> memref<1x64x128xf32, #tpu.memory_space<vmem>>
      %dma_start3A_1217 = tpu.memref_squeeze %dma_start3A_1216 : memref<1x64x128xf32, #tpu.memory_space<vmem>> -> memref<64x128xf32, #tpu.memory_space<vmem>>
      %dma_start3A_1218 = arith.constant 0 : i32
      %dma_start3A_1219 = tpu.memref_slice %arg7[%add3A_1211, %dma_start3A_1218] : memref<40x64xi32, #tpu.memory_space<vmem>> -> memref<1x64xi32, #tpu.memory_space<vmem>>
      %dma_start3A_1220 = tpu.memref_squeeze %dma_start3A_1219 : memref<1x64xi32, #tpu.memory_space<vmem>> -> memref<64xi32, #tpu.memory_space<vmem>>
      %dma_start3A_1221 = arith.constant 0 : i32
      %dma_start3A_1222 = arith.constant 0 : i32
      %dma_start3A_1223 = tpu.memref_slice %arg2[%dma_start3A_1221, %dma_start3A_1222] : memref<10000x128xf32, #tpu.memory_space<hbm>> -> memref<10000x128xf32, #tpu.memory_space<hbm>>
      %dma_start3A_1224 = tpu.memref_slice %arg11[%dma_start3A_1213] : memref<4x!tpu.dma_semaphore, #tpu.memory_space<semaphore_mem>> -> memref<1x!tpu.dma_semaphore, #tpu.memory_space<semaphore_mem>>
      %dma_start3A_1225 = tpu.memref_squeeze %dma_start3A_1224 : memref<1x!tpu.dma_semaphore, #tpu.memory_space<semaphore_mem>> -> memref<!tpu.dma_semaphore, #tpu.memory_space<semaphore_mem>>
      tpu.enqueue_indirect_dma source(%dma_start3A_1223 : memref<10000x128xf32, #tpu.memory_space<hbm>>) target(%dma_start3A_1217 : memref<64x128xf32, #tpu.memory_space<vmem>>) offsets(%dma_start3A_1220 : memref<64xi32, #tpu.memory_space<vmem>>) semaphore(%dma_start3A_1225 : memref<!tpu.dma_semaphore, #tpu.memory_space<semaphore_mem>>)
      %dma_wait3A_1226 = arith.constant 2 : i32
      %dma_wait3A_1227 = arith.constant 0 : i32
      %dma_wait3A_1228 = arith.constant 2 : i32
      %dma_wait3A_1229 = arith.constant 0 : i32
      %dma_wait3A_1230 = arith.constant 0 : i32
      %dma_wait3A_1231 = tpu.memref_slice %arg9[%dma_wait3A_1226, %dma_wait3A_1229, %dma_wait3A_1230] : memref<4x64x128xf32, #tpu.memory_space<vmem>> -> memref<1x64x128xf32, #tpu.memory_space<vmem>>
      %dma_wait3A_1232 = tpu.memref_squeeze %dma_wait3A_1231 : memref<1x64x128xf32, #tpu.memory_space<vmem>> -> memref<64x128xf32, #tpu.memory_space<vmem>>
      %dma_wait3A_1233 = arith.constant 0 : i32
      %dma_wait3A_1234 = tpu.memref_slice %arg8[%dma_wait3A_1227, %dma_wait3A_1233] : memref<40x64xi32, #tpu.memory_space<vmem>> -> memref<1x64xi32, #tpu.memory_space<vmem>>
      %dma_wait3A_1235 = tpu.memref_squeeze %dma_wait3A_1234 : memref<1x64xi32, #tpu.memory_space<vmem>> -> memref<64xi32, #tpu.memory_space<vmem>>
      %dma_wait3A_1236 = arith.constant 0 : i32
      %dma_wait3A_1237 = arith.constant 0 : i32
      %dma_wait3A_1238 = tpu.memref_slice %arg10[%dma_wait3A_1236, %dma_wait3A_1237] : memref<10112x128xf32, #tpu.memory_space<vmem_shared>> -> memref<10112x128xf32, #tpu.memory_space<vmem_shared>>
      %dma_wait3A_1239 = tpu.memref_slice %arg12[%dma_wait3A_1228] : memref<4x!tpu.dma_semaphore, #tpu.memory_space<semaphore_mem>> -> memref<1x!tpu.dma_semaphore, #tpu.memory_space<semaphore_mem>>
      %dma_wait3A_1240 = tpu.memref_squeeze %dma_wait3A_1239 : memref<1x!tpu.dma_semaphore, #tpu.memory_space<semaphore_mem>> -> memref<!tpu.dma_semaphore, #tpu.memory_space<semaphore_mem>>
      tpu.wait_indirect_dma semaphore(%dma_wait3A_1240 : memref<!tpu.dma_semaphore, #tpu.memory_space<semaphore_mem>>) src(%dma_wait3A_1232 : memref<64x128xf32, #tpu.memory_space<vmem>>) dst(%dma_wait3A_1238 : memref<10112x128xf32, #tpu.memory_space<vmem_shared>>)
      %add3A_1241 = arith.constant 1 : i32
      %add3A_1242 = arith.addi %add3A_1023, %add3A_1241 : i32
      %mul3A_1243 = arith.constant 4 : i32
      %mul3A_1244 = arith.muli %add3A_1242, %mul3A_1243 : i32
      %add3A_1245 = arith.constant 2 : i32
      %add3A_1246 = arith.addi %mul3A_1244, %add3A_1245 : i32
      %dma_start3A_1247 = arith.constant 2 : i32
      %dma_start3A_1248 = arith.constant 2 : i32
      %dma_start3A_1249 = arith.constant 0 : i32
      %dma_start3A_1250 = arith.constant 0 : i32
      %dma_start3A_1251 = tpu.memref_slice %arg9[%dma_start3A_1247, %dma_start3A_1249, %dma_start3A_1250] : memref<4x64x128xf32, #tpu.memory_space<vmem>> -> memref<1x64x128xf32, #tpu.memory_space<vmem>>
      %dma_start3A_1252 = tpu.memref_squeeze %dma_start3A_1251 : memref<1x64x128xf32, #tpu.memory_space<vmem>> -> memref<64x128xf32, #tpu.memory_space<vmem>>
      %dma_start3A_1253 = arith.constant 0 : i32
      %dma_start3A_1254 = tpu.memref_slice %arg7[%add3A_1246, %dma_start3A_1253] : memref<40x64xi32, #tpu.memory_space<vmem>> -> memref<1x64xi32, #tpu.memory_space<vmem>>
      %dma_start3A_1255 = tpu.memref_squeeze %dma_start3A_1254 : memref<1x64xi32, #tpu.memory_space<vmem>> -> memref<64xi32, #tpu.memory_space<vmem>>
      %dma_start3A_1256 = arith.constant 0 : i32
      %dma_start3A_1257 = arith.constant 0 : i32
      %dma_start3A_1258 = tpu.memref_slice %arg2[%dma_start3A_1256, %dma_start3A_1257] : memref<10000x128xf32, #tpu.memory_space<hbm>> -> memref<10000x128xf32, #tpu.memory_space<hbm>>
      %dma_start3A_1259 = tpu.memref_slice %arg11[%dma_start3A_1248] : memref<4x!tpu.dma_semaphore, #tpu.memory_space<semaphore_mem>> -> memref<1x!tpu.dma_semaphore, #tpu.memory_space<semaphore_mem>>
      %dma_start3A_1260 = tpu.memref_squeeze %dma_start3A_1259 : memref<1x!tpu.dma_semaphore, #tpu.memory_space<semaphore_mem>> -> memref<!tpu.dma_semaphore, #tpu.memory_space<semaphore_mem>>
      tpu.enqueue_indirect_dma source(%dma_start3A_1258 : memref<10000x128xf32, #tpu.memory_space<hbm>>) target(%dma_start3A_1252 : memref<64x128xf32, #tpu.memory_space<vmem>>) offsets(%dma_start3A_1255 : memref<64xi32, #tpu.memory_space<vmem>>) semaphore(%dma_start3A_1260 : memref<!tpu.dma_semaphore, #tpu.memory_space<semaphore_mem>>)
      %dma_wait3A_1261 = arith.constant 3 : i32
      %dma_wait3A_1262 = arith.constant 0 : i32
      %dma_wait3A_1263 = arith.constant 3 : i32
      %dma_wait3A_1264 = arith.constant 0 : i32
      %dma_wait3A_1265 = arith.constant 0 : i32
      %dma_wait3A_1266 = tpu.memref_slice %arg9[%dma_wait3A_1261, %dma_wait3A_1264, %dma_wait3A_1265] : memref<4x64x128xf32, #tpu.memory_space<vmem>> -> memref<1x64x128xf32, #tpu.memory_space<vmem>>
      %dma_wait3A_1267 = tpu.memref_squeeze %dma_wait3A_1266 : memref<1x64x128xf32, #tpu.memory_space<vmem>> -> memref<64x128xf32, #tpu.memory_space<vmem>>
      %dma_wait3A_1268 = arith.constant 0 : i32
      %dma_wait3A_1269 = tpu.memref_slice %arg8[%dma_wait3A_1262, %dma_wait3A_1268] : memref<40x64xi32, #tpu.memory_space<vmem>> -> memref<1x64xi32, #tpu.memory_space<vmem>>
      %dma_wait3A_1270 = tpu.memref_squeeze %dma_wait3A_1269 : memref<1x64xi32, #tpu.memory_space<vmem>> -> memref<64xi32, #tpu.memory_space<vmem>>
      %dma_wait3A_1271 = arith.constant 0 : i32
      %dma_wait3A_1272 = arith.constant 0 : i32
      %dma_wait3A_1273 = tpu.memref_slice %arg10[%dma_wait3A_1271, %dma_wait3A_1272] : memref<10112x128xf32, #tpu.memory_space<vmem_shared>> -> memref<10112x128xf32, #tpu.memory_space<vmem_shared>>
      %dma_wait3A_1274 = tpu.memref_slice %arg12[%dma_wait3A_1263] : memref<4x!tpu.dma_semaphore, #tpu.memory_space<semaphore_mem>> -> memref<1x!tpu.dma_semaphore, #tpu.memory_space<semaphore_mem>>
      %dma_wait3A_1275 = tpu.memref_squeeze %dma_wait3A_1274 : memref<1x!tpu.dma_semaphore, #tpu.memory_space<semaphore_mem>> -> memref<!tpu.dma_semaphore, #tpu.memory_space<semaphore_mem>>
      tpu.wait_indirect_dma semaphore(%dma_wait3A_1275 : memref<!tpu.dma_semaphore, #tpu.memory_space<semaphore_mem>>) src(%dma_wait3A_1267 : memref<64x128xf32, #tpu.memory_space<vmem>>) dst(%dma_wait3A_1273 : memref<10112x128xf32, #tpu.memory_space<vmem_shared>>)
      %add3A_1276 = arith.constant 1 : i32
      %add3A_1277 = arith.addi %add3A_1023, %add3A_1276 : i32
      %mul3A_1278 = arith.constant 4 : i32
      %mul3A_1279 = arith.muli %add3A_1277, %mul3A_1278 : i32
      %add3A_1280 = arith.constant 3 : i32
      %add3A_1281 = arith.addi %mul3A_1279, %add3A_1280 : i32
      %dma_start3A_1282 = arith.constant 3 : i32
      %dma_start3A_1283 = arith.constant 3 : i32
      %dma_start3A_1284 = arith.constant 0 : i32
      %dma_start3A_1285 = arith.constant 0 : i32
      %dma_start3A_1286 = tpu.memref_slice %arg9[%dma_start3A_1282, %dma_start3A_1284, %dma_start3A_1285] : memref<4x64x128xf32, #tpu.memory_space<vmem>> -> memref<1x64x128xf32, #tpu.memory_space<vmem>>
      %dma_start3A_1287 = tpu.memref_squeeze %dma_start3A_1286 : memref<1x64x128xf32, #tpu.memory_space<vmem>> -> memref<64x128xf32, #tpu.memory_space<vmem>>
      %dma_start3A_1288 = arith.constant 0 : i32
      %dma_start3A_1289 = tpu.memref_slice %arg7[%add3A_1281, %dma_start3A_1288] : memref<40x64xi32, #tpu.memory_space<vmem>> -> memref<1x64xi32, #tpu.memory_space<vmem>>
      %dma_start3A_1290 = tpu.memref_squeeze %dma_start3A_1289 : memref<1x64xi32, #tpu.memory_space<vmem>> -> memref<64xi32, #tpu.memory_space<vmem>>
      %dma_start3A_1291 = arith.constant 0 : i32
      %dma_start3A_1292 = arith.constant 0 : i32
      %dma_start3A_1293 = tpu.memref_slice %arg2[%dma_start3A_1291, %dma_start3A_1292] : memref<10000x128xf32, #tpu.memory_space<hbm>> -> memref<10000x128xf32, #tpu.memory_space<hbm>>
      %dma_start3A_1294 = tpu.memref_slice %arg11[%dma_start3A_1283] : memref<4x!tpu.dma_semaphore, #tpu.memory_space<semaphore_mem>> -> memref<1x!tpu.dma_semaphore, #tpu.memory_space<semaphore_mem>>
      %dma_start3A_1295 = tpu.memref_squeeze %dma_start3A_1294 : memref<1x!tpu.dma_semaphore, #tpu.memory_space<semaphore_mem>> -> memref<!tpu.dma_semaphore, #tpu.memory_space<semaphore_mem>>
      tpu.enqueue_indirect_dma source(%dma_start3A_1293 : memref<10000x128xf32, #tpu.memory_space<hbm>>) target(%dma_start3A_1287 : memref<64x128xf32, #tpu.memory_space<vmem>>) offsets(%dma_start3A_1290 : memref<64xi32, #tpu.memory_space<vmem>>) semaphore(%dma_start3A_1295 : memref<!tpu.dma_semaphore, #tpu.memory_space<semaphore_mem>>)
    }
    %scan3A_75 = arith.constant 9 : i32
    %dma_wait3A = arith.constant 0 : i32
    %dma_wait3A_76 = arith.constant 0 : i32
    %dma_wait3A_77 = arith.constant 0 : i32
    %dma_wait3A_78 = arith.constant 0 : i32
    %dma_wait3A_79 = arith.constant 0 : i32
    %dma_wait3A_80 = tpu.memref_slice %arg9[%dma_wait3A_76, %dma_wait3A_78, %dma_wait3A_79] : memref<4x64x128xf32, #tpu.memory_space<vmem>> -> memref<1x64x128xf32, #tpu.memory_space<vmem>>
    %dma_wait3A_81 = tpu.memref_squeeze %dma_wait3A_80 : memref<1x64x128xf32, #tpu.memory_space<vmem>> -> memref<64x128xf32, #tpu.memory_space<vmem>>
    %dma_wait3A_82 = arith.constant 0 : i32
    %dma_wait3A_83 = tpu.memref_slice %arg7[%dma_wait3A, %dma_wait3A_82] : memref<40x64xi32, #tpu.memory_space<vmem>> -> memref<1x64xi32, #tpu.memory_space<vmem>>
    %dma_wait3A_84 = tpu.memref_squeeze %dma_wait3A_83 : memref<1x64xi32, #tpu.memory_space<vmem>> -> memref<64xi32, #tpu.memory_space<vmem>>
    %dma_wait3A_85 = arith.constant 0 : i32
    %dma_wait3A_86 = arith.constant 0 : i32
    %dma_wait3A_87 = tpu.memref_slice %arg2[%dma_wait3A_85, %dma_wait3A_86] : memref<10000x128xf32, #tpu.memory_space<hbm>> -> memref<10000x128xf32, #tpu.memory_space<hbm>>
    %dma_wait3A_88 = tpu.memref_slice %arg11[%dma_wait3A_77] : memref<4x!tpu.dma_semaphore, #tpu.memory_space<semaphore_mem>> -> memref<1x!tpu.dma_semaphore, #tpu.memory_space<semaphore_mem>>
    %dma_wait3A_89 = tpu.memref_squeeze %dma_wait3A_88 : memref<1x!tpu.dma_semaphore, #tpu.memory_space<semaphore_mem>> -> memref<!tpu.dma_semaphore, #tpu.memory_space<semaphore_mem>>
    tpu.wait_indirect_dma semaphore(%dma_wait3A_89 : memref<!tpu.dma_semaphore, #tpu.memory_space<semaphore_mem>>) src(%dma_wait3A_87 : memref<10000x128xf32, #tpu.memory_space<hbm>>) dst(%dma_wait3A_81 : memref<64x128xf32, #tpu.memory_space<vmem>>)
    %dma_start3A_90 = arith.constant 0 : i32
    %dma_start3A_91 = arith.constant 36 : i32
    %dma_start3A_92 = arith.constant 0 : i32
    %dma_start3A_93 = arith.constant 0 : i32
    %dma_start3A_94 = arith.constant 0 : i32
    %dma_start3A_95 = tpu.memref_slice %arg9[%dma_start3A_90, %dma_start3A_93, %dma_start3A_94] : memref<4x64x128xf32, #tpu.memory_space<vmem>> -> memref<1x64x128xf32, #tpu.memory_space<vmem>>
    %dma_start3A_96 = tpu.memref_squeeze %dma_start3A_95 : memref<1x64x128xf32, #tpu.memory_space<vmem>> -> memref<64x128xf32, #tpu.memory_space<vmem>>
    %dma_start3A_97 = arith.constant 0 : i32
    %dma_start3A_98 = tpu.memref_slice %arg8[%dma_start3A_91, %dma_start3A_97] : memref<40x64xi32, #tpu.memory_space<vmem>> -> memref<1x64xi32, #tpu.memory_space<vmem>>
    %dma_start3A_99 = tpu.memref_squeeze %dma_start3A_98 : memref<1x64xi32, #tpu.memory_space<vmem>> -> memref<64xi32, #tpu.memory_space<vmem>>
    %dma_start3A_100 = arith.constant 0 : i32
    %dma_start3A_101 = arith.constant 0 : i32
    %dma_start3A_102 = tpu.memref_slice %arg10[%dma_start3A_100, %dma_start3A_101] : memref<10112x128xf32, #tpu.memory_space<vmem_shared>> -> memref<10112x128xf32, #tpu.memory_space<vmem_shared>>
    %dma_start3A_103 = tpu.memref_slice %arg12[%dma_start3A_92] : memref<4x!tpu.dma_semaphore, #tpu.memory_space<semaphore_mem>> -> memref<1x!tpu.dma_semaphore, #tpu.memory_space<semaphore_mem>>
    %dma_start3A_104 = tpu.memref_squeeze %dma_start3A_103 : memref<1x!tpu.dma_semaphore, #tpu.memory_space<semaphore_mem>> -> memref<!tpu.dma_semaphore, #tpu.memory_space<semaphore_mem>>
    tpu.enqueue_indirect_dma source(%dma_start3A_96 : memref<64x128xf32, #tpu.memory_space<vmem>>) target(%dma_start3A_102 : memref<10112x128xf32, #tpu.memory_space<vmem_shared>>) offsets(%dma_start3A_99 : memref<64xi32, #tpu.memory_space<vmem>>) semaphore(%dma_start3A_104 : memref<!tpu.dma_semaphore, #tpu.memory_space<semaphore_mem>>) {add = true}
    %dma_wait3A_105 = arith.constant 0 : i32
    %dma_wait3A_106 = arith.constant 1 : i32
    %dma_wait3A_107 = arith.constant 1 : i32
    %dma_wait3A_108 = arith.constant 0 : i32
    %dma_wait3A_109 = arith.constant 0 : i32
    %dma_wait3A_110 = tpu.memref_slice %arg9[%dma_wait3A_106, %dma_wait3A_108, %dma_wait3A_109] : memref<4x64x128xf32, #tpu.memory_space<vmem>> -> memref<1x64x128xf32, #tpu.memory_space<vmem>>
    %dma_wait3A_111 = tpu.memref_squeeze %dma_wait3A_110 : memref<1x64x128xf32, #tpu.memory_space<vmem>> -> memref<64x128xf32, #tpu.memory_space<vmem>>
    %dma_wait3A_112 = arith.constant 0 : i32
    %dma_wait3A_113 = tpu.memref_slice %arg7[%dma_wait3A_105, %dma_wait3A_112] : memref<40x64xi32, #tpu.memory_space<vmem>> -> memref<1x64xi32, #tpu.memory_space<vmem>>
    %dma_wait3A_114 = tpu.memref_squeeze %dma_wait3A_113 : memref<1x64xi32, #tpu.memory_space<vmem>> -> memref<64xi32, #tpu.memory_space<vmem>>
    %dma_wait3A_115 = arith.constant 0 : i32
    %dma_wait3A_116 = arith.constant 0 : i32
    %dma_wait3A_117 = tpu.memref_slice %arg2[%dma_wait3A_115, %dma_wait3A_116] : memref<10000x128xf32, #tpu.memory_space<hbm>> -> memref<10000x128xf32, #tpu.memory_space<hbm>>
    %dma_wait3A_118 = tpu.memref_slice %arg11[%dma_wait3A_107] : memref<4x!tpu.dma_semaphore, #tpu.memory_space<semaphore_mem>> -> memref<1x!tpu.dma_semaphore, #tpu.memory_space<semaphore_mem>>
    %dma_wait3A_119 = tpu.memref_squeeze %dma_wait3A_118 : memref<1x!tpu.dma_semaphore, #tpu.memory_space<semaphore_mem>> -> memref<!tpu.dma_semaphore, #tpu.memory_space<semaphore_mem>>
    tpu.wait_indirect_dma semaphore(%dma_wait3A_119 : memref<!tpu.dma_semaphore, #tpu.memory_space<semaphore_mem>>) src(%dma_wait3A_117 : memref<10000x128xf32, #tpu.memory_space<hbm>>) dst(%dma_wait3A_111 : memref<64x128xf32, #tpu.memory_space<vmem>>)
    %dma_start3A_120 = arith.constant 1 : i32
    %dma_start3A_121 = arith.constant 37 : i32
    %dma_start3A_122 = arith.constant 1 : i32
    %dma_start3A_123 = arith.constant 0 : i32
    %dma_start3A_124 = arith.constant 0 : i32
    %dma_start3A_125 = tpu.memref_slice %arg9[%dma_start3A_120, %dma_start3A_123, %dma_start3A_124] : memref<4x64x128xf32, #tpu.memory_space<vmem>> -> memref<1x64x128xf32, #tpu.memory_space<vmem>>
    %dma_start3A_126 = tpu.memref_squeeze %dma_start3A_125 : memref<1x64x128xf32, #tpu.memory_space<vmem>> -> memref<64x128xf32, #tpu.memory_space<vmem>>
    %dma_start3A_127 = arith.constant 0 : i32
    %dma_start3A_128 = tpu.memref_slice %arg8[%dma_start3A_121, %dma_start3A_127] : memref<40x64xi32, #tpu.memory_space<vmem>> -> memref<1x64xi32, #tpu.memory_space<vmem>>
    %dma_start3A_129 = tpu.memref_squeeze %dma_start3A_128 : memref<1x64xi32, #tpu.memory_space<vmem>> -> memref<64xi32, #tpu.memory_space<vmem>>
    %dma_start3A_130 = arith.constant 0 : i32
    %dma_start3A_131 = arith.constant 0 : i32
    %dma_start3A_132 = tpu.memref_slice %arg10[%dma_start3A_130, %dma_start3A_131] : memref<10112x128xf32, #tpu.memory_space<vmem_shared>> -> memref<10112x128xf32, #tpu.memory_space<vmem_shared>>
    %dma_start3A_133 = tpu.memref_slice %arg12[%dma_start3A_122] : memref<4x!tpu.dma_semaphore, #tpu.memory_space<semaphore_mem>> -> memref<1x!tpu.dma_semaphore, #tpu.memory_space<semaphore_mem>>
    %dma_start3A_134 = tpu.memref_squeeze %dma_start3A_133 : memref<1x!tpu.dma_semaphore, #tpu.memory_space<semaphore_mem>> -> memref<!tpu.dma_semaphore, #tpu.memory_space<semaphore_mem>>
    tpu.enqueue_indirect_dma source(%dma_start3A_126 : memref<64x128xf32, #tpu.memory_space<vmem>>) target(%dma_start3A_132 : memref<10112x128xf32, #tpu.memory_space<vmem_shared>>) offsets(%dma_start3A_129 : memref<64xi32, #tpu.memory_space<vmem>>) semaphore(%dma_start3A_134 : memref<!tpu.dma_semaphore, #tpu.memory_space<semaphore_mem>>) {add = true}
    %dma_wait3A_135 = arith.constant 0 : i32
    %dma_wait3A_136 = arith.constant 2 : i32
    %dma_wait3A_137 = arith.constant 2 : i32
    %dma_wait3A_138 = arith.constant 0 : i32
    %dma_wait3A_139 = arith.constant 0 : i32
    %dma_wait3A_140 = tpu.memref_slice %arg9[%dma_wait3A_136, %dma_wait3A_138, %dma_wait3A_139] : memref<4x64x128xf32, #tpu.memory_space<vmem>> -> memref<1x64x128xf32, #tpu.memory_space<vmem>>
    %dma_wait3A_141 = tpu.memref_squeeze %dma_wait3A_140 : memref<1x64x128xf32, #tpu.memory_space<vmem>> -> memref<64x128xf32, #tpu.memory_space<vmem>>
    %dma_wait3A_142 = arith.constant 0 : i32
    %dma_wait3A_143 = tpu.memref_slice %arg7[%dma_wait3A_135, %dma_wait3A_142] : memref<40x64xi32, #tpu.memory_space<vmem>> -> memref<1x64xi32, #tpu.memory_space<vmem>>
    %dma_wait3A_144 = tpu.memref_squeeze %dma_wait3A_143 : memref<1x64xi32, #tpu.memory_space<vmem>> -> memref<64xi32, #tpu.memory_space<vmem>>
    %dma_wait3A_145 = arith.constant 0 : i32
    %dma_wait3A_146 = arith.constant 0 : i32
    %dma_wait3A_147 = tpu.memref_slice %arg2[%dma_wait3A_145, %dma_wait3A_146] : memref<10000x128xf32, #tpu.memory_space<hbm>> -> memref<10000x128xf32, #tpu.memory_space<hbm>>
    %dma_wait3A_148 = tpu.memref_slice %arg11[%dma_wait3A_137] : memref<4x!tpu.dma_semaphore, #tpu.memory_space<semaphore_mem>> -> memref<1x!tpu.dma_semaphore, #tpu.memory_space<semaphore_mem>>
    %dma_wait3A_149 = tpu.memref_squeeze %dma_wait3A_148 : memref<1x!tpu.dma_semaphore, #tpu.memory_space<semaphore_mem>> -> memref<!tpu.dma_semaphore, #tpu.memory_space<semaphore_mem>>
    tpu.wait_indirect_dma semaphore(%dma_wait3A_149 : memref<!tpu.dma_semaphore, #tpu.memory_space<semaphore_mem>>) src(%dma_wait3A_147 : memref<10000x128xf32, #tpu.memory_space<hbm>>) dst(%dma_wait3A_141 : memref<64x128xf32, #tpu.memory_space<vmem>>)
    %dma_start3A_150 = arith.constant 2 : i32
    %dma_start3A_151 = arith.constant 38 : i32
    %dma_start3A_152 = arith.constant 2 : i32
    %dma_start3A_153 = arith.constant 0 : i32
    %dma_start3A_154 = arith.constant 0 : i32
    %dma_start3A_155 = tpu.memref_slice %arg9[%dma_start3A_150, %dma_start3A_153, %dma_start3A_154] : memref<4x64x128xf32, #tpu.memory_space<vmem>> -> memref<1x64x128xf32, #tpu.memory_space<vmem>>
    %dma_start3A_156 = tpu.memref_squeeze %dma_start3A_155 : memref<1x64x128xf32, #tpu.memory_space<vmem>> -> memref<64x128xf32, #tpu.memory_space<vmem>>
    %dma_start3A_157 = arith.constant 0 : i32
    %dma_start3A_158 = tpu.memref_slice %arg8[%dma_start3A_151, %dma_start3A_157] : memref<40x64xi32, #tpu.memory_space<vmem>> -> memref<1x64xi32, #tpu.memory_space<vmem>>
    %dma_start3A_159 = tpu.memref_squeeze %dma_start3A_158 : memref<1x64xi32, #tpu.memory_space<vmem>> -> memref<64xi32, #tpu.memory_space<vmem>>
    %dma_start3A_160 = arith.constant 0 : i32
    %dma_start3A_161 = arith.constant 0 : i32
    %dma_start3A_162 = tpu.memref_slice %arg10[%dma_start3A_160, %dma_start3A_161] : memref<10112x128xf32, #tpu.memory_space<vmem_shared>> -> memref<10112x128xf32, #tpu.memory_space<vmem_shared>>
    %dma_start3A_163 = tpu.memref_slice %arg12[%dma_start3A_152] : memref<4x!tpu.dma_semaphore, #tpu.memory_space<semaphore_mem>> -> memref<1x!tpu.dma_semaphore, #tpu.memory_space<semaphore_mem>>
    %dma_start3A_164 = tpu.memref_squeeze %dma_start3A_163 : memref<1x!tpu.dma_semaphore, #tpu.memory_space<semaphore_mem>> -> memref<!tpu.dma_semaphore, #tpu.memory_space<semaphore_mem>>
    tpu.enqueue_indirect_dma source(%dma_start3A_156 : memref<64x128xf32, #tpu.memory_space<vmem>>) target(%dma_start3A_162 : memref<10112x128xf32, #tpu.memory_space<vmem_shared>>) offsets(%dma_start3A_159 : memref<64xi32, #tpu.memory_space<vmem>>) semaphore(%dma_start3A_164 : memref<!tpu.dma_semaphore, #tpu.memory_space<semaphore_mem>>) {add = true}
    %dma_wait3A_165 = arith.constant 0 : i32
    %dma_wait3A_166 = arith.constant 3 : i32
    %dma_wait3A_167 = arith.constant 3 : i32
    %dma_wait3A_168 = arith.constant 0 : i32
    %dma_wait3A_169 = arith.constant 0 : i32
    %dma_wait3A_170 = tpu.memref_slice %arg9[%dma_wait3A_166, %dma_wait3A_168, %dma_wait3A_169] : memref<4x64x128xf32, #tpu.memory_space<vmem>> -> memref<1x64x128xf32, #tpu.memory_space<vmem>>
    %dma_wait3A_171 = tpu.memref_squeeze %dma_wait3A_170 : memref<1x64x128xf32, #tpu.memory_space<vmem>> -> memref<64x128xf32, #tpu.memory_space<vmem>>
    %dma_wait3A_172 = arith.constant 0 : i32
    %dma_wait3A_173 = tpu.memref_slice %arg7[%dma_wait3A_165, %dma_wait3A_172] : memref<40x64xi32, #tpu.memory_space<vmem>> -> memref<1x64xi32, #tpu.memory_space<vmem>>
    %dma_wait3A_174 = tpu.memref_squeeze %dma_wait3A_173 : memref<1x64xi32, #tpu.memory_space<vmem>> -> memref<64xi32, #tpu.memory_space<vmem>>
    %dma_wait3A_175 = arith.constant 0 : i32
    %dma_wait3A_176 = arith.constant 0 : i32
    %dma_wait3A_177 = tpu.memref_slice %arg2[%dma_wait3A_175, %dma_wait3A_176] : memref<10000x128xf32, #tpu.memory_space<hbm>> -> memref<10000x128xf32, #tpu.memory_space<hbm>>
    %dma_wait3A_178 = tpu.memref_slice %arg11[%dma_wait3A_167] : memref<4x!tpu.dma_semaphore, #tpu.memory_space<semaphore_mem>> -> memref<1x!tpu.dma_semaphore, #tpu.memory_space<semaphore_mem>>
    %dma_wait3A_179 = tpu.memref_squeeze %dma_wait3A_178 : memref<1x!tpu.dma_semaphore, #tpu.memory_space<semaphore_mem>> -> memref<!tpu.dma_semaphore, #tpu.memory_space<semaphore_mem>>
    tpu.wait_indirect_dma semaphore(%dma_wait3A_179 : memref<!tpu.dma_semaphore, #tpu.memory_space<semaphore_mem>>) src(%dma_wait3A_177 : memref<10000x128xf32, #tpu.memory_space<hbm>>) dst(%dma_wait3A_171 : memref<64x128xf32, #tpu.memory_space<vmem>>)
    %dma_start3A_180 = arith.constant 3 : i32
    %dma_start3A_181 = arith.constant 39 : i32
    %dma_start3A_182 = arith.constant 3 : i32
    %dma_start3A_183 = arith.constant 0 : i32
    %dma_start3A_184 = arith.constant 0 : i32
    %dma_start3A_185 = tpu.memref_slice %arg9[%dma_start3A_180, %dma_start3A_183, %dma_start3A_184] : memref<4x64x128xf32, #tpu.memory_space<vmem>> -> memref<1x64x128xf32, #tpu.memory_space<vmem>>
    %dma_start3A_186 = tpu.memref_squeeze %dma_start3A_185 : memref<1x64x128xf32, #tpu.memory_space<vmem>> -> memref<64x128xf32, #tpu.memory_space<vmem>>
    %dma_start3A_187 = arith.constant 0 : i32
    %dma_start3A_188 = tpu.memref_slice %arg8[%dma_start3A_181, %dma_start3A_187] : memref<40x64xi32, #tpu.memory_space<vmem>> -> memref<1x64xi32, #tpu.memory_space<vmem>>
    %dma_start3A_189 = tpu.memref_squeeze %dma_start3A_188 : memref<1x64xi32, #tpu.memory_space<vmem>> -> memref<64xi32, #tpu.memory_space<vmem>>
    %dma_start3A_190 = arith.constant 0 : i32
    %dma_start3A_191 = arith.constant 0 : i32
    %dma_start3A_192 = tpu.memref_slice %arg10[%dma_start3A_190, %dma_start3A_191] : memref<10112x128xf32, #tpu.memory_space<vmem_shared>> -> memref<10112x128xf32, #tpu.memory_space<vmem_shared>>
    %dma_start3A_193 = tpu.memref_slice %arg12[%dma_start3A_182] : memref<4x!tpu.dma_semaphore, #tpu.memory_space<semaphore_mem>> -> memref<1x!tpu.dma_semaphore, #tpu.memory_space<semaphore_mem>>
    %dma_start3A_194 = tpu.memref_squeeze %dma_start3A_193 : memref<1x!tpu.dma_semaphore, #tpu.memory_space<semaphore_mem>> -> memref<!tpu.dma_semaphore, #tpu.memory_space<semaphore_mem>>
    tpu.enqueue_indirect_dma source(%dma_start3A_186 : memref<64x128xf32, #tpu.memory_space<vmem>>) target(%dma_start3A_192 : memref<10112x128xf32, #tpu.memory_space<vmem_shared>>) offsets(%dma_start3A_189 : memref<64xi32, #tpu.memory_space<vmem>>) semaphore(%dma_start3A_194 : memref<!tpu.dma_semaphore, #tpu.memory_space<semaphore_mem>>) {add = true}
    %dma_wait3A_195 = arith.constant 0 : i32
    %dma_wait3A_196 = arith.constant 0 : i32
    %dma_wait3A_197 = arith.constant 0 : i32
    %dma_wait3A_198 = arith.constant 0 : i32
    %dma_wait3A_199 = arith.constant 0 : i32
    %dma_wait3A_200 = tpu.memref_slice %arg9[%dma_wait3A_195, %dma_wait3A_198, %dma_wait3A_199] : memref<4x64x128xf32, #tpu.memory_space<vmem>> -> memref<1x64x128xf32, #tpu.memory_space<vmem>>
    %dma_wait3A_201 = tpu.memref_squeeze %dma_wait3A_200 : memref<1x64x128xf32, #tpu.memory_space<vmem>> -> memref<64x128xf32, #tpu.memory_space<vmem>>
    %dma_wait3A_202 = arith.constant 0 : i32
    %dma_wait3A_203 = tpu.memref_slice %arg8[%dma_wait3A_196, %dma_wait3A_202] : memref<40x64xi32, #tpu.memory_space<vmem>> -> memref<1x64xi32, #tpu.memory_space<vmem>>
    %dma_wait3A_204 = tpu.memref_squeeze %dma_wait3A_203 : memref<1x64xi32, #tpu.memory_space<vmem>> -> memref<64xi32, #tpu.memory_space<vmem>>
    %dma_wait3A_205 = arith.constant 0 : i32
    %dma_wait3A_206 = arith.constant 0 : i32
    %dma_wait3A_207 = tpu.memref_slice %arg10[%dma_wait3A_205, %dma_wait3A_206] : memref<10112x128xf32, #tpu.memory_space<vmem_shared>> -> memref<10112x128xf32, #tpu.memory_space<vmem_shared>>
    %dma_wait3A_208 = tpu.memref_slice %arg12[%dma_wait3A_197] : memref<4x!tpu.dma_semaphore, #tpu.memory_space<semaphore_mem>> -> memref<1x!tpu.dma_semaphore, #tpu.memory_space<semaphore_mem>>
    %dma_wait3A_209 = tpu.memref_squeeze %dma_wait3A_208 : memref<1x!tpu.dma_semaphore, #tpu.memory_space<semaphore_mem>> -> memref<!tpu.dma_semaphore, #tpu.memory_space<semaphore_mem>>
    tpu.wait_indirect_dma semaphore(%dma_wait3A_209 : memref<!tpu.dma_semaphore, #tpu.memory_space<semaphore_mem>>) src(%dma_wait3A_201 : memref<64x128xf32, #tpu.memory_space<vmem>>) dst(%dma_wait3A_207 : memref<10112x128xf32, #tpu.memory_space<vmem_shared>>)
    %dma_wait3A_210 = arith.constant 1 : i32
    %dma_wait3A_211 = arith.constant 0 : i32
    %dma_wait3A_212 = arith.constant 1 : i32
    %dma_wait3A_213 = arith.constant 0 : i32
    %dma_wait3A_214 = arith.constant 0 : i32
    %dma_wait3A_215 = tpu.memref_slice %arg9[%dma_wait3A_210, %dma_wait3A_213, %dma_wait3A_214] : memref<4x64x128xf32, #tpu.memory_space<vmem>> -> memref<1x64x128xf32, #tpu.memory_space<vmem>>
    %dma_wait3A_216 = tpu.memref_squeeze %dma_wait3A_215 : memref<1x64x128xf32, #tpu.memory_space<vmem>> -> memref<64x128xf32, #tpu.memory_space<vmem>>
    %dma_wait3A_217 = arith.constant 0 : i32
    %dma_wait3A_218 = tpu.memref_slice %arg8[%dma_wait3A_211, %dma_wait3A_217] : memref<40x64xi32, #tpu.memory_space<vmem>> -> memref<1x64xi32, #tpu.memory_space<vmem>>
    %dma_wait3A_219 = tpu.memref_squeeze %dma_wait3A_218 : memref<1x64xi32, #tpu.memory_space<vmem>> -> memref<64xi32, #tpu.memory_space<vmem>>
    %dma_wait3A_220 = arith.constant 0 : i32
    %dma_wait3A_221 = arith.constant 0 : i32
    %dma_wait3A_222 = tpu.memref_slice %arg10[%dma_wait3A_220, %dma_wait3A_221] : memref<10112x128xf32, #tpu.memory_space<vmem_shared>> -> memref<10112x128xf32, #tpu.memory_space<vmem_shared>>
    %dma_wait3A_223 = tpu.memref_slice %arg12[%dma_wait3A_212] : memref<4x!tpu.dma_semaphore, #tpu.memory_space<semaphore_mem>> -> memref<1x!tpu.dma_semaphore, #tpu.memory_space<semaphore_mem>>
    %dma_wait3A_224 = tpu.memref_squeeze %dma_wait3A_223 : memref<1x!tpu.dma_semaphore, #tpu.memory_space<semaphore_mem>> -> memref<!tpu.dma_semaphore, #tpu.memory_space<semaphore_mem>>
    tpu.wait_indirect_dma semaphore(%dma_wait3A_224 : memref<!tpu.dma_semaphore, #tpu.memory_space<semaphore_mem>>) src(%dma_wait3A_216 : memref<64x128xf32, #tpu.memory_space<vmem>>) dst(%dma_wait3A_222 : memref<10112x128xf32, #tpu.memory_space<vmem_shared>>)
    %dma_wait3A_225 = arith.constant 2 : i32
    %dma_wait3A_226 = arith.constant 0 : i32
    %dma_wait3A_227 = arith.constant 2 : i32
    %dma_wait3A_228 = arith.constant 0 : i32
    %dma_wait3A_229 = arith.constant 0 : i32
    %dma_wait3A_230 = tpu.memref_slice %arg9[%dma_wait3A_225, %dma_wait3A_228, %dma_wait3A_229] : memref<4x64x128xf32, #tpu.memory_space<vmem>> -> memref<1x64x128xf32, #tpu.memory_space<vmem>>
    %dma_wait3A_231 = tpu.memref_squeeze %dma_wait3A_230 : memref<1x64x128xf32, #tpu.memory_space<vmem>> -> memref<64x128xf32, #tpu.memory_space<vmem>>
    %dma_wait3A_232 = arith.constant 0 : i32
    %dma_wait3A_233 = tpu.memref_slice %arg8[%dma_wait3A_226, %dma_wait3A_232] : memref<40x64xi32, #tpu.memory_space<vmem>> -> memref<1x64xi32, #tpu.memory_space<vmem>>
    %dma_wait3A_234 = tpu.memref_squeeze %dma_wait3A_233 : memref<1x64xi32, #tpu.memory_space<vmem>> -> memref<64xi32, #tpu.memory_space<vmem>>
    %dma_wait3A_235 = arith.constant 0 : i32
    %dma_wait3A_236 = arith.constant 0 : i32
    %dma_wait3A_237 = tpu.memref_slice %arg10[%dma_wait3A_235, %dma_wait3A_236] : memref<10112x128xf32, #tpu.memory_space<vmem_shared>> -> memref<10112x128xf32, #tpu.memory_space<vmem_shared>>
    %dma_wait3A_238 = tpu.memref_slice %arg12[%dma_wait3A_227] : memref<4x!tpu.dma_semaphore, #tpu.memory_space<semaphore_mem>> -> memref<1x!tpu.dma_semaphore, #tpu.memory_space<semaphore_mem>>
    %dma_wait3A_239 = tpu.memref_squeeze %dma_wait3A_238 : memref<1x!tpu.dma_semaphore, #tpu.memory_space<semaphore_mem>> -> memref<!tpu.dma_semaphore, #tpu.memory_space<semaphore_mem>>
    tpu.wait_indirect_dma semaphore(%dma_wait3A_239 : memref<!tpu.dma_semaphore, #tpu.memory_space<semaphore_mem>>) src(%dma_wait3A_231 : memref<64x128xf32, #tpu.memory_space<vmem>>) dst(%dma_wait3A_237 : memref<10112x128xf32, #tpu.memory_space<vmem_shared>>)
    %dma_wait3A_240 = arith.constant 3 : i32
    %dma_wait3A_241 = arith.constant 0 : i32
    %dma_wait3A_242 = arith.constant 3 : i32
    %dma_wait3A_243 = arith.constant 0 : i32
    %dma_wait3A_244 = arith.constant 0 : i32
    %dma_wait3A_245 = tpu.memref_slice %arg9[%dma_wait3A_240, %dma_wait3A_243, %dma_wait3A_244] : memref<4x64x128xf32, #tpu.memory_space<vmem>> -> memref<1x64x128xf32, #tpu.memory_space<vmem>>
    %dma_wait3A_246 = tpu.memref_squeeze %dma_wait3A_245 : memref<1x64x128xf32, #tpu.memory_space<vmem>> -> memref<64x128xf32, #tpu.memory_space<vmem>>
    %dma_wait3A_247 = arith.constant 0 : i32
    %dma_wait3A_248 = tpu.memref_slice %arg8[%dma_wait3A_241, %dma_wait3A_247] : memref<40x64xi32, #tpu.memory_space<vmem>> -> memref<1x64xi32, #tpu.memory_space<vmem>>
    %dma_wait3A_249 = tpu.memref_squeeze %dma_wait3A_248 : memref<1x64xi32, #tpu.memory_space<vmem>> -> memref<64xi32, #tpu.memory_space<vmem>>
    %dma_wait3A_250 = arith.constant 0 : i32
    %dma_wait3A_251 = arith.constant 0 : i32
    %dma_wait3A_252 = tpu.memref_slice %arg10[%dma_wait3A_250, %dma_wait3A_251] : memref<10112x128xf32, #tpu.memory_space<vmem_shared>> -> memref<10112x128xf32, #tpu.memory_space<vmem_shared>>
    %dma_wait3A_253 = tpu.memref_slice %arg12[%dma_wait3A_242] : memref<4x!tpu.dma_semaphore, #tpu.memory_space<semaphore_mem>> -> memref<1x!tpu.dma_semaphore, #tpu.memory_space<semaphore_mem>>
    %dma_wait3A_254 = tpu.memref_squeeze %dma_wait3A_253 : memref<1x!tpu.dma_semaphore, #tpu.memory_space<semaphore_mem>> -> memref<!tpu.dma_semaphore, #tpu.memory_space<semaphore_mem>>
    tpu.wait_indirect_dma semaphore(%dma_wait3A_254 : memref<!tpu.dma_semaphore, #tpu.memory_space<semaphore_mem>>) src(%dma_wait3A_246 : memref<64x128xf32, #tpu.memory_space<vmem>>) dst(%dma_wait3A_252 : memref<10112x128xf32, #tpu.memory_space<vmem_shared>>)
    %mul3A_255 = arith.constant 160 : i32
    %mul3A_256 = arith.muli %add3A, %mul3A_255 : i32
    %add3A_257 = arith.constant 40 : i32
    %add3A_258 = arith.addi %mul3A_256, %add3A_257 : i32
    "tpu.region"() ({
      %run_scoped3A = tpu.sem_alloc : memref<!tpu.dma_semaphore, #tpu.memory_space<semaphore_mem>>
      %dma_start3A_1019 = arith.constant 0 : i32
      %dma_start3A_1020 = tpu.memref_slice %arg3[%add3A_258, %dma_start3A_1019] : memref<5120x64xi32, #tpu.memory_space<hbm>> -> memref<40x64xi32, #tpu.memory_space<hbm>>
      %dma_start3A_1021 = arith.constant 0 : i32
      %dma_start3A_1022 = tpu.memref_slice %arg3[%add3A_258, %dma_start3A_1021] : memref<5120x64xi32, #tpu.memory_space<hbm>> -> memref<40x64xi32, #tpu.memory_space<hbm>>
      tpu.enqueue_dma source(%dma_start3A_1022 : memref<40x64xi32, #tpu.memory_space<hbm>>) target(%arg7 : memref<40x64xi32, #tpu.memory_space<vmem>>) target_semaphore(%run_scoped3A : memref<!tpu.dma_semaphore, #tpu.memory_space<semaphore_mem>>)
      %dma_wait3A_1023 = arith.constant 0 : i32
      %dma_wait3A_1024 = tpu.memref_slice %arg3[%add3A_258, %dma_wait3A_1023] : memref<5120x64xi32, #tpu.memory_space<hbm>> -> memref<40x64xi32, #tpu.memory_space<hbm>>
      %dma_wait3A_1025 = arith.constant 0 : i32
      %dma_wait3A_1026 = tpu.memref_slice %arg3[%add3A_258, %dma_wait3A_1025] : memref<5120x64xi32, #tpu.memory_space<hbm>> -> memref<40x64xi32, #tpu.memory_space<hbm>>
      tpu.wait_dma2 semaphore(%run_scoped3A : memref<!tpu.dma_semaphore, #tpu.memory_space<semaphore_mem>>) src(%dma_wait3A_1026 : memref<40x64xi32, #tpu.memory_space<hbm>>) dst(%arg7 : memref<40x64xi32, #tpu.memory_space<vmem>>)
      tpu.yield
    }) : () -> ()
    %mul3A_259 = arith.constant 160 : i32
    %mul3A_260 = arith.muli %add3A, %mul3A_259 : i32
    %add3A_261 = arith.constant 40 : i32
    %add3A_262 = arith.addi %mul3A_260, %add3A_261 : i32
    "tpu.region"() ({
      %run_scoped3A = tpu.sem_alloc : memref<!tpu.dma_semaphore, #tpu.memory_space<semaphore_mem>>
      %dma_start3A_1019 = arith.constant 0 : i32
      %dma_start3A_1020 = tpu.memref_slice %arg4[%add3A_262, %dma_start3A_1019] : memref<5120x64xi32, #tpu.memory_space<hbm>> -> memref<40x64xi32, #tpu.memory_space<hbm>>
      %dma_start3A_1021 = arith.constant 0 : i32
      %dma_start3A_1022 = tpu.memref_slice %arg4[%add3A_262, %dma_start3A_1021] : memref<5120x64xi32, #tpu.memory_space<hbm>> -> memref<40x64xi32, #tpu.memory_space<hbm>>
      tpu.enqueue_dma source(%dma_start3A_1022 : memref<40x64xi32, #tpu.memory_space<hbm>>) target(%arg8 : memref<40x64xi32, #tpu.memory_space<vmem>>) target_semaphore(%run_scoped3A : memref<!tpu.dma_semaphore, #tpu.memory_space<semaphore_mem>>)
      %dma_wait3A_1023 = arith.constant 0 : i32
      %dma_wait3A_1024 = tpu.memref_slice %arg4[%add3A_262, %dma_wait3A_1023] : memref<5120x64xi32, #tpu.memory_space<hbm>> -> memref<40x64xi32, #tpu.memory_space<hbm>>
      %dma_wait3A_1025 = arith.constant 0 : i32
      %dma_wait3A_1026 = tpu.memref_slice %arg4[%add3A_262, %dma_wait3A_1025] : memref<5120x64xi32, #tpu.memory_space<hbm>> -> memref<40x64xi32, #tpu.memory_space<hbm>>
      tpu.wait_dma2 semaphore(%run_scoped3A : memref<!tpu.dma_semaphore, #tpu.memory_space<semaphore_mem>>) src(%dma_wait3A_1026 : memref<40x64xi32, #tpu.memory_space<hbm>>) dst(%arg8 : memref<40x64xi32, #tpu.memory_space<vmem>>)
      tpu.yield
    }) : () -> ()
    %dma_start3A_263 = arith.constant 0 : i32
    %dma_start3A_264 = arith.constant 0 : i32
    %dma_start3A_265 = arith.constant 0 : i32
    %dma_start3A_266 = arith.constant 0 : i32
    %dma_start3A_267 = arith.constant 0 : i32
    %dma_start3A_268 = tpu.memref_slice %arg9[%dma_start3A_264, %dma_start3A_266, %dma_start3A_267] : memref<4x64x128xf32, #tpu.memory_space<vmem>> -> memref<1x64x128xf32, #tpu.memory_space<vmem>>
    %dma_start3A_269 = tpu.memref_squeeze %dma_start3A_268 : memref<1x64x128xf32, #tpu.memory_space<vmem>> -> memref<64x128xf32, #tpu.memory_space<vmem>>
    %dma_start3A_270 = arith.constant 0 : i32
    %dma_start3A_271 = tpu.memref_slice %arg7[%dma_start3A_263, %dma_start3A_270] : memref<40x64xi32, #tpu.memory_space<vmem>> -> memref<1x64xi32, #tpu.memory_space<vmem>>
    %dma_start3A_272 = tpu.memref_squeeze %dma_start3A_271 : memref<1x64xi32, #tpu.memory_space<vmem>> -> memref<64xi32, #tpu.memory_space<vmem>>
    %dma_start3A_273 = arith.constant 0 : i32
    %dma_start3A_274 = arith.constant 0 : i32
    %dma_start3A_275 = tpu.memref_slice %arg2[%dma_start3A_273, %dma_start3A_274] : memref<10000x128xf32, #tpu.memory_space<hbm>> -> memref<10000x128xf32, #tpu.memory_space<hbm>>
    %dma_start3A_276 = tpu.memref_slice %arg11[%dma_start3A_265] : memref<4x!tpu.dma_semaphore, #tpu.memory_space<semaphore_mem>> -> memref<1x!tpu.dma_semaphore, #tpu.memory_space<semaphore_mem>>
    %dma_start3A_277 = tpu.memref_squeeze %dma_start3A_276 : memref<1x!tpu.dma_semaphore, #tpu.memory_space<semaphore_mem>> -> memref<!tpu.dma_semaphore, #tpu.memory_space<semaphore_mem>>
    tpu.enqueue_indirect_dma source(%dma_start3A_275 : memref<10000x128xf32, #tpu.memory_space<hbm>>) target(%dma_start3A_269 : memref<64x128xf32, #tpu.memory_space<vmem>>) offsets(%dma_start3A_272 : memref<64xi32, #tpu.memory_space<vmem>>) semaphore(%dma_start3A_277 : memref<!tpu.dma_semaphore, #tpu.memory_space<semaphore_mem>>)
    %dma_start3A_278 = arith.constant 1 : i32
    %dma_start3A_279 = arith.constant 1 : i32
    %dma_start3A_280 = arith.constant 1 : i32
    %dma_start3A_281 = arith.constant 0 : i32
    %dma_start3A_282 = arith.constant 0 : i32
    %dma_start3A_283 = tpu.memref_slice %arg9[%dma_start3A_279, %dma_start3A_281, %dma_start3A_282] : memref<4x64x128xf32, #tpu.memory_space<vmem>> -> memref<1x64x128xf32, #tpu.memory_space<vmem>>
    %dma_start3A_284 = tpu.memref_squeeze %dma_start3A_283 : memref<1x64x128xf32, #tpu.memory_space<vmem>> -> memref<64x128xf32, #tpu.memory_space<vmem>>
    %dma_start3A_285 = arith.constant 0 : i32
    %dma_start3A_286 = tpu.memref_slice %arg7[%dma_start3A_278, %dma_start3A_285] : memref<40x64xi32, #tpu.memory_space<vmem>> -> memref<1x64xi32, #tpu.memory_space<vmem>>
    %dma_start3A_287 = tpu.memref_squeeze %dma_start3A_286 : memref<1x64xi32, #tpu.memory_space<vmem>> -> memref<64xi32, #tpu.memory_space<vmem>>
    %dma_start3A_288 = arith.constant 0 : i32
    %dma_start3A_289 = arith.constant 0 : i32
    %dma_start3A_290 = tpu.memref_slice %arg2[%dma_start3A_288, %dma_start3A_289] : memref<10000x128xf32, #tpu.memory_space<hbm>> -> memref<10000x128xf32, #tpu.memory_space<hbm>>
    %dma_start3A_291 = tpu.memref_slice %arg11[%dma_start3A_280] : memref<4x!tpu.dma_semaphore, #tpu.memory_space<semaphore_mem>> -> memref<1x!tpu.dma_semaphore, #tpu.memory_space<semaphore_mem>>
    %dma_start3A_292 = tpu.memref_squeeze %dma_start3A_291 : memref<1x!tpu.dma_semaphore, #tpu.memory_space<semaphore_mem>> -> memref<!tpu.dma_semaphore, #tpu.memory_space<semaphore_mem>>
    tpu.enqueue_indirect_dma source(%dma_start3A_290 : memref<10000x128xf32, #tpu.memory_space<hbm>>) target(%dma_start3A_284 : memref<64x128xf32, #tpu.memory_space<vmem>>) offsets(%dma_start3A_287 : memref<64xi32, #tpu.memory_space<vmem>>) semaphore(%dma_start3A_292 : memref<!tpu.dma_semaphore, #tpu.memory_space<semaphore_mem>>)
    %dma_start3A_293 = arith.constant 2 : i32
    %dma_start3A_294 = arith.constant 2 : i32
    %dma_start3A_295 = arith.constant 2 : i32
    %dma_start3A_296 = arith.constant 0 : i32
    %dma_start3A_297 = arith.constant 0 : i32
    %dma_start3A_298 = tpu.memref_slice %arg9[%dma_start3A_294, %dma_start3A_296, %dma_start3A_297] : memref<4x64x128xf32, #tpu.memory_space<vmem>> -> memref<1x64x128xf32, #tpu.memory_space<vmem>>
    %dma_start3A_299 = tpu.memref_squeeze %dma_start3A_298 : memref<1x64x128xf32, #tpu.memory_space<vmem>> -> memref<64x128xf32, #tpu.memory_space<vmem>>
    %dma_start3A_300 = arith.constant 0 : i32
    %dma_start3A_301 = tpu.memref_slice %arg7[%dma_start3A_293, %dma_start3A_300] : memref<40x64xi32, #tpu.memory_space<vmem>> -> memref<1x64xi32, #tpu.memory_space<vmem>>
    %dma_start3A_302 = tpu.memref_squeeze %dma_start3A_301 : memref<1x64xi32, #tpu.memory_space<vmem>> -> memref<64xi32, #tpu.memory_space<vmem>>
    %dma_start3A_303 = arith.constant 0 : i32
    %dma_start3A_304 = arith.constant 0 : i32
    %dma_start3A_305 = tpu.memref_slice %arg2[%dma_start3A_303, %dma_start3A_304] : memref<10000x128xf32, #tpu.memory_space<hbm>> -> memref<10000x128xf32, #tpu.memory_space<hbm>>
    %dma_start3A_306 = tpu.memref_slice %arg11[%dma_start3A_295] : memref<4x!tpu.dma_semaphore, #tpu.memory_space<semaphore_mem>> -> memref<1x!tpu.dma_semaphore, #tpu.memory_space<semaphore_mem>>
    %dma_start3A_307 = tpu.memref_squeeze %dma_start3A_306 : memref<1x!tpu.dma_semaphore, #tpu.memory_space<semaphore_mem>> -> memref<!tpu.dma_semaphore, #tpu.memory_space<semaphore_mem>>
    tpu.enqueue_indirect_dma source(%dma_start3A_305 : memref<10000x128xf32, #tpu.memory_space<hbm>>) target(%dma_start3A_299 : memref<64x128xf32, #tpu.memory_space<vmem>>) offsets(%dma_start3A_302 : memref<64xi32, #tpu.memory_space<vmem>>) semaphore(%dma_start3A_307 : memref<!tpu.dma_semaphore, #tpu.memory_space<semaphore_mem>>)
    %dma_start3A_308 = arith.constant 3 : i32
    %dma_start3A_309 = arith.constant 3 : i32
    %dma_start3A_310 = arith.constant 3 : i32
    %dma_start3A_311 = arith.constant 0 : i32
    %dma_start3A_312 = arith.constant 0 : i32
    %dma_start3A_313 = tpu.memref_slice %arg9[%dma_start3A_309, %dma_start3A_311, %dma_start3A_312] : memref<4x64x128xf32, #tpu.memory_space<vmem>> -> memref<1x64x128xf32, #tpu.memory_space<vmem>>
    %dma_start3A_314 = tpu.memref_squeeze %dma_start3A_313 : memref<1x64x128xf32, #tpu.memory_space<vmem>> -> memref<64x128xf32, #tpu.memory_space<vmem>>
    %dma_start3A_315 = arith.constant 0 : i32
    %dma_start3A_316 = tpu.memref_slice %arg7[%dma_start3A_308, %dma_start3A_315] : memref<40x64xi32, #tpu.memory_space<vmem>> -> memref<1x64xi32, #tpu.memory_space<vmem>>
    %dma_start3A_317 = tpu.memref_squeeze %dma_start3A_316 : memref<1x64xi32, #tpu.memory_space<vmem>> -> memref<64xi32, #tpu.memory_space<vmem>>
    %dma_start3A_318 = arith.constant 0 : i32
    %dma_start3A_319 = arith.constant 0 : i32
    %dma_start3A_320 = tpu.memref_slice %arg2[%dma_start3A_318, %dma_start3A_319] : memref<10000x128xf32, #tpu.memory_space<hbm>> -> memref<10000x128xf32, #tpu.memory_space<hbm>>
    %dma_start3A_321 = tpu.memref_slice %arg11[%dma_start3A_310] : memref<4x!tpu.dma_semaphore, #tpu.memory_space<semaphore_mem>> -> memref<1x!tpu.dma_semaphore, #tpu.memory_space<semaphore_mem>>
    %dma_start3A_322 = tpu.memref_squeeze %dma_start3A_321 : memref<1x!tpu.dma_semaphore, #tpu.memory_space<semaphore_mem>> -> memref<!tpu.dma_semaphore, #tpu.memory_space<semaphore_mem>>
    tpu.enqueue_indirect_dma source(%dma_start3A_320 : memref<10000x128xf32, #tpu.memory_space<hbm>>) target(%dma_start3A_314 : memref<64x128xf32, #tpu.memory_space<vmem>>) offsets(%dma_start3A_317 : memref<64xi32, #tpu.memory_space<vmem>>) semaphore(%dma_start3A_322 : memref<!tpu.dma_semaphore, #tpu.memory_space<semaphore_mem>>)
    %scan3A_323 = arith.constant 0 : i32
    %scan3A_324 = arith.constant 9 : i32
    %scan3A_325 = arith.addi %scan3A_323, %scan3A_324 : i32
    %scan3A_326 = arith.constant 1 : i32
    scf.for %scan3A_1019 = %scan3A_323 to %scan3A_325 step %scan3A_326  : i32 {
      %mul3A_1020 = arith.constant 1 : i32
      %mul3A_1021 = arith.muli %scan3A_1019, %mul3A_1020 : i32
      %add3A_1022 = arith.constant 0 : i32
      %add3A_1023 = arith.addi %add3A_1022, %mul3A_1021 : i32
      %dma_wait3A_1024 = arith.constant 0 : i32
      %dma_wait3A_1025 = arith.constant 0 : i32
      %dma_wait3A_1026 = arith.constant 0 : i32
      %dma_wait3A_1027 = arith.constant 0 : i32
      %dma_wait3A_1028 = arith.constant 0 : i32
      %dma_wait3A_1029 = tpu.memref_slice %arg9[%dma_wait3A_1025, %dma_wait3A_1027, %dma_wait3A_1028] : memref<4x64x128xf32, #tpu.memory_space<vmem>> -> memref<1x64x128xf32, #tpu.memory_space<vmem>>
      %dma_wait3A_1030 = tpu.memref_squeeze %dma_wait3A_1029 : memref<1x64x128xf32, #tpu.memory_space<vmem>> -> memref<64x128xf32, #tpu.memory_space<vmem>>
      %dma_wait3A_1031 = arith.constant 0 : i32
      %dma_wait3A_1032 = tpu.memref_slice %arg7[%dma_wait3A_1024, %dma_wait3A_1031] : memref<40x64xi32, #tpu.memory_space<vmem>> -> memref<1x64xi32, #tpu.memory_space<vmem>>
      %dma_wait3A_1033 = tpu.memref_squeeze %dma_wait3A_1032 : memref<1x64xi32, #tpu.memory_space<vmem>> -> memref<64xi32, #tpu.memory_space<vmem>>
      %dma_wait3A_1034 = arith.constant 0 : i32
      %dma_wait3A_1035 = arith.constant 0 : i32
      %dma_wait3A_1036 = tpu.memref_slice %arg2[%dma_wait3A_1034, %dma_wait3A_1035] : memref<10000x128xf32, #tpu.memory_space<hbm>> -> memref<10000x128xf32, #tpu.memory_space<hbm>>
      %dma_wait3A_1037 = tpu.memref_slice %arg11[%dma_wait3A_1026] : memref<4x!tpu.dma_semaphore, #tpu.memory_space<semaphore_mem>> -> memref<1x!tpu.dma_semaphore, #tpu.memory_space<semaphore_mem>>
      %dma_wait3A_1038 = tpu.memref_squeeze %dma_wait3A_1037 : memref<1x!tpu.dma_semaphore, #tpu.memory_space<semaphore_mem>> -> memref<!tpu.dma_semaphore, #tpu.memory_space<semaphore_mem>>
      tpu.wait_indirect_dma semaphore(%dma_wait3A_1038 : memref<!tpu.dma_semaphore, #tpu.memory_space<semaphore_mem>>) src(%dma_wait3A_1036 : memref<10000x128xf32, #tpu.memory_space<hbm>>) dst(%dma_wait3A_1030 : memref<64x128xf32, #tpu.memory_space<vmem>>)
      %mul3A_1039 = arith.constant 4 : i32
      %mul3A_1040 = arith.muli %add3A_1023, %mul3A_1039 : i32
      %add3A_1041 = arith.constant 0 : i32
      %add3A_1042 = arith.addi %mul3A_1040, %add3A_1041 : i32
      %dma_start3A_1043 = arith.constant 0 : i32
      %dma_start3A_1044 = arith.constant 0 : i32
      %dma_start3A_1045 = arith.constant 0 : i32
      %dma_start3A_1046 = arith.constant 0 : i32
      %dma_start3A_1047 = tpu.memref_slice %arg9[%dma_start3A_1043, %dma_start3A_1045, %dma_start3A_1046] : memref<4x64x128xf32, #tpu.memory_space<vmem>> -> memref<1x64x128xf32, #tpu.memory_space<vmem>>
      %dma_start3A_1048 = tpu.memref_squeeze %dma_start3A_1047 : memref<1x64x128xf32, #tpu.memory_space<vmem>> -> memref<64x128xf32, #tpu.memory_space<vmem>>
      %dma_start3A_1049 = arith.constant 0 : i32
      %dma_start3A_1050 = tpu.memref_slice %arg8[%add3A_1042, %dma_start3A_1049] : memref<40x64xi32, #tpu.memory_space<vmem>> -> memref<1x64xi32, #tpu.memory_space<vmem>>
      %dma_start3A_1051 = tpu.memref_squeeze %dma_start3A_1050 : memref<1x64xi32, #tpu.memory_space<vmem>> -> memref<64xi32, #tpu.memory_space<vmem>>
      %dma_start3A_1052 = arith.constant 0 : i32
      %dma_start3A_1053 = arith.constant 0 : i32
      %dma_start3A_1054 = tpu.memref_slice %arg10[%dma_start3A_1052, %dma_start3A_1053] : memref<10112x128xf32, #tpu.memory_space<vmem_shared>> -> memref<10112x128xf32, #tpu.memory_space<vmem_shared>>
      %dma_start3A_1055 = tpu.memref_slice %arg12[%dma_start3A_1044] : memref<4x!tpu.dma_semaphore, #tpu.memory_space<semaphore_mem>> -> memref<1x!tpu.dma_semaphore, #tpu.memory_space<semaphore_mem>>
      %dma_start3A_1056 = tpu.memref_squeeze %dma_start3A_1055 : memref<1x!tpu.dma_semaphore, #tpu.memory_space<semaphore_mem>> -> memref<!tpu.dma_semaphore, #tpu.memory_space<semaphore_mem>>
      tpu.enqueue_indirect_dma source(%dma_start3A_1048 : memref<64x128xf32, #tpu.memory_space<vmem>>) target(%dma_start3A_1054 : memref<10112x128xf32, #tpu.memory_space<vmem_shared>>) offsets(%dma_start3A_1051 : memref<64xi32, #tpu.memory_space<vmem>>) semaphore(%dma_start3A_1056 : memref<!tpu.dma_semaphore, #tpu.memory_space<semaphore_mem>>) {add = true}
      %dma_wait3A_1057 = arith.constant 0 : i32
      %dma_wait3A_1058 = arith.constant 1 : i32
      %dma_wait3A_1059 = arith.constant 1 : i32
      %dma_wait3A_1060 = arith.constant 0 : i32
      %dma_wait3A_1061 = arith.constant 0 : i32
      %dma_wait3A_1062 = tpu.memref_slice %arg9[%dma_wait3A_1058, %dma_wait3A_1060, %dma_wait3A_1061] : memref<4x64x128xf32, #tpu.memory_space<vmem>> -> memref<1x64x128xf32, #tpu.memory_space<vmem>>
      %dma_wait3A_1063 = tpu.memref_squeeze %dma_wait3A_1062 : memref<1x64x128xf32, #tpu.memory_space<vmem>> -> memref<64x128xf32, #tpu.memory_space<vmem>>
      %dma_wait3A_1064 = arith.constant 0 : i32
      %dma_wait3A_1065 = tpu.memref_slice %arg7[%dma_wait3A_1057, %dma_wait3A_1064] : memref<40x64xi32, #tpu.memory_space<vmem>> -> memref<1x64xi32, #tpu.memory_space<vmem>>
      %dma_wait3A_1066 = tpu.memref_squeeze %dma_wait3A_1065 : memref<1x64xi32, #tpu.memory_space<vmem>> -> memref<64xi32, #tpu.memory_space<vmem>>
      %dma_wait3A_1067 = arith.constant 0 : i32
      %dma_wait3A_1068 = arith.constant 0 : i32
      %dma_wait3A_1069 = tpu.memref_slice %arg2[%dma_wait3A_1067, %dma_wait3A_1068] : memref<10000x128xf32, #tpu.memory_space<hbm>> -> memref<10000x128xf32, #tpu.memory_space<hbm>>
      %dma_wait3A_1070 = tpu.memref_slice %arg11[%dma_wait3A_1059] : memref<4x!tpu.dma_semaphore, #tpu.memory_space<semaphore_mem>> -> memref<1x!tpu.dma_semaphore, #tpu.memory_space<semaphore_mem>>
      %dma_wait3A_1071 = tpu.memref_squeeze %dma_wait3A_1070 : memref<1x!tpu.dma_semaphore, #tpu.memory_space<semaphore_mem>> -> memref<!tpu.dma_semaphore, #tpu.memory_space<semaphore_mem>>
      tpu.wait_indirect_dma semaphore(%dma_wait3A_1071 : memref<!tpu.dma_semaphore, #tpu.memory_space<semaphore_mem>>) src(%dma_wait3A_1069 : memref<10000x128xf32, #tpu.memory_space<hbm>>) dst(%dma_wait3A_1063 : memref<64x128xf32, #tpu.memory_space<vmem>>)
      %mul3A_1072 = arith.constant 4 : i32
      %mul3A_1073 = arith.muli %add3A_1023, %mul3A_1072 : i32
      %add3A_1074 = arith.constant 1 : i32
      %add3A_1075 = arith.addi %mul3A_1073, %add3A_1074 : i32
      %dma_start3A_1076 = arith.constant 1 : i32
      %dma_start3A_1077 = arith.constant 1 : i32
      %dma_start3A_1078 = arith.constant 0 : i32
      %dma_start3A_1079 = arith.constant 0 : i32
      %dma_start3A_1080 = tpu.memref_slice %arg9[%dma_start3A_1076, %dma_start3A_1078, %dma_start3A_1079] : memref<4x64x128xf32, #tpu.memory_space<vmem>> -> memref<1x64x128xf32, #tpu.memory_space<vmem>>
      %dma_start3A_1081 = tpu.memref_squeeze %dma_start3A_1080 : memref<1x64x128xf32, #tpu.memory_space<vmem>> -> memref<64x128xf32, #tpu.memory_space<vmem>>
      %dma_start3A_1082 = arith.constant 0 : i32
      %dma_start3A_1083 = tpu.memref_slice %arg8[%add3A_1075, %dma_start3A_1082] : memref<40x64xi32, #tpu.memory_space<vmem>> -> memref<1x64xi32, #tpu.memory_space<vmem>>
      %dma_start3A_1084 = tpu.memref_squeeze %dma_start3A_1083 : memref<1x64xi32, #tpu.memory_space<vmem>> -> memref<64xi32, #tpu.memory_space<vmem>>
      %dma_start3A_1085 = arith.constant 0 : i32
      %dma_start3A_1086 = arith.constant 0 : i32
      %dma_start3A_1087 = tpu.memref_slice %arg10[%dma_start3A_1085, %dma_start3A_1086] : memref<10112x128xf32, #tpu.memory_space<vmem_shared>> -> memref<10112x128xf32, #tpu.memory_space<vmem_shared>>
      %dma_start3A_1088 = tpu.memref_slice %arg12[%dma_start3A_1077] : memref<4x!tpu.dma_semaphore, #tpu.memory_space<semaphore_mem>> -> memref<1x!tpu.dma_semaphore, #tpu.memory_space<semaphore_mem>>
      %dma_start3A_1089 = tpu.memref_squeeze %dma_start3A_1088 : memref<1x!tpu.dma_semaphore, #tpu.memory_space<semaphore_mem>> -> memref<!tpu.dma_semaphore, #tpu.memory_space<semaphore_mem>>
      tpu.enqueue_indirect_dma source(%dma_start3A_1081 : memref<64x128xf32, #tpu.memory_space<vmem>>) target(%dma_start3A_1087 : memref<10112x128xf32, #tpu.memory_space<vmem_shared>>) offsets(%dma_start3A_1084 : memref<64xi32, #tpu.memory_space<vmem>>) semaphore(%dma_start3A_1089 : memref<!tpu.dma_semaphore, #tpu.memory_space<semaphore_mem>>) {add = true}
      %dma_wait3A_1090 = arith.constant 0 : i32
      %dma_wait3A_1091 = arith.constant 2 : i32
      %dma_wait3A_1092 = arith.constant 2 : i32
      %dma_wait3A_1093 = arith.constant 0 : i32
      %dma_wait3A_1094 = arith.constant 0 : i32
      %dma_wait3A_1095 = tpu.memref_slice %arg9[%dma_wait3A_1091, %dma_wait3A_1093, %dma_wait3A_1094] : memref<4x64x128xf32, #tpu.memory_space<vmem>> -> memref<1x64x128xf32, #tpu.memory_space<vmem>>
      %dma_wait3A_1096 = tpu.memref_squeeze %dma_wait3A_1095 : memref<1x64x128xf32, #tpu.memory_space<vmem>> -> memref<64x128xf32, #tpu.memory_space<vmem>>
      %dma_wait3A_1097 = arith.constant 0 : i32
      %dma_wait3A_1098 = tpu.memref_slice %arg7[%dma_wait3A_1090, %dma_wait3A_1097] : memref<40x64xi32, #tpu.memory_space<vmem>> -> memref<1x64xi32, #tpu.memory_space<vmem>>
      %dma_wait3A_1099 = tpu.memref_squeeze %dma_wait3A_1098 : memref<1x64xi32, #tpu.memory_space<vmem>> -> memref<64xi32, #tpu.memory_space<vmem>>
      %dma_wait3A_1100 = arith.constant 0 : i32
      %dma_wait3A_1101 = arith.constant 0 : i32
      %dma_wait3A_1102 = tpu.memref_slice %arg2[%dma_wait3A_1100, %dma_wait3A_1101] : memref<10000x128xf32, #tpu.memory_space<hbm>> -> memref<10000x128xf32, #tpu.memory_space<hbm>>
      %dma_wait3A_1103 = tpu.memref_slice %arg11[%dma_wait3A_1092] : memref<4x!tpu.dma_semaphore, #tpu.memory_space<semaphore_mem>> -> memref<1x!tpu.dma_semaphore, #tpu.memory_space<semaphore_mem>>
      %dma_wait3A_1104 = tpu.memref_squeeze %dma_wait3A_1103 : memref<1x!tpu.dma_semaphore, #tpu.memory_space<semaphore_mem>> -> memref<!tpu.dma_semaphore, #tpu.memory_space<semaphore_mem>>
      tpu.wait_indirect_dma semaphore(%dma_wait3A_1104 : memref<!tpu.dma_semaphore, #tpu.memory_space<semaphore_mem>>) src(%dma_wait3A_1102 : memref<10000x128xf32, #tpu.memory_space<hbm>>) dst(%dma_wait3A_1096 : memref<64x128xf32, #tpu.memory_space<vmem>>)
      %mul3A_1105 = arith.constant 4 : i32
      %mul3A_1106 = arith.muli %add3A_1023, %mul3A_1105 : i32
      %add3A_1107 = arith.constant 2 : i32
      %add3A_1108 = arith.addi %mul3A_1106, %add3A_1107 : i32
      %dma_start3A_1109 = arith.constant 2 : i32
      %dma_start3A_1110 = arith.constant 2 : i32
      %dma_start3A_1111 = arith.constant 0 : i32
      %dma_start3A_1112 = arith.constant 0 : i32
      %dma_start3A_1113 = tpu.memref_slice %arg9[%dma_start3A_1109, %dma_start3A_1111, %dma_start3A_1112] : memref<4x64x128xf32, #tpu.memory_space<vmem>> -> memref<1x64x128xf32, #tpu.memory_space<vmem>>
      %dma_start3A_1114 = tpu.memref_squeeze %dma_start3A_1113 : memref<1x64x128xf32, #tpu.memory_space<vmem>> -> memref<64x128xf32, #tpu.memory_space<vmem>>
      %dma_start3A_1115 = arith.constant 0 : i32
      %dma_start3A_1116 = tpu.memref_slice %arg8[%add3A_1108, %dma_start3A_1115] : memref<40x64xi32, #tpu.memory_space<vmem>> -> memref<1x64xi32, #tpu.memory_space<vmem>>
      %dma_start3A_1117 = tpu.memref_squeeze %dma_start3A_1116 : memref<1x64xi32, #tpu.memory_space<vmem>> -> memref<64xi32, #tpu.memory_space<vmem>>
      %dma_start3A_1118 = arith.constant 0 : i32
      %dma_start3A_1119 = arith.constant 0 : i32
      %dma_start3A_1120 = tpu.memref_slice %arg10[%dma_start3A_1118, %dma_start3A_1119] : memref<10112x128xf32, #tpu.memory_space<vmem_shared>> -> memref<10112x128xf32, #tpu.memory_space<vmem_shared>>
      %dma_start3A_1121 = tpu.memref_slice %arg12[%dma_start3A_1110] : memref<4x!tpu.dma_semaphore, #tpu.memory_space<semaphore_mem>> -> memref<1x!tpu.dma_semaphore, #tpu.memory_space<semaphore_mem>>
      %dma_start3A_1122 = tpu.memref_squeeze %dma_start3A_1121 : memref<1x!tpu.dma_semaphore, #tpu.memory_space<semaphore_mem>> -> memref<!tpu.dma_semaphore, #tpu.memory_space<semaphore_mem>>
      tpu.enqueue_indirect_dma source(%dma_start3A_1114 : memref<64x128xf32, #tpu.memory_space<vmem>>) target(%dma_start3A_1120 : memref<10112x128xf32, #tpu.memory_space<vmem_shared>>) offsets(%dma_start3A_1117 : memref<64xi32, #tpu.memory_space<vmem>>) semaphore(%dma_start3A_1122 : memref<!tpu.dma_semaphore, #tpu.memory_space<semaphore_mem>>) {add = true}
      %dma_wait3A_1123 = arith.constant 0 : i32
      %dma_wait3A_1124 = arith.constant 3 : i32
      %dma_wait3A_1125 = arith.constant 3 : i32
      %dma_wait3A_1126 = arith.constant 0 : i32
      %dma_wait3A_1127 = arith.constant 0 : i32
      %dma_wait3A_1128 = tpu.memref_slice %arg9[%dma_wait3A_1124, %dma_wait3A_1126, %dma_wait3A_1127] : memref<4x64x128xf32, #tpu.memory_space<vmem>> -> memref<1x64x128xf32, #tpu.memory_space<vmem>>
      %dma_wait3A_1129 = tpu.memref_squeeze %dma_wait3A_1128 : memref<1x64x128xf32, #tpu.memory_space<vmem>> -> memref<64x128xf32, #tpu.memory_space<vmem>>
      %dma_wait3A_1130 = arith.constant 0 : i32
      %dma_wait3A_1131 = tpu.memref_slice %arg7[%dma_wait3A_1123, %dma_wait3A_1130] : memref<40x64xi32, #tpu.memory_space<vmem>> -> memref<1x64xi32, #tpu.memory_space<vmem>>
      %dma_wait3A_1132 = tpu.memref_squeeze %dma_wait3A_1131 : memref<1x64xi32, #tpu.memory_space<vmem>> -> memref<64xi32, #tpu.memory_space<vmem>>
      %dma_wait3A_1133 = arith.constant 0 : i32
      %dma_wait3A_1134 = arith.constant 0 : i32
      %dma_wait3A_1135 = tpu.memref_slice %arg2[%dma_wait3A_1133, %dma_wait3A_1134] : memref<10000x128xf32, #tpu.memory_space<hbm>> -> memref<10000x128xf32, #tpu.memory_space<hbm>>
      %dma_wait3A_1136 = tpu.memref_slice %arg11[%dma_wait3A_1125] : memref<4x!tpu.dma_semaphore, #tpu.memory_space<semaphore_mem>> -> memref<1x!tpu.dma_semaphore, #tpu.memory_space<semaphore_mem>>
      %dma_wait3A_1137 = tpu.memref_squeeze %dma_wait3A_1136 : memref<1x!tpu.dma_semaphore, #tpu.memory_space<semaphore_mem>> -> memref<!tpu.dma_semaphore, #tpu.memory_space<semaphore_mem>>
      tpu.wait_indirect_dma semaphore(%dma_wait3A_1137 : memref<!tpu.dma_semaphore, #tpu.memory_space<semaphore_mem>>) src(%dma_wait3A_1135 : memref<10000x128xf32, #tpu.memory_space<hbm>>) dst(%dma_wait3A_1129 : memref<64x128xf32, #tpu.memory_space<vmem>>)
      %mul3A_1138 = arith.constant 4 : i32
      %mul3A_1139 = arith.muli %add3A_1023, %mul3A_1138 : i32
      %add3A_1140 = arith.constant 3 : i32
      %add3A_1141 = arith.addi %mul3A_1139, %add3A_1140 : i32
      %dma_start3A_1142 = arith.constant 3 : i32
      %dma_start3A_1143 = arith.constant 3 : i32
      %dma_start3A_1144 = arith.constant 0 : i32
      %dma_start3A_1145 = arith.constant 0 : i32
      %dma_start3A_1146 = tpu.memref_slice %arg9[%dma_start3A_1142, %dma_start3A_1144, %dma_start3A_1145] : memref<4x64x128xf32, #tpu.memory_space<vmem>> -> memref<1x64x128xf32, #tpu.memory_space<vmem>>
      %dma_start3A_1147 = tpu.memref_squeeze %dma_start3A_1146 : memref<1x64x128xf32, #tpu.memory_space<vmem>> -> memref<64x128xf32, #tpu.memory_space<vmem>>
      %dma_start3A_1148 = arith.constant 0 : i32
      %dma_start3A_1149 = tpu.memref_slice %arg8[%add3A_1141, %dma_start3A_1148] : memref<40x64xi32, #tpu.memory_space<vmem>> -> memref<1x64xi32, #tpu.memory_space<vmem>>
      %dma_start3A_1150 = tpu.memref_squeeze %dma_start3A_1149 : memref<1x64xi32, #tpu.memory_space<vmem>> -> memref<64xi32, #tpu.memory_space<vmem>>
      %dma_start3A_1151 = arith.constant 0 : i32
      %dma_start3A_1152 = arith.constant 0 : i32
      %dma_start3A_1153 = tpu.memref_slice %arg10[%dma_start3A_1151, %dma_start3A_1152] : memref<10112x128xf32, #tpu.memory_space<vmem_shared>> -> memref<10112x128xf32, #tpu.memory_space<vmem_shared>>
      %dma_start3A_1154 = tpu.memref_slice %arg12[%dma_start3A_1143] : memref<4x!tpu.dma_semaphore, #tpu.memory_space<semaphore_mem>> -> memref<1x!tpu.dma_semaphore, #tpu.memory_space<semaphore_mem>>
      %dma_start3A_1155 = tpu.memref_squeeze %dma_start3A_1154 : memref<1x!tpu.dma_semaphore, #tpu.memory_space<semaphore_mem>> -> memref<!tpu.dma_semaphore, #tpu.memory_space<semaphore_mem>>
      tpu.enqueue_indirect_dma source(%dma_start3A_1147 : memref<64x128xf32, #tpu.memory_space<vmem>>) target(%dma_start3A_1153 : memref<10112x128xf32, #tpu.memory_space<vmem_shared>>) offsets(%dma_start3A_1150 : memref<64xi32, #tpu.memory_space<vmem>>) semaphore(%dma_start3A_1155 : memref<!tpu.dma_semaphore, #tpu.memory_space<semaphore_mem>>) {add = true}
      %dma_wait3A_1156 = arith.constant 0 : i32
      %dma_wait3A_1157 = arith.constant 0 : i32
      %dma_wait3A_1158 = arith.constant 0 : i32
      %dma_wait3A_1159 = arith.constant 0 : i32
      %dma_wait3A_1160 = arith.constant 0 : i32
      %dma_wait3A_1161 = tpu.memref_slice %arg9[%dma_wait3A_1156, %dma_wait3A_1159, %dma_wait3A_1160] : memref<4x64x128xf32, #tpu.memory_space<vmem>> -> memref<1x64x128xf32, #tpu.memory_space<vmem>>
      %dma_wait3A_1162 = tpu.memref_squeeze %dma_wait3A_1161 : memref<1x64x128xf32, #tpu.memory_space<vmem>> -> memref<64x128xf32, #tpu.memory_space<vmem>>
      %dma_wait3A_1163 = arith.constant 0 : i32
      %dma_wait3A_1164 = tpu.memref_slice %arg8[%dma_wait3A_1157, %dma_wait3A_1163] : memref<40x64xi32, #tpu.memory_space<vmem>> -> memref<1x64xi32, #tpu.memory_space<vmem>>
      %dma_wait3A_1165 = tpu.memref_squeeze %dma_wait3A_1164 : memref<1x64xi32, #tpu.memory_space<vmem>> -> memref<64xi32, #tpu.memory_space<vmem>>
      %dma_wait3A_1166 = arith.constant 0 : i32
      %dma_wait3A_1167 = arith.constant 0 : i32
      %dma_wait3A_1168 = tpu.memref_slice %arg10[%dma_wait3A_1166, %dma_wait3A_1167] : memref<10112x128xf32, #tpu.memory_space<vmem_shared>> -> memref<10112x128xf32, #tpu.memory_space<vmem_shared>>
      %dma_wait3A_1169 = tpu.memref_slice %arg12[%dma_wait3A_1158] : memref<4x!tpu.dma_semaphore, #tpu.memory_space<semaphore_mem>> -> memref<1x!tpu.dma_semaphore, #tpu.memory_space<semaphore_mem>>
      %dma_wait3A_1170 = tpu.memref_squeeze %dma_wait3A_1169 : memref<1x!tpu.dma_semaphore, #tpu.memory_space<semaphore_mem>> -> memref<!tpu.dma_semaphore, #tpu.memory_space<semaphore_mem>>
      tpu.wait_indirect_dma semaphore(%dma_wait3A_1170 : memref<!tpu.dma_semaphore, #tpu.memory_space<semaphore_mem>>) src(%dma_wait3A_1162 : memref<64x128xf32, #tpu.memory_space<vmem>>) dst(%dma_wait3A_1168 : memref<10112x128xf32, #tpu.memory_space<vmem_shared>>)
      %add3A_1171 = arith.constant 1 : i32
      %add3A_1172 = arith.addi %add3A_1023, %add3A_1171 : i32
      %mul3A_1173 = arith.constant 4 : i32
      %mul3A_1174 = arith.muli %add3A_1172, %mul3A_1173 : i32
      %add3A_1175 = arith.constant 0 : i32
      %add3A_1176 = arith.addi %mul3A_1174, %add3A_1175 : i32
      %dma_start3A_1177 = arith.constant 0 : i32
      %dma_start3A_1178 = arith.constant 0 : i32
      %dma_start3A_1179 = arith.constant 0 : i32
      %dma_start3A_1180 = arith.constant 0 : i32
      %dma_start3A_1181 = tpu.memref_slice %arg9[%dma_start3A_1177, %dma_start3A_1179, %dma_start3A_1180] : memref<4x64x128xf32, #tpu.memory_space<vmem>> -> memref<1x64x128xf32, #tpu.memory_space<vmem>>
      %dma_start3A_1182 = tpu.memref_squeeze %dma_start3A_1181 : memref<1x64x128xf32, #tpu.memory_space<vmem>> -> memref<64x128xf32, #tpu.memory_space<vmem>>
      %dma_start3A_1183 = arith.constant 0 : i32
      %dma_start3A_1184 = tpu.memref_slice %arg7[%add3A_1176, %dma_start3A_1183] : memref<40x64xi32, #tpu.memory_space<vmem>> -> memref<1x64xi32, #tpu.memory_space<vmem>>
      %dma_start3A_1185 = tpu.memref_squeeze %dma_start3A_1184 : memref<1x64xi32, #tpu.memory_space<vmem>> -> memref<64xi32, #tpu.memory_space<vmem>>
      %dma_start3A_1186 = arith.constant 0 : i32
      %dma_start3A_1187 = arith.constant 0 : i32
      %dma_start3A_1188 = tpu.memref_slice %arg2[%dma_start3A_1186, %dma_start3A_1187] : memref<10000x128xf32, #tpu.memory_space<hbm>> -> memref<10000x128xf32, #tpu.memory_space<hbm>>
      %dma_start3A_1189 = tpu.memref_slice %arg11[%dma_start3A_1178] : memref<4x!tpu.dma_semaphore, #tpu.memory_space<semaphore_mem>> -> memref<1x!tpu.dma_semaphore, #tpu.memory_space<semaphore_mem>>
      %dma_start3A_1190 = tpu.memref_squeeze %dma_start3A_1189 : memref<1x!tpu.dma_semaphore, #tpu.memory_space<semaphore_mem>> -> memref<!tpu.dma_semaphore, #tpu.memory_space<semaphore_mem>>
      tpu.enqueue_indirect_dma source(%dma_start3A_1188 : memref<10000x128xf32, #tpu.memory_space<hbm>>) target(%dma_start3A_1182 : memref<64x128xf32, #tpu.memory_space<vmem>>) offsets(%dma_start3A_1185 : memref<64xi32, #tpu.memory_space<vmem>>) semaphore(%dma_start3A_1190 : memref<!tpu.dma_semaphore, #tpu.memory_space<semaphore_mem>>)
      %dma_wait3A_1191 = arith.constant 1 : i32
      %dma_wait3A_1192 = arith.constant 0 : i32
      %dma_wait3A_1193 = arith.constant 1 : i32
      %dma_wait3A_1194 = arith.constant 0 : i32
      %dma_wait3A_1195 = arith.constant 0 : i32
      %dma_wait3A_1196 = tpu.memref_slice %arg9[%dma_wait3A_1191, %dma_wait3A_1194, %dma_wait3A_1195] : memref<4x64x128xf32, #tpu.memory_space<vmem>> -> memref<1x64x128xf32, #tpu.memory_space<vmem>>
      %dma_wait3A_1197 = tpu.memref_squeeze %dma_wait3A_1196 : memref<1x64x128xf32, #tpu.memory_space<vmem>> -> memref<64x128xf32, #tpu.memory_space<vmem>>
      %dma_wait3A_1198 = arith.constant 0 : i32
      %dma_wait3A_1199 = tpu.memref_slice %arg8[%dma_wait3A_1192, %dma_wait3A_1198] : memref<40x64xi32, #tpu.memory_space<vmem>> -> memref<1x64xi32, #tpu.memory_space<vmem>>
      %dma_wait3A_1200 = tpu.memref_squeeze %dma_wait3A_1199 : memref<1x64xi32, #tpu.memory_space<vmem>> -> memref<64xi32, #tpu.memory_space<vmem>>
      %dma_wait3A_1201 = arith.constant 0 : i32
      %dma_wait3A_1202 = arith.constant 0 : i32
      %dma_wait3A_1203 = tpu.memref_slice %arg10[%dma_wait3A_1201, %dma_wait3A_1202] : memref<10112x128xf32, #tpu.memory_space<vmem_shared>> -> memref<10112x128xf32, #tpu.memory_space<vmem_shared>>
      %dma_wait3A_1204 = tpu.memref_slice %arg12[%dma_wait3A_1193] : memref<4x!tpu.dma_semaphore, #tpu.memory_space<semaphore_mem>> -> memref<1x!tpu.dma_semaphore, #tpu.memory_space<semaphore_mem>>
      %dma_wait3A_1205 = tpu.memref_squeeze %dma_wait3A_1204 : memref<1x!tpu.dma_semaphore, #tpu.memory_space<semaphore_mem>> -> memref<!tpu.dma_semaphore, #tpu.memory_space<semaphore_mem>>
      tpu.wait_indirect_dma semaphore(%dma_wait3A_1205 : memref<!tpu.dma_semaphore, #tpu.memory_space<semaphore_mem>>) src(%dma_wait3A_1197 : memref<64x128xf32, #tpu.memory_space<vmem>>) dst(%dma_wait3A_1203 : memref<10112x128xf32, #tpu.memory_space<vmem_shared>>)
      %add3A_1206 = arith.constant 1 : i32
      %add3A_1207 = arith.addi %add3A_1023, %add3A_1206 : i32
      %mul3A_1208 = arith.constant 4 : i32
      %mul3A_1209 = arith.muli %add3A_1207, %mul3A_1208 : i32
      %add3A_1210 = arith.constant 1 : i32
      %add3A_1211 = arith.addi %mul3A_1209, %add3A_1210 : i32
      %dma_start3A_1212 = arith.constant 1 : i32
      %dma_start3A_1213 = arith.constant 1 : i32
      %dma_start3A_1214 = arith.constant 0 : i32
      %dma_start3A_1215 = arith.constant 0 : i32
      %dma_start3A_1216 = tpu.memref_slice %arg9[%dma_start3A_1212, %dma_start3A_1214, %dma_start3A_1215] : memref<4x64x128xf32, #tpu.memory_space<vmem>> -> memref<1x64x128xf32, #tpu.memory_space<vmem>>
      %dma_start3A_1217 = tpu.memref_squeeze %dma_start3A_1216 : memref<1x64x128xf32, #tpu.memory_space<vmem>> -> memref<64x128xf32, #tpu.memory_space<vmem>>
      %dma_start3A_1218 = arith.constant 0 : i32
      %dma_start3A_1219 = tpu.memref_slice %arg7[%add3A_1211, %dma_start3A_1218] : memref<40x64xi32, #tpu.memory_space<vmem>> -> memref<1x64xi32, #tpu.memory_space<vmem>>
      %dma_start3A_1220 = tpu.memref_squeeze %dma_start3A_1219 : memref<1x64xi32, #tpu.memory_space<vmem>> -> memref<64xi32, #tpu.memory_space<vmem>>
      %dma_start3A_1221 = arith.constant 0 : i32
      %dma_start3A_1222 = arith.constant 0 : i32
      %dma_start3A_1223 = tpu.memref_slice %arg2[%dma_start3A_1221, %dma_start3A_1222] : memref<10000x128xf32, #tpu.memory_space<hbm>> -> memref<10000x128xf32, #tpu.memory_space<hbm>>
      %dma_start3A_1224 = tpu.memref_slice %arg11[%dma_start3A_1213] : memref<4x!tpu.dma_semaphore, #tpu.memory_space<semaphore_mem>> -> memref<1x!tpu.dma_semaphore, #tpu.memory_space<semaphore_mem>>
      %dma_start3A_1225 = tpu.memref_squeeze %dma_start3A_1224 : memref<1x!tpu.dma_semaphore, #tpu.memory_space<semaphore_mem>> -> memref<!tpu.dma_semaphore, #tpu.memory_space<semaphore_mem>>
      tpu.enqueue_indirect_dma source(%dma_start3A_1223 : memref<10000x128xf32, #tpu.memory_space<hbm>>) target(%dma_start3A_1217 : memref<64x128xf32, #tpu.memory_space<vmem>>) offsets(%dma_start3A_1220 : memref<64xi32, #tpu.memory_space<vmem>>) semaphore(%dma_start3A_1225 : memref<!tpu.dma_semaphore, #tpu.memory_space<semaphore_mem>>)
      %dma_wait3A_1226 = arith.constant 2 : i32
      %dma_wait3A_1227 = arith.constant 0 : i32
      %dma_wait3A_1228 = arith.constant 2 : i32
      %dma_wait3A_1229 = arith.constant 0 : i32
      %dma_wait3A_1230 = arith.constant 0 : i32
      %dma_wait3A_1231 = tpu.memref_slice %arg9[%dma_wait3A_1226, %dma_wait3A_1229, %dma_wait3A_1230] : memref<4x64x128xf32, #tpu.memory_space<vmem>> -> memref<1x64x128xf32, #tpu.memory_space<vmem>>
      %dma_wait3A_1232 = tpu.memref_squeeze %dma_wait3A_1231 : memref<1x64x128xf32, #tpu.memory_space<vmem>> -> memref<64x128xf32, #tpu.memory_space<vmem>>
      %dma_wait3A_1233 = arith.constant 0 : i32
      %dma_wait3A_1234 = tpu.memref_slice %arg8[%dma_wait3A_1227, %dma_wait3A_1233] : memref<40x64xi32, #tpu.memory_space<vmem>> -> memref<1x64xi32, #tpu.memory_space<vmem>>
      %dma_wait3A_1235 = tpu.memref_squeeze %dma_wait3A_1234 : memref<1x64xi32, #tpu.memory_space<vmem>> -> memref<64xi32, #tpu.memory_space<vmem>>
      %dma_wait3A_1236 = arith.constant 0 : i32
      %dma_wait3A_1237 = arith.constant 0 : i32
      %dma_wait3A_1238 = tpu.memref_slice %arg10[%dma_wait3A_1236, %dma_wait3A_1237] : memref<10112x128xf32, #tpu.memory_space<vmem_shared>> -> memref<10112x128xf32, #tpu.memory_space<vmem_shared>>
      %dma_wait3A_1239 = tpu.memref_slice %arg12[%dma_wait3A_1228] : memref<4x!tpu.dma_semaphore, #tpu.memory_space<semaphore_mem>> -> memref<1x!tpu.dma_semaphore, #tpu.memory_space<semaphore_mem>>
      %dma_wait3A_1240 = tpu.memref_squeeze %dma_wait3A_1239 : memref<1x!tpu.dma_semaphore, #tpu.memory_space<semaphore_mem>> -> memref<!tpu.dma_semaphore, #tpu.memory_space<semaphore_mem>>
      tpu.wait_indirect_dma semaphore(%dma_wait3A_1240 : memref<!tpu.dma_semaphore, #tpu.memory_space<semaphore_mem>>) src(%dma_wait3A_1232 : memref<64x128xf32, #tpu.memory_space<vmem>>) dst(%dma_wait3A_1238 : memref<10112x128xf32, #tpu.memory_space<vmem_shared>>)
      %add3A_1241 = arith.constant 1 : i32
      %add3A_1242 = arith.addi %add3A_1023, %add3A_1241 : i32
      %mul3A_1243 = arith.constant 4 : i32
      %mul3A_1244 = arith.muli %add3A_1242, %mul3A_1243 : i32
      %add3A_1245 = arith.constant 2 : i32
      %add3A_1246 = arith.addi %mul3A_1244, %add3A_1245 : i32
      %dma_start3A_1247 = arith.constant 2 : i32
      %dma_start3A_1248 = arith.constant 2 : i32
      %dma_start3A_1249 = arith.constant 0 : i32
      %dma_start3A_1250 = arith.constant 0 : i32
      %dma_start3A_1251 = tpu.memref_slice %arg9[%dma_start3A_1247, %dma_start3A_1249, %dma_start3A_1250] : memref<4x64x128xf32, #tpu.memory_space<vmem>> -> memref<1x64x128xf32, #tpu.memory_space<vmem>>
      %dma_start3A_1252 = tpu.memref_squeeze %dma_start3A_1251 : memref<1x64x128xf32, #tpu.memory_space<vmem>> -> memref<64x128xf32, #tpu.memory_space<vmem>>
      %dma_start3A_1253 = arith.constant 0 : i32
      %dma_start3A_1254 = tpu.memref_slice %arg7[%add3A_1246, %dma_start3A_1253] : memref<40x64xi32, #tpu.memory_space<vmem>> -> memref<1x64xi32, #tpu.memory_space<vmem>>
      %dma_start3A_1255 = tpu.memref_squeeze %dma_start3A_1254 : memref<1x64xi32, #tpu.memory_space<vmem>> -> memref<64xi32, #tpu.memory_space<vmem>>
      %dma_start3A_1256 = arith.constant 0 : i32
      %dma_start3A_1257 = arith.constant 0 : i32
      %dma_start3A_1258 = tpu.memref_slice %arg2[%dma_start3A_1256, %dma_start3A_1257] : memref<10000x128xf32, #tpu.memory_space<hbm>> -> memref<10000x128xf32, #tpu.memory_space<hbm>>
      %dma_start3A_1259 = tpu.memref_slice %arg11[%dma_start3A_1248] : memref<4x!tpu.dma_semaphore, #tpu.memory_space<semaphore_mem>> -> memref<1x!tpu.dma_semaphore, #tpu.memory_space<semaphore_mem>>
      %dma_start3A_1260 = tpu.memref_squeeze %dma_start3A_1259 : memref<1x!tpu.dma_semaphore, #tpu.memory_space<semaphore_mem>> -> memref<!tpu.dma_semaphore, #tpu.memory_space<semaphore_mem>>
      tpu.enqueue_indirect_dma source(%dma_start3A_1258 : memref<10000x128xf32, #tpu.memory_space<hbm>>) target(%dma_start3A_1252 : memref<64x128xf32, #tpu.memory_space<vmem>>) offsets(%dma_start3A_1255 : memref<64xi32, #tpu.memory_space<vmem>>) semaphore(%dma_start3A_1260 : memref<!tpu.dma_semaphore, #tpu.memory_space<semaphore_mem>>)
      %dma_wait3A_1261 = arith.constant 3 : i32
      %dma_wait3A_1262 = arith.constant 0 : i32
      %dma_wait3A_1263 = arith.constant 3 : i32
      %dma_wait3A_1264 = arith.constant 0 : i32
      %dma_wait3A_1265 = arith.constant 0 : i32
      %dma_wait3A_1266 = tpu.memref_slice %arg9[%dma_wait3A_1261, %dma_wait3A_1264, %dma_wait3A_1265] : memref<4x64x128xf32, #tpu.memory_space<vmem>> -> memref<1x64x128xf32, #tpu.memory_space<vmem>>
      %dma_wait3A_1267 = tpu.memref_squeeze %dma_wait3A_1266 : memref<1x64x128xf32, #tpu.memory_space<vmem>> -> memref<64x128xf32, #tpu.memory_space<vmem>>
      %dma_wait3A_1268 = arith.constant 0 : i32
      %dma_wait3A_1269 = tpu.memref_slice %arg8[%dma_wait3A_1262, %dma_wait3A_1268] : memref<40x64xi32, #tpu.memory_space<vmem>> -> memref<1x64xi32, #tpu.memory_space<vmem>>
      %dma_wait3A_1270 = tpu.memref_squeeze %dma_wait3A_1269 : memref<1x64xi32, #tpu.memory_space<vmem>> -> memref<64xi32, #tpu.memory_space<vmem>>
      %dma_wait3A_1271 = arith.constant 0 : i32
      %dma_wait3A_1272 = arith.constant 0 : i32
      %dma_wait3A_1273 = tpu.memref_slice %arg10[%dma_wait3A_1271, %dma_wait3A_1272] : memref<10112x128xf32, #tpu.memory_space<vmem_shared>> -> memref<10112x128xf32, #tpu.memory_space<vmem_shared>>
      %dma_wait3A_1274 = tpu.memref_slice %arg12[%dma_wait3A_1263] : memref<4x!tpu.dma_semaphore, #tpu.memory_space<semaphore_mem>> -> memref<1x!tpu.dma_semaphore, #tpu.memory_space<semaphore_mem>>
      %dma_wait3A_1275 = tpu.memref_squeeze %dma_wait3A_1274 : memref<1x!tpu.dma_semaphore, #tpu.memory_space<semaphore_mem>> -> memref<!tpu.dma_semaphore, #tpu.memory_space<semaphore_mem>>
      tpu.wait_indirect_dma semaphore(%dma_wait3A_1275 : memref<!tpu.dma_semaphore, #tpu.memory_space<semaphore_mem>>) src(%dma_wait3A_1267 : memref<64x128xf32, #tpu.memory_space<vmem>>) dst(%dma_wait3A_1273 : memref<10112x128xf32, #tpu.memory_space<vmem_shared>>)
      %add3A_1276 = arith.constant 1 : i32
      %add3A_1277 = arith.addi %add3A_1023, %add3A_1276 : i32
      %mul3A_1278 = arith.constant 4 : i32
      %mul3A_1279 = arith.muli %add3A_1277, %mul3A_1278 : i32
      %add3A_1280 = arith.constant 3 : i32
      %add3A_1281 = arith.addi %mul3A_1279, %add3A_1280 : i32
      %dma_start3A_1282 = arith.constant 3 : i32
      %dma_start3A_1283 = arith.constant 3 : i32
      %dma_start3A_1284 = arith.constant 0 : i32
      %dma_start3A_1285 = arith.constant 0 : i32
      %dma_start3A_1286 = tpu.memref_slice %arg9[%dma_start3A_1282, %dma_start3A_1284, %dma_start3A_1285] : memref<4x64x128xf32, #tpu.memory_space<vmem>> -> memref<1x64x128xf32, #tpu.memory_space<vmem>>
      %dma_start3A_1287 = tpu.memref_squeeze %dma_start3A_1286 : memref<1x64x128xf32, #tpu.memory_space<vmem>> -> memref<64x128xf32, #tpu.memory_space<vmem>>
      %dma_start3A_1288 = arith.constant 0 : i32
      %dma_start3A_1289 = tpu.memref_slice %arg7[%add3A_1281, %dma_start3A_1288] : memref<40x64xi32, #tpu.memory_space<vmem>> -> memref<1x64xi32, #tpu.memory_space<vmem>>
      %dma_start3A_1290 = tpu.memref_squeeze %dma_start3A_1289 : memref<1x64xi32, #tpu.memory_space<vmem>> -> memref<64xi32, #tpu.memory_space<vmem>>
      %dma_start3A_1291 = arith.constant 0 : i32
      %dma_start3A_1292 = arith.constant 0 : i32
      %dma_start3A_1293 = tpu.memref_slice %arg2[%dma_start3A_1291, %dma_start3A_1292] : memref<10000x128xf32, #tpu.memory_space<hbm>> -> memref<10000x128xf32, #tpu.memory_space<hbm>>
      %dma_start3A_1294 = tpu.memref_slice %arg11[%dma_start3A_1283] : memref<4x!tpu.dma_semaphore, #tpu.memory_space<semaphore_mem>> -> memref<1x!tpu.dma_semaphore, #tpu.memory_space<semaphore_mem>>
      %dma_start3A_1295 = tpu.memref_squeeze %dma_start3A_1294 : memref<1x!tpu.dma_semaphore, #tpu.memory_space<semaphore_mem>> -> memref<!tpu.dma_semaphore, #tpu.memory_space<semaphore_mem>>
      tpu.enqueue_indirect_dma source(%dma_start3A_1293 : memref<10000x128xf32, #tpu.memory_space<hbm>>) target(%dma_start3A_1287 : memref<64x128xf32, #tpu.memory_space<vmem>>) offsets(%dma_start3A_1290 : memref<64xi32, #tpu.memory_space<vmem>>) semaphore(%dma_start3A_1295 : memref<!tpu.dma_semaphore, #tpu.memory_space<semaphore_mem>>)
    }
    %scan3A_327 = arith.constant 9 : i32
    %dma_wait3A_328 = arith.constant 0 : i32
    %dma_wait3A_329 = arith.constant 0 : i32
    %dma_wait3A_330 = arith.constant 0 : i32
    %dma_wait3A_331 = arith.constant 0 : i32
    %dma_wait3A_332 = arith.constant 0 : i32
    %dma_wait3A_333 = tpu.memref_slice %arg9[%dma_wait3A_329, %dma_wait3A_331, %dma_wait3A_332] : memref<4x64x128xf32, #tpu.memory_space<vmem>> -> memref<1x64x128xf32, #tpu.memory_space<vmem>>
    %dma_wait3A_334 = tpu.memref_squeeze %dma_wait3A_333 : memref<1x64x128xf32, #tpu.memory_space<vmem>> -> memref<64x128xf32, #tpu.memory_space<vmem>>
    %dma_wait3A_335 = arith.constant 0 : i32
    %dma_wait3A_336 = tpu.memref_slice %arg7[%dma_wait3A_328, %dma_wait3A_335] : memref<40x64xi32, #tpu.memory_space<vmem>> -> memref<1x64xi32, #tpu.memory_space<vmem>>
    %dma_wait3A_337 = tpu.memref_squeeze %dma_wait3A_336 : memref<1x64xi32, #tpu.memory_space<vmem>> -> memref<64xi32, #tpu.memory_space<vmem>>
    %dma_wait3A_338 = arith.constant 0 : i32
    %dma_wait3A_339 = arith.constant 0 : i32
    %dma_wait3A_340 = tpu.memref_slice %arg2[%dma_wait3A_338, %dma_wait3A_339] : memref<10000x128xf32, #tpu.memory_space<hbm>> -> memref<10000x128xf32, #tpu.memory_space<hbm>>
    %dma_wait3A_341 = tpu.memref_slice %arg11[%dma_wait3A_330] : memref<4x!tpu.dma_semaphore, #tpu.memory_space<semaphore_mem>> -> memref<1x!tpu.dma_semaphore, #tpu.memory_space<semaphore_mem>>
    %dma_wait3A_342 = tpu.memref_squeeze %dma_wait3A_341 : memref<1x!tpu.dma_semaphore, #tpu.memory_space<semaphore_mem>> -> memref<!tpu.dma_semaphore, #tpu.memory_space<semaphore_mem>>
    tpu.wait_indirect_dma semaphore(%dma_wait3A_342 : memref<!tpu.dma_semaphore, #tpu.memory_space<semaphore_mem>>) src(%dma_wait3A_340 : memref<10000x128xf32, #tpu.memory_space<hbm>>) dst(%dma_wait3A_334 : memref<64x128xf32, #tpu.memory_space<vmem>>)
    %dma_start3A_343 = arith.constant 0 : i32
    %dma_start3A_344 = arith.constant 36 : i32
    %dma_start3A_345 = arith.constant 0 : i32
    %dma_start3A_346 = arith.constant 0 : i32
    %dma_start3A_347 = arith.constant 0 : i32
    %dma_start3A_348 = tpu.memref_slice %arg9[%dma_start3A_343, %dma_start3A_346, %dma_start3A_347] : memref<4x64x128xf32, #tpu.memory_space<vmem>> -> memref<1x64x128xf32, #tpu.memory_space<vmem>>
    %dma_start3A_349 = tpu.memref_squeeze %dma_start3A_348 : memref<1x64x128xf32, #tpu.memory_space<vmem>> -> memref<64x128xf32, #tpu.memory_space<vmem>>
    %dma_start3A_350 = arith.constant 0 : i32
    %dma_start3A_351 = tpu.memref_slice %arg8[%dma_start3A_344, %dma_start3A_350] : memref<40x64xi32, #tpu.memory_space<vmem>> -> memref<1x64xi32, #tpu.memory_space<vmem>>
    %dma_start3A_352 = tpu.memref_squeeze %dma_start3A_351 : memref<1x64xi32, #tpu.memory_space<vmem>> -> memref<64xi32, #tpu.memory_space<vmem>>
    %dma_start3A_353 = arith.constant 0 : i32
    %dma_start3A_354 = arith.constant 0 : i32
    %dma_start3A_355 = tpu.memref_slice %arg10[%dma_start3A_353, %dma_start3A_354] : memref<10112x128xf32, #tpu.memory_space<vmem_shared>> -> memref<10112x128xf32, #tpu.memory_space<vmem_shared>>
    %dma_start3A_356 = tpu.memref_slice %arg12[%dma_start3A_345] : memref<4x!tpu.dma_semaphore, #tpu.memory_space<semaphore_mem>> -> memref<1x!tpu.dma_semaphore, #tpu.memory_space<semaphore_mem>>
    %dma_start3A_357 = tpu.memref_squeeze %dma_start3A_356 : memref<1x!tpu.dma_semaphore, #tpu.memory_space<semaphore_mem>> -> memref<!tpu.dma_semaphore, #tpu.memory_space<semaphore_mem>>
    tpu.enqueue_indirect_dma source(%dma_start3A_349 : memref<64x128xf32, #tpu.memory_space<vmem>>) target(%dma_start3A_355 : memref<10112x128xf32, #tpu.memory_space<vmem_shared>>) offsets(%dma_start3A_352 : memref<64xi32, #tpu.memory_space<vmem>>) semaphore(%dma_start3A_357 : memref<!tpu.dma_semaphore, #tpu.memory_space<semaphore_mem>>) {add = true}
    %dma_wait3A_358 = arith.constant 0 : i32
    %dma_wait3A_359 = arith.constant 1 : i32
    %dma_wait3A_360 = arith.constant 1 : i32
    %dma_wait3A_361 = arith.constant 0 : i32
    %dma_wait3A_362 = arith.constant 0 : i32
    %dma_wait3A_363 = tpu.memref_slice %arg9[%dma_wait3A_359, %dma_wait3A_361, %dma_wait3A_362] : memref<4x64x128xf32, #tpu.memory_space<vmem>> -> memref<1x64x128xf32, #tpu.memory_space<vmem>>
    %dma_wait3A_364 = tpu.memref_squeeze %dma_wait3A_363 : memref<1x64x128xf32, #tpu.memory_space<vmem>> -> memref<64x128xf32, #tpu.memory_space<vmem>>
    %dma_wait3A_365 = arith.constant 0 : i32
    %dma_wait3A_366 = tpu.memref_slice %arg7[%dma_wait3A_358, %dma_wait3A_365] : memref<40x64xi32, #tpu.memory_space<vmem>> -> memref<1x64xi32, #tpu.memory_space<vmem>>
    %dma_wait3A_367 = tpu.memref_squeeze %dma_wait3A_366 : memref<1x64xi32, #tpu.memory_space<vmem>> -> memref<64xi32, #tpu.memory_space<vmem>>
    %dma_wait3A_368 = arith.constant 0 : i32
    %dma_wait3A_369 = arith.constant 0 : i32
    %dma_wait3A_370 = tpu.memref_slice %arg2[%dma_wait3A_368, %dma_wait3A_369] : memref<10000x128xf32, #tpu.memory_space<hbm>> -> memref<10000x128xf32, #tpu.memory_space<hbm>>
    %dma_wait3A_371 = tpu.memref_slice %arg11[%dma_wait3A_360] : memref<4x!tpu.dma_semaphore, #tpu.memory_space<semaphore_mem>> -> memref<1x!tpu.dma_semaphore, #tpu.memory_space<semaphore_mem>>
    %dma_wait3A_372 = tpu.memref_squeeze %dma_wait3A_371 : memref<1x!tpu.dma_semaphore, #tpu.memory_space<semaphore_mem>> -> memref<!tpu.dma_semaphore, #tpu.memory_space<semaphore_mem>>
    tpu.wait_indirect_dma semaphore(%dma_wait3A_372 : memref<!tpu.dma_semaphore, #tpu.memory_space<semaphore_mem>>) src(%dma_wait3A_370 : memref<10000x128xf32, #tpu.memory_space<hbm>>) dst(%dma_wait3A_364 : memref<64x128xf32, #tpu.memory_space<vmem>>)
    %dma_start3A_373 = arith.constant 1 : i32
    %dma_start3A_374 = arith.constant 37 : i32
    %dma_start3A_375 = arith.constant 1 : i32
    %dma_start3A_376 = arith.constant 0 : i32
    %dma_start3A_377 = arith.constant 0 : i32
    %dma_start3A_378 = tpu.memref_slice %arg9[%dma_start3A_373, %dma_start3A_376, %dma_start3A_377] : memref<4x64x128xf32, #tpu.memory_space<vmem>> -> memref<1x64x128xf32, #tpu.memory_space<vmem>>
    %dma_start3A_379 = tpu.memref_squeeze %dma_start3A_378 : memref<1x64x128xf32, #tpu.memory_space<vmem>> -> memref<64x128xf32, #tpu.memory_space<vmem>>
    %dma_start3A_380 = arith.constant 0 : i32
    %dma_start3A_381 = tpu.memref_slice %arg8[%dma_start3A_374, %dma_start3A_380] : memref<40x64xi32, #tpu.memory_space<vmem>> -> memref<1x64xi32, #tpu.memory_space<vmem>>
    %dma_start3A_382 = tpu.memref_squeeze %dma_start3A_381 : memref<1x64xi32, #tpu.memory_space<vmem>> -> memref<64xi32, #tpu.memory_space<vmem>>
    %dma_start3A_383 = arith.constant 0 : i32
    %dma_start3A_384 = arith.constant 0 : i32
    %dma_start3A_385 = tpu.memref_slice %arg10[%dma_start3A_383, %dma_start3A_384] : memref<10112x128xf32, #tpu.memory_space<vmem_shared>> -> memref<10112x128xf32, #tpu.memory_space<vmem_shared>>
    %dma_start3A_386 = tpu.memref_slice %arg12[%dma_start3A_375] : memref<4x!tpu.dma_semaphore, #tpu.memory_space<semaphore_mem>> -> memref<1x!tpu.dma_semaphore, #tpu.memory_space<semaphore_mem>>
    %dma_start3A_387 = tpu.memref_squeeze %dma_start3A_386 : memref<1x!tpu.dma_semaphore, #tpu.memory_space<semaphore_mem>> -> memref<!tpu.dma_semaphore, #tpu.memory_space<semaphore_mem>>
    tpu.enqueue_indirect_dma source(%dma_start3A_379 : memref<64x128xf32, #tpu.memory_space<vmem>>) target(%dma_start3A_385 : memref<10112x128xf32, #tpu.memory_space<vmem_shared>>) offsets(%dma_start3A_382 : memref<64xi32, #tpu.memory_space<vmem>>) semaphore(%dma_start3A_387 : memref<!tpu.dma_semaphore, #tpu.memory_space<semaphore_mem>>) {add = true}
    %dma_wait3A_388 = arith.constant 0 : i32
    %dma_wait3A_389 = arith.constant 2 : i32
    %dma_wait3A_390 = arith.constant 2 : i32
    %dma_wait3A_391 = arith.constant 0 : i32
    %dma_wait3A_392 = arith.constant 0 : i32
    %dma_wait3A_393 = tpu.memref_slice %arg9[%dma_wait3A_389, %dma_wait3A_391, %dma_wait3A_392] : memref<4x64x128xf32, #tpu.memory_space<vmem>> -> memref<1x64x128xf32, #tpu.memory_space<vmem>>
    %dma_wait3A_394 = tpu.memref_squeeze %dma_wait3A_393 : memref<1x64x128xf32, #tpu.memory_space<vmem>> -> memref<64x128xf32, #tpu.memory_space<vmem>>
    %dma_wait3A_395 = arith.constant 0 : i32
    %dma_wait3A_396 = tpu.memref_slice %arg7[%dma_wait3A_388, %dma_wait3A_395] : memref<40x64xi32, #tpu.memory_space<vmem>> -> memref<1x64xi32, #tpu.memory_space<vmem>>
    %dma_wait3A_397 = tpu.memref_squeeze %dma_wait3A_396 : memref<1x64xi32, #tpu.memory_space<vmem>> -> memref<64xi32, #tpu.memory_space<vmem>>
    %dma_wait3A_398 = arith.constant 0 : i32
    %dma_wait3A_399 = arith.constant 0 : i32
    %dma_wait3A_400 = tpu.memref_slice %arg2[%dma_wait3A_398, %dma_wait3A_399] : memref<10000x128xf32, #tpu.memory_space<hbm>> -> memref<10000x128xf32, #tpu.memory_space<hbm>>
    %dma_wait3A_401 = tpu.memref_slice %arg11[%dma_wait3A_390] : memref<4x!tpu.dma_semaphore, #tpu.memory_space<semaphore_mem>> -> memref<1x!tpu.dma_semaphore, #tpu.memory_space<semaphore_mem>>
    %dma_wait3A_402 = tpu.memref_squeeze %dma_wait3A_401 : memref<1x!tpu.dma_semaphore, #tpu.memory_space<semaphore_mem>> -> memref<!tpu.dma_semaphore, #tpu.memory_space<semaphore_mem>>
    tpu.wait_indirect_dma semaphore(%dma_wait3A_402 : memref<!tpu.dma_semaphore, #tpu.memory_space<semaphore_mem>>) src(%dma_wait3A_400 : memref<10000x128xf32, #tpu.memory_space<hbm>>) dst(%dma_wait3A_394 : memref<64x128xf32, #tpu.memory_space<vmem>>)
    %dma_start3A_403 = arith.constant 2 : i32
    %dma_start3A_404 = arith.constant 38 : i32
    %dma_start3A_405 = arith.constant 2 : i32
    %dma_start3A_406 = arith.constant 0 : i32
    %dma_start3A_407 = arith.constant 0 : i32
    %dma_start3A_408 = tpu.memref_slice %arg9[%dma_start3A_403, %dma_start3A_406, %dma_start3A_407] : memref<4x64x128xf32, #tpu.memory_space<vmem>> -> memref<1x64x128xf32, #tpu.memory_space<vmem>>
    %dma_start3A_409 = tpu.memref_squeeze %dma_start3A_408 : memref<1x64x128xf32, #tpu.memory_space<vmem>> -> memref<64x128xf32, #tpu.memory_space<vmem>>
    %dma_start3A_410 = arith.constant 0 : i32
    %dma_start3A_411 = tpu.memref_slice %arg8[%dma_start3A_404, %dma_start3A_410] : memref<40x64xi32, #tpu.memory_space<vmem>> -> memref<1x64xi32, #tpu.memory_space<vmem>>
    %dma_start3A_412 = tpu.memref_squeeze %dma_start3A_411 : memref<1x64xi32, #tpu.memory_space<vmem>> -> memref<64xi32, #tpu.memory_space<vmem>>
    %dma_start3A_413 = arith.constant 0 : i32
    %dma_start3A_414 = arith.constant 0 : i32
    %dma_start3A_415 = tpu.memref_slice %arg10[%dma_start3A_413, %dma_start3A_414] : memref<10112x128xf32, #tpu.memory_space<vmem_shared>> -> memref<10112x128xf32, #tpu.memory_space<vmem_shared>>
    %dma_start3A_416 = tpu.memref_slice %arg12[%dma_start3A_405] : memref<4x!tpu.dma_semaphore, #tpu.memory_space<semaphore_mem>> -> memref<1x!tpu.dma_semaphore, #tpu.memory_space<semaphore_mem>>
    %dma_start3A_417 = tpu.memref_squeeze %dma_start3A_416 : memref<1x!tpu.dma_semaphore, #tpu.memory_space<semaphore_mem>> -> memref<!tpu.dma_semaphore, #tpu.memory_space<semaphore_mem>>
    tpu.enqueue_indirect_dma source(%dma_start3A_409 : memref<64x128xf32, #tpu.memory_space<vmem>>) target(%dma_start3A_415 : memref<10112x128xf32, #tpu.memory_space<vmem_shared>>) offsets(%dma_start3A_412 : memref<64xi32, #tpu.memory_space<vmem>>) semaphore(%dma_start3A_417 : memref<!tpu.dma_semaphore, #tpu.memory_space<semaphore_mem>>) {add = true}
    %dma_wait3A_418 = arith.constant 0 : i32
    %dma_wait3A_419 = arith.constant 3 : i32
    %dma_wait3A_420 = arith.constant 3 : i32
    %dma_wait3A_421 = arith.constant 0 : i32
    %dma_wait3A_422 = arith.constant 0 : i32
    %dma_wait3A_423 = tpu.memref_slice %arg9[%dma_wait3A_419, %dma_wait3A_421, %dma_wait3A_422] : memref<4x64x128xf32, #tpu.memory_space<vmem>> -> memref<1x64x128xf32, #tpu.memory_space<vmem>>
    %dma_wait3A_424 = tpu.memref_squeeze %dma_wait3A_423 : memref<1x64x128xf32, #tpu.memory_space<vmem>> -> memref<64x128xf32, #tpu.memory_space<vmem>>
    %dma_wait3A_425 = arith.constant 0 : i32
    %dma_wait3A_426 = tpu.memref_slice %arg7[%dma_wait3A_418, %dma_wait3A_425] : memref<40x64xi32, #tpu.memory_space<vmem>> -> memref<1x64xi32, #tpu.memory_space<vmem>>
    %dma_wait3A_427 = tpu.memref_squeeze %dma_wait3A_426 : memref<1x64xi32, #tpu.memory_space<vmem>> -> memref<64xi32, #tpu.memory_space<vmem>>
    %dma_wait3A_428 = arith.constant 0 : i32
    %dma_wait3A_429 = arith.constant 0 : i32
    %dma_wait3A_430 = tpu.memref_slice %arg2[%dma_wait3A_428, %dma_wait3A_429] : memref<10000x128xf32, #tpu.memory_space<hbm>> -> memref<10000x128xf32, #tpu.memory_space<hbm>>
    %dma_wait3A_431 = tpu.memref_slice %arg11[%dma_wait3A_420] : memref<4x!tpu.dma_semaphore, #tpu.memory_space<semaphore_mem>> -> memref<1x!tpu.dma_semaphore, #tpu.memory_space<semaphore_mem>>
    %dma_wait3A_432 = tpu.memref_squeeze %dma_wait3A_431 : memref<1x!tpu.dma_semaphore, #tpu.memory_space<semaphore_mem>> -> memref<!tpu.dma_semaphore, #tpu.memory_space<semaphore_mem>>
    tpu.wait_indirect_dma semaphore(%dma_wait3A_432 : memref<!tpu.dma_semaphore, #tpu.memory_space<semaphore_mem>>) src(%dma_wait3A_430 : memref<10000x128xf32, #tpu.memory_space<hbm>>) dst(%dma_wait3A_424 : memref<64x128xf32, #tpu.memory_space<vmem>>)
    %dma_start3A_433 = arith.constant 3 : i32
    %dma_start3A_434 = arith.constant 39 : i32
    %dma_start3A_435 = arith.constant 3 : i32
    %dma_start3A_436 = arith.constant 0 : i32
    %dma_start3A_437 = arith.constant 0 : i32
    %dma_start3A_438 = tpu.memref_slice %arg9[%dma_start3A_433, %dma_start3A_436, %dma_start3A_437] : memref<4x64x128xf32, #tpu.memory_space<vmem>> -> memref<1x64x128xf32, #tpu.memory_space<vmem>>
    %dma_start3A_439 = tpu.memref_squeeze %dma_start3A_438 : memref<1x64x128xf32, #tpu.memory_space<vmem>> -> memref<64x128xf32, #tpu.memory_space<vmem>>
    %dma_start3A_440 = arith.constant 0 : i32
    %dma_start3A_441 = tpu.memref_slice %arg8[%dma_start3A_434, %dma_start3A_440] : memref<40x64xi32, #tpu.memory_space<vmem>> -> memref<1x64xi32, #tpu.memory_space<vmem>>
    %dma_start3A_442 = tpu.memref_squeeze %dma_start3A_441 : memref<1x64xi32, #tpu.memory_space<vmem>> -> memref<64xi32, #tpu.memory_space<vmem>>
    %dma_start3A_443 = arith.constant 0 : i32
    %dma_start3A_444 = arith.constant 0 : i32
    %dma_start3A_445 = tpu.memref_slice %arg10[%dma_start3A_443, %dma_start3A_444] : memref<10112x128xf32, #tpu.memory_space<vmem_shared>> -> memref<10112x128xf32, #tpu.memory_space<vmem_shared>>
    %dma_start3A_446 = tpu.memref_slice %arg12[%dma_start3A_435] : memref<4x!tpu.dma_semaphore, #tpu.memory_space<semaphore_mem>> -> memref<1x!tpu.dma_semaphore, #tpu.memory_space<semaphore_mem>>
    %dma_start3A_447 = tpu.memref_squeeze %dma_start3A_446 : memref<1x!tpu.dma_semaphore, #tpu.memory_space<semaphore_mem>> -> memref<!tpu.dma_semaphore, #tpu.memory_space<semaphore_mem>>
    tpu.enqueue_indirect_dma source(%dma_start3A_439 : memref<64x128xf32, #tpu.memory_space<vmem>>) target(%dma_start3A_445 : memref<10112x128xf32, #tpu.memory_space<vmem_shared>>) offsets(%dma_start3A_442 : memref<64xi32, #tpu.memory_space<vmem>>) semaphore(%dma_start3A_447 : memref<!tpu.dma_semaphore, #tpu.memory_space<semaphore_mem>>) {add = true}
    %dma_wait3A_448 = arith.constant 0 : i32
    %dma_wait3A_449 = arith.constant 0 : i32
    %dma_wait3A_450 = arith.constant 0 : i32
    %dma_wait3A_451 = arith.constant 0 : i32
    %dma_wait3A_452 = arith.constant 0 : i32
    %dma_wait3A_453 = tpu.memref_slice %arg9[%dma_wait3A_448, %dma_wait3A_451, %dma_wait3A_452] : memref<4x64x128xf32, #tpu.memory_space<vmem>> -> memref<1x64x128xf32, #tpu.memory_space<vmem>>
    %dma_wait3A_454 = tpu.memref_squeeze %dma_wait3A_453 : memref<1x64x128xf32, #tpu.memory_space<vmem>> -> memref<64x128xf32, #tpu.memory_space<vmem>>
    %dma_wait3A_455 = arith.constant 0 : i32
    %dma_wait3A_456 = tpu.memref_slice %arg8[%dma_wait3A_449, %dma_wait3A_455] : memref<40x64xi32, #tpu.memory_space<vmem>> -> memref<1x64xi32, #tpu.memory_space<vmem>>
    %dma_wait3A_457 = tpu.memref_squeeze %dma_wait3A_456 : memref<1x64xi32, #tpu.memory_space<vmem>> -> memref<64xi32, #tpu.memory_space<vmem>>
    %dma_wait3A_458 = arith.constant 0 : i32
    %dma_wait3A_459 = arith.constant 0 : i32
    %dma_wait3A_460 = tpu.memref_slice %arg10[%dma_wait3A_458, %dma_wait3A_459] : memref<10112x128xf32, #tpu.memory_space<vmem_shared>> -> memref<10112x128xf32, #tpu.memory_space<vmem_shared>>
    %dma_wait3A_461 = tpu.memref_slice %arg12[%dma_wait3A_450] : memref<4x!tpu.dma_semaphore, #tpu.memory_space<semaphore_mem>> -> memref<1x!tpu.dma_semaphore, #tpu.memory_space<semaphore_mem>>
    %dma_wait3A_462 = tpu.memref_squeeze %dma_wait3A_461 : memref<1x!tpu.dma_semaphore, #tpu.memory_space<semaphore_mem>> -> memref<!tpu.dma_semaphore, #tpu.memory_space<semaphore_mem>>
    tpu.wait_indirect_dma semaphore(%dma_wait3A_462 : memref<!tpu.dma_semaphore, #tpu.memory_space<semaphore_mem>>) src(%dma_wait3A_454 : memref<64x128xf32, #tpu.memory_space<vmem>>) dst(%dma_wait3A_460 : memref<10112x128xf32, #tpu.memory_space<vmem_shared>>)
    %dma_wait3A_463 = arith.constant 1 : i32
    %dma_wait3A_464 = arith.constant 0 : i32
    %dma_wait3A_465 = arith.constant 1 : i32
    %dma_wait3A_466 = arith.constant 0 : i32
    %dma_wait3A_467 = arith.constant 0 : i32
    %dma_wait3A_468 = tpu.memref_slice %arg9[%dma_wait3A_463, %dma_wait3A_466, %dma_wait3A_467] : memref<4x64x128xf32, #tpu.memory_space<vmem>> -> memref<1x64x128xf32, #tpu.memory_space<vmem>>
    %dma_wait3A_469 = tpu.memref_squeeze %dma_wait3A_468 : memref<1x64x128xf32, #tpu.memory_space<vmem>> -> memref<64x128xf32, #tpu.memory_space<vmem>>
    %dma_wait3A_470 = arith.constant 0 : i32
    %dma_wait3A_471 = tpu.memref_slice %arg8[%dma_wait3A_464, %dma_wait3A_470] : memref<40x64xi32, #tpu.memory_space<vmem>> -> memref<1x64xi32, #tpu.memory_space<vmem>>
    %dma_wait3A_472 = tpu.memref_squeeze %dma_wait3A_471 : memref<1x64xi32, #tpu.memory_space<vmem>> -> memref<64xi32, #tpu.memory_space<vmem>>
    %dma_wait3A_473 = arith.constant 0 : i32
    %dma_wait3A_474 = arith.constant 0 : i32
    %dma_wait3A_475 = tpu.memref_slice %arg10[%dma_wait3A_473, %dma_wait3A_474] : memref<10112x128xf32, #tpu.memory_space<vmem_shared>> -> memref<10112x128xf32, #tpu.memory_space<vmem_shared>>
    %dma_wait3A_476 = tpu.memref_slice %arg12[%dma_wait3A_465] : memref<4x!tpu.dma_semaphore, #tpu.memory_space<semaphore_mem>> -> memref<1x!tpu.dma_semaphore, #tpu.memory_space<semaphore_mem>>
    %dma_wait3A_477 = tpu.memref_squeeze %dma_wait3A_476 : memref<1x!tpu.dma_semaphore, #tpu.memory_space<semaphore_mem>> -> memref<!tpu.dma_semaphore, #tpu.memory_space<semaphore_mem>>
    tpu.wait_indirect_dma semaphore(%dma_wait3A_477 : memref<!tpu.dma_semaphore, #tpu.memory_space<semaphore_mem>>) src(%dma_wait3A_469 : memref<64x128xf32, #tpu.memory_space<vmem>>) dst(%dma_wait3A_475 : memref<10112x128xf32, #tpu.memory_space<vmem_shared>>)
    %dma_wait3A_478 = arith.constant 2 : i32
    %dma_wait3A_479 = arith.constant 0 : i32
    %dma_wait3A_480 = arith.constant 2 : i32
    %dma_wait3A_481 = arith.constant 0 : i32
    %dma_wait3A_482 = arith.constant 0 : i32
    %dma_wait3A_483 = tpu.memref_slice %arg9[%dma_wait3A_478, %dma_wait3A_481, %dma_wait3A_482] : memref<4x64x128xf32, #tpu.memory_space<vmem>> -> memref<1x64x128xf32, #tpu.memory_space<vmem>>
    %dma_wait3A_484 = tpu.memref_squeeze %dma_wait3A_483 : memref<1x64x128xf32, #tpu.memory_space<vmem>> -> memref<64x128xf32, #tpu.memory_space<vmem>>
    %dma_wait3A_485 = arith.constant 0 : i32
    %dma_wait3A_486 = tpu.memref_slice %arg8[%dma_wait3A_479, %dma_wait3A_485] : memref<40x64xi32, #tpu.memory_space<vmem>> -> memref<1x64xi32, #tpu.memory_space<vmem>>
    %dma_wait3A_487 = tpu.memref_squeeze %dma_wait3A_486 : memref<1x64xi32, #tpu.memory_space<vmem>> -> memref<64xi32, #tpu.memory_space<vmem>>
    %dma_wait3A_488 = arith.constant 0 : i32
    %dma_wait3A_489 = arith.constant 0 : i32
    %dma_wait3A_490 = tpu.memref_slice %arg10[%dma_wait3A_488, %dma_wait3A_489] : memref<10112x128xf32, #tpu.memory_space<vmem_shared>> -> memref<10112x128xf32, #tpu.memory_space<vmem_shared>>
    %dma_wait3A_491 = tpu.memref_slice %arg12[%dma_wait3A_480] : memref<4x!tpu.dma_semaphore, #tpu.memory_space<semaphore_mem>> -> memref<1x!tpu.dma_semaphore, #tpu.memory_space<semaphore_mem>>
    %dma_wait3A_492 = tpu.memref_squeeze %dma_wait3A_491 : memref<1x!tpu.dma_semaphore, #tpu.memory_space<semaphore_mem>> -> memref<!tpu.dma_semaphore, #tpu.memory_space<semaphore_mem>>
    tpu.wait_indirect_dma semaphore(%dma_wait3A_492 : memref<!tpu.dma_semaphore, #tpu.memory_space<semaphore_mem>>) src(%dma_wait3A_484 : memref<64x128xf32, #tpu.memory_space<vmem>>) dst(%dma_wait3A_490 : memref<10112x128xf32, #tpu.memory_space<vmem_shared>>)
    %dma_wait3A_493 = arith.constant 3 : i32
    %dma_wait3A_494 = arith.constant 0 : i32
    %dma_wait3A_495 = arith.constant 3 : i32
    %dma_wait3A_496 = arith.constant 0 : i32
    %dma_wait3A_497 = arith.constant 0 : i32
    %dma_wait3A_498 = tpu.memref_slice %arg9[%dma_wait3A_493, %dma_wait3A_496, %dma_wait3A_497] : memref<4x64x128xf32, #tpu.memory_space<vmem>> -> memref<1x64x128xf32, #tpu.memory_space<vmem>>
    %dma_wait3A_499 = tpu.memref_squeeze %dma_wait3A_498 : memref<1x64x128xf32, #tpu.memory_space<vmem>> -> memref<64x128xf32, #tpu.memory_space<vmem>>
    %dma_wait3A_500 = arith.constant 0 : i32
    %dma_wait3A_501 = tpu.memref_slice %arg8[%dma_wait3A_494, %dma_wait3A_500] : memref<40x64xi32, #tpu.memory_space<vmem>> -> memref<1x64xi32, #tpu.memory_space<vmem>>
    %dma_wait3A_502 = tpu.memref_squeeze %dma_wait3A_501 : memref<1x64xi32, #tpu.memory_space<vmem>> -> memref<64xi32, #tpu.memory_space<vmem>>
    %dma_wait3A_503 = arith.constant 0 : i32
    %dma_wait3A_504 = arith.constant 0 : i32
    %dma_wait3A_505 = tpu.memref_slice %arg10[%dma_wait3A_503, %dma_wait3A_504] : memref<10112x128xf32, #tpu.memory_space<vmem_shared>> -> memref<10112x128xf32, #tpu.memory_space<vmem_shared>>
    %dma_wait3A_506 = tpu.memref_slice %arg12[%dma_wait3A_495] : memref<4x!tpu.dma_semaphore, #tpu.memory_space<semaphore_mem>> -> memref<1x!tpu.dma_semaphore, #tpu.memory_space<semaphore_mem>>
    %dma_wait3A_507 = tpu.memref_squeeze %dma_wait3A_506 : memref<1x!tpu.dma_semaphore, #tpu.memory_space<semaphore_mem>> -> memref<!tpu.dma_semaphore, #tpu.memory_space<semaphore_mem>>
    tpu.wait_indirect_dma semaphore(%dma_wait3A_507 : memref<!tpu.dma_semaphore, #tpu.memory_space<semaphore_mem>>) src(%dma_wait3A_499 : memref<64x128xf32, #tpu.memory_space<vmem>>) dst(%dma_wait3A_505 : memref<10112x128xf32, #tpu.memory_space<vmem_shared>>)
    %mul3A_508 = arith.constant 160 : i32
    %mul3A_509 = arith.muli %add3A, %mul3A_508 : i32
    %add3A_510 = arith.constant 80 : i32
    %add3A_511 = arith.addi %mul3A_509, %add3A_510 : i32
    "tpu.region"() ({
      %run_scoped3A = tpu.sem_alloc : memref<!tpu.dma_semaphore, #tpu.memory_space<semaphore_mem>>
      %dma_start3A_1019 = arith.constant 0 : i32
      %dma_start3A_1020 = tpu.memref_slice %arg3[%add3A_511, %dma_start3A_1019] : memref<5120x64xi32, #tpu.memory_space<hbm>> -> memref<40x64xi32, #tpu.memory_space<hbm>>
      %dma_start3A_1021 = arith.constant 0 : i32
      %dma_start3A_1022 = tpu.memref_slice %arg3[%add3A_511, %dma_start3A_1021] : memref<5120x64xi32, #tpu.memory_space<hbm>> -> memref<40x64xi32, #tpu.memory_space<hbm>>
      tpu.enqueue_dma source(%dma_start3A_1022 : memref<40x64xi32, #tpu.memory_space<hbm>>) target(%arg7 : memref<40x64xi32, #tpu.memory_space<vmem>>) target_semaphore(%run_scoped3A : memref<!tpu.dma_semaphore, #tpu.memory_space<semaphore_mem>>)
      %dma_wait3A_1023 = arith.constant 0 : i32
      %dma_wait3A_1024 = tpu.memref_slice %arg3[%add3A_511, %dma_wait3A_1023] : memref<5120x64xi32, #tpu.memory_space<hbm>> -> memref<40x64xi32, #tpu.memory_space<hbm>>
      %dma_wait3A_1025 = arith.constant 0 : i32
      %dma_wait3A_1026 = tpu.memref_slice %arg3[%add3A_511, %dma_wait3A_1025] : memref<5120x64xi32, #tpu.memory_space<hbm>> -> memref<40x64xi32, #tpu.memory_space<hbm>>
      tpu.wait_dma2 semaphore(%run_scoped3A : memref<!tpu.dma_semaphore, #tpu.memory_space<semaphore_mem>>) src(%dma_wait3A_1026 : memref<40x64xi32, #tpu.memory_space<hbm>>) dst(%arg7 : memref<40x64xi32, #tpu.memory_space<vmem>>)
      tpu.yield
    }) : () -> ()
    %mul3A_512 = arith.constant 160 : i32
    %mul3A_513 = arith.muli %add3A, %mul3A_512 : i32
    %add3A_514 = arith.constant 80 : i32
    %add3A_515 = arith.addi %mul3A_513, %add3A_514 : i32
    "tpu.region"() ({
      %run_scoped3A = tpu.sem_alloc : memref<!tpu.dma_semaphore, #tpu.memory_space<semaphore_mem>>
      %dma_start3A_1019 = arith.constant 0 : i32
      %dma_start3A_1020 = tpu.memref_slice %arg4[%add3A_515, %dma_start3A_1019] : memref<5120x64xi32, #tpu.memory_space<hbm>> -> memref<40x64xi32, #tpu.memory_space<hbm>>
      %dma_start3A_1021 = arith.constant 0 : i32
      %dma_start3A_1022 = tpu.memref_slice %arg4[%add3A_515, %dma_start3A_1021] : memref<5120x64xi32, #tpu.memory_space<hbm>> -> memref<40x64xi32, #tpu.memory_space<hbm>>
      tpu.enqueue_dma source(%dma_start3A_1022 : memref<40x64xi32, #tpu.memory_space<hbm>>) target(%arg8 : memref<40x64xi32, #tpu.memory_space<vmem>>) target_semaphore(%run_scoped3A : memref<!tpu.dma_semaphore, #tpu.memory_space<semaphore_mem>>)
      %dma_wait3A_1023 = arith.constant 0 : i32
      %dma_wait3A_1024 = tpu.memref_slice %arg4[%add3A_515, %dma_wait3A_1023] : memref<5120x64xi32, #tpu.memory_space<hbm>> -> memref<40x64xi32, #tpu.memory_space<hbm>>
      %dma_wait3A_1025 = arith.constant 0 : i32
      %dma_wait3A_1026 = tpu.memref_slice %arg4[%add3A_515, %dma_wait3A_1025] : memref<5120x64xi32, #tpu.memory_space<hbm>> -> memref<40x64xi32, #tpu.memory_space<hbm>>
      tpu.wait_dma2 semaphore(%run_scoped3A : memref<!tpu.dma_semaphore, #tpu.memory_space<semaphore_mem>>) src(%dma_wait3A_1026 : memref<40x64xi32, #tpu.memory_space<hbm>>) dst(%arg8 : memref<40x64xi32, #tpu.memory_space<vmem>>)
      tpu.yield
    }) : () -> ()
    %dma_start3A_516 = arith.constant 0 : i32
    %dma_start3A_517 = arith.constant 0 : i32
    %dma_start3A_518 = arith.constant 0 : i32
    %dma_start3A_519 = arith.constant 0 : i32
    %dma_start3A_520 = arith.constant 0 : i32
    %dma_start3A_521 = tpu.memref_slice %arg9[%dma_start3A_517, %dma_start3A_519, %dma_start3A_520] : memref<4x64x128xf32, #tpu.memory_space<vmem>> -> memref<1x64x128xf32, #tpu.memory_space<vmem>>
    %dma_start3A_522 = tpu.memref_squeeze %dma_start3A_521 : memref<1x64x128xf32, #tpu.memory_space<vmem>> -> memref<64x128xf32, #tpu.memory_space<vmem>>
    %dma_start3A_523 = arith.constant 0 : i32
    %dma_start3A_524 = tpu.memref_slice %arg7[%dma_start3A_516, %dma_start3A_523] : memref<40x64xi32, #tpu.memory_space<vmem>> -> memref<1x64xi32, #tpu.memory_space<vmem>>
    %dma_start3A_525 = tpu.memref_squeeze %dma_start3A_524 : memref<1x64xi32, #tpu.memory_space<vmem>> -> memref<64xi32, #tpu.memory_space<vmem>>
    %dma_start3A_526 = arith.constant 0 : i32
    %dma_start3A_527 = arith.constant 0 : i32
    %dma_start3A_528 = tpu.memref_slice %arg2[%dma_start3A_526, %dma_start3A_527] : memref<10000x128xf32, #tpu.memory_space<hbm>> -> memref<10000x128xf32, #tpu.memory_space<hbm>>
    %dma_start3A_529 = tpu.memref_slice %arg11[%dma_start3A_518] : memref<4x!tpu.dma_semaphore, #tpu.memory_space<semaphore_mem>> -> memref<1x!tpu.dma_semaphore, #tpu.memory_space<semaphore_mem>>
    %dma_start3A_530 = tpu.memref_squeeze %dma_start3A_529 : memref<1x!tpu.dma_semaphore, #tpu.memory_space<semaphore_mem>> -> memref<!tpu.dma_semaphore, #tpu.memory_space<semaphore_mem>>
    tpu.enqueue_indirect_dma source(%dma_start3A_528 : memref<10000x128xf32, #tpu.memory_space<hbm>>) target(%dma_start3A_522 : memref<64x128xf32, #tpu.memory_space<vmem>>) offsets(%dma_start3A_525 : memref<64xi32, #tpu.memory_space<vmem>>) semaphore(%dma_start3A_530 : memref<!tpu.dma_semaphore, #tpu.memory_space<semaphore_mem>>)
    %dma_start3A_531 = arith.constant 1 : i32
    %dma_start3A_532 = arith.constant 1 : i32
    %dma_start3A_533 = arith.constant 1 : i32
    %dma_start3A_534 = arith.constant 0 : i32
    %dma_start3A_535 = arith.constant 0 : i32
    %dma_start3A_536 = tpu.memref_slice %arg9[%dma_start3A_532, %dma_start3A_534, %dma_start3A_535] : memref<4x64x128xf32, #tpu.memory_space<vmem>> -> memref<1x64x128xf32, #tpu.memory_space<vmem>>
    %dma_start3A_537 = tpu.memref_squeeze %dma_start3A_536 : memref<1x64x128xf32, #tpu.memory_space<vmem>> -> memref<64x128xf32, #tpu.memory_space<vmem>>
    %dma_start3A_538 = arith.constant 0 : i32
    %dma_start3A_539 = tpu.memref_slice %arg7[%dma_start3A_531, %dma_start3A_538] : memref<40x64xi32, #tpu.memory_space<vmem>> -> memref<1x64xi32, #tpu.memory_space<vmem>>
    %dma_start3A_540 = tpu.memref_squeeze %dma_start3A_539 : memref<1x64xi32, #tpu.memory_space<vmem>> -> memref<64xi32, #tpu.memory_space<vmem>>
    %dma_start3A_541 = arith.constant 0 : i32
    %dma_start3A_542 = arith.constant 0 : i32
    %dma_start3A_543 = tpu.memref_slice %arg2[%dma_start3A_541, %dma_start3A_542] : memref<10000x128xf32, #tpu.memory_space<hbm>> -> memref<10000x128xf32, #tpu.memory_space<hbm>>
    %dma_start3A_544 = tpu.memref_slice %arg11[%dma_start3A_533] : memref<4x!tpu.dma_semaphore, #tpu.memory_space<semaphore_mem>> -> memref<1x!tpu.dma_semaphore, #tpu.memory_space<semaphore_mem>>
    %dma_start3A_545 = tpu.memref_squeeze %dma_start3A_544 : memref<1x!tpu.dma_semaphore, #tpu.memory_space<semaphore_mem>> -> memref<!tpu.dma_semaphore, #tpu.memory_space<semaphore_mem>>
    tpu.enqueue_indirect_dma source(%dma_start3A_543 : memref<10000x128xf32, #tpu.memory_space<hbm>>) target(%dma_start3A_537 : memref<64x128xf32, #tpu.memory_space<vmem>>) offsets(%dma_start3A_540 : memref<64xi32, #tpu.memory_space<vmem>>) semaphore(%dma_start3A_545 : memref<!tpu.dma_semaphore, #tpu.memory_space<semaphore_mem>>)
    %dma_start3A_546 = arith.constant 2 : i32
    %dma_start3A_547 = arith.constant 2 : i32
    %dma_start3A_548 = arith.constant 2 : i32
    %dma_start3A_549 = arith.constant 0 : i32
    %dma_start3A_550 = arith.constant 0 : i32
    %dma_start3A_551 = tpu.memref_slice %arg9[%dma_start3A_547, %dma_start3A_549, %dma_start3A_550] : memref<4x64x128xf32, #tpu.memory_space<vmem>> -> memref<1x64x128xf32, #tpu.memory_space<vmem>>
    %dma_start3A_552 = tpu.memref_squeeze %dma_start3A_551 : memref<1x64x128xf32, #tpu.memory_space<vmem>> -> memref<64x128xf32, #tpu.memory_space<vmem>>
    %dma_start3A_553 = arith.constant 0 : i32
    %dma_start3A_554 = tpu.memref_slice %arg7[%dma_start3A_546, %dma_start3A_553] : memref<40x64xi32, #tpu.memory_space<vmem>> -> memref<1x64xi32, #tpu.memory_space<vmem>>
    %dma_start3A_555 = tpu.memref_squeeze %dma_start3A_554 : memref<1x64xi32, #tpu.memory_space<vmem>> -> memref<64xi32, #tpu.memory_space<vmem>>
    %dma_start3A_556 = arith.constant 0 : i32
    %dma_start3A_557 = arith.constant 0 : i32
    %dma_start3A_558 = tpu.memref_slice %arg2[%dma_start3A_556, %dma_start3A_557] : memref<10000x128xf32, #tpu.memory_space<hbm>> -> memref<10000x128xf32, #tpu.memory_space<hbm>>
    %dma_start3A_559 = tpu.memref_slice %arg11[%dma_start3A_548] : memref<4x!tpu.dma_semaphore, #tpu.memory_space<semaphore_mem>> -> memref<1x!tpu.dma_semaphore, #tpu.memory_space<semaphore_mem>>
    %dma_start3A_560 = tpu.memref_squeeze %dma_start3A_559 : memref<1x!tpu.dma_semaphore, #tpu.memory_space<semaphore_mem>> -> memref<!tpu.dma_semaphore, #tpu.memory_space<semaphore_mem>>
    tpu.enqueue_indirect_dma source(%dma_start3A_558 : memref<10000x128xf32, #tpu.memory_space<hbm>>) target(%dma_start3A_552 : memref<64x128xf32, #tpu.memory_space<vmem>>) offsets(%dma_start3A_555 : memref<64xi32, #tpu.memory_space<vmem>>) semaphore(%dma_start3A_560 : memref<!tpu.dma_semaphore, #tpu.memory_space<semaphore_mem>>)
    %dma_start3A_561 = arith.constant 3 : i32
    %dma_start3A_562 = arith.constant 3 : i32
    %dma_start3A_563 = arith.constant 3 : i32
    %dma_start3A_564 = arith.constant 0 : i32
    %dma_start3A_565 = arith.constant 0 : i32
    %dma_start3A_566 = tpu.memref_slice %arg9[%dma_start3A_562, %dma_start3A_564, %dma_start3A_565] : memref<4x64x128xf32, #tpu.memory_space<vmem>> -> memref<1x64x128xf32, #tpu.memory_space<vmem>>
    %dma_start3A_567 = tpu.memref_squeeze %dma_start3A_566 : memref<1x64x128xf32, #tpu.memory_space<vmem>> -> memref<64x128xf32, #tpu.memory_space<vmem>>
    %dma_start3A_568 = arith.constant 0 : i32
    %dma_start3A_569 = tpu.memref_slice %arg7[%dma_start3A_561, %dma_start3A_568] : memref<40x64xi32, #tpu.memory_space<vmem>> -> memref<1x64xi32, #tpu.memory_space<vmem>>
    %dma_start3A_570 = tpu.memref_squeeze %dma_start3A_569 : memref<1x64xi32, #tpu.memory_space<vmem>> -> memref<64xi32, #tpu.memory_space<vmem>>
    %dma_start3A_571 = arith.constant 0 : i32
    %dma_start3A_572 = arith.constant 0 : i32
    %dma_start3A_573 = tpu.memref_slice %arg2[%dma_start3A_571, %dma_start3A_572] : memref<10000x128xf32, #tpu.memory_space<hbm>> -> memref<10000x128xf32, #tpu.memory_space<hbm>>
    %dma_start3A_574 = tpu.memref_slice %arg11[%dma_start3A_563] : memref<4x!tpu.dma_semaphore, #tpu.memory_space<semaphore_mem>> -> memref<1x!tpu.dma_semaphore, #tpu.memory_space<semaphore_mem>>
    %dma_start3A_575 = tpu.memref_squeeze %dma_start3A_574 : memref<1x!tpu.dma_semaphore, #tpu.memory_space<semaphore_mem>> -> memref<!tpu.dma_semaphore, #tpu.memory_space<semaphore_mem>>
    tpu.enqueue_indirect_dma source(%dma_start3A_573 : memref<10000x128xf32, #tpu.memory_space<hbm>>) target(%dma_start3A_567 : memref<64x128xf32, #tpu.memory_space<vmem>>) offsets(%dma_start3A_570 : memref<64xi32, #tpu.memory_space<vmem>>) semaphore(%dma_start3A_575 : memref<!tpu.dma_semaphore, #tpu.memory_space<semaphore_mem>>)
    %scan3A_576 = arith.constant 0 : i32
    %scan3A_577 = arith.constant 9 : i32
    %scan3A_578 = arith.addi %scan3A_576, %scan3A_577 : i32
    %scan3A_579 = arith.constant 1 : i32
    scf.for %scan3A_1019 = %scan3A_576 to %scan3A_578 step %scan3A_579  : i32 {
      %mul3A_1020 = arith.constant 1 : i32
      %mul3A_1021 = arith.muli %scan3A_1019, %mul3A_1020 : i32
      %add3A_1022 = arith.constant 0 : i32
      %add3A_1023 = arith.addi %add3A_1022, %mul3A_1021 : i32
      %dma_wait3A_1024 = arith.constant 0 : i32
      %dma_wait3A_1025 = arith.constant 0 : i32
      %dma_wait3A_1026 = arith.constant 0 : i32
      %dma_wait3A_1027 = arith.constant 0 : i32
      %dma_wait3A_1028 = arith.constant 0 : i32
      %dma_wait3A_1029 = tpu.memref_slice %arg9[%dma_wait3A_1025, %dma_wait3A_1027, %dma_wait3A_1028] : memref<4x64x128xf32, #tpu.memory_space<vmem>> -> memref<1x64x128xf32, #tpu.memory_space<vmem>>
      %dma_wait3A_1030 = tpu.memref_squeeze %dma_wait3A_1029 : memref<1x64x128xf32, #tpu.memory_space<vmem>> -> memref<64x128xf32, #tpu.memory_space<vmem>>
      %dma_wait3A_1031 = arith.constant 0 : i32
      %dma_wait3A_1032 = tpu.memref_slice %arg7[%dma_wait3A_1024, %dma_wait3A_1031] : memref<40x64xi32, #tpu.memory_space<vmem>> -> memref<1x64xi32, #tpu.memory_space<vmem>>
      %dma_wait3A_1033 = tpu.memref_squeeze %dma_wait3A_1032 : memref<1x64xi32, #tpu.memory_space<vmem>> -> memref<64xi32, #tpu.memory_space<vmem>>
      %dma_wait3A_1034 = arith.constant 0 : i32
      %dma_wait3A_1035 = arith.constant 0 : i32
      %dma_wait3A_1036 = tpu.memref_slice %arg2[%dma_wait3A_1034, %dma_wait3A_1035] : memref<10000x128xf32, #tpu.memory_space<hbm>> -> memref<10000x128xf32, #tpu.memory_space<hbm>>
      %dma_wait3A_1037 = tpu.memref_slice %arg11[%dma_wait3A_1026] : memref<4x!tpu.dma_semaphore, #tpu.memory_space<semaphore_mem>> -> memref<1x!tpu.dma_semaphore, #tpu.memory_space<semaphore_mem>>
      %dma_wait3A_1038 = tpu.memref_squeeze %dma_wait3A_1037 : memref<1x!tpu.dma_semaphore, #tpu.memory_space<semaphore_mem>> -> memref<!tpu.dma_semaphore, #tpu.memory_space<semaphore_mem>>
      tpu.wait_indirect_dma semaphore(%dma_wait3A_1038 : memref<!tpu.dma_semaphore, #tpu.memory_space<semaphore_mem>>) src(%dma_wait3A_1036 : memref<10000x128xf32, #tpu.memory_space<hbm>>) dst(%dma_wait3A_1030 : memref<64x128xf32, #tpu.memory_space<vmem>>)
      %mul3A_1039 = arith.constant 4 : i32
      %mul3A_1040 = arith.muli %add3A_1023, %mul3A_1039 : i32
      %add3A_1041 = arith.constant 0 : i32
      %add3A_1042 = arith.addi %mul3A_1040, %add3A_1041 : i32
      %dma_start3A_1043 = arith.constant 0 : i32
      %dma_start3A_1044 = arith.constant 0 : i32
      %dma_start3A_1045 = arith.constant 0 : i32
      %dma_start3A_1046 = arith.constant 0 : i32
      %dma_start3A_1047 = tpu.memref_slice %arg9[%dma_start3A_1043, %dma_start3A_1045, %dma_start3A_1046] : memref<4x64x128xf32, #tpu.memory_space<vmem>> -> memref<1x64x128xf32, #tpu.memory_space<vmem>>
      %dma_start3A_1048 = tpu.memref_squeeze %dma_start3A_1047 : memref<1x64x128xf32, #tpu.memory_space<vmem>> -> memref<64x128xf32, #tpu.memory_space<vmem>>
      %dma_start3A_1049 = arith.constant 0 : i32
      %dma_start3A_1050 = tpu.memref_slice %arg8[%add3A_1042, %dma_start3A_1049] : memref<40x64xi32, #tpu.memory_space<vmem>> -> memref<1x64xi32, #tpu.memory_space<vmem>>
      %dma_start3A_1051 = tpu.memref_squeeze %dma_start3A_1050 : memref<1x64xi32, #tpu.memory_space<vmem>> -> memref<64xi32, #tpu.memory_space<vmem>>
      %dma_start3A_1052 = arith.constant 0 : i32
      %dma_start3A_1053 = arith.constant 0 : i32
      %dma_start3A_1054 = tpu.memref_slice %arg10[%dma_start3A_1052, %dma_start3A_1053] : memref<10112x128xf32, #tpu.memory_space<vmem_shared>> -> memref<10112x128xf32, #tpu.memory_space<vmem_shared>>
      %dma_start3A_1055 = tpu.memref_slice %arg12[%dma_start3A_1044] : memref<4x!tpu.dma_semaphore, #tpu.memory_space<semaphore_mem>> -> memref<1x!tpu.dma_semaphore, #tpu.memory_space<semaphore_mem>>
      %dma_start3A_1056 = tpu.memref_squeeze %dma_start3A_1055 : memref<1x!tpu.dma_semaphore, #tpu.memory_space<semaphore_mem>> -> memref<!tpu.dma_semaphore, #tpu.memory_space<semaphore_mem>>
      tpu.enqueue_indirect_dma source(%dma_start3A_1048 : memref<64x128xf32, #tpu.memory_space<vmem>>) target(%dma_start3A_1054 : memref<10112x128xf32, #tpu.memory_space<vmem_shared>>) offsets(%dma_start3A_1051 : memref<64xi32, #tpu.memory_space<vmem>>) semaphore(%dma_start3A_1056 : memref<!tpu.dma_semaphore, #tpu.memory_space<semaphore_mem>>) {add = true}
      %dma_wait3A_1057 = arith.constant 0 : i32
      %dma_wait3A_1058 = arith.constant 1 : i32
      %dma_wait3A_1059 = arith.constant 1 : i32
      %dma_wait3A_1060 = arith.constant 0 : i32
      %dma_wait3A_1061 = arith.constant 0 : i32
      %dma_wait3A_1062 = tpu.memref_slice %arg9[%dma_wait3A_1058, %dma_wait3A_1060, %dma_wait3A_1061] : memref<4x64x128xf32, #tpu.memory_space<vmem>> -> memref<1x64x128xf32, #tpu.memory_space<vmem>>
      %dma_wait3A_1063 = tpu.memref_squeeze %dma_wait3A_1062 : memref<1x64x128xf32, #tpu.memory_space<vmem>> -> memref<64x128xf32, #tpu.memory_space<vmem>>
      %dma_wait3A_1064 = arith.constant 0 : i32
      %dma_wait3A_1065 = tpu.memref_slice %arg7[%dma_wait3A_1057, %dma_wait3A_1064] : memref<40x64xi32, #tpu.memory_space<vmem>> -> memref<1x64xi32, #tpu.memory_space<vmem>>
      %dma_wait3A_1066 = tpu.memref_squeeze %dma_wait3A_1065 : memref<1x64xi32, #tpu.memory_space<vmem>> -> memref<64xi32, #tpu.memory_space<vmem>>
      %dma_wait3A_1067 = arith.constant 0 : i32
      %dma_wait3A_1068 = arith.constant 0 : i32
      %dma_wait3A_1069 = tpu.memref_slice %arg2[%dma_wait3A_1067, %dma_wait3A_1068] : memref<10000x128xf32, #tpu.memory_space<hbm>> -> memref<10000x128xf32, #tpu.memory_space<hbm>>
      %dma_wait3A_1070 = tpu.memref_slice %arg11[%dma_wait3A_1059] : memref<4x!tpu.dma_semaphore, #tpu.memory_space<semaphore_mem>> -> memref<1x!tpu.dma_semaphore, #tpu.memory_space<semaphore_mem>>
      %dma_wait3A_1071 = tpu.memref_squeeze %dma_wait3A_1070 : memref<1x!tpu.dma_semaphore, #tpu.memory_space<semaphore_mem>> -> memref<!tpu.dma_semaphore, #tpu.memory_space<semaphore_mem>>
      tpu.wait_indirect_dma semaphore(%dma_wait3A_1071 : memref<!tpu.dma_semaphore, #tpu.memory_space<semaphore_mem>>) src(%dma_wait3A_1069 : memref<10000x128xf32, #tpu.memory_space<hbm>>) dst(%dma_wait3A_1063 : memref<64x128xf32, #tpu.memory_space<vmem>>)
      %mul3A_1072 = arith.constant 4 : i32
      %mul3A_1073 = arith.muli %add3A_1023, %mul3A_1072 : i32
      %add3A_1074 = arith.constant 1 : i32
      %add3A_1075 = arith.addi %mul3A_1073, %add3A_1074 : i32
      %dma_start3A_1076 = arith.constant 1 : i32
      %dma_start3A_1077 = arith.constant 1 : i32
      %dma_start3A_1078 = arith.constant 0 : i32
      %dma_start3A_1079 = arith.constant 0 : i32
      %dma_start3A_1080 = tpu.memref_slice %arg9[%dma_start3A_1076, %dma_start3A_1078, %dma_start3A_1079] : memref<4x64x128xf32, #tpu.memory_space<vmem>> -> memref<1x64x128xf32, #tpu.memory_space<vmem>>
      %dma_start3A_1081 = tpu.memref_squeeze %dma_start3A_1080 : memref<1x64x128xf32, #tpu.memory_space<vmem>> -> memref<64x128xf32, #tpu.memory_space<vmem>>
      %dma_start3A_1082 = arith.constant 0 : i32
      %dma_start3A_1083 = tpu.memref_slice %arg8[%add3A_1075, %dma_start3A_1082] : memref<40x64xi32, #tpu.memory_space<vmem>> -> memref<1x64xi32, #tpu.memory_space<vmem>>
      %dma_start3A_1084 = tpu.memref_squeeze %dma_start3A_1083 : memref<1x64xi32, #tpu.memory_space<vmem>> -> memref<64xi32, #tpu.memory_space<vmem>>
      %dma_start3A_1085 = arith.constant 0 : i32
      %dma_start3A_1086 = arith.constant 0 : i32
      %dma_start3A_1087 = tpu.memref_slice %arg10[%dma_start3A_1085, %dma_start3A_1086] : memref<10112x128xf32, #tpu.memory_space<vmem_shared>> -> memref<10112x128xf32, #tpu.memory_space<vmem_shared>>
      %dma_start3A_1088 = tpu.memref_slice %arg12[%dma_start3A_1077] : memref<4x!tpu.dma_semaphore, #tpu.memory_space<semaphore_mem>> -> memref<1x!tpu.dma_semaphore, #tpu.memory_space<semaphore_mem>>
      %dma_start3A_1089 = tpu.memref_squeeze %dma_start3A_1088 : memref<1x!tpu.dma_semaphore, #tpu.memory_space<semaphore_mem>> -> memref<!tpu.dma_semaphore, #tpu.memory_space<semaphore_mem>>
      tpu.enqueue_indirect_dma source(%dma_start3A_1081 : memref<64x128xf32, #tpu.memory_space<vmem>>) target(%dma_start3A_1087 : memref<10112x128xf32, #tpu.memory_space<vmem_shared>>) offsets(%dma_start3A_1084 : memref<64xi32, #tpu.memory_space<vmem>>) semaphore(%dma_start3A_1089 : memref<!tpu.dma_semaphore, #tpu.memory_space<semaphore_mem>>) {add = true}
      %dma_wait3A_1090 = arith.constant 0 : i32
      %dma_wait3A_1091 = arith.constant 2 : i32
      %dma_wait3A_1092 = arith.constant 2 : i32
      %dma_wait3A_1093 = arith.constant 0 : i32
      %dma_wait3A_1094 = arith.constant 0 : i32
      %dma_wait3A_1095 = tpu.memref_slice %arg9[%dma_wait3A_1091, %dma_wait3A_1093, %dma_wait3A_1094] : memref<4x64x128xf32, #tpu.memory_space<vmem>> -> memref<1x64x128xf32, #tpu.memory_space<vmem>>
      %dma_wait3A_1096 = tpu.memref_squeeze %dma_wait3A_1095 : memref<1x64x128xf32, #tpu.memory_space<vmem>> -> memref<64x128xf32, #tpu.memory_space<vmem>>
      %dma_wait3A_1097 = arith.constant 0 : i32
      %dma_wait3A_1098 = tpu.memref_slice %arg7[%dma_wait3A_1090, %dma_wait3A_1097] : memref<40x64xi32, #tpu.memory_space<vmem>> -> memref<1x64xi32, #tpu.memory_space<vmem>>
      %dma_wait3A_1099 = tpu.memref_squeeze %dma_wait3A_1098 : memref<1x64xi32, #tpu.memory_space<vmem>> -> memref<64xi32, #tpu.memory_space<vmem>>
      %dma_wait3A_1100 = arith.constant 0 : i32
      %dma_wait3A_1101 = arith.constant 0 : i32
      %dma_wait3A_1102 = tpu.memref_slice %arg2[%dma_wait3A_1100, %dma_wait3A_1101] : memref<10000x128xf32, #tpu.memory_space<hbm>> -> memref<10000x128xf32, #tpu.memory_space<hbm>>
      %dma_wait3A_1103 = tpu.memref_slice %arg11[%dma_wait3A_1092] : memref<4x!tpu.dma_semaphore, #tpu.memory_space<semaphore_mem>> -> memref<1x!tpu.dma_semaphore, #tpu.memory_space<semaphore_mem>>
      %dma_wait3A_1104 = tpu.memref_squeeze %dma_wait3A_1103 : memref<1x!tpu.dma_semaphore, #tpu.memory_space<semaphore_mem>> -> memref<!tpu.dma_semaphore, #tpu.memory_space<semaphore_mem>>
      tpu.wait_indirect_dma semaphore(%dma_wait3A_1104 : memref<!tpu.dma_semaphore, #tpu.memory_space<semaphore_mem>>) src(%dma_wait3A_1102 : memref<10000x128xf32, #tpu.memory_space<hbm>>) dst(%dma_wait3A_1096 : memref<64x128xf32, #tpu.memory_space<vmem>>)
      %mul3A_1105 = arith.constant 4 : i32
      %mul3A_1106 = arith.muli %add3A_1023, %mul3A_1105 : i32
      %add3A_1107 = arith.constant 2 : i32
      %add3A_1108 = arith.addi %mul3A_1106, %add3A_1107 : i32
      %dma_start3A_1109 = arith.constant 2 : i32
      %dma_start3A_1110 = arith.constant 2 : i32
      %dma_start3A_1111 = arith.constant 0 : i32
      %dma_start3A_1112 = arith.constant 0 : i32
      %dma_start3A_1113 = tpu.memref_slice %arg9[%dma_start3A_1109, %dma_start3A_1111, %dma_start3A_1112] : memref<4x64x128xf32, #tpu.memory_space<vmem>> -> memref<1x64x128xf32, #tpu.memory_space<vmem>>
      %dma_start3A_1114 = tpu.memref_squeeze %dma_start3A_1113 : memref<1x64x128xf32, #tpu.memory_space<vmem>> -> memref<64x128xf32, #tpu.memory_space<vmem>>
      %dma_start3A_1115 = arith.constant 0 : i32
      %dma_start3A_1116 = tpu.memref_slice %arg8[%add3A_1108, %dma_start3A_1115] : memref<40x64xi32, #tpu.memory_space<vmem>> -> memref<1x64xi32, #tpu.memory_space<vmem>>
      %dma_start3A_1117 = tpu.memref_squeeze %dma_start3A_1116 : memref<1x64xi32, #tpu.memory_space<vmem>> -> memref<64xi32, #tpu.memory_space<vmem>>
      %dma_start3A_1118 = arith.constant 0 : i32
      %dma_start3A_1119 = arith.constant 0 : i32
      %dma_start3A_1120 = tpu.memref_slice %arg10[%dma_start3A_1118, %dma_start3A_1119] : memref<10112x128xf32, #tpu.memory_space<vmem_shared>> -> memref<10112x128xf32, #tpu.memory_space<vmem_shared>>
      %dma_start3A_1121 = tpu.memref_slice %arg12[%dma_start3A_1110] : memref<4x!tpu.dma_semaphore, #tpu.memory_space<semaphore_mem>> -> memref<1x!tpu.dma_semaphore, #tpu.memory_space<semaphore_mem>>
      %dma_start3A_1122 = tpu.memref_squeeze %dma_start3A_1121 : memref<1x!tpu.dma_semaphore, #tpu.memory_space<semaphore_mem>> -> memref<!tpu.dma_semaphore, #tpu.memory_space<semaphore_mem>>
      tpu.enqueue_indirect_dma source(%dma_start3A_1114 : memref<64x128xf32, #tpu.memory_space<vmem>>) target(%dma_start3A_1120 : memref<10112x128xf32, #tpu.memory_space<vmem_shared>>) offsets(%dma_start3A_1117 : memref<64xi32, #tpu.memory_space<vmem>>) semaphore(%dma_start3A_1122 : memref<!tpu.dma_semaphore, #tpu.memory_space<semaphore_mem>>) {add = true}
      %dma_wait3A_1123 = arith.constant 0 : i32
      %dma_wait3A_1124 = arith.constant 3 : i32
      %dma_wait3A_1125 = arith.constant 3 : i32
      %dma_wait3A_1126 = arith.constant 0 : i32
      %dma_wait3A_1127 = arith.constant 0 : i32
      %dma_wait3A_1128 = tpu.memref_slice %arg9[%dma_wait3A_1124, %dma_wait3A_1126, %dma_wait3A_1127] : memref<4x64x128xf32, #tpu.memory_space<vmem>> -> memref<1x64x128xf32, #tpu.memory_space<vmem>>
      %dma_wait3A_1129 = tpu.memref_squeeze %dma_wait3A_1128 : memref<1x64x128xf32, #tpu.memory_space<vmem>> -> memref<64x128xf32, #tpu.memory_space<vmem>>
      %dma_wait3A_1130 = arith.constant 0 : i32
      %dma_wait3A_1131 = tpu.memref_slice %arg7[%dma_wait3A_1123, %dma_wait3A_1130] : memref<40x64xi32, #tpu.memory_space<vmem>> -> memref<1x64xi32, #tpu.memory_space<vmem>>
      %dma_wait3A_1132 = tpu.memref_squeeze %dma_wait3A_1131 : memref<1x64xi32, #tpu.memory_space<vmem>> -> memref<64xi32, #tpu.memory_space<vmem>>
      %dma_wait3A_1133 = arith.constant 0 : i32
      %dma_wait3A_1134 = arith.constant 0 : i32
      %dma_wait3A_1135 = tpu.memref_slice %arg2[%dma_wait3A_1133, %dma_wait3A_1134] : memref<10000x128xf32, #tpu.memory_space<hbm>> -> memref<10000x128xf32, #tpu.memory_space<hbm>>
      %dma_wait3A_1136 = tpu.memref_slice %arg11[%dma_wait3A_1125] : memref<4x!tpu.dma_semaphore, #tpu.memory_space<semaphore_mem>> -> memref<1x!tpu.dma_semaphore, #tpu.memory_space<semaphore_mem>>
      %dma_wait3A_1137 = tpu.memref_squeeze %dma_wait3A_1136 : memref<1x!tpu.dma_semaphore, #tpu.memory_space<semaphore_mem>> -> memref<!tpu.dma_semaphore, #tpu.memory_space<semaphore_mem>>
      tpu.wait_indirect_dma semaphore(%dma_wait3A_1137 : memref<!tpu.dma_semaphore, #tpu.memory_space<semaphore_mem>>) src(%dma_wait3A_1135 : memref<10000x128xf32, #tpu.memory_space<hbm>>) dst(%dma_wait3A_1129 : memref<64x128xf32, #tpu.memory_space<vmem>>)
      %mul3A_1138 = arith.constant 4 : i32
      %mul3A_1139 = arith.muli %add3A_1023, %mul3A_1138 : i32
      %add3A_1140 = arith.constant 3 : i32
      %add3A_1141 = arith.addi %mul3A_1139, %add3A_1140 : i32
      %dma_start3A_1142 = arith.constant 3 : i32
      %dma_start3A_1143 = arith.constant 3 : i32
      %dma_start3A_1144 = arith.constant 0 : i32
      %dma_start3A_1145 = arith.constant 0 : i32
      %dma_start3A_1146 = tpu.memref_slice %arg9[%dma_start3A_1142, %dma_start3A_1144, %dma_start3A_1145] : memref<4x64x128xf32, #tpu.memory_space<vmem>> -> memref<1x64x128xf32, #tpu.memory_space<vmem>>
      %dma_start3A_1147 = tpu.memref_squeeze %dma_start3A_1146 : memref<1x64x128xf32, #tpu.memory_space<vmem>> -> memref<64x128xf32, #tpu.memory_space<vmem>>
      %dma_start3A_1148 = arith.constant 0 : i32
      %dma_start3A_1149 = tpu.memref_slice %arg8[%add3A_1141, %dma_start3A_1148] : memref<40x64xi32, #tpu.memory_space<vmem>> -> memref<1x64xi32, #tpu.memory_space<vmem>>
      %dma_start3A_1150 = tpu.memref_squeeze %dma_start3A_1149 : memref<1x64xi32, #tpu.memory_space<vmem>> -> memref<64xi32, #tpu.memory_space<vmem>>
      %dma_start3A_1151 = arith.constant 0 : i32
      %dma_start3A_1152 = arith.constant 0 : i32
      %dma_start3A_1153 = tpu.memref_slice %arg10[%dma_start3A_1151, %dma_start3A_1152] : memref<10112x128xf32, #tpu.memory_space<vmem_shared>> -> memref<10112x128xf32, #tpu.memory_space<vmem_shared>>
      %dma_start3A_1154 = tpu.memref_slice %arg12[%dma_start3A_1143] : memref<4x!tpu.dma_semaphore, #tpu.memory_space<semaphore_mem>> -> memref<1x!tpu.dma_semaphore, #tpu.memory_space<semaphore_mem>>
      %dma_start3A_1155 = tpu.memref_squeeze %dma_start3A_1154 : memref<1x!tpu.dma_semaphore, #tpu.memory_space<semaphore_mem>> -> memref<!tpu.dma_semaphore, #tpu.memory_space<semaphore_mem>>
      tpu.enqueue_indirect_dma source(%dma_start3A_1147 : memref<64x128xf32, #tpu.memory_space<vmem>>) target(%dma_start3A_1153 : memref<10112x128xf32, #tpu.memory_space<vmem_shared>>) offsets(%dma_start3A_1150 : memref<64xi32, #tpu.memory_space<vmem>>) semaphore(%dma_start3A_1155 : memref<!tpu.dma_semaphore, #tpu.memory_space<semaphore_mem>>) {add = true}
      %dma_wait3A_1156 = arith.constant 0 : i32
      %dma_wait3A_1157 = arith.constant 0 : i32
      %dma_wait3A_1158 = arith.constant 0 : i32
      %dma_wait3A_1159 = arith.constant 0 : i32
      %dma_wait3A_1160 = arith.constant 0 : i32
      %dma_wait3A_1161 = tpu.memref_slice %arg9[%dma_wait3A_1156, %dma_wait3A_1159, %dma_wait3A_1160] : memref<4x64x128xf32, #tpu.memory_space<vmem>> -> memref<1x64x128xf32, #tpu.memory_space<vmem>>
      %dma_wait3A_1162 = tpu.memref_squeeze %dma_wait3A_1161 : memref<1x64x128xf32, #tpu.memory_space<vmem>> -> memref<64x128xf32, #tpu.memory_space<vmem>>
      %dma_wait3A_1163 = arith.constant 0 : i32
      %dma_wait3A_1164 = tpu.memref_slice %arg8[%dma_wait3A_1157, %dma_wait3A_1163] : memref<40x64xi32, #tpu.memory_space<vmem>> -> memref<1x64xi32, #tpu.memory_space<vmem>>
      %dma_wait3A_1165 = tpu.memref_squeeze %dma_wait3A_1164 : memref<1x64xi32, #tpu.memory_space<vmem>> -> memref<64xi32, #tpu.memory_space<vmem>>
      %dma_wait3A_1166 = arith.constant 0 : i32
      %dma_wait3A_1167 = arith.constant 0 : i32
      %dma_wait3A_1168 = tpu.memref_slice %arg10[%dma_wait3A_1166, %dma_wait3A_1167] : memref<10112x128xf32, #tpu.memory_space<vmem_shared>> -> memref<10112x128xf32, #tpu.memory_space<vmem_shared>>
      %dma_wait3A_1169 = tpu.memref_slice %arg12[%dma_wait3A_1158] : memref<4x!tpu.dma_semaphore, #tpu.memory_space<semaphore_mem>> -> memref<1x!tpu.dma_semaphore, #tpu.memory_space<semaphore_mem>>
      %dma_wait3A_1170 = tpu.memref_squeeze %dma_wait3A_1169 : memref<1x!tpu.dma_semaphore, #tpu.memory_space<semaphore_mem>> -> memref<!tpu.dma_semaphore, #tpu.memory_space<semaphore_mem>>
      tpu.wait_indirect_dma semaphore(%dma_wait3A_1170 : memref<!tpu.dma_semaphore, #tpu.memory_space<semaphore_mem>>) src(%dma_wait3A_1162 : memref<64x128xf32, #tpu.memory_space<vmem>>) dst(%dma_wait3A_1168 : memref<10112x128xf32, #tpu.memory_space<vmem_shared>>)
      %add3A_1171 = arith.constant 1 : i32
      %add3A_1172 = arith.addi %add3A_1023, %add3A_1171 : i32
      %mul3A_1173 = arith.constant 4 : i32
      %mul3A_1174 = arith.muli %add3A_1172, %mul3A_1173 : i32
      %add3A_1175 = arith.constant 0 : i32
      %add3A_1176 = arith.addi %mul3A_1174, %add3A_1175 : i32
      %dma_start3A_1177 = arith.constant 0 : i32
      %dma_start3A_1178 = arith.constant 0 : i32
      %dma_start3A_1179 = arith.constant 0 : i32
      %dma_start3A_1180 = arith.constant 0 : i32
      %dma_start3A_1181 = tpu.memref_slice %arg9[%dma_start3A_1177, %dma_start3A_1179, %dma_start3A_1180] : memref<4x64x128xf32, #tpu.memory_space<vmem>> -> memref<1x64x128xf32, #tpu.memory_space<vmem>>
      %dma_start3A_1182 = tpu.memref_squeeze %dma_start3A_1181 : memref<1x64x128xf32, #tpu.memory_space<vmem>> -> memref<64x128xf32, #tpu.memory_space<vmem>>
      %dma_start3A_1183 = arith.constant 0 : i32
      %dma_start3A_1184 = tpu.memref_slice %arg7[%add3A_1176, %dma_start3A_1183] : memref<40x64xi32, #tpu.memory_space<vmem>> -> memref<1x64xi32, #tpu.memory_space<vmem>>
      %dma_start3A_1185 = tpu.memref_squeeze %dma_start3A_1184 : memref<1x64xi32, #tpu.memory_space<vmem>> -> memref<64xi32, #tpu.memory_space<vmem>>
      %dma_start3A_1186 = arith.constant 0 : i32
      %dma_start3A_1187 = arith.constant 0 : i32
      %dma_start3A_1188 = tpu.memref_slice %arg2[%dma_start3A_1186, %dma_start3A_1187] : memref<10000x128xf32, #tpu.memory_space<hbm>> -> memref<10000x128xf32, #tpu.memory_space<hbm>>
      %dma_start3A_1189 = tpu.memref_slice %arg11[%dma_start3A_1178] : memref<4x!tpu.dma_semaphore, #tpu.memory_space<semaphore_mem>> -> memref<1x!tpu.dma_semaphore, #tpu.memory_space<semaphore_mem>>
      %dma_start3A_1190 = tpu.memref_squeeze %dma_start3A_1189 : memref<1x!tpu.dma_semaphore, #tpu.memory_space<semaphore_mem>> -> memref<!tpu.dma_semaphore, #tpu.memory_space<semaphore_mem>>
      tpu.enqueue_indirect_dma source(%dma_start3A_1188 : memref<10000x128xf32, #tpu.memory_space<hbm>>) target(%dma_start3A_1182 : memref<64x128xf32, #tpu.memory_space<vmem>>) offsets(%dma_start3A_1185 : memref<64xi32, #tpu.memory_space<vmem>>) semaphore(%dma_start3A_1190 : memref<!tpu.dma_semaphore, #tpu.memory_space<semaphore_mem>>)
      %dma_wait3A_1191 = arith.constant 1 : i32
      %dma_wait3A_1192 = arith.constant 0 : i32
      %dma_wait3A_1193 = arith.constant 1 : i32
      %dma_wait3A_1194 = arith.constant 0 : i32
      %dma_wait3A_1195 = arith.constant 0 : i32
      %dma_wait3A_1196 = tpu.memref_slice %arg9[%dma_wait3A_1191, %dma_wait3A_1194, %dma_wait3A_1195] : memref<4x64x128xf32, #tpu.memory_space<vmem>> -> memref<1x64x128xf32, #tpu.memory_space<vmem>>
      %dma_wait3A_1197 = tpu.memref_squeeze %dma_wait3A_1196 : memref<1x64x128xf32, #tpu.memory_space<vmem>> -> memref<64x128xf32, #tpu.memory_space<vmem>>
      %dma_wait3A_1198 = arith.constant 0 : i32
      %dma_wait3A_1199 = tpu.memref_slice %arg8[%dma_wait3A_1192, %dma_wait3A_1198] : memref<40x64xi32, #tpu.memory_space<vmem>> -> memref<1x64xi32, #tpu.memory_space<vmem>>
      %dma_wait3A_1200 = tpu.memref_squeeze %dma_wait3A_1199 : memref<1x64xi32, #tpu.memory_space<vmem>> -> memref<64xi32, #tpu.memory_space<vmem>>
      %dma_wait3A_1201 = arith.constant 0 : i32
      %dma_wait3A_1202 = arith.constant 0 : i32
      %dma_wait3A_1203 = tpu.memref_slice %arg10[%dma_wait3A_1201, %dma_wait3A_1202] : memref<10112x128xf32, #tpu.memory_space<vmem_shared>> -> memref<10112x128xf32, #tpu.memory_space<vmem_shared>>
      %dma_wait3A_1204 = tpu.memref_slice %arg12[%dma_wait3A_1193] : memref<4x!tpu.dma_semaphore, #tpu.memory_space<semaphore_mem>> -> memref<1x!tpu.dma_semaphore, #tpu.memory_space<semaphore_mem>>
      %dma_wait3A_1205 = tpu.memref_squeeze %dma_wait3A_1204 : memref<1x!tpu.dma_semaphore, #tpu.memory_space<semaphore_mem>> -> memref<!tpu.dma_semaphore, #tpu.memory_space<semaphore_mem>>
      tpu.wait_indirect_dma semaphore(%dma_wait3A_1205 : memref<!tpu.dma_semaphore, #tpu.memory_space<semaphore_mem>>) src(%dma_wait3A_1197 : memref<64x128xf32, #tpu.memory_space<vmem>>) dst(%dma_wait3A_1203 : memref<10112x128xf32, #tpu.memory_space<vmem_shared>>)
      %add3A_1206 = arith.constant 1 : i32
      %add3A_1207 = arith.addi %add3A_1023, %add3A_1206 : i32
      %mul3A_1208 = arith.constant 4 : i32
      %mul3A_1209 = arith.muli %add3A_1207, %mul3A_1208 : i32
      %add3A_1210 = arith.constant 1 : i32
      %add3A_1211 = arith.addi %mul3A_1209, %add3A_1210 : i32
      %dma_start3A_1212 = arith.constant 1 : i32
      %dma_start3A_1213 = arith.constant 1 : i32
      %dma_start3A_1214 = arith.constant 0 : i32
      %dma_start3A_1215 = arith.constant 0 : i32
      %dma_start3A_1216 = tpu.memref_slice %arg9[%dma_start3A_1212, %dma_start3A_1214, %dma_start3A_1215] : memref<4x64x128xf32, #tpu.memory_space<vmem>> -> memref<1x64x128xf32, #tpu.memory_space<vmem>>
      %dma_start3A_1217 = tpu.memref_squeeze %dma_start3A_1216 : memref<1x64x128xf32, #tpu.memory_space<vmem>> -> memref<64x128xf32, #tpu.memory_space<vmem>>
      %dma_start3A_1218 = arith.constant 0 : i32
      %dma_start3A_1219 = tpu.memref_slice %arg7[%add3A_1211, %dma_start3A_1218] : memref<40x64xi32, #tpu.memory_space<vmem>> -> memref<1x64xi32, #tpu.memory_space<vmem>>
      %dma_start3A_1220 = tpu.memref_squeeze %dma_start3A_1219 : memref<1x64xi32, #tpu.memory_space<vmem>> -> memref<64xi32, #tpu.memory_space<vmem>>
      %dma_start3A_1221 = arith.constant 0 : i32
      %dma_start3A_1222 = arith.constant 0 : i32
      %dma_start3A_1223 = tpu.memref_slice %arg2[%dma_start3A_1221, %dma_start3A_1222] : memref<10000x128xf32, #tpu.memory_space<hbm>> -> memref<10000x128xf32, #tpu.memory_space<hbm>>
      %dma_start3A_1224 = tpu.memref_slice %arg11[%dma_start3A_1213] : memref<4x!tpu.dma_semaphore, #tpu.memory_space<semaphore_mem>> -> memref<1x!tpu.dma_semaphore, #tpu.memory_space<semaphore_mem>>
      %dma_start3A_1225 = tpu.memref_squeeze %dma_start3A_1224 : memref<1x!tpu.dma_semaphore, #tpu.memory_space<semaphore_mem>> -> memref<!tpu.dma_semaphore, #tpu.memory_space<semaphore_mem>>
      tpu.enqueue_indirect_dma source(%dma_start3A_1223 : memref<10000x128xf32, #tpu.memory_space<hbm>>) target(%dma_start3A_1217 : memref<64x128xf32, #tpu.memory_space<vmem>>) offsets(%dma_start3A_1220 : memref<64xi32, #tpu.memory_space<vmem>>) semaphore(%dma_start3A_1225 : memref<!tpu.dma_semaphore, #tpu.memory_space<semaphore_mem>>)
      %dma_wait3A_1226 = arith.constant 2 : i32
      %dma_wait3A_1227 = arith.constant 0 : i32
      %dma_wait3A_1228 = arith.constant 2 : i32
      %dma_wait3A_1229 = arith.constant 0 : i32
      %dma_wait3A_1230 = arith.constant 0 : i32
      %dma_wait3A_1231 = tpu.memref_slice %arg9[%dma_wait3A_1226, %dma_wait3A_1229, %dma_wait3A_1230] : memref<4x64x128xf32, #tpu.memory_space<vmem>> -> memref<1x64x128xf32, #tpu.memory_space<vmem>>
      %dma_wait3A_1232 = tpu.memref_squeeze %dma_wait3A_1231 : memref<1x64x128xf32, #tpu.memory_space<vmem>> -> memref<64x128xf32, #tpu.memory_space<vmem>>
      %dma_wait3A_1233 = arith.constant 0 : i32
      %dma_wait3A_1234 = tpu.memref_slice %arg8[%dma_wait3A_1227, %dma_wait3A_1233] : memref<40x64xi32, #tpu.memory_space<vmem>> -> memref<1x64xi32, #tpu.memory_space<vmem>>
      %dma_wait3A_1235 = tpu.memref_squeeze %dma_wait3A_1234 : memref<1x64xi32, #tpu.memory_space<vmem>> -> memref<64xi32, #tpu.memory_space<vmem>>
      %dma_wait3A_1236 = arith.constant 0 : i32
      %dma_wait3A_1237 = arith.constant 0 : i32
      %dma_wait3A_1238 = tpu.memref_slice %arg10[%dma_wait3A_1236, %dma_wait3A_1237] : memref<10112x128xf32, #tpu.memory_space<vmem_shared>> -> memref<10112x128xf32, #tpu.memory_space<vmem_shared>>
      %dma_wait3A_1239 = tpu.memref_slice %arg12[%dma_wait3A_1228] : memref<4x!tpu.dma_semaphore, #tpu.memory_space<semaphore_mem>> -> memref<1x!tpu.dma_semaphore, #tpu.memory_space<semaphore_mem>>
      %dma_wait3A_1240 = tpu.memref_squeeze %dma_wait3A_1239 : memref<1x!tpu.dma_semaphore, #tpu.memory_space<semaphore_mem>> -> memref<!tpu.dma_semaphore, #tpu.memory_space<semaphore_mem>>
      tpu.wait_indirect_dma semaphore(%dma_wait3A_1240 : memref<!tpu.dma_semaphore, #tpu.memory_space<semaphore_mem>>) src(%dma_wait3A_1232 : memref<64x128xf32, #tpu.memory_space<vmem>>) dst(%dma_wait3A_1238 : memref<10112x128xf32, #tpu.memory_space<vmem_shared>>)
      %add3A_1241 = arith.constant 1 : i32
      %add3A_1242 = arith.addi %add3A_1023, %add3A_1241 : i32
      %mul3A_1243 = arith.constant 4 : i32
      %mul3A_1244 = arith.muli %add3A_1242, %mul3A_1243 : i32
      %add3A_1245 = arith.constant 2 : i32
      %add3A_1246 = arith.addi %mul3A_1244, %add3A_1245 : i32
      %dma_start3A_1247 = arith.constant 2 : i32
      %dma_start3A_1248 = arith.constant 2 : i32
      %dma_start3A_1249 = arith.constant 0 : i32
      %dma_start3A_1250 = arith.constant 0 : i32
      %dma_start3A_1251 = tpu.memref_slice %arg9[%dma_start3A_1247, %dma_start3A_1249, %dma_start3A_1250] : memref<4x64x128xf32, #tpu.memory_space<vmem>> -> memref<1x64x128xf32, #tpu.memory_space<vmem>>
      %dma_start3A_1252 = tpu.memref_squeeze %dma_start3A_1251 : memref<1x64x128xf32, #tpu.memory_space<vmem>> -> memref<64x128xf32, #tpu.memory_space<vmem>>
      %dma_start3A_1253 = arith.constant 0 : i32
      %dma_start3A_1254 = tpu.memref_slice %arg7[%add3A_1246, %dma_start3A_1253] : memref<40x64xi32, #tpu.memory_space<vmem>> -> memref<1x64xi32, #tpu.memory_space<vmem>>
      %dma_start3A_1255 = tpu.memref_squeeze %dma_start3A_1254 : memref<1x64xi32, #tpu.memory_space<vmem>> -> memref<64xi32, #tpu.memory_space<vmem>>
      %dma_start3A_1256 = arith.constant 0 : i32
      %dma_start3A_1257 = arith.constant 0 : i32
      %dma_start3A_1258 = tpu.memref_slice %arg2[%dma_start3A_1256, %dma_start3A_1257] : memref<10000x128xf32, #tpu.memory_space<hbm>> -> memref<10000x128xf32, #tpu.memory_space<hbm>>
      %dma_start3A_1259 = tpu.memref_slice %arg11[%dma_start3A_1248] : memref<4x!tpu.dma_semaphore, #tpu.memory_space<semaphore_mem>> -> memref<1x!tpu.dma_semaphore, #tpu.memory_space<semaphore_mem>>
      %dma_start3A_1260 = tpu.memref_squeeze %dma_start3A_1259 : memref<1x!tpu.dma_semaphore, #tpu.memory_space<semaphore_mem>> -> memref<!tpu.dma_semaphore, #tpu.memory_space<semaphore_mem>>
      tpu.enqueue_indirect_dma source(%dma_start3A_1258 : memref<10000x128xf32, #tpu.memory_space<hbm>>) target(%dma_start3A_1252 : memref<64x128xf32, #tpu.memory_space<vmem>>) offsets(%dma_start3A_1255 : memref<64xi32, #tpu.memory_space<vmem>>) semaphore(%dma_start3A_1260 : memref<!tpu.dma_semaphore, #tpu.memory_space<semaphore_mem>>)
      %dma_wait3A_1261 = arith.constant 3 : i32
      %dma_wait3A_1262 = arith.constant 0 : i32
      %dma_wait3A_1263 = arith.constant 3 : i32
      %dma_wait3A_1264 = arith.constant 0 : i32
      %dma_wait3A_1265 = arith.constant 0 : i32
      %dma_wait3A_1266 = tpu.memref_slice %arg9[%dma_wait3A_1261, %dma_wait3A_1264, %dma_wait3A_1265] : memref<4x64x128xf32, #tpu.memory_space<vmem>> -> memref<1x64x128xf32, #tpu.memory_space<vmem>>
      %dma_wait3A_1267 = tpu.memref_squeeze %dma_wait3A_1266 : memref<1x64x128xf32, #tpu.memory_space<vmem>> -> memref<64x128xf32, #tpu.memory_space<vmem>>
      %dma_wait3A_1268 = arith.constant 0 : i32
      %dma_wait3A_1269 = tpu.memref_slice %arg8[%dma_wait3A_1262, %dma_wait3A_1268] : memref<40x64xi32, #tpu.memory_space<vmem>> -> memref<1x64xi32, #tpu.memory_space<vmem>>
      %dma_wait3A_1270 = tpu.memref_squeeze %dma_wait3A_1269 : memref<1x64xi32, #tpu.memory_space<vmem>> -> memref<64xi32, #tpu.memory_space<vmem>>
      %dma_wait3A_1271 = arith.constant 0 : i32
      %dma_wait3A_1272 = arith.constant 0 : i32
      %dma_wait3A_1273 = tpu.memref_slice %arg10[%dma_wait3A_1271, %dma_wait3A_1272] : memref<10112x128xf32, #tpu.memory_space<vmem_shared>> -> memref<10112x128xf32, #tpu.memory_space<vmem_shared>>
      %dma_wait3A_1274 = tpu.memref_slice %arg12[%dma_wait3A_1263] : memref<4x!tpu.dma_semaphore, #tpu.memory_space<semaphore_mem>> -> memref<1x!tpu.dma_semaphore, #tpu.memory_space<semaphore_mem>>
      %dma_wait3A_1275 = tpu.memref_squeeze %dma_wait3A_1274 : memref<1x!tpu.dma_semaphore, #tpu.memory_space<semaphore_mem>> -> memref<!tpu.dma_semaphore, #tpu.memory_space<semaphore_mem>>
      tpu.wait_indirect_dma semaphore(%dma_wait3A_1275 : memref<!tpu.dma_semaphore, #tpu.memory_space<semaphore_mem>>) src(%dma_wait3A_1267 : memref<64x128xf32, #tpu.memory_space<vmem>>) dst(%dma_wait3A_1273 : memref<10112x128xf32, #tpu.memory_space<vmem_shared>>)
      %add3A_1276 = arith.constant 1 : i32
      %add3A_1277 = arith.addi %add3A_1023, %add3A_1276 : i32
      %mul3A_1278 = arith.constant 4 : i32
      %mul3A_1279 = arith.muli %add3A_1277, %mul3A_1278 : i32
      %add3A_1280 = arith.constant 3 : i32
      %add3A_1281 = arith.addi %mul3A_1279, %add3A_1280 : i32
      %dma_start3A_1282 = arith.constant 3 : i32
      %dma_start3A_1283 = arith.constant 3 : i32
      %dma_start3A_1284 = arith.constant 0 : i32
      %dma_start3A_1285 = arith.constant 0 : i32
      %dma_start3A_1286 = tpu.memref_slice %arg9[%dma_start3A_1282, %dma_start3A_1284, %dma_start3A_1285] : memref<4x64x128xf32, #tpu.memory_space<vmem>> -> memref<1x64x128xf32, #tpu.memory_space<vmem>>
      %dma_start3A_1287 = tpu.memref_squeeze %dma_start3A_1286 : memref<1x64x128xf32, #tpu.memory_space<vmem>> -> memref<64x128xf32, #tpu.memory_space<vmem>>
      %dma_start3A_1288 = arith.constant 0 : i32
      %dma_start3A_1289 = tpu.memref_slice %arg7[%add3A_1281, %dma_start3A_1288] : memref<40x64xi32, #tpu.memory_space<vmem>> -> memref<1x64xi32, #tpu.memory_space<vmem>>
      %dma_start3A_1290 = tpu.memref_squeeze %dma_start3A_1289 : memref<1x64xi32, #tpu.memory_space<vmem>> -> memref<64xi32, #tpu.memory_space<vmem>>
      %dma_start3A_1291 = arith.constant 0 : i32
      %dma_start3A_1292 = arith.constant 0 : i32
      %dma_start3A_1293 = tpu.memref_slice %arg2[%dma_start3A_1291, %dma_start3A_1292] : memref<10000x128xf32, #tpu.memory_space<hbm>> -> memref<10000x128xf32, #tpu.memory_space<hbm>>
      %dma_start3A_1294 = tpu.memref_slice %arg11[%dma_start3A_1283] : memref<4x!tpu.dma_semaphore, #tpu.memory_space<semaphore_mem>> -> memref<1x!tpu.dma_semaphore, #tpu.memory_space<semaphore_mem>>
      %dma_start3A_1295 = tpu.memref_squeeze %dma_start3A_1294 : memref<1x!tpu.dma_semaphore, #tpu.memory_space<semaphore_mem>> -> memref<!tpu.dma_semaphore, #tpu.memory_space<semaphore_mem>>
      tpu.enqueue_indirect_dma source(%dma_start3A_1293 : memref<10000x128xf32, #tpu.memory_space<hbm>>) target(%dma_start3A_1287 : memref<64x128xf32, #tpu.memory_space<vmem>>) offsets(%dma_start3A_1290 : memref<64xi32, #tpu.memory_space<vmem>>) semaphore(%dma_start3A_1295 : memref<!tpu.dma_semaphore, #tpu.memory_space<semaphore_mem>>)
    }
    %scan3A_580 = arith.constant 9 : i32
    %dma_wait3A_581 = arith.constant 0 : i32
    %dma_wait3A_582 = arith.constant 0 : i32
    %dma_wait3A_583 = arith.constant 0 : i32
    %dma_wait3A_584 = arith.constant 0 : i32
    %dma_wait3A_585 = arith.constant 0 : i32
    %dma_wait3A_586 = tpu.memref_slice %arg9[%dma_wait3A_582, %dma_wait3A_584, %dma_wait3A_585] : memref<4x64x128xf32, #tpu.memory_space<vmem>> -> memref<1x64x128xf32, #tpu.memory_space<vmem>>
    %dma_wait3A_587 = tpu.memref_squeeze %dma_wait3A_586 : memref<1x64x128xf32, #tpu.memory_space<vmem>> -> memref<64x128xf32, #tpu.memory_space<vmem>>
    %dma_wait3A_588 = arith.constant 0 : i32
    %dma_wait3A_589 = tpu.memref_slice %arg7[%dma_wait3A_581, %dma_wait3A_588] : memref<40x64xi32, #tpu.memory_space<vmem>> -> memref<1x64xi32, #tpu.memory_space<vmem>>
    %dma_wait3A_590 = tpu.memref_squeeze %dma_wait3A_589 : memref<1x64xi32, #tpu.memory_space<vmem>> -> memref<64xi32, #tpu.memory_space<vmem>>
    %dma_wait3A_591 = arith.constant 0 : i32
    %dma_wait3A_592 = arith.constant 0 : i32
    %dma_wait3A_593 = tpu.memref_slice %arg2[%dma_wait3A_591, %dma_wait3A_592] : memref<10000x128xf32, #tpu.memory_space<hbm>> -> memref<10000x128xf32, #tpu.memory_space<hbm>>
    %dma_wait3A_594 = tpu.memref_slice %arg11[%dma_wait3A_583] : memref<4x!tpu.dma_semaphore, #tpu.memory_space<semaphore_mem>> -> memref<1x!tpu.dma_semaphore, #tpu.memory_space<semaphore_mem>>
    %dma_wait3A_595 = tpu.memref_squeeze %dma_wait3A_594 : memref<1x!tpu.dma_semaphore, #tpu.memory_space<semaphore_mem>> -> memref<!tpu.dma_semaphore, #tpu.memory_space<semaphore_mem>>
    tpu.wait_indirect_dma semaphore(%dma_wait3A_595 : memref<!tpu.dma_semaphore, #tpu.memory_space<semaphore_mem>>) src(%dma_wait3A_593 : memref<10000x128xf32, #tpu.memory_space<hbm>>) dst(%dma_wait3A_587 : memref<64x128xf32, #tpu.memory_space<vmem>>)
    %dma_start3A_596 = arith.constant 0 : i32
    %dma_start3A_597 = arith.constant 36 : i32
    %dma_start3A_598 = arith.constant 0 : i32
    %dma_start3A_599 = arith.constant 0 : i32
    %dma_start3A_600 = arith.constant 0 : i32
    %dma_start3A_601 = tpu.memref_slice %arg9[%dma_start3A_596, %dma_start3A_599, %dma_start3A_600] : memref<4x64x128xf32, #tpu.memory_space<vmem>> -> memref<1x64x128xf32, #tpu.memory_space<vmem>>
    %dma_start3A_602 = tpu.memref_squeeze %dma_start3A_601 : memref<1x64x128xf32, #tpu.memory_space<vmem>> -> memref<64x128xf32, #tpu.memory_space<vmem>>
    %dma_start3A_603 = arith.constant 0 : i32
    %dma_start3A_604 = tpu.memref_slice %arg8[%dma_start3A_597, %dma_start3A_603] : memref<40x64xi32, #tpu.memory_space<vmem>> -> memref<1x64xi32, #tpu.memory_space<vmem>>
    %dma_start3A_605 = tpu.memref_squeeze %dma_start3A_604 : memref<1x64xi32, #tpu.memory_space<vmem>> -> memref<64xi32, #tpu.memory_space<vmem>>
    %dma_start3A_606 = arith.constant 0 : i32
    %dma_start3A_607 = arith.constant 0 : i32
    %dma_start3A_608 = tpu.memref_slice %arg10[%dma_start3A_606, %dma_start3A_607] : memref<10112x128xf32, #tpu.memory_space<vmem_shared>> -> memref<10112x128xf32, #tpu.memory_space<vmem_shared>>
    %dma_start3A_609 = tpu.memref_slice %arg12[%dma_start3A_598] : memref<4x!tpu.dma_semaphore, #tpu.memory_space<semaphore_mem>> -> memref<1x!tpu.dma_semaphore, #tpu.memory_space<semaphore_mem>>
    %dma_start3A_610 = tpu.memref_squeeze %dma_start3A_609 : memref<1x!tpu.dma_semaphore, #tpu.memory_space<semaphore_mem>> -> memref<!tpu.dma_semaphore, #tpu.memory_space<semaphore_mem>>
    tpu.enqueue_indirect_dma source(%dma_start3A_602 : memref<64x128xf32, #tpu.memory_space<vmem>>) target(%dma_start3A_608 : memref<10112x128xf32, #tpu.memory_space<vmem_shared>>) offsets(%dma_start3A_605 : memref<64xi32, #tpu.memory_space<vmem>>) semaphore(%dma_start3A_610 : memref<!tpu.dma_semaphore, #tpu.memory_space<semaphore_mem>>) {add = true}
    %dma_wait3A_611 = arith.constant 0 : i32
    %dma_wait3A_612 = arith.constant 1 : i32
    %dma_wait3A_613 = arith.constant 1 : i32
    %dma_wait3A_614 = arith.constant 0 : i32
    %dma_wait3A_615 = arith.constant 0 : i32
    %dma_wait3A_616 = tpu.memref_slice %arg9[%dma_wait3A_612, %dma_wait3A_614, %dma_wait3A_615] : memref<4x64x128xf32, #tpu.memory_space<vmem>> -> memref<1x64x128xf32, #tpu.memory_space<vmem>>
    %dma_wait3A_617 = tpu.memref_squeeze %dma_wait3A_616 : memref<1x64x128xf32, #tpu.memory_space<vmem>> -> memref<64x128xf32, #tpu.memory_space<vmem>>
    %dma_wait3A_618 = arith.constant 0 : i32
    %dma_wait3A_619 = tpu.memref_slice %arg7[%dma_wait3A_611, %dma_wait3A_618] : memref<40x64xi32, #tpu.memory_space<vmem>> -> memref<1x64xi32, #tpu.memory_space<vmem>>
    %dma_wait3A_620 = tpu.memref_squeeze %dma_wait3A_619 : memref<1x64xi32, #tpu.memory_space<vmem>> -> memref<64xi32, #tpu.memory_space<vmem>>
    %dma_wait3A_621 = arith.constant 0 : i32
    %dma_wait3A_622 = arith.constant 0 : i32
    %dma_wait3A_623 = tpu.memref_slice %arg2[%dma_wait3A_621, %dma_wait3A_622] : memref<10000x128xf32, #tpu.memory_space<hbm>> -> memref<10000x128xf32, #tpu.memory_space<hbm>>
    %dma_wait3A_624 = tpu.memref_slice %arg11[%dma_wait3A_613] : memref<4x!tpu.dma_semaphore, #tpu.memory_space<semaphore_mem>> -> memref<1x!tpu.dma_semaphore, #tpu.memory_space<semaphore_mem>>
    %dma_wait3A_625 = tpu.memref_squeeze %dma_wait3A_624 : memref<1x!tpu.dma_semaphore, #tpu.memory_space<semaphore_mem>> -> memref<!tpu.dma_semaphore, #tpu.memory_space<semaphore_mem>>
    tpu.wait_indirect_dma semaphore(%dma_wait3A_625 : memref<!tpu.dma_semaphore, #tpu.memory_space<semaphore_mem>>) src(%dma_wait3A_623 : memref<10000x128xf32, #tpu.memory_space<hbm>>) dst(%dma_wait3A_617 : memref<64x128xf32, #tpu.memory_space<vmem>>)
    %dma_start3A_626 = arith.constant 1 : i32
    %dma_start3A_627 = arith.constant 37 : i32
    %dma_start3A_628 = arith.constant 1 : i32
    %dma_start3A_629 = arith.constant 0 : i32
    %dma_start3A_630 = arith.constant 0 : i32
    %dma_start3A_631 = tpu.memref_slice %arg9[%dma_start3A_626, %dma_start3A_629, %dma_start3A_630] : memref<4x64x128xf32, #tpu.memory_space<vmem>> -> memref<1x64x128xf32, #tpu.memory_space<vmem>>
    %dma_start3A_632 = tpu.memref_squeeze %dma_start3A_631 : memref<1x64x128xf32, #tpu.memory_space<vmem>> -> memref<64x128xf32, #tpu.memory_space<vmem>>
    %dma_start3A_633 = arith.constant 0 : i32
    %dma_start3A_634 = tpu.memref_slice %arg8[%dma_start3A_627, %dma_start3A_633] : memref<40x64xi32, #tpu.memory_space<vmem>> -> memref<1x64xi32, #tpu.memory_space<vmem>>
    %dma_start3A_635 = tpu.memref_squeeze %dma_start3A_634 : memref<1x64xi32, #tpu.memory_space<vmem>> -> memref<64xi32, #tpu.memory_space<vmem>>
    %dma_start3A_636 = arith.constant 0 : i32
    %dma_start3A_637 = arith.constant 0 : i32
    %dma_start3A_638 = tpu.memref_slice %arg10[%dma_start3A_636, %dma_start3A_637] : memref<10112x128xf32, #tpu.memory_space<vmem_shared>> -> memref<10112x128xf32, #tpu.memory_space<vmem_shared>>
    %dma_start3A_639 = tpu.memref_slice %arg12[%dma_start3A_628] : memref<4x!tpu.dma_semaphore, #tpu.memory_space<semaphore_mem>> -> memref<1x!tpu.dma_semaphore, #tpu.memory_space<semaphore_mem>>
    %dma_start3A_640 = tpu.memref_squeeze %dma_start3A_639 : memref<1x!tpu.dma_semaphore, #tpu.memory_space<semaphore_mem>> -> memref<!tpu.dma_semaphore, #tpu.memory_space<semaphore_mem>>
    tpu.enqueue_indirect_dma source(%dma_start3A_632 : memref<64x128xf32, #tpu.memory_space<vmem>>) target(%dma_start3A_638 : memref<10112x128xf32, #tpu.memory_space<vmem_shared>>) offsets(%dma_start3A_635 : memref<64xi32, #tpu.memory_space<vmem>>) semaphore(%dma_start3A_640 : memref<!tpu.dma_semaphore, #tpu.memory_space<semaphore_mem>>) {add = true}
    %dma_wait3A_641 = arith.constant 0 : i32
    %dma_wait3A_642 = arith.constant 2 : i32
    %dma_wait3A_643 = arith.constant 2 : i32
    %dma_wait3A_644 = arith.constant 0 : i32
    %dma_wait3A_645 = arith.constant 0 : i32
    %dma_wait3A_646 = tpu.memref_slice %arg9[%dma_wait3A_642, %dma_wait3A_644, %dma_wait3A_645] : memref<4x64x128xf32, #tpu.memory_space<vmem>> -> memref<1x64x128xf32, #tpu.memory_space<vmem>>
    %dma_wait3A_647 = tpu.memref_squeeze %dma_wait3A_646 : memref<1x64x128xf32, #tpu.memory_space<vmem>> -> memref<64x128xf32, #tpu.memory_space<vmem>>
    %dma_wait3A_648 = arith.constant 0 : i32
    %dma_wait3A_649 = tpu.memref_slice %arg7[%dma_wait3A_641, %dma_wait3A_648] : memref<40x64xi32, #tpu.memory_space<vmem>> -> memref<1x64xi32, #tpu.memory_space<vmem>>
    %dma_wait3A_650 = tpu.memref_squeeze %dma_wait3A_649 : memref<1x64xi32, #tpu.memory_space<vmem>> -> memref<64xi32, #tpu.memory_space<vmem>>
    %dma_wait3A_651 = arith.constant 0 : i32
    %dma_wait3A_652 = arith.constant 0 : i32
    %dma_wait3A_653 = tpu.memref_slice %arg2[%dma_wait3A_651, %dma_wait3A_652] : memref<10000x128xf32, #tpu.memory_space<hbm>> -> memref<10000x128xf32, #tpu.memory_space<hbm>>
    %dma_wait3A_654 = tpu.memref_slice %arg11[%dma_wait3A_643] : memref<4x!tpu.dma_semaphore, #tpu.memory_space<semaphore_mem>> -> memref<1x!tpu.dma_semaphore, #tpu.memory_space<semaphore_mem>>
    %dma_wait3A_655 = tpu.memref_squeeze %dma_wait3A_654 : memref<1x!tpu.dma_semaphore, #tpu.memory_space<semaphore_mem>> -> memref<!tpu.dma_semaphore, #tpu.memory_space<semaphore_mem>>
    tpu.wait_indirect_dma semaphore(%dma_wait3A_655 : memref<!tpu.dma_semaphore, #tpu.memory_space<semaphore_mem>>) src(%dma_wait3A_653 : memref<10000x128xf32, #tpu.memory_space<hbm>>) dst(%dma_wait3A_647 : memref<64x128xf32, #tpu.memory_space<vmem>>)
    %dma_start3A_656 = arith.constant 2 : i32
    %dma_start3A_657 = arith.constant 38 : i32
    %dma_start3A_658 = arith.constant 2 : i32
    %dma_start3A_659 = arith.constant 0 : i32
    %dma_start3A_660 = arith.constant 0 : i32
    %dma_start3A_661 = tpu.memref_slice %arg9[%dma_start3A_656, %dma_start3A_659, %dma_start3A_660] : memref<4x64x128xf32, #tpu.memory_space<vmem>> -> memref<1x64x128xf32, #tpu.memory_space<vmem>>
    %dma_start3A_662 = tpu.memref_squeeze %dma_start3A_661 : memref<1x64x128xf32, #tpu.memory_space<vmem>> -> memref<64x128xf32, #tpu.memory_space<vmem>>
    %dma_start3A_663 = arith.constant 0 : i32
    %dma_start3A_664 = tpu.memref_slice %arg8[%dma_start3A_657, %dma_start3A_663] : memref<40x64xi32, #tpu.memory_space<vmem>> -> memref<1x64xi32, #tpu.memory_space<vmem>>
    %dma_start3A_665 = tpu.memref_squeeze %dma_start3A_664 : memref<1x64xi32, #tpu.memory_space<vmem>> -> memref<64xi32, #tpu.memory_space<vmem>>
    %dma_start3A_666 = arith.constant 0 : i32
    %dma_start3A_667 = arith.constant 0 : i32
    %dma_start3A_668 = tpu.memref_slice %arg10[%dma_start3A_666, %dma_start3A_667] : memref<10112x128xf32, #tpu.memory_space<vmem_shared>> -> memref<10112x128xf32, #tpu.memory_space<vmem_shared>>
    %dma_start3A_669 = tpu.memref_slice %arg12[%dma_start3A_658] : memref<4x!tpu.dma_semaphore, #tpu.memory_space<semaphore_mem>> -> memref<1x!tpu.dma_semaphore, #tpu.memory_space<semaphore_mem>>
    %dma_start3A_670 = tpu.memref_squeeze %dma_start3A_669 : memref<1x!tpu.dma_semaphore, #tpu.memory_space<semaphore_mem>> -> memref<!tpu.dma_semaphore, #tpu.memory_space<semaphore_mem>>
    tpu.enqueue_indirect_dma source(%dma_start3A_662 : memref<64x128xf32, #tpu.memory_space<vmem>>) target(%dma_start3A_668 : memref<10112x128xf32, #tpu.memory_space<vmem_shared>>) offsets(%dma_start3A_665 : memref<64xi32, #tpu.memory_space<vmem>>) semaphore(%dma_start3A_670 : memref<!tpu.dma_semaphore, #tpu.memory_space<semaphore_mem>>) {add = true}
    %dma_wait3A_671 = arith.constant 0 : i32
    %dma_wait3A_672 = arith.constant 3 : i32
    %dma_wait3A_673 = arith.constant 3 : i32
    %dma_wait3A_674 = arith.constant 0 : i32
    %dma_wait3A_675 = arith.constant 0 : i32
    %dma_wait3A_676 = tpu.memref_slice %arg9[%dma_wait3A_672, %dma_wait3A_674, %dma_wait3A_675] : memref<4x64x128xf32, #tpu.memory_space<vmem>> -> memref<1x64x128xf32, #tpu.memory_space<vmem>>
    %dma_wait3A_677 = tpu.memref_squeeze %dma_wait3A_676 : memref<1x64x128xf32, #tpu.memory_space<vmem>> -> memref<64x128xf32, #tpu.memory_space<vmem>>
    %dma_wait3A_678 = arith.constant 0 : i32
    %dma_wait3A_679 = tpu.memref_slice %arg7[%dma_wait3A_671, %dma_wait3A_678] : memref<40x64xi32, #tpu.memory_space<vmem>> -> memref<1x64xi32, #tpu.memory_space<vmem>>
    %dma_wait3A_680 = tpu.memref_squeeze %dma_wait3A_679 : memref<1x64xi32, #tpu.memory_space<vmem>> -> memref<64xi32, #tpu.memory_space<vmem>>
    %dma_wait3A_681 = arith.constant 0 : i32
    %dma_wait3A_682 = arith.constant 0 : i32
    %dma_wait3A_683 = tpu.memref_slice %arg2[%dma_wait3A_681, %dma_wait3A_682] : memref<10000x128xf32, #tpu.memory_space<hbm>> -> memref<10000x128xf32, #tpu.memory_space<hbm>>
    %dma_wait3A_684 = tpu.memref_slice %arg11[%dma_wait3A_673] : memref<4x!tpu.dma_semaphore, #tpu.memory_space<semaphore_mem>> -> memref<1x!tpu.dma_semaphore, #tpu.memory_space<semaphore_mem>>
    %dma_wait3A_685 = tpu.memref_squeeze %dma_wait3A_684 : memref<1x!tpu.dma_semaphore, #tpu.memory_space<semaphore_mem>> -> memref<!tpu.dma_semaphore, #tpu.memory_space<semaphore_mem>>
    tpu.wait_indirect_dma semaphore(%dma_wait3A_685 : memref<!tpu.dma_semaphore, #tpu.memory_space<semaphore_mem>>) src(%dma_wait3A_683 : memref<10000x128xf32, #tpu.memory_space<hbm>>) dst(%dma_wait3A_677 : memref<64x128xf32, #tpu.memory_space<vmem>>)
    %dma_start3A_686 = arith.constant 3 : i32
    %dma_start3A_687 = arith.constant 39 : i32
    %dma_start3A_688 = arith.constant 3 : i32
    %dma_start3A_689 = arith.constant 0 : i32
    %dma_start3A_690 = arith.constant 0 : i32
    %dma_start3A_691 = tpu.memref_slice %arg9[%dma_start3A_686, %dma_start3A_689, %dma_start3A_690] : memref<4x64x128xf32, #tpu.memory_space<vmem>> -> memref<1x64x128xf32, #tpu.memory_space<vmem>>
    %dma_start3A_692 = tpu.memref_squeeze %dma_start3A_691 : memref<1x64x128xf32, #tpu.memory_space<vmem>> -> memref<64x128xf32, #tpu.memory_space<vmem>>
    %dma_start3A_693 = arith.constant 0 : i32
    %dma_start3A_694 = tpu.memref_slice %arg8[%dma_start3A_687, %dma_start3A_693] : memref<40x64xi32, #tpu.memory_space<vmem>> -> memref<1x64xi32, #tpu.memory_space<vmem>>
    %dma_start3A_695 = tpu.memref_squeeze %dma_start3A_694 : memref<1x64xi32, #tpu.memory_space<vmem>> -> memref<64xi32, #tpu.memory_space<vmem>>
    %dma_start3A_696 = arith.constant 0 : i32
    %dma_start3A_697 = arith.constant 0 : i32
    %dma_start3A_698 = tpu.memref_slice %arg10[%dma_start3A_696, %dma_start3A_697] : memref<10112x128xf32, #tpu.memory_space<vmem_shared>> -> memref<10112x128xf32, #tpu.memory_space<vmem_shared>>
    %dma_start3A_699 = tpu.memref_slice %arg12[%dma_start3A_688] : memref<4x!tpu.dma_semaphore, #tpu.memory_space<semaphore_mem>> -> memref<1x!tpu.dma_semaphore, #tpu.memory_space<semaphore_mem>>
    %dma_start3A_700 = tpu.memref_squeeze %dma_start3A_699 : memref<1x!tpu.dma_semaphore, #tpu.memory_space<semaphore_mem>> -> memref<!tpu.dma_semaphore, #tpu.memory_space<semaphore_mem>>
    tpu.enqueue_indirect_dma source(%dma_start3A_692 : memref<64x128xf32, #tpu.memory_space<vmem>>) target(%dma_start3A_698 : memref<10112x128xf32, #tpu.memory_space<vmem_shared>>) offsets(%dma_start3A_695 : memref<64xi32, #tpu.memory_space<vmem>>) semaphore(%dma_start3A_700 : memref<!tpu.dma_semaphore, #tpu.memory_space<semaphore_mem>>) {add = true}
    %dma_wait3A_701 = arith.constant 0 : i32
    %dma_wait3A_702 = arith.constant 0 : i32
    %dma_wait3A_703 = arith.constant 0 : i32
    %dma_wait3A_704 = arith.constant 0 : i32
    %dma_wait3A_705 = arith.constant 0 : i32
    %dma_wait3A_706 = tpu.memref_slice %arg9[%dma_wait3A_701, %dma_wait3A_704, %dma_wait3A_705] : memref<4x64x128xf32, #tpu.memory_space<vmem>> -> memref<1x64x128xf32, #tpu.memory_space<vmem>>
    %dma_wait3A_707 = tpu.memref_squeeze %dma_wait3A_706 : memref<1x64x128xf32, #tpu.memory_space<vmem>> -> memref<64x128xf32, #tpu.memory_space<vmem>>
    %dma_wait3A_708 = arith.constant 0 : i32
    %dma_wait3A_709 = tpu.memref_slice %arg8[%dma_wait3A_702, %dma_wait3A_708] : memref<40x64xi32, #tpu.memory_space<vmem>> -> memref<1x64xi32, #tpu.memory_space<vmem>>
    %dma_wait3A_710 = tpu.memref_squeeze %dma_wait3A_709 : memref<1x64xi32, #tpu.memory_space<vmem>> -> memref<64xi32, #tpu.memory_space<vmem>>
    %dma_wait3A_711 = arith.constant 0 : i32
    %dma_wait3A_712 = arith.constant 0 : i32
    %dma_wait3A_713 = tpu.memref_slice %arg10[%dma_wait3A_711, %dma_wait3A_712] : memref<10112x128xf32, #tpu.memory_space<vmem_shared>> -> memref<10112x128xf32, #tpu.memory_space<vmem_shared>>
    %dma_wait3A_714 = tpu.memref_slice %arg12[%dma_wait3A_703] : memref<4x!tpu.dma_semaphore, #tpu.memory_space<semaphore_mem>> -> memref<1x!tpu.dma_semaphore, #tpu.memory_space<semaphore_mem>>
    %dma_wait3A_715 = tpu.memref_squeeze %dma_wait3A_714 : memref<1x!tpu.dma_semaphore, #tpu.memory_space<semaphore_mem>> -> memref<!tpu.dma_semaphore, #tpu.memory_space<semaphore_mem>>
    tpu.wait_indirect_dma semaphore(%dma_wait3A_715 : memref<!tpu.dma_semaphore, #tpu.memory_space<semaphore_mem>>) src(%dma_wait3A_707 : memref<64x128xf32, #tpu.memory_space<vmem>>) dst(%dma_wait3A_713 : memref<10112x128xf32, #tpu.memory_space<vmem_shared>>)
    %dma_wait3A_716 = arith.constant 1 : i32
    %dma_wait3A_717 = arith.constant 0 : i32
    %dma_wait3A_718 = arith.constant 1 : i32
    %dma_wait3A_719 = arith.constant 0 : i32
    %dma_wait3A_720 = arith.constant 0 : i32
    %dma_wait3A_721 = tpu.memref_slice %arg9[%dma_wait3A_716, %dma_wait3A_719, %dma_wait3A_720] : memref<4x64x128xf32, #tpu.memory_space<vmem>> -> memref<1x64x128xf32, #tpu.memory_space<vmem>>
    %dma_wait3A_722 = tpu.memref_squeeze %dma_wait3A_721 : memref<1x64x128xf32, #tpu.memory_space<vmem>> -> memref<64x128xf32, #tpu.memory_space<vmem>>
    %dma_wait3A_723 = arith.constant 0 : i32
    %dma_wait3A_724 = tpu.memref_slice %arg8[%dma_wait3A_717, %dma_wait3A_723] : memref<40x64xi32, #tpu.memory_space<vmem>> -> memref<1x64xi32, #tpu.memory_space<vmem>>
    %dma_wait3A_725 = tpu.memref_squeeze %dma_wait3A_724 : memref<1x64xi32, #tpu.memory_space<vmem>> -> memref<64xi32, #tpu.memory_space<vmem>>
    %dma_wait3A_726 = arith.constant 0 : i32
    %dma_wait3A_727 = arith.constant 0 : i32
    %dma_wait3A_728 = tpu.memref_slice %arg10[%dma_wait3A_726, %dma_wait3A_727] : memref<10112x128xf32, #tpu.memory_space<vmem_shared>> -> memref<10112x128xf32, #tpu.memory_space<vmem_shared>>
    %dma_wait3A_729 = tpu.memref_slice %arg12[%dma_wait3A_718] : memref<4x!tpu.dma_semaphore, #tpu.memory_space<semaphore_mem>> -> memref<1x!tpu.dma_semaphore, #tpu.memory_space<semaphore_mem>>
    %dma_wait3A_730 = tpu.memref_squeeze %dma_wait3A_729 : memref<1x!tpu.dma_semaphore, #tpu.memory_space<semaphore_mem>> -> memref<!tpu.dma_semaphore, #tpu.memory_space<semaphore_mem>>
    tpu.wait_indirect_dma semaphore(%dma_wait3A_730 : memref<!tpu.dma_semaphore, #tpu.memory_space<semaphore_mem>>) src(%dma_wait3A_722 : memref<64x128xf32, #tpu.memory_space<vmem>>) dst(%dma_wait3A_728 : memref<10112x128xf32, #tpu.memory_space<vmem_shared>>)
    %dma_wait3A_731 = arith.constant 2 : i32
    %dma_wait3A_732 = arith.constant 0 : i32
    %dma_wait3A_733 = arith.constant 2 : i32
    %dma_wait3A_734 = arith.constant 0 : i32
    %dma_wait3A_735 = arith.constant 0 : i32
    %dma_wait3A_736 = tpu.memref_slice %arg9[%dma_wait3A_731, %dma_wait3A_734, %dma_wait3A_735] : memref<4x64x128xf32, #tpu.memory_space<vmem>> -> memref<1x64x128xf32, #tpu.memory_space<vmem>>
    %dma_wait3A_737 = tpu.memref_squeeze %dma_wait3A_736 : memref<1x64x128xf32, #tpu.memory_space<vmem>> -> memref<64x128xf32, #tpu.memory_space<vmem>>
    %dma_wait3A_738 = arith.constant 0 : i32
    %dma_wait3A_739 = tpu.memref_slice %arg8[%dma_wait3A_732, %dma_wait3A_738] : memref<40x64xi32, #tpu.memory_space<vmem>> -> memref<1x64xi32, #tpu.memory_space<vmem>>
    %dma_wait3A_740 = tpu.memref_squeeze %dma_wait3A_739 : memref<1x64xi32, #tpu.memory_space<vmem>> -> memref<64xi32, #tpu.memory_space<vmem>>
    %dma_wait3A_741 = arith.constant 0 : i32
    %dma_wait3A_742 = arith.constant 0 : i32
    %dma_wait3A_743 = tpu.memref_slice %arg10[%dma_wait3A_741, %dma_wait3A_742] : memref<10112x128xf32, #tpu.memory_space<vmem_shared>> -> memref<10112x128xf32, #tpu.memory_space<vmem_shared>>
    %dma_wait3A_744 = tpu.memref_slice %arg12[%dma_wait3A_733] : memref<4x!tpu.dma_semaphore, #tpu.memory_space<semaphore_mem>> -> memref<1x!tpu.dma_semaphore, #tpu.memory_space<semaphore_mem>>
    %dma_wait3A_745 = tpu.memref_squeeze %dma_wait3A_744 : memref<1x!tpu.dma_semaphore, #tpu.memory_space<semaphore_mem>> -> memref<!tpu.dma_semaphore, #tpu.memory_space<semaphore_mem>>
    tpu.wait_indirect_dma semaphore(%dma_wait3A_745 : memref<!tpu.dma_semaphore, #tpu.memory_space<semaphore_mem>>) src(%dma_wait3A_737 : memref<64x128xf32, #tpu.memory_space<vmem>>) dst(%dma_wait3A_743 : memref<10112x128xf32, #tpu.memory_space<vmem_shared>>)
    %dma_wait3A_746 = arith.constant 3 : i32
    %dma_wait3A_747 = arith.constant 0 : i32
    %dma_wait3A_748 = arith.constant 3 : i32
    %dma_wait3A_749 = arith.constant 0 : i32
    %dma_wait3A_750 = arith.constant 0 : i32
    %dma_wait3A_751 = tpu.memref_slice %arg9[%dma_wait3A_746, %dma_wait3A_749, %dma_wait3A_750] : memref<4x64x128xf32, #tpu.memory_space<vmem>> -> memref<1x64x128xf32, #tpu.memory_space<vmem>>
    %dma_wait3A_752 = tpu.memref_squeeze %dma_wait3A_751 : memref<1x64x128xf32, #tpu.memory_space<vmem>> -> memref<64x128xf32, #tpu.memory_space<vmem>>
    %dma_wait3A_753 = arith.constant 0 : i32
    %dma_wait3A_754 = tpu.memref_slice %arg8[%dma_wait3A_747, %dma_wait3A_753] : memref<40x64xi32, #tpu.memory_space<vmem>> -> memref<1x64xi32, #tpu.memory_space<vmem>>
    %dma_wait3A_755 = tpu.memref_squeeze %dma_wait3A_754 : memref<1x64xi32, #tpu.memory_space<vmem>> -> memref<64xi32, #tpu.memory_space<vmem>>
    %dma_wait3A_756 = arith.constant 0 : i32
    %dma_wait3A_757 = arith.constant 0 : i32
    %dma_wait3A_758 = tpu.memref_slice %arg10[%dma_wait3A_756, %dma_wait3A_757] : memref<10112x128xf32, #tpu.memory_space<vmem_shared>> -> memref<10112x128xf32, #tpu.memory_space<vmem_shared>>
    %dma_wait3A_759 = tpu.memref_slice %arg12[%dma_wait3A_748] : memref<4x!tpu.dma_semaphore, #tpu.memory_space<semaphore_mem>> -> memref<1x!tpu.dma_semaphore, #tpu.memory_space<semaphore_mem>>
    %dma_wait3A_760 = tpu.memref_squeeze %dma_wait3A_759 : memref<1x!tpu.dma_semaphore, #tpu.memory_space<semaphore_mem>> -> memref<!tpu.dma_semaphore, #tpu.memory_space<semaphore_mem>>
    tpu.wait_indirect_dma semaphore(%dma_wait3A_760 : memref<!tpu.dma_semaphore, #tpu.memory_space<semaphore_mem>>) src(%dma_wait3A_752 : memref<64x128xf32, #tpu.memory_space<vmem>>) dst(%dma_wait3A_758 : memref<10112x128xf32, #tpu.memory_space<vmem_shared>>)
    %mul3A_761 = arith.constant 160 : i32
    %mul3A_762 = arith.muli %add3A, %mul3A_761 : i32
    %add3A_763 = arith.constant 120 : i32
    %add3A_764 = arith.addi %mul3A_762, %add3A_763 : i32
    "tpu.region"() ({
      %run_scoped3A = tpu.sem_alloc : memref<!tpu.dma_semaphore, #tpu.memory_space<semaphore_mem>>
      %dma_start3A_1019 = arith.constant 0 : i32
      %dma_start3A_1020 = tpu.memref_slice %arg3[%add3A_764, %dma_start3A_1019] : memref<5120x64xi32, #tpu.memory_space<hbm>> -> memref<40x64xi32, #tpu.memory_space<hbm>>
      %dma_start3A_1021 = arith.constant 0 : i32
      %dma_start3A_1022 = tpu.memref_slice %arg3[%add3A_764, %dma_start3A_1021] : memref<5120x64xi32, #tpu.memory_space<hbm>> -> memref<40x64xi32, #tpu.memory_space<hbm>>
      tpu.enqueue_dma source(%dma_start3A_1022 : memref<40x64xi32, #tpu.memory_space<hbm>>) target(%arg7 : memref<40x64xi32, #tpu.memory_space<vmem>>) target_semaphore(%run_scoped3A : memref<!tpu.dma_semaphore, #tpu.memory_space<semaphore_mem>>)
      %dma_wait3A_1023 = arith.constant 0 : i32
      %dma_wait3A_1024 = tpu.memref_slice %arg3[%add3A_764, %dma_wait3A_1023] : memref<5120x64xi32, #tpu.memory_space<hbm>> -> memref<40x64xi32, #tpu.memory_space<hbm>>
      %dma_wait3A_1025 = arith.constant 0 : i32
      %dma_wait3A_1026 = tpu.memref_slice %arg3[%add3A_764, %dma_wait3A_1025] : memref<5120x64xi32, #tpu.memory_space<hbm>> -> memref<40x64xi32, #tpu.memory_space<hbm>>
      tpu.wait_dma2 semaphore(%run_scoped3A : memref<!tpu.dma_semaphore, #tpu.memory_space<semaphore_mem>>) src(%dma_wait3A_1026 : memref<40x64xi32, #tpu.memory_space<hbm>>) dst(%arg7 : memref<40x64xi32, #tpu.memory_space<vmem>>)
      tpu.yield
    }) : () -> ()
    %mul3A_765 = arith.constant 160 : i32
    %mul3A_766 = arith.muli %add3A, %mul3A_765 : i32
    %add3A_767 = arith.constant 120 : i32
    %add3A_768 = arith.addi %mul3A_766, %add3A_767 : i32
    "tpu.region"() ({
      %run_scoped3A = tpu.sem_alloc : memref<!tpu.dma_semaphore, #tpu.memory_space<semaphore_mem>>
      %dma_start3A_1019 = arith.constant 0 : i32
      %dma_start3A_1020 = tpu.memref_slice %arg4[%add3A_768, %dma_start3A_1019] : memref<5120x64xi32, #tpu.memory_space<hbm>> -> memref<40x64xi32, #tpu.memory_space<hbm>>
      %dma_start3A_1021 = arith.constant 0 : i32
      %dma_start3A_1022 = tpu.memref_slice %arg4[%add3A_768, %dma_start3A_1021] : memref<5120x64xi32, #tpu.memory_space<hbm>> -> memref<40x64xi32, #tpu.memory_space<hbm>>
      tpu.enqueue_dma source(%dma_start3A_1022 : memref<40x64xi32, #tpu.memory_space<hbm>>) target(%arg8 : memref<40x64xi32, #tpu.memory_space<vmem>>) target_semaphore(%run_scoped3A : memref<!tpu.dma_semaphore, #tpu.memory_space<semaphore_mem>>)
      %dma_wait3A_1023 = arith.constant 0 : i32
      %dma_wait3A_1024 = tpu.memref_slice %arg4[%add3A_768, %dma_wait3A_1023] : memref<5120x64xi32, #tpu.memory_space<hbm>> -> memref<40x64xi32, #tpu.memory_space<hbm>>
      %dma_wait3A_1025 = arith.constant 0 : i32
      %dma_wait3A_1026 = tpu.memref_slice %arg4[%add3A_768, %dma_wait3A_1025] : memref<5120x64xi32, #tpu.memory_space<hbm>> -> memref<40x64xi32, #tpu.memory_space<hbm>>
      tpu.wait_dma2 semaphore(%run_scoped3A : memref<!tpu.dma_semaphore, #tpu.memory_space<semaphore_mem>>) src(%dma_wait3A_1026 : memref<40x64xi32, #tpu.memory_space<hbm>>) dst(%arg8 : memref<40x64xi32, #tpu.memory_space<vmem>>)
      tpu.yield
    }) : () -> ()
    %dma_start3A_769 = arith.constant 0 : i32
    %dma_start3A_770 = arith.constant 0 : i32
    %dma_start3A_771 = arith.constant 0 : i32
    %dma_start3A_772 = arith.constant 0 : i32
    %dma_start3A_773 = arith.constant 0 : i32
    %dma_start3A_774 = tpu.memref_slice %arg9[%dma_start3A_770, %dma_start3A_772, %dma_start3A_773] : memref<4x64x128xf32, #tpu.memory_space<vmem>> -> memref<1x64x128xf32, #tpu.memory_space<vmem>>
    %dma_start3A_775 = tpu.memref_squeeze %dma_start3A_774 : memref<1x64x128xf32, #tpu.memory_space<vmem>> -> memref<64x128xf32, #tpu.memory_space<vmem>>
    %dma_start3A_776 = arith.constant 0 : i32
    %dma_start3A_777 = tpu.memref_slice %arg7[%dma_start3A_769, %dma_start3A_776] : memref<40x64xi32, #tpu.memory_space<vmem>> -> memref<1x64xi32, #tpu.memory_space<vmem>>
    %dma_start3A_778 = tpu.memref_squeeze %dma_start3A_777 : memref<1x64xi32, #tpu.memory_space<vmem>> -> memref<64xi32, #tpu.memory_space<vmem>>
    %dma_start3A_779 = arith.constant 0 : i32
    %dma_start3A_780 = arith.constant 0 : i32
    %dma_start3A_781 = tpu.memref_slice %arg2[%dma_start3A_779, %dma_start3A_780] : memref<10000x128xf32, #tpu.memory_space<hbm>> -> memref<10000x128xf32, #tpu.memory_space<hbm>>
    %dma_start3A_782 = tpu.memref_slice %arg11[%dma_start3A_771] : memref<4x!tpu.dma_semaphore, #tpu.memory_space<semaphore_mem>> -> memref<1x!tpu.dma_semaphore, #tpu.memory_space<semaphore_mem>>
    %dma_start3A_783 = tpu.memref_squeeze %dma_start3A_782 : memref<1x!tpu.dma_semaphore, #tpu.memory_space<semaphore_mem>> -> memref<!tpu.dma_semaphore, #tpu.memory_space<semaphore_mem>>
    tpu.enqueue_indirect_dma source(%dma_start3A_781 : memref<10000x128xf32, #tpu.memory_space<hbm>>) target(%dma_start3A_775 : memref<64x128xf32, #tpu.memory_space<vmem>>) offsets(%dma_start3A_778 : memref<64xi32, #tpu.memory_space<vmem>>) semaphore(%dma_start3A_783 : memref<!tpu.dma_semaphore, #tpu.memory_space<semaphore_mem>>)
    %dma_start3A_784 = arith.constant 1 : i32
    %dma_start3A_785 = arith.constant 1 : i32
    %dma_start3A_786 = arith.constant 1 : i32
    %dma_start3A_787 = arith.constant 0 : i32
    %dma_start3A_788 = arith.constant 0 : i32
    %dma_start3A_789 = tpu.memref_slice %arg9[%dma_start3A_785, %dma_start3A_787, %dma_start3A_788] : memref<4x64x128xf32, #tpu.memory_space<vmem>> -> memref<1x64x128xf32, #tpu.memory_space<vmem>>
    %dma_start3A_790 = tpu.memref_squeeze %dma_start3A_789 : memref<1x64x128xf32, #tpu.memory_space<vmem>> -> memref<64x128xf32, #tpu.memory_space<vmem>>
    %dma_start3A_791 = arith.constant 0 : i32
    %dma_start3A_792 = tpu.memref_slice %arg7[%dma_start3A_784, %dma_start3A_791] : memref<40x64xi32, #tpu.memory_space<vmem>> -> memref<1x64xi32, #tpu.memory_space<vmem>>
    %dma_start3A_793 = tpu.memref_squeeze %dma_start3A_792 : memref<1x64xi32, #tpu.memory_space<vmem>> -> memref<64xi32, #tpu.memory_space<vmem>>
    %dma_start3A_794 = arith.constant 0 : i32
    %dma_start3A_795 = arith.constant 0 : i32
    %dma_start3A_796 = tpu.memref_slice %arg2[%dma_start3A_794, %dma_start3A_795] : memref<10000x128xf32, #tpu.memory_space<hbm>> -> memref<10000x128xf32, #tpu.memory_space<hbm>>
    %dma_start3A_797 = tpu.memref_slice %arg11[%dma_start3A_786] : memref<4x!tpu.dma_semaphore, #tpu.memory_space<semaphore_mem>> -> memref<1x!tpu.dma_semaphore, #tpu.memory_space<semaphore_mem>>
    %dma_start3A_798 = tpu.memref_squeeze %dma_start3A_797 : memref<1x!tpu.dma_semaphore, #tpu.memory_space<semaphore_mem>> -> memref<!tpu.dma_semaphore, #tpu.memory_space<semaphore_mem>>
    tpu.enqueue_indirect_dma source(%dma_start3A_796 : memref<10000x128xf32, #tpu.memory_space<hbm>>) target(%dma_start3A_790 : memref<64x128xf32, #tpu.memory_space<vmem>>) offsets(%dma_start3A_793 : memref<64xi32, #tpu.memory_space<vmem>>) semaphore(%dma_start3A_798 : memref<!tpu.dma_semaphore, #tpu.memory_space<semaphore_mem>>)
    %dma_start3A_799 = arith.constant 2 : i32
    %dma_start3A_800 = arith.constant 2 : i32
    %dma_start3A_801 = arith.constant 2 : i32
    %dma_start3A_802 = arith.constant 0 : i32
    %dma_start3A_803 = arith.constant 0 : i32
    %dma_start3A_804 = tpu.memref_slice %arg9[%dma_start3A_800, %dma_start3A_802, %dma_start3A_803] : memref<4x64x128xf32, #tpu.memory_space<vmem>> -> memref<1x64x128xf32, #tpu.memory_space<vmem>>
    %dma_start3A_805 = tpu.memref_squeeze %dma_start3A_804 : memref<1x64x128xf32, #tpu.memory_space<vmem>> -> memref<64x128xf32, #tpu.memory_space<vmem>>
    %dma_start3A_806 = arith.constant 0 : i32
    %dma_start3A_807 = tpu.memref_slice %arg7[%dma_start3A_799, %dma_start3A_806] : memref<40x64xi32, #tpu.memory_space<vmem>> -> memref<1x64xi32, #tpu.memory_space<vmem>>
    %dma_start3A_808 = tpu.memref_squeeze %dma_start3A_807 : memref<1x64xi32, #tpu.memory_space<vmem>> -> memref<64xi32, #tpu.memory_space<vmem>>
    %dma_start3A_809 = arith.constant 0 : i32
    %dma_start3A_810 = arith.constant 0 : i32
    %dma_start3A_811 = tpu.memref_slice %arg2[%dma_start3A_809, %dma_start3A_810] : memref<10000x128xf32, #tpu.memory_space<hbm>> -> memref<10000x128xf32, #tpu.memory_space<hbm>>
    %dma_start3A_812 = tpu.memref_slice %arg11[%dma_start3A_801] : memref<4x!tpu.dma_semaphore, #tpu.memory_space<semaphore_mem>> -> memref<1x!tpu.dma_semaphore, #tpu.memory_space<semaphore_mem>>
    %dma_start3A_813 = tpu.memref_squeeze %dma_start3A_812 : memref<1x!tpu.dma_semaphore, #tpu.memory_space<semaphore_mem>> -> memref<!tpu.dma_semaphore, #tpu.memory_space<semaphore_mem>>
    tpu.enqueue_indirect_dma source(%dma_start3A_811 : memref<10000x128xf32, #tpu.memory_space<hbm>>) target(%dma_start3A_805 : memref<64x128xf32, #tpu.memory_space<vmem>>) offsets(%dma_start3A_808 : memref<64xi32, #tpu.memory_space<vmem>>) semaphore(%dma_start3A_813 : memref<!tpu.dma_semaphore, #tpu.memory_space<semaphore_mem>>)
    %dma_start3A_814 = arith.constant 3 : i32
    %dma_start3A_815 = arith.constant 3 : i32
    %dma_start3A_816 = arith.constant 3 : i32
    %dma_start3A_817 = arith.constant 0 : i32
    %dma_start3A_818 = arith.constant 0 : i32
    %dma_start3A_819 = tpu.memref_slice %arg9[%dma_start3A_815, %dma_start3A_817, %dma_start3A_818] : memref<4x64x128xf32, #tpu.memory_space<vmem>> -> memref<1x64x128xf32, #tpu.memory_space<vmem>>
    %dma_start3A_820 = tpu.memref_squeeze %dma_start3A_819 : memref<1x64x128xf32, #tpu.memory_space<vmem>> -> memref<64x128xf32, #tpu.memory_space<vmem>>
    %dma_start3A_821 = arith.constant 0 : i32
    %dma_start3A_822 = tpu.memref_slice %arg7[%dma_start3A_814, %dma_start3A_821] : memref<40x64xi32, #tpu.memory_space<vmem>> -> memref<1x64xi32, #tpu.memory_space<vmem>>
    %dma_start3A_823 = tpu.memref_squeeze %dma_start3A_822 : memref<1x64xi32, #tpu.memory_space<vmem>> -> memref<64xi32, #tpu.memory_space<vmem>>
    %dma_start3A_824 = arith.constant 0 : i32
    %dma_start3A_825 = arith.constant 0 : i32
    %dma_start3A_826 = tpu.memref_slice %arg2[%dma_start3A_824, %dma_start3A_825] : memref<10000x128xf32, #tpu.memory_space<hbm>> -> memref<10000x128xf32, #tpu.memory_space<hbm>>
    %dma_start3A_827 = tpu.memref_slice %arg11[%dma_start3A_816] : memref<4x!tpu.dma_semaphore, #tpu.memory_space<semaphore_mem>> -> memref<1x!tpu.dma_semaphore, #tpu.memory_space<semaphore_mem>>
    %dma_start3A_828 = tpu.memref_squeeze %dma_start3A_827 : memref<1x!tpu.dma_semaphore, #tpu.memory_space<semaphore_mem>> -> memref<!tpu.dma_semaphore, #tpu.memory_space<semaphore_mem>>
    tpu.enqueue_indirect_dma source(%dma_start3A_826 : memref<10000x128xf32, #tpu.memory_space<hbm>>) target(%dma_start3A_820 : memref<64x128xf32, #tpu.memory_space<vmem>>) offsets(%dma_start3A_823 : memref<64xi32, #tpu.memory_space<vmem>>) semaphore(%dma_start3A_828 : memref<!tpu.dma_semaphore, #tpu.memory_space<semaphore_mem>>)
    %scan3A_829 = arith.constant 0 : i32
    %scan3A_830 = arith.constant 9 : i32
    %scan3A_831 = arith.addi %scan3A_829, %scan3A_830 : i32
    %scan3A_832 = arith.constant 1 : i32
    scf.for %scan3A_1019 = %scan3A_829 to %scan3A_831 step %scan3A_832  : i32 {
      %mul3A_1020 = arith.constant 1 : i32
      %mul3A_1021 = arith.muli %scan3A_1019, %mul3A_1020 : i32
      %add3A_1022 = arith.constant 0 : i32
      %add3A_1023 = arith.addi %add3A_1022, %mul3A_1021 : i32
      %dma_wait3A_1024 = arith.constant 0 : i32
      %dma_wait3A_1025 = arith.constant 0 : i32
      %dma_wait3A_1026 = arith.constant 0 : i32
      %dma_wait3A_1027 = arith.constant 0 : i32
      %dma_wait3A_1028 = arith.constant 0 : i32
      %dma_wait3A_1029 = tpu.memref_slice %arg9[%dma_wait3A_1025, %dma_wait3A_1027, %dma_wait3A_1028] : memref<4x64x128xf32, #tpu.memory_space<vmem>> -> memref<1x64x128xf32, #tpu.memory_space<vmem>>
      %dma_wait3A_1030 = tpu.memref_squeeze %dma_wait3A_1029 : memref<1x64x128xf32, #tpu.memory_space<vmem>> -> memref<64x128xf32, #tpu.memory_space<vmem>>
      %dma_wait3A_1031 = arith.constant 0 : i32
      %dma_wait3A_1032 = tpu.memref_slice %arg7[%dma_wait3A_1024, %dma_wait3A_1031] : memref<40x64xi32, #tpu.memory_space<vmem>> -> memref<1x64xi32, #tpu.memory_space<vmem>>
      %dma_wait3A_1033 = tpu.memref_squeeze %dma_wait3A_1032 : memref<1x64xi32, #tpu.memory_space<vmem>> -> memref<64xi32, #tpu.memory_space<vmem>>
      %dma_wait3A_1034 = arith.constant 0 : i32
      %dma_wait3A_1035 = arith.constant 0 : i32
      %dma_wait3A_1036 = tpu.memref_slice %arg2[%dma_wait3A_1034, %dma_wait3A_1035] : memref<10000x128xf32, #tpu.memory_space<hbm>> -> memref<10000x128xf32, #tpu.memory_space<hbm>>
      %dma_wait3A_1037 = tpu.memref_slice %arg11[%dma_wait3A_1026] : memref<4x!tpu.dma_semaphore, #tpu.memory_space<semaphore_mem>> -> memref<1x!tpu.dma_semaphore, #tpu.memory_space<semaphore_mem>>
      %dma_wait3A_1038 = tpu.memref_squeeze %dma_wait3A_1037 : memref<1x!tpu.dma_semaphore, #tpu.memory_space<semaphore_mem>> -> memref<!tpu.dma_semaphore, #tpu.memory_space<semaphore_mem>>
      tpu.wait_indirect_dma semaphore(%dma_wait3A_1038 : memref<!tpu.dma_semaphore, #tpu.memory_space<semaphore_mem>>) src(%dma_wait3A_1036 : memref<10000x128xf32, #tpu.memory_space<hbm>>) dst(%dma_wait3A_1030 : memref<64x128xf32, #tpu.memory_space<vmem>>)
      %mul3A_1039 = arith.constant 4 : i32
      %mul3A_1040 = arith.muli %add3A_1023, %mul3A_1039 : i32
      %add3A_1041 = arith.constant 0 : i32
      %add3A_1042 = arith.addi %mul3A_1040, %add3A_1041 : i32
      %dma_start3A_1043 = arith.constant 0 : i32
      %dma_start3A_1044 = arith.constant 0 : i32
      %dma_start3A_1045 = arith.constant 0 : i32
      %dma_start3A_1046 = arith.constant 0 : i32
      %dma_start3A_1047 = tpu.memref_slice %arg9[%dma_start3A_1043, %dma_start3A_1045, %dma_start3A_1046] : memref<4x64x128xf32, #tpu.memory_space<vmem>> -> memref<1x64x128xf32, #tpu.memory_space<vmem>>
      %dma_start3A_1048 = tpu.memref_squeeze %dma_start3A_1047 : memref<1x64x128xf32, #tpu.memory_space<vmem>> -> memref<64x128xf32, #tpu.memory_space<vmem>>
      %dma_start3A_1049 = arith.constant 0 : i32
      %dma_start3A_1050 = tpu.memref_slice %arg8[%add3A_1042, %dma_start3A_1049] : memref<40x64xi32, #tpu.memory_space<vmem>> -> memref<1x64xi32, #tpu.memory_space<vmem>>
      %dma_start3A_1051 = tpu.memref_squeeze %dma_start3A_1050 : memref<1x64xi32, #tpu.memory_space<vmem>> -> memref<64xi32, #tpu.memory_space<vmem>>
      %dma_start3A_1052 = arith.constant 0 : i32
      %dma_start3A_1053 = arith.constant 0 : i32
      %dma_start3A_1054 = tpu.memref_slice %arg10[%dma_start3A_1052, %dma_start3A_1053] : memref<10112x128xf32, #tpu.memory_space<vmem_shared>> -> memref<10112x128xf32, #tpu.memory_space<vmem_shared>>
      %dma_start3A_1055 = tpu.memref_slice %arg12[%dma_start3A_1044] : memref<4x!tpu.dma_semaphore, #tpu.memory_space<semaphore_mem>> -> memref<1x!tpu.dma_semaphore, #tpu.memory_space<semaphore_mem>>
      %dma_start3A_1056 = tpu.memref_squeeze %dma_start3A_1055 : memref<1x!tpu.dma_semaphore, #tpu.memory_space<semaphore_mem>> -> memref<!tpu.dma_semaphore, #tpu.memory_space<semaphore_mem>>
      tpu.enqueue_indirect_dma source(%dma_start3A_1048 : memref<64x128xf32, #tpu.memory_space<vmem>>) target(%dma_start3A_1054 : memref<10112x128xf32, #tpu.memory_space<vmem_shared>>) offsets(%dma_start3A_1051 : memref<64xi32, #tpu.memory_space<vmem>>) semaphore(%dma_start3A_1056 : memref<!tpu.dma_semaphore, #tpu.memory_space<semaphore_mem>>) {add = true}
      %dma_wait3A_1057 = arith.constant 0 : i32
      %dma_wait3A_1058 = arith.constant 1 : i32
      %dma_wait3A_1059 = arith.constant 1 : i32
      %dma_wait3A_1060 = arith.constant 0 : i32
      %dma_wait3A_1061 = arith.constant 0 : i32
      %dma_wait3A_1062 = tpu.memref_slice %arg9[%dma_wait3A_1058, %dma_wait3A_1060, %dma_wait3A_1061] : memref<4x64x128xf32, #tpu.memory_space<vmem>> -> memref<1x64x128xf32, #tpu.memory_space<vmem>>
      %dma_wait3A_1063 = tpu.memref_squeeze %dma_wait3A_1062 : memref<1x64x128xf32, #tpu.memory_space<vmem>> -> memref<64x128xf32, #tpu.memory_space<vmem>>
      %dma_wait3A_1064 = arith.constant 0 : i32
      %dma_wait3A_1065 = tpu.memref_slice %arg7[%dma_wait3A_1057, %dma_wait3A_1064] : memref<40x64xi32, #tpu.memory_space<vmem>> -> memref<1x64xi32, #tpu.memory_space<vmem>>
      %dma_wait3A_1066 = tpu.memref_squeeze %dma_wait3A_1065 : memref<1x64xi32, #tpu.memory_space<vmem>> -> memref<64xi32, #tpu.memory_space<vmem>>
      %dma_wait3A_1067 = arith.constant 0 : i32
      %dma_wait3A_1068 = arith.constant 0 : i32
      %dma_wait3A_1069 = tpu.memref_slice %arg2[%dma_wait3A_1067, %dma_wait3A_1068] : memref<10000x128xf32, #tpu.memory_space<hbm>> -> memref<10000x128xf32, #tpu.memory_space<hbm>>
      %dma_wait3A_1070 = tpu.memref_slice %arg11[%dma_wait3A_1059] : memref<4x!tpu.dma_semaphore, #tpu.memory_space<semaphore_mem>> -> memref<1x!tpu.dma_semaphore, #tpu.memory_space<semaphore_mem>>
      %dma_wait3A_1071 = tpu.memref_squeeze %dma_wait3A_1070 : memref<1x!tpu.dma_semaphore, #tpu.memory_space<semaphore_mem>> -> memref<!tpu.dma_semaphore, #tpu.memory_space<semaphore_mem>>
      tpu.wait_indirect_dma semaphore(%dma_wait3A_1071 : memref<!tpu.dma_semaphore, #tpu.memory_space<semaphore_mem>>) src(%dma_wait3A_1069 : memref<10000x128xf32, #tpu.memory_space<hbm>>) dst(%dma_wait3A_1063 : memref<64x128xf32, #tpu.memory_space<vmem>>)
      %mul3A_1072 = arith.constant 4 : i32
      %mul3A_1073 = arith.muli %add3A_1023, %mul3A_1072 : i32
      %add3A_1074 = arith.constant 1 : i32
      %add3A_1075 = arith.addi %mul3A_1073, %add3A_1074 : i32
      %dma_start3A_1076 = arith.constant 1 : i32
      %dma_start3A_1077 = arith.constant 1 : i32
      %dma_start3A_1078 = arith.constant 0 : i32
      %dma_start3A_1079 = arith.constant 0 : i32
      %dma_start3A_1080 = tpu.memref_slice %arg9[%dma_start3A_1076, %dma_start3A_1078, %dma_start3A_1079] : memref<4x64x128xf32, #tpu.memory_space<vmem>> -> memref<1x64x128xf32, #tpu.memory_space<vmem>>
      %dma_start3A_1081 = tpu.memref_squeeze %dma_start3A_1080 : memref<1x64x128xf32, #tpu.memory_space<vmem>> -> memref<64x128xf32, #tpu.memory_space<vmem>>
      %dma_start3A_1082 = arith.constant 0 : i32
      %dma_start3A_1083 = tpu.memref_slice %arg8[%add3A_1075, %dma_start3A_1082] : memref<40x64xi32, #tpu.memory_space<vmem>> -> memref<1x64xi32, #tpu.memory_space<vmem>>
      %dma_start3A_1084 = tpu.memref_squeeze %dma_start3A_1083 : memref<1x64xi32, #tpu.memory_space<vmem>> -> memref<64xi32, #tpu.memory_space<vmem>>
      %dma_start3A_1085 = arith.constant 0 : i32
      %dma_start3A_1086 = arith.constant 0 : i32
      %dma_start3A_1087 = tpu.memref_slice %arg10[%dma_start3A_1085, %dma_start3A_1086] : memref<10112x128xf32, #tpu.memory_space<vmem_shared>> -> memref<10112x128xf32, #tpu.memory_space<vmem_shared>>
      %dma_start3A_1088 = tpu.memref_slice %arg12[%dma_start3A_1077] : memref<4x!tpu.dma_semaphore, #tpu.memory_space<semaphore_mem>> -> memref<1x!tpu.dma_semaphore, #tpu.memory_space<semaphore_mem>>
      %dma_start3A_1089 = tpu.memref_squeeze %dma_start3A_1088 : memref<1x!tpu.dma_semaphore, #tpu.memory_space<semaphore_mem>> -> memref<!tpu.dma_semaphore, #tpu.memory_space<semaphore_mem>>
      tpu.enqueue_indirect_dma source(%dma_start3A_1081 : memref<64x128xf32, #tpu.memory_space<vmem>>) target(%dma_start3A_1087 : memref<10112x128xf32, #tpu.memory_space<vmem_shared>>) offsets(%dma_start3A_1084 : memref<64xi32, #tpu.memory_space<vmem>>) semaphore(%dma_start3A_1089 : memref<!tpu.dma_semaphore, #tpu.memory_space<semaphore_mem>>) {add = true}
      %dma_wait3A_1090 = arith.constant 0 : i32
      %dma_wait3A_1091 = arith.constant 2 : i32
      %dma_wait3A_1092 = arith.constant 2 : i32
      %dma_wait3A_1093 = arith.constant 0 : i32
      %dma_wait3A_1094 = arith.constant 0 : i32
      %dma_wait3A_1095 = tpu.memref_slice %arg9[%dma_wait3A_1091, %dma_wait3A_1093, %dma_wait3A_1094] : memref<4x64x128xf32, #tpu.memory_space<vmem>> -> memref<1x64x128xf32, #tpu.memory_space<vmem>>
      %dma_wait3A_1096 = tpu.memref_squeeze %dma_wait3A_1095 : memref<1x64x128xf32, #tpu.memory_space<vmem>> -> memref<64x128xf32, #tpu.memory_space<vmem>>
      %dma_wait3A_1097 = arith.constant 0 : i32
      %dma_wait3A_1098 = tpu.memref_slice %arg7[%dma_wait3A_1090, %dma_wait3A_1097] : memref<40x64xi32, #tpu.memory_space<vmem>> -> memref<1x64xi32, #tpu.memory_space<vmem>>
      %dma_wait3A_1099 = tpu.memref_squeeze %dma_wait3A_1098 : memref<1x64xi32, #tpu.memory_space<vmem>> -> memref<64xi32, #tpu.memory_space<vmem>>
      %dma_wait3A_1100 = arith.constant 0 : i32
      %dma_wait3A_1101 = arith.constant 0 : i32
      %dma_wait3A_1102 = tpu.memref_slice %arg2[%dma_wait3A_1100, %dma_wait3A_1101] : memref<10000x128xf32, #tpu.memory_space<hbm>> -> memref<10000x128xf32, #tpu.memory_space<hbm>>
      %dma_wait3A_1103 = tpu.memref_slice %arg11[%dma_wait3A_1092] : memref<4x!tpu.dma_semaphore, #tpu.memory_space<semaphore_mem>> -> memref<1x!tpu.dma_semaphore, #tpu.memory_space<semaphore_mem>>
      %dma_wait3A_1104 = tpu.memref_squeeze %dma_wait3A_1103 : memref<1x!tpu.dma_semaphore, #tpu.memory_space<semaphore_mem>> -> memref<!tpu.dma_semaphore, #tpu.memory_space<semaphore_mem>>
      tpu.wait_indirect_dma semaphore(%dma_wait3A_1104 : memref<!tpu.dma_semaphore, #tpu.memory_space<semaphore_mem>>) src(%dma_wait3A_1102 : memref<10000x128xf32, #tpu.memory_space<hbm>>) dst(%dma_wait3A_1096 : memref<64x128xf32, #tpu.memory_space<vmem>>)
      %mul3A_1105 = arith.constant 4 : i32
      %mul3A_1106 = arith.muli %add3A_1023, %mul3A_1105 : i32
      %add3A_1107 = arith.constant 2 : i32
      %add3A_1108 = arith.addi %mul3A_1106, %add3A_1107 : i32
      %dma_start3A_1109 = arith.constant 2 : i32
      %dma_start3A_1110 = arith.constant 2 : i32
      %dma_start3A_1111 = arith.constant 0 : i32
      %dma_start3A_1112 = arith.constant 0 : i32
      %dma_start3A_1113 = tpu.memref_slice %arg9[%dma_start3A_1109, %dma_start3A_1111, %dma_start3A_1112] : memref<4x64x128xf32, #tpu.memory_space<vmem>> -> memref<1x64x128xf32, #tpu.memory_space<vmem>>
      %dma_start3A_1114 = tpu.memref_squeeze %dma_start3A_1113 : memref<1x64x128xf32, #tpu.memory_space<vmem>> -> memref<64x128xf32, #tpu.memory_space<vmem>>
      %dma_start3A_1115 = arith.constant 0 : i32
      %dma_start3A_1116 = tpu.memref_slice %arg8[%add3A_1108, %dma_start3A_1115] : memref<40x64xi32, #tpu.memory_space<vmem>> -> memref<1x64xi32, #tpu.memory_space<vmem>>
      %dma_start3A_1117 = tpu.memref_squeeze %dma_start3A_1116 : memref<1x64xi32, #tpu.memory_space<vmem>> -> memref<64xi32, #tpu.memory_space<vmem>>
      %dma_start3A_1118 = arith.constant 0 : i32
      %dma_start3A_1119 = arith.constant 0 : i32
      %dma_start3A_1120 = tpu.memref_slice %arg10[%dma_start3A_1118, %dma_start3A_1119] : memref<10112x128xf32, #tpu.memory_space<vmem_shared>> -> memref<10112x128xf32, #tpu.memory_space<vmem_shared>>
      %dma_start3A_1121 = tpu.memref_slice %arg12[%dma_start3A_1110] : memref<4x!tpu.dma_semaphore, #tpu.memory_space<semaphore_mem>> -> memref<1x!tpu.dma_semaphore, #tpu.memory_space<semaphore_mem>>
      %dma_start3A_1122 = tpu.memref_squeeze %dma_start3A_1121 : memref<1x!tpu.dma_semaphore, #tpu.memory_space<semaphore_mem>> -> memref<!tpu.dma_semaphore, #tpu.memory_space<semaphore_mem>>
      tpu.enqueue_indirect_dma source(%dma_start3A_1114 : memref<64x128xf32, #tpu.memory_space<vmem>>) target(%dma_start3A_1120 : memref<10112x128xf32, #tpu.memory_space<vmem_shared>>) offsets(%dma_start3A_1117 : memref<64xi32, #tpu.memory_space<vmem>>) semaphore(%dma_start3A_1122 : memref<!tpu.dma_semaphore, #tpu.memory_space<semaphore_mem>>) {add = true}
      %dma_wait3A_1123 = arith.constant 0 : i32
      %dma_wait3A_1124 = arith.constant 3 : i32
      %dma_wait3A_1125 = arith.constant 3 : i32
      %dma_wait3A_1126 = arith.constant 0 : i32
      %dma_wait3A_1127 = arith.constant 0 : i32
      %dma_wait3A_1128 = tpu.memref_slice %arg9[%dma_wait3A_1124, %dma_wait3A_1126, %dma_wait3A_1127] : memref<4x64x128xf32, #tpu.memory_space<vmem>> -> memref<1x64x128xf32, #tpu.memory_space<vmem>>
      %dma_wait3A_1129 = tpu.memref_squeeze %dma_wait3A_1128 : memref<1x64x128xf32, #tpu.memory_space<vmem>> -> memref<64x128xf32, #tpu.memory_space<vmem>>
      %dma_wait3A_1130 = arith.constant 0 : i32
      %dma_wait3A_1131 = tpu.memref_slice %arg7[%dma_wait3A_1123, %dma_wait3A_1130] : memref<40x64xi32, #tpu.memory_space<vmem>> -> memref<1x64xi32, #tpu.memory_space<vmem>>
      %dma_wait3A_1132 = tpu.memref_squeeze %dma_wait3A_1131 : memref<1x64xi32, #tpu.memory_space<vmem>> -> memref<64xi32, #tpu.memory_space<vmem>>
      %dma_wait3A_1133 = arith.constant 0 : i32
      %dma_wait3A_1134 = arith.constant 0 : i32
      %dma_wait3A_1135 = tpu.memref_slice %arg2[%dma_wait3A_1133, %dma_wait3A_1134] : memref<10000x128xf32, #tpu.memory_space<hbm>> -> memref<10000x128xf32, #tpu.memory_space<hbm>>
      %dma_wait3A_1136 = tpu.memref_slice %arg11[%dma_wait3A_1125] : memref<4x!tpu.dma_semaphore, #tpu.memory_space<semaphore_mem>> -> memref<1x!tpu.dma_semaphore, #tpu.memory_space<semaphore_mem>>
      %dma_wait3A_1137 = tpu.memref_squeeze %dma_wait3A_1136 : memref<1x!tpu.dma_semaphore, #tpu.memory_space<semaphore_mem>> -> memref<!tpu.dma_semaphore, #tpu.memory_space<semaphore_mem>>
      tpu.wait_indirect_dma semaphore(%dma_wait3A_1137 : memref<!tpu.dma_semaphore, #tpu.memory_space<semaphore_mem>>) src(%dma_wait3A_1135 : memref<10000x128xf32, #tpu.memory_space<hbm>>) dst(%dma_wait3A_1129 : memref<64x128xf32, #tpu.memory_space<vmem>>)
      %mul3A_1138 = arith.constant 4 : i32
      %mul3A_1139 = arith.muli %add3A_1023, %mul3A_1138 : i32
      %add3A_1140 = arith.constant 3 : i32
      %add3A_1141 = arith.addi %mul3A_1139, %add3A_1140 : i32
      %dma_start3A_1142 = arith.constant 3 : i32
      %dma_start3A_1143 = arith.constant 3 : i32
      %dma_start3A_1144 = arith.constant 0 : i32
      %dma_start3A_1145 = arith.constant 0 : i32
      %dma_start3A_1146 = tpu.memref_slice %arg9[%dma_start3A_1142, %dma_start3A_1144, %dma_start3A_1145] : memref<4x64x128xf32, #tpu.memory_space<vmem>> -> memref<1x64x128xf32, #tpu.memory_space<vmem>>
      %dma_start3A_1147 = tpu.memref_squeeze %dma_start3A_1146 : memref<1x64x128xf32, #tpu.memory_space<vmem>> -> memref<64x128xf32, #tpu.memory_space<vmem>>
      %dma_start3A_1148 = arith.constant 0 : i32
      %dma_start3A_1149 = tpu.memref_slice %arg8[%add3A_1141, %dma_start3A_1148] : memref<40x64xi32, #tpu.memory_space<vmem>> -> memref<1x64xi32, #tpu.memory_space<vmem>>
      %dma_start3A_1150 = tpu.memref_squeeze %dma_start3A_1149 : memref<1x64xi32, #tpu.memory_space<vmem>> -> memref<64xi32, #tpu.memory_space<vmem>>
      %dma_start3A_1151 = arith.constant 0 : i32
      %dma_start3A_1152 = arith.constant 0 : i32
      %dma_start3A_1153 = tpu.memref_slice %arg10[%dma_start3A_1151, %dma_start3A_1152] : memref<10112x128xf32, #tpu.memory_space<vmem_shared>> -> memref<10112x128xf32, #tpu.memory_space<vmem_shared>>
      %dma_start3A_1154 = tpu.memref_slice %arg12[%dma_start3A_1143] : memref<4x!tpu.dma_semaphore, #tpu.memory_space<semaphore_mem>> -> memref<1x!tpu.dma_semaphore, #tpu.memory_space<semaphore_mem>>
      %dma_start3A_1155 = tpu.memref_squeeze %dma_start3A_1154 : memref<1x!tpu.dma_semaphore, #tpu.memory_space<semaphore_mem>> -> memref<!tpu.dma_semaphore, #tpu.memory_space<semaphore_mem>>
      tpu.enqueue_indirect_dma source(%dma_start3A_1147 : memref<64x128xf32, #tpu.memory_space<vmem>>) target(%dma_start3A_1153 : memref<10112x128xf32, #tpu.memory_space<vmem_shared>>) offsets(%dma_start3A_1150 : memref<64xi32, #tpu.memory_space<vmem>>) semaphore(%dma_start3A_1155 : memref<!tpu.dma_semaphore, #tpu.memory_space<semaphore_mem>>) {add = true}
      %dma_wait3A_1156 = arith.constant 0 : i32
      %dma_wait3A_1157 = arith.constant 0 : i32
      %dma_wait3A_1158 = arith.constant 0 : i32
      %dma_wait3A_1159 = arith.constant 0 : i32
      %dma_wait3A_1160 = arith.constant 0 : i32
      %dma_wait3A_1161 = tpu.memref_slice %arg9[%dma_wait3A_1156, %dma_wait3A_1159, %dma_wait3A_1160] : memref<4x64x128xf32, #tpu.memory_space<vmem>> -> memref<1x64x128xf32, #tpu.memory_space<vmem>>
      %dma_wait3A_1162 = tpu.memref_squeeze %dma_wait3A_1161 : memref<1x64x128xf32, #tpu.memory_space<vmem>> -> memref<64x128xf32, #tpu.memory_space<vmem>>
      %dma_wait3A_1163 = arith.constant 0 : i32
      %dma_wait3A_1164 = tpu.memref_slice %arg8[%dma_wait3A_1157, %dma_wait3A_1163] : memref<40x64xi32, #tpu.memory_space<vmem>> -> memref<1x64xi32, #tpu.memory_space<vmem>>
      %dma_wait3A_1165 = tpu.memref_squeeze %dma_wait3A_1164 : memref<1x64xi32, #tpu.memory_space<vmem>> -> memref<64xi32, #tpu.memory_space<vmem>>
      %dma_wait3A_1166 = arith.constant 0 : i32
      %dma_wait3A_1167 = arith.constant 0 : i32
      %dma_wait3A_1168 = tpu.memref_slice %arg10[%dma_wait3A_1166, %dma_wait3A_1167] : memref<10112x128xf32, #tpu.memory_space<vmem_shared>> -> memref<10112x128xf32, #tpu.memory_space<vmem_shared>>
      %dma_wait3A_1169 = tpu.memref_slice %arg12[%dma_wait3A_1158] : memref<4x!tpu.dma_semaphore, #tpu.memory_space<semaphore_mem>> -> memref<1x!tpu.dma_semaphore, #tpu.memory_space<semaphore_mem>>
      %dma_wait3A_1170 = tpu.memref_squeeze %dma_wait3A_1169 : memref<1x!tpu.dma_semaphore, #tpu.memory_space<semaphore_mem>> -> memref<!tpu.dma_semaphore, #tpu.memory_space<semaphore_mem>>
      tpu.wait_indirect_dma semaphore(%dma_wait3A_1170 : memref<!tpu.dma_semaphore, #tpu.memory_space<semaphore_mem>>) src(%dma_wait3A_1162 : memref<64x128xf32, #tpu.memory_space<vmem>>) dst(%dma_wait3A_1168 : memref<10112x128xf32, #tpu.memory_space<vmem_shared>>)
      %add3A_1171 = arith.constant 1 : i32
      %add3A_1172 = arith.addi %add3A_1023, %add3A_1171 : i32
      %mul3A_1173 = arith.constant 4 : i32
      %mul3A_1174 = arith.muli %add3A_1172, %mul3A_1173 : i32
      %add3A_1175 = arith.constant 0 : i32
      %add3A_1176 = arith.addi %mul3A_1174, %add3A_1175 : i32
      %dma_start3A_1177 = arith.constant 0 : i32
      %dma_start3A_1178 = arith.constant 0 : i32
      %dma_start3A_1179 = arith.constant 0 : i32
      %dma_start3A_1180 = arith.constant 0 : i32
      %dma_start3A_1181 = tpu.memref_slice %arg9[%dma_start3A_1177, %dma_start3A_1179, %dma_start3A_1180] : memref<4x64x128xf32, #tpu.memory_space<vmem>> -> memref<1x64x128xf32, #tpu.memory_space<vmem>>
      %dma_start3A_1182 = tpu.memref_squeeze %dma_start3A_1181 : memref<1x64x128xf32, #tpu.memory_space<vmem>> -> memref<64x128xf32, #tpu.memory_space<vmem>>
      %dma_start3A_1183 = arith.constant 0 : i32
      %dma_start3A_1184 = tpu.memref_slice %arg7[%add3A_1176, %dma_start3A_1183] : memref<40x64xi32, #tpu.memory_space<vmem>> -> memref<1x64xi32, #tpu.memory_space<vmem>>
      %dma_start3A_1185 = tpu.memref_squeeze %dma_start3A_1184 : memref<1x64xi32, #tpu.memory_space<vmem>> -> memref<64xi32, #tpu.memory_space<vmem>>
      %dma_start3A_1186 = arith.constant 0 : i32
      %dma_start3A_1187 = arith.constant 0 : i32
      %dma_start3A_1188 = tpu.memref_slice %arg2[%dma_start3A_1186, %dma_start3A_1187] : memref<10000x128xf32, #tpu.memory_space<hbm>> -> memref<10000x128xf32, #tpu.memory_space<hbm>>
      %dma_start3A_1189 = tpu.memref_slice %arg11[%dma_start3A_1178] : memref<4x!tpu.dma_semaphore, #tpu.memory_space<semaphore_mem>> -> memref<1x!tpu.dma_semaphore, #tpu.memory_space<semaphore_mem>>
      %dma_start3A_1190 = tpu.memref_squeeze %dma_start3A_1189 : memref<1x!tpu.dma_semaphore, #tpu.memory_space<semaphore_mem>> -> memref<!tpu.dma_semaphore, #tpu.memory_space<semaphore_mem>>
      tpu.enqueue_indirect_dma source(%dma_start3A_1188 : memref<10000x128xf32, #tpu.memory_space<hbm>>) target(%dma_start3A_1182 : memref<64x128xf32, #tpu.memory_space<vmem>>) offsets(%dma_start3A_1185 : memref<64xi32, #tpu.memory_space<vmem>>) semaphore(%dma_start3A_1190 : memref<!tpu.dma_semaphore, #tpu.memory_space<semaphore_mem>>)
      %dma_wait3A_1191 = arith.constant 1 : i32
      %dma_wait3A_1192 = arith.constant 0 : i32
      %dma_wait3A_1193 = arith.constant 1 : i32
      %dma_wait3A_1194 = arith.constant 0 : i32
      %dma_wait3A_1195 = arith.constant 0 : i32
      %dma_wait3A_1196 = tpu.memref_slice %arg9[%dma_wait3A_1191, %dma_wait3A_1194, %dma_wait3A_1195] : memref<4x64x128xf32, #tpu.memory_space<vmem>> -> memref<1x64x128xf32, #tpu.memory_space<vmem>>
      %dma_wait3A_1197 = tpu.memref_squeeze %dma_wait3A_1196 : memref<1x64x128xf32, #tpu.memory_space<vmem>> -> memref<64x128xf32, #tpu.memory_space<vmem>>
      %dma_wait3A_1198 = arith.constant 0 : i32
      %dma_wait3A_1199 = tpu.memref_slice %arg8[%dma_wait3A_1192, %dma_wait3A_1198] : memref<40x64xi32, #tpu.memory_space<vmem>> -> memref<1x64xi32, #tpu.memory_space<vmem>>
      %dma_wait3A_1200 = tpu.memref_squeeze %dma_wait3A_1199 : memref<1x64xi32, #tpu.memory_space<vmem>> -> memref<64xi32, #tpu.memory_space<vmem>>
      %dma_wait3A_1201 = arith.constant 0 : i32
      %dma_wait3A_1202 = arith.constant 0 : i32
      %dma_wait3A_1203 = tpu.memref_slice %arg10[%dma_wait3A_1201, %dma_wait3A_1202] : memref<10112x128xf32, #tpu.memory_space<vmem_shared>> -> memref<10112x128xf32, #tpu.memory_space<vmem_shared>>
      %dma_wait3A_1204 = tpu.memref_slice %arg12[%dma_wait3A_1193] : memref<4x!tpu.dma_semaphore, #tpu.memory_space<semaphore_mem>> -> memref<1x!tpu.dma_semaphore, #tpu.memory_space<semaphore_mem>>
      %dma_wait3A_1205 = tpu.memref_squeeze %dma_wait3A_1204 : memref<1x!tpu.dma_semaphore, #tpu.memory_space<semaphore_mem>> -> memref<!tpu.dma_semaphore, #tpu.memory_space<semaphore_mem>>
      tpu.wait_indirect_dma semaphore(%dma_wait3A_1205 : memref<!tpu.dma_semaphore, #tpu.memory_space<semaphore_mem>>) src(%dma_wait3A_1197 : memref<64x128xf32, #tpu.memory_space<vmem>>) dst(%dma_wait3A_1203 : memref<10112x128xf32, #tpu.memory_space<vmem_shared>>)
      %add3A_1206 = arith.constant 1 : i32
      %add3A_1207 = arith.addi %add3A_1023, %add3A_1206 : i32
      %mul3A_1208 = arith.constant 4 : i32
      %mul3A_1209 = arith.muli %add3A_1207, %mul3A_1208 : i32
      %add3A_1210 = arith.constant 1 : i32
      %add3A_1211 = arith.addi %mul3A_1209, %add3A_1210 : i32
      %dma_start3A_1212 = arith.constant 1 : i32
      %dma_start3A_1213 = arith.constant 1 : i32
      %dma_start3A_1214 = arith.constant 0 : i32
      %dma_start3A_1215 = arith.constant 0 : i32
      %dma_start3A_1216 = tpu.memref_slice %arg9[%dma_start3A_1212, %dma_start3A_1214, %dma_start3A_1215] : memref<4x64x128xf32, #tpu.memory_space<vmem>> -> memref<1x64x128xf32, #tpu.memory_space<vmem>>
      %dma_start3A_1217 = tpu.memref_squeeze %dma_start3A_1216 : memref<1x64x128xf32, #tpu.memory_space<vmem>> -> memref<64x128xf32, #tpu.memory_space<vmem>>
      %dma_start3A_1218 = arith.constant 0 : i32
      %dma_start3A_1219 = tpu.memref_slice %arg7[%add3A_1211, %dma_start3A_1218] : memref<40x64xi32, #tpu.memory_space<vmem>> -> memref<1x64xi32, #tpu.memory_space<vmem>>
      %dma_start3A_1220 = tpu.memref_squeeze %dma_start3A_1219 : memref<1x64xi32, #tpu.memory_space<vmem>> -> memref<64xi32, #tpu.memory_space<vmem>>
      %dma_start3A_1221 = arith.constant 0 : i32
      %dma_start3A_1222 = arith.constant 0 : i32
      %dma_start3A_1223 = tpu.memref_slice %arg2[%dma_start3A_1221, %dma_start3A_1222] : memref<10000x128xf32, #tpu.memory_space<hbm>> -> memref<10000x128xf32, #tpu.memory_space<hbm>>
      %dma_start3A_1224 = tpu.memref_slice %arg11[%dma_start3A_1213] : memref<4x!tpu.dma_semaphore, #tpu.memory_space<semaphore_mem>> -> memref<1x!tpu.dma_semaphore, #tpu.memory_space<semaphore_mem>>
      %dma_start3A_1225 = tpu.memref_squeeze %dma_start3A_1224 : memref<1x!tpu.dma_semaphore, #tpu.memory_space<semaphore_mem>> -> memref<!tpu.dma_semaphore, #tpu.memory_space<semaphore_mem>>
      tpu.enqueue_indirect_dma source(%dma_start3A_1223 : memref<10000x128xf32, #tpu.memory_space<hbm>>) target(%dma_start3A_1217 : memref<64x128xf32, #tpu.memory_space<vmem>>) offsets(%dma_start3A_1220 : memref<64xi32, #tpu.memory_space<vmem>>) semaphore(%dma_start3A_1225 : memref<!tpu.dma_semaphore, #tpu.memory_space<semaphore_mem>>)
      %dma_wait3A_1226 = arith.constant 2 : i32
      %dma_wait3A_1227 = arith.constant 0 : i32
      %dma_wait3A_1228 = arith.constant 2 : i32
      %dma_wait3A_1229 = arith.constant 0 : i32
      %dma_wait3A_1230 = arith.constant 0 : i32
      %dma_wait3A_1231 = tpu.memref_slice %arg9[%dma_wait3A_1226, %dma_wait3A_1229, %dma_wait3A_1230] : memref<4x64x128xf32, #tpu.memory_space<vmem>> -> memref<1x64x128xf32, #tpu.memory_space<vmem>>
      %dma_wait3A_1232 = tpu.memref_squeeze %dma_wait3A_1231 : memref<1x64x128xf32, #tpu.memory_space<vmem>> -> memref<64x128xf32, #tpu.memory_space<vmem>>
      %dma_wait3A_1233 = arith.constant 0 : i32
      %dma_wait3A_1234 = tpu.memref_slice %arg8[%dma_wait3A_1227, %dma_wait3A_1233] : memref<40x64xi32, #tpu.memory_space<vmem>> -> memref<1x64xi32, #tpu.memory_space<vmem>>
      %dma_wait3A_1235 = tpu.memref_squeeze %dma_wait3A_1234 : memref<1x64xi32, #tpu.memory_space<vmem>> -> memref<64xi32, #tpu.memory_space<vmem>>
      %dma_wait3A_1236 = arith.constant 0 : i32
      %dma_wait3A_1237 = arith.constant 0 : i32
      %dma_wait3A_1238 = tpu.memref_slice %arg10[%dma_wait3A_1236, %dma_wait3A_1237] : memref<10112x128xf32, #tpu.memory_space<vmem_shared>> -> memref<10112x128xf32, #tpu.memory_space<vmem_shared>>
      %dma_wait3A_1239 = tpu.memref_slice %arg12[%dma_wait3A_1228] : memref<4x!tpu.dma_semaphore, #tpu.memory_space<semaphore_mem>> -> memref<1x!tpu.dma_semaphore, #tpu.memory_space<semaphore_mem>>
      %dma_wait3A_1240 = tpu.memref_squeeze %dma_wait3A_1239 : memref<1x!tpu.dma_semaphore, #tpu.memory_space<semaphore_mem>> -> memref<!tpu.dma_semaphore, #tpu.memory_space<semaphore_mem>>
      tpu.wait_indirect_dma semaphore(%dma_wait3A_1240 : memref<!tpu.dma_semaphore, #tpu.memory_space<semaphore_mem>>) src(%dma_wait3A_1232 : memref<64x128xf32, #tpu.memory_space<vmem>>) dst(%dma_wait3A_1238 : memref<10112x128xf32, #tpu.memory_space<vmem_shared>>)
      %add3A_1241 = arith.constant 1 : i32
      %add3A_1242 = arith.addi %add3A_1023, %add3A_1241 : i32
      %mul3A_1243 = arith.constant 4 : i32
      %mul3A_1244 = arith.muli %add3A_1242, %mul3A_1243 : i32
      %add3A_1245 = arith.constant 2 : i32
      %add3A_1246 = arith.addi %mul3A_1244, %add3A_1245 : i32
      %dma_start3A_1247 = arith.constant 2 : i32
      %dma_start3A_1248 = arith.constant 2 : i32
      %dma_start3A_1249 = arith.constant 0 : i32
      %dma_start3A_1250 = arith.constant 0 : i32
      %dma_start3A_1251 = tpu.memref_slice %arg9[%dma_start3A_1247, %dma_start3A_1249, %dma_start3A_1250] : memref<4x64x128xf32, #tpu.memory_space<vmem>> -> memref<1x64x128xf32, #tpu.memory_space<vmem>>
      %dma_start3A_1252 = tpu.memref_squeeze %dma_start3A_1251 : memref<1x64x128xf32, #tpu.memory_space<vmem>> -> memref<64x128xf32, #tpu.memory_space<vmem>>
      %dma_start3A_1253 = arith.constant 0 : i32
      %dma_start3A_1254 = tpu.memref_slice %arg7[%add3A_1246, %dma_start3A_1253] : memref<40x64xi32, #tpu.memory_space<vmem>> -> memref<1x64xi32, #tpu.memory_space<vmem>>
      %dma_start3A_1255 = tpu.memref_squeeze %dma_start3A_1254 : memref<1x64xi32, #tpu.memory_space<vmem>> -> memref<64xi32, #tpu.memory_space<vmem>>
      %dma_start3A_1256 = arith.constant 0 : i32
      %dma_start3A_1257 = arith.constant 0 : i32
      %dma_start3A_1258 = tpu.memref_slice %arg2[%dma_start3A_1256, %dma_start3A_1257] : memref<10000x128xf32, #tpu.memory_space<hbm>> -> memref<10000x128xf32, #tpu.memory_space<hbm>>
      %dma_start3A_1259 = tpu.memref_slice %arg11[%dma_start3A_1248] : memref<4x!tpu.dma_semaphore, #tpu.memory_space<semaphore_mem>> -> memref<1x!tpu.dma_semaphore, #tpu.memory_space<semaphore_mem>>
      %dma_start3A_1260 = tpu.memref_squeeze %dma_start3A_1259 : memref<1x!tpu.dma_semaphore, #tpu.memory_space<semaphore_mem>> -> memref<!tpu.dma_semaphore, #tpu.memory_space<semaphore_mem>>
      tpu.enqueue_indirect_dma source(%dma_start3A_1258 : memref<10000x128xf32, #tpu.memory_space<hbm>>) target(%dma_start3A_1252 : memref<64x128xf32, #tpu.memory_space<vmem>>) offsets(%dma_start3A_1255 : memref<64xi32, #tpu.memory_space<vmem>>) semaphore(%dma_start3A_1260 : memref<!tpu.dma_semaphore, #tpu.memory_space<semaphore_mem>>)
      %dma_wait3A_1261 = arith.constant 3 : i32
      %dma_wait3A_1262 = arith.constant 0 : i32
      %dma_wait3A_1263 = arith.constant 3 : i32
      %dma_wait3A_1264 = arith.constant 0 : i32
      %dma_wait3A_1265 = arith.constant 0 : i32
      %dma_wait3A_1266 = tpu.memref_slice %arg9[%dma_wait3A_1261, %dma_wait3A_1264, %dma_wait3A_1265] : memref<4x64x128xf32, #tpu.memory_space<vmem>> -> memref<1x64x128xf32, #tpu.memory_space<vmem>>
      %dma_wait3A_1267 = tpu.memref_squeeze %dma_wait3A_1266 : memref<1x64x128xf32, #tpu.memory_space<vmem>> -> memref<64x128xf32, #tpu.memory_space<vmem>>
      %dma_wait3A_1268 = arith.constant 0 : i32
      %dma_wait3A_1269 = tpu.memref_slice %arg8[%dma_wait3A_1262, %dma_wait3A_1268] : memref<40x64xi32, #tpu.memory_space<vmem>> -> memref<1x64xi32, #tpu.memory_space<vmem>>
      %dma_wait3A_1270 = tpu.memref_squeeze %dma_wait3A_1269 : memref<1x64xi32, #tpu.memory_space<vmem>> -> memref<64xi32, #tpu.memory_space<vmem>>
      %dma_wait3A_1271 = arith.constant 0 : i32
      %dma_wait3A_1272 = arith.constant 0 : i32
      %dma_wait3A_1273 = tpu.memref_slice %arg10[%dma_wait3A_1271, %dma_wait3A_1272] : memref<10112x128xf32, #tpu.memory_space<vmem_shared>> -> memref<10112x128xf32, #tpu.memory_space<vmem_shared>>
      %dma_wait3A_1274 = tpu.memref_slice %arg12[%dma_wait3A_1263] : memref<4x!tpu.dma_semaphore, #tpu.memory_space<semaphore_mem>> -> memref<1x!tpu.dma_semaphore, #tpu.memory_space<semaphore_mem>>
      %dma_wait3A_1275 = tpu.memref_squeeze %dma_wait3A_1274 : memref<1x!tpu.dma_semaphore, #tpu.memory_space<semaphore_mem>> -> memref<!tpu.dma_semaphore, #tpu.memory_space<semaphore_mem>>
      tpu.wait_indirect_dma semaphore(%dma_wait3A_1275 : memref<!tpu.dma_semaphore, #tpu.memory_space<semaphore_mem>>) src(%dma_wait3A_1267 : memref<64x128xf32, #tpu.memory_space<vmem>>) dst(%dma_wait3A_1273 : memref<10112x128xf32, #tpu.memory_space<vmem_shared>>)
      %add3A_1276 = arith.constant 1 : i32
      %add3A_1277 = arith.addi %add3A_1023, %add3A_1276 : i32
      %mul3A_1278 = arith.constant 4 : i32
      %mul3A_1279 = arith.muli %add3A_1277, %mul3A_1278 : i32
      %add3A_1280 = arith.constant 3 : i32
      %add3A_1281 = arith.addi %mul3A_1279, %add3A_1280 : i32
      %dma_start3A_1282 = arith.constant 3 : i32
      %dma_start3A_1283 = arith.constant 3 : i32
      %dma_start3A_1284 = arith.constant 0 : i32
      %dma_start3A_1285 = arith.constant 0 : i32
      %dma_start3A_1286 = tpu.memref_slice %arg9[%dma_start3A_1282, %dma_start3A_1284, %dma_start3A_1285] : memref<4x64x128xf32, #tpu.memory_space<vmem>> -> memref<1x64x128xf32, #tpu.memory_space<vmem>>
      %dma_start3A_1287 = tpu.memref_squeeze %dma_start3A_1286 : memref<1x64x128xf32, #tpu.memory_space<vmem>> -> memref<64x128xf32, #tpu.memory_space<vmem>>
      %dma_start3A_1288 = arith.constant 0 : i32
      %dma_start3A_1289 = tpu.memref_slice %arg7[%add3A_1281, %dma_start3A_1288] : memref<40x64xi32, #tpu.memory_space<vmem>> -> memref<1x64xi32, #tpu.memory_space<vmem>>
      %dma_start3A_1290 = tpu.memref_squeeze %dma_start3A_1289 : memref<1x64xi32, #tpu.memory_space<vmem>> -> memref<64xi32, #tpu.memory_space<vmem>>
      %dma_start3A_1291 = arith.constant 0 : i32
      %dma_start3A_1292 = arith.constant 0 : i32
      %dma_start3A_1293 = tpu.memref_slice %arg2[%dma_start3A_1291, %dma_start3A_1292] : memref<10000x128xf32, #tpu.memory_space<hbm>> -> memref<10000x128xf32, #tpu.memory_space<hbm>>
      %dma_start3A_1294 = tpu.memref_slice %arg11[%dma_start3A_1283] : memref<4x!tpu.dma_semaphore, #tpu.memory_space<semaphore_mem>> -> memref<1x!tpu.dma_semaphore, #tpu.memory_space<semaphore_mem>>
      %dma_start3A_1295 = tpu.memref_squeeze %dma_start3A_1294 : memref<1x!tpu.dma_semaphore, #tpu.memory_space<semaphore_mem>> -> memref<!tpu.dma_semaphore, #tpu.memory_space<semaphore_mem>>
      tpu.enqueue_indirect_dma source(%dma_start3A_1293 : memref<10000x128xf32, #tpu.memory_space<hbm>>) target(%dma_start3A_1287 : memref<64x128xf32, #tpu.memory_space<vmem>>) offsets(%dma_start3A_1290 : memref<64xi32, #tpu.memory_space<vmem>>) semaphore(%dma_start3A_1295 : memref<!tpu.dma_semaphore, #tpu.memory_space<semaphore_mem>>)
    }
    %scan3A_833 = arith.constant 9 : i32
    %dma_wait3A_834 = arith.constant 0 : i32
    %dma_wait3A_835 = arith.constant 0 : i32
    %dma_wait3A_836 = arith.constant 0 : i32
    %dma_wait3A_837 = arith.constant 0 : i32
    %dma_wait3A_838 = arith.constant 0 : i32
    %dma_wait3A_839 = tpu.memref_slice %arg9[%dma_wait3A_835, %dma_wait3A_837, %dma_wait3A_838] : memref<4x64x128xf32, #tpu.memory_space<vmem>> -> memref<1x64x128xf32, #tpu.memory_space<vmem>>
    %dma_wait3A_840 = tpu.memref_squeeze %dma_wait3A_839 : memref<1x64x128xf32, #tpu.memory_space<vmem>> -> memref<64x128xf32, #tpu.memory_space<vmem>>
    %dma_wait3A_841 = arith.constant 0 : i32
    %dma_wait3A_842 = tpu.memref_slice %arg7[%dma_wait3A_834, %dma_wait3A_841] : memref<40x64xi32, #tpu.memory_space<vmem>> -> memref<1x64xi32, #tpu.memory_space<vmem>>
    %dma_wait3A_843 = tpu.memref_squeeze %dma_wait3A_842 : memref<1x64xi32, #tpu.memory_space<vmem>> -> memref<64xi32, #tpu.memory_space<vmem>>
    %dma_wait3A_844 = arith.constant 0 : i32
    %dma_wait3A_845 = arith.constant 0 : i32
    %dma_wait3A_846 = tpu.memref_slice %arg2[%dma_wait3A_844, %dma_wait3A_845] : memref<10000x128xf32, #tpu.memory_space<hbm>> -> memref<10000x128xf32, #tpu.memory_space<hbm>>
    %dma_wait3A_847 = tpu.memref_slice %arg11[%dma_wait3A_836] : memref<4x!tpu.dma_semaphore, #tpu.memory_space<semaphore_mem>> -> memref<1x!tpu.dma_semaphore, #tpu.memory_space<semaphore_mem>>
    %dma_wait3A_848 = tpu.memref_squeeze %dma_wait3A_847 : memref<1x!tpu.dma_semaphore, #tpu.memory_space<semaphore_mem>> -> memref<!tpu.dma_semaphore, #tpu.memory_space<semaphore_mem>>
    tpu.wait_indirect_dma semaphore(%dma_wait3A_848 : memref<!tpu.dma_semaphore, #tpu.memory_space<semaphore_mem>>) src(%dma_wait3A_846 : memref<10000x128xf32, #tpu.memory_space<hbm>>) dst(%dma_wait3A_840 : memref<64x128xf32, #tpu.memory_space<vmem>>)
    %dma_start3A_849 = arith.constant 0 : i32
    %dma_start3A_850 = arith.constant 36 : i32
    %dma_start3A_851 = arith.constant 0 : i32
    %dma_start3A_852 = arith.constant 0 : i32
    %dma_start3A_853 = arith.constant 0 : i32
    %dma_start3A_854 = tpu.memref_slice %arg9[%dma_start3A_849, %dma_start3A_852, %dma_start3A_853] : memref<4x64x128xf32, #tpu.memory_space<vmem>> -> memref<1x64x128xf32, #tpu.memory_space<vmem>>
    %dma_start3A_855 = tpu.memref_squeeze %dma_start3A_854 : memref<1x64x128xf32, #tpu.memory_space<vmem>> -> memref<64x128xf32, #tpu.memory_space<vmem>>
    %dma_start3A_856 = arith.constant 0 : i32
    %dma_start3A_857 = tpu.memref_slice %arg8[%dma_start3A_850, %dma_start3A_856] : memref<40x64xi32, #tpu.memory_space<vmem>> -> memref<1x64xi32, #tpu.memory_space<vmem>>
    %dma_start3A_858 = tpu.memref_squeeze %dma_start3A_857 : memref<1x64xi32, #tpu.memory_space<vmem>> -> memref<64xi32, #tpu.memory_space<vmem>>
    %dma_start3A_859 = arith.constant 0 : i32
    %dma_start3A_860 = arith.constant 0 : i32
    %dma_start3A_861 = tpu.memref_slice %arg10[%dma_start3A_859, %dma_start3A_860] : memref<10112x128xf32, #tpu.memory_space<vmem_shared>> -> memref<10112x128xf32, #tpu.memory_space<vmem_shared>>
    %dma_start3A_862 = tpu.memref_slice %arg12[%dma_start3A_851] : memref<4x!tpu.dma_semaphore, #tpu.memory_space<semaphore_mem>> -> memref<1x!tpu.dma_semaphore, #tpu.memory_space<semaphore_mem>>
    %dma_start3A_863 = tpu.memref_squeeze %dma_start3A_862 : memref<1x!tpu.dma_semaphore, #tpu.memory_space<semaphore_mem>> -> memref<!tpu.dma_semaphore, #tpu.memory_space<semaphore_mem>>
    tpu.enqueue_indirect_dma source(%dma_start3A_855 : memref<64x128xf32, #tpu.memory_space<vmem>>) target(%dma_start3A_861 : memref<10112x128xf32, #tpu.memory_space<vmem_shared>>) offsets(%dma_start3A_858 : memref<64xi32, #tpu.memory_space<vmem>>) semaphore(%dma_start3A_863 : memref<!tpu.dma_semaphore, #tpu.memory_space<semaphore_mem>>) {add = true}
    %dma_wait3A_864 = arith.constant 0 : i32
    %dma_wait3A_865 = arith.constant 1 : i32
    %dma_wait3A_866 = arith.constant 1 : i32
    %dma_wait3A_867 = arith.constant 0 : i32
    %dma_wait3A_868 = arith.constant 0 : i32
    %dma_wait3A_869 = tpu.memref_slice %arg9[%dma_wait3A_865, %dma_wait3A_867, %dma_wait3A_868] : memref<4x64x128xf32, #tpu.memory_space<vmem>> -> memref<1x64x128xf32, #tpu.memory_space<vmem>>
    %dma_wait3A_870 = tpu.memref_squeeze %dma_wait3A_869 : memref<1x64x128xf32, #tpu.memory_space<vmem>> -> memref<64x128xf32, #tpu.memory_space<vmem>>
    %dma_wait3A_871 = arith.constant 0 : i32
    %dma_wait3A_872 = tpu.memref_slice %arg7[%dma_wait3A_864, %dma_wait3A_871] : memref<40x64xi32, #tpu.memory_space<vmem>> -> memref<1x64xi32, #tpu.memory_space<vmem>>
    %dma_wait3A_873 = tpu.memref_squeeze %dma_wait3A_872 : memref<1x64xi32, #tpu.memory_space<vmem>> -> memref<64xi32, #tpu.memory_space<vmem>>
    %dma_wait3A_874 = arith.constant 0 : i32
    %dma_wait3A_875 = arith.constant 0 : i32
    %dma_wait3A_876 = tpu.memref_slice %arg2[%dma_wait3A_874, %dma_wait3A_875] : memref<10000x128xf32, #tpu.memory_space<hbm>> -> memref<10000x128xf32, #tpu.memory_space<hbm>>
    %dma_wait3A_877 = tpu.memref_slice %arg11[%dma_wait3A_866] : memref<4x!tpu.dma_semaphore, #tpu.memory_space<semaphore_mem>> -> memref<1x!tpu.dma_semaphore, #tpu.memory_space<semaphore_mem>>
    %dma_wait3A_878 = tpu.memref_squeeze %dma_wait3A_877 : memref<1x!tpu.dma_semaphore, #tpu.memory_space<semaphore_mem>> -> memref<!tpu.dma_semaphore, #tpu.memory_space<semaphore_mem>>
    tpu.wait_indirect_dma semaphore(%dma_wait3A_878 : memref<!tpu.dma_semaphore, #tpu.memory_space<semaphore_mem>>) src(%dma_wait3A_876 : memref<10000x128xf32, #tpu.memory_space<hbm>>) dst(%dma_wait3A_870 : memref<64x128xf32, #tpu.memory_space<vmem>>)
    %dma_start3A_879 = arith.constant 1 : i32
    %dma_start3A_880 = arith.constant 37 : i32
    %dma_start3A_881 = arith.constant 1 : i32
    %dma_start3A_882 = arith.constant 0 : i32
    %dma_start3A_883 = arith.constant 0 : i32
    %dma_start3A_884 = tpu.memref_slice %arg9[%dma_start3A_879, %dma_start3A_882, %dma_start3A_883] : memref<4x64x128xf32, #tpu.memory_space<vmem>> -> memref<1x64x128xf32, #tpu.memory_space<vmem>>
    %dma_start3A_885 = tpu.memref_squeeze %dma_start3A_884 : memref<1x64x128xf32, #tpu.memory_space<vmem>> -> memref<64x128xf32, #tpu.memory_space<vmem>>
    %dma_start3A_886 = arith.constant 0 : i32
    %dma_start3A_887 = tpu.memref_slice %arg8[%dma_start3A_880, %dma_start3A_886] : memref<40x64xi32, #tpu.memory_space<vmem>> -> memref<1x64xi32, #tpu.memory_space<vmem>>
    %dma_start3A_888 = tpu.memref_squeeze %dma_start3A_887 : memref<1x64xi32, #tpu.memory_space<vmem>> -> memref<64xi32, #tpu.memory_space<vmem>>
    %dma_start3A_889 = arith.constant 0 : i32
    %dma_start3A_890 = arith.constant 0 : i32
    %dma_start3A_891 = tpu.memref_slice %arg10[%dma_start3A_889, %dma_start3A_890] : memref<10112x128xf32, #tpu.memory_space<vmem_shared>> -> memref<10112x128xf32, #tpu.memory_space<vmem_shared>>
    %dma_start3A_892 = tpu.memref_slice %arg12[%dma_start3A_881] : memref<4x!tpu.dma_semaphore, #tpu.memory_space<semaphore_mem>> -> memref<1x!tpu.dma_semaphore, #tpu.memory_space<semaphore_mem>>
    %dma_start3A_893 = tpu.memref_squeeze %dma_start3A_892 : memref<1x!tpu.dma_semaphore, #tpu.memory_space<semaphore_mem>> -> memref<!tpu.dma_semaphore, #tpu.memory_space<semaphore_mem>>
    tpu.enqueue_indirect_dma source(%dma_start3A_885 : memref<64x128xf32, #tpu.memory_space<vmem>>) target(%dma_start3A_891 : memref<10112x128xf32, #tpu.memory_space<vmem_shared>>) offsets(%dma_start3A_888 : memref<64xi32, #tpu.memory_space<vmem>>) semaphore(%dma_start3A_893 : memref<!tpu.dma_semaphore, #tpu.memory_space<semaphore_mem>>) {add = true}
    %dma_wait3A_894 = arith.constant 0 : i32
    %dma_wait3A_895 = arith.constant 2 : i32
    %dma_wait3A_896 = arith.constant 2 : i32
    %dma_wait3A_897 = arith.constant 0 : i32
    %dma_wait3A_898 = arith.constant 0 : i32
    %dma_wait3A_899 = tpu.memref_slice %arg9[%dma_wait3A_895, %dma_wait3A_897, %dma_wait3A_898] : memref<4x64x128xf32, #tpu.memory_space<vmem>> -> memref<1x64x128xf32, #tpu.memory_space<vmem>>
    %dma_wait3A_900 = tpu.memref_squeeze %dma_wait3A_899 : memref<1x64x128xf32, #tpu.memory_space<vmem>> -> memref<64x128xf32, #tpu.memory_space<vmem>>
    %dma_wait3A_901 = arith.constant 0 : i32
    %dma_wait3A_902 = tpu.memref_slice %arg7[%dma_wait3A_894, %dma_wait3A_901] : memref<40x64xi32, #tpu.memory_space<vmem>> -> memref<1x64xi32, #tpu.memory_space<vmem>>
    %dma_wait3A_903 = tpu.memref_squeeze %dma_wait3A_902 : memref<1x64xi32, #tpu.memory_space<vmem>> -> memref<64xi32, #tpu.memory_space<vmem>>
    %dma_wait3A_904 = arith.constant 0 : i32
    %dma_wait3A_905 = arith.constant 0 : i32
    %dma_wait3A_906 = tpu.memref_slice %arg2[%dma_wait3A_904, %dma_wait3A_905] : memref<10000x128xf32, #tpu.memory_space<hbm>> -> memref<10000x128xf32, #tpu.memory_space<hbm>>
    %dma_wait3A_907 = tpu.memref_slice %arg11[%dma_wait3A_896] : memref<4x!tpu.dma_semaphore, #tpu.memory_space<semaphore_mem>> -> memref<1x!tpu.dma_semaphore, #tpu.memory_space<semaphore_mem>>
    %dma_wait3A_908 = tpu.memref_squeeze %dma_wait3A_907 : memref<1x!tpu.dma_semaphore, #tpu.memory_space<semaphore_mem>> -> memref<!tpu.dma_semaphore, #tpu.memory_space<semaphore_mem>>
    tpu.wait_indirect_dma semaphore(%dma_wait3A_908 : memref<!tpu.dma_semaphore, #tpu.memory_space<semaphore_mem>>) src(%dma_wait3A_906 : memref<10000x128xf32, #tpu.memory_space<hbm>>) dst(%dma_wait3A_900 : memref<64x128xf32, #tpu.memory_space<vmem>>)
    %dma_start3A_909 = arith.constant 2 : i32
    %dma_start3A_910 = arith.constant 38 : i32
    %dma_start3A_911 = arith.constant 2 : i32
    %dma_start3A_912 = arith.constant 0 : i32
    %dma_start3A_913 = arith.constant 0 : i32
    %dma_start3A_914 = tpu.memref_slice %arg9[%dma_start3A_909, %dma_start3A_912, %dma_start3A_913] : memref<4x64x128xf32, #tpu.memory_space<vmem>> -> memref<1x64x128xf32, #tpu.memory_space<vmem>>
    %dma_start3A_915 = tpu.memref_squeeze %dma_start3A_914 : memref<1x64x128xf32, #tpu.memory_space<vmem>> -> memref<64x128xf32, #tpu.memory_space<vmem>>
    %dma_start3A_916 = arith.constant 0 : i32
    %dma_start3A_917 = tpu.memref_slice %arg8[%dma_start3A_910, %dma_start3A_916] : memref<40x64xi32, #tpu.memory_space<vmem>> -> memref<1x64xi32, #tpu.memory_space<vmem>>
    %dma_start3A_918 = tpu.memref_squeeze %dma_start3A_917 : memref<1x64xi32, #tpu.memory_space<vmem>> -> memref<64xi32, #tpu.memory_space<vmem>>
    %dma_start3A_919 = arith.constant 0 : i32
    %dma_start3A_920 = arith.constant 0 : i32
    %dma_start3A_921 = tpu.memref_slice %arg10[%dma_start3A_919, %dma_start3A_920] : memref<10112x128xf32, #tpu.memory_space<vmem_shared>> -> memref<10112x128xf32, #tpu.memory_space<vmem_shared>>
    %dma_start3A_922 = tpu.memref_slice %arg12[%dma_start3A_911] : memref<4x!tpu.dma_semaphore, #tpu.memory_space<semaphore_mem>> -> memref<1x!tpu.dma_semaphore, #tpu.memory_space<semaphore_mem>>
    %dma_start3A_923 = tpu.memref_squeeze %dma_start3A_922 : memref<1x!tpu.dma_semaphore, #tpu.memory_space<semaphore_mem>> -> memref<!tpu.dma_semaphore, #tpu.memory_space<semaphore_mem>>
    tpu.enqueue_indirect_dma source(%dma_start3A_915 : memref<64x128xf32, #tpu.memory_space<vmem>>) target(%dma_start3A_921 : memref<10112x128xf32, #tpu.memory_space<vmem_shared>>) offsets(%dma_start3A_918 : memref<64xi32, #tpu.memory_space<vmem>>) semaphore(%dma_start3A_923 : memref<!tpu.dma_semaphore, #tpu.memory_space<semaphore_mem>>) {add = true}
    %dma_wait3A_924 = arith.constant 0 : i32
    %dma_wait3A_925 = arith.constant 3 : i32
    %dma_wait3A_926 = arith.constant 3 : i32
    %dma_wait3A_927 = arith.constant 0 : i32
    %dma_wait3A_928 = arith.constant 0 : i32
    %dma_wait3A_929 = tpu.memref_slice %arg9[%dma_wait3A_925, %dma_wait3A_927, %dma_wait3A_928] : memref<4x64x128xf32, #tpu.memory_space<vmem>> -> memref<1x64x128xf32, #tpu.memory_space<vmem>>
    %dma_wait3A_930 = tpu.memref_squeeze %dma_wait3A_929 : memref<1x64x128xf32, #tpu.memory_space<vmem>> -> memref<64x128xf32, #tpu.memory_space<vmem>>
    %dma_wait3A_931 = arith.constant 0 : i32
    %dma_wait3A_932 = tpu.memref_slice %arg7[%dma_wait3A_924, %dma_wait3A_931] : memref<40x64xi32, #tpu.memory_space<vmem>> -> memref<1x64xi32, #tpu.memory_space<vmem>>
    %dma_wait3A_933 = tpu.memref_squeeze %dma_wait3A_932 : memref<1x64xi32, #tpu.memory_space<vmem>> -> memref<64xi32, #tpu.memory_space<vmem>>
    %dma_wait3A_934 = arith.constant 0 : i32
    %dma_wait3A_935 = arith.constant 0 : i32
    %dma_wait3A_936 = tpu.memref_slice %arg2[%dma_wait3A_934, %dma_wait3A_935] : memref<10000x128xf32, #tpu.memory_space<hbm>> -> memref<10000x128xf32, #tpu.memory_space<hbm>>
    %dma_wait3A_937 = tpu.memref_slice %arg11[%dma_wait3A_926] : memref<4x!tpu.dma_semaphore, #tpu.memory_space<semaphore_mem>> -> memref<1x!tpu.dma_semaphore, #tpu.memory_space<semaphore_mem>>
    %dma_wait3A_938 = tpu.memref_squeeze %dma_wait3A_937 : memref<1x!tpu.dma_semaphore, #tpu.memory_space<semaphore_mem>> -> memref<!tpu.dma_semaphore, #tpu.memory_space<semaphore_mem>>
    tpu.wait_indirect_dma semaphore(%dma_wait3A_938 : memref<!tpu.dma_semaphore, #tpu.memory_space<semaphore_mem>>) src(%dma_wait3A_936 : memref<10000x128xf32, #tpu.memory_space<hbm>>) dst(%dma_wait3A_930 : memref<64x128xf32, #tpu.memory_space<vmem>>)
    %dma_start3A_939 = arith.constant 3 : i32
    %dma_start3A_940 = arith.constant 39 : i32
    %dma_start3A_941 = arith.constant 3 : i32
    %dma_start3A_942 = arith.constant 0 : i32
    %dma_start3A_943 = arith.constant 0 : i32
    %dma_start3A_944 = tpu.memref_slice %arg9[%dma_start3A_939, %dma_start3A_942, %dma_start3A_943] : memref<4x64x128xf32, #tpu.memory_space<vmem>> -> memref<1x64x128xf32, #tpu.memory_space<vmem>>
    %dma_start3A_945 = tpu.memref_squeeze %dma_start3A_944 : memref<1x64x128xf32, #tpu.memory_space<vmem>> -> memref<64x128xf32, #tpu.memory_space<vmem>>
    %dma_start3A_946 = arith.constant 0 : i32
    %dma_start3A_947 = tpu.memref_slice %arg8[%dma_start3A_940, %dma_start3A_946] : memref<40x64xi32, #tpu.memory_space<vmem>> -> memref<1x64xi32, #tpu.memory_space<vmem>>
    %dma_start3A_948 = tpu.memref_squeeze %dma_start3A_947 : memref<1x64xi32, #tpu.memory_space<vmem>> -> memref<64xi32, #tpu.memory_space<vmem>>
    %dma_start3A_949 = arith.constant 0 : i32
    %dma_start3A_950 = arith.constant 0 : i32
    %dma_start3A_951 = tpu.memref_slice %arg10[%dma_start3A_949, %dma_start3A_950] : memref<10112x128xf32, #tpu.memory_space<vmem_shared>> -> memref<10112x128xf32, #tpu.memory_space<vmem_shared>>
    %dma_start3A_952 = tpu.memref_slice %arg12[%dma_start3A_941] : memref<4x!tpu.dma_semaphore, #tpu.memory_space<semaphore_mem>> -> memref<1x!tpu.dma_semaphore, #tpu.memory_space<semaphore_mem>>
    %dma_start3A_953 = tpu.memref_squeeze %dma_start3A_952 : memref<1x!tpu.dma_semaphore, #tpu.memory_space<semaphore_mem>> -> memref<!tpu.dma_semaphore, #tpu.memory_space<semaphore_mem>>
    tpu.enqueue_indirect_dma source(%dma_start3A_945 : memref<64x128xf32, #tpu.memory_space<vmem>>) target(%dma_start3A_951 : memref<10112x128xf32, #tpu.memory_space<vmem_shared>>) offsets(%dma_start3A_948 : memref<64xi32, #tpu.memory_space<vmem>>) semaphore(%dma_start3A_953 : memref<!tpu.dma_semaphore, #tpu.memory_space<semaphore_mem>>) {add = true}
    %dma_wait3A_954 = arith.constant 0 : i32
    %dma_wait3A_955 = arith.constant 0 : i32
    %dma_wait3A_956 = arith.constant 0 : i32
    %dma_wait3A_957 = arith.constant 0 : i32
    %dma_wait3A_958 = arith.constant 0 : i32
    %dma_wait3A_959 = tpu.memref_slice %arg9[%dma_wait3A_954, %dma_wait3A_957, %dma_wait3A_958] : memref<4x64x128xf32, #tpu.memory_space<vmem>> -> memref<1x64x128xf32, #tpu.memory_space<vmem>>
    %dma_wait3A_960 = tpu.memref_squeeze %dma_wait3A_959 : memref<1x64x128xf32, #tpu.memory_space<vmem>> -> memref<64x128xf32, #tpu.memory_space<vmem>>
    %dma_wait3A_961 = arith.constant 0 : i32
    %dma_wait3A_962 = tpu.memref_slice %arg8[%dma_wait3A_955, %dma_wait3A_961] : memref<40x64xi32, #tpu.memory_space<vmem>> -> memref<1x64xi32, #tpu.memory_space<vmem>>
    %dma_wait3A_963 = tpu.memref_squeeze %dma_wait3A_962 : memref<1x64xi32, #tpu.memory_space<vmem>> -> memref<64xi32, #tpu.memory_space<vmem>>
    %dma_wait3A_964 = arith.constant 0 : i32
    %dma_wait3A_965 = arith.constant 0 : i32
    %dma_wait3A_966 = tpu.memref_slice %arg10[%dma_wait3A_964, %dma_wait3A_965] : memref<10112x128xf32, #tpu.memory_space<vmem_shared>> -> memref<10112x128xf32, #tpu.memory_space<vmem_shared>>
    %dma_wait3A_967 = tpu.memref_slice %arg12[%dma_wait3A_956] : memref<4x!tpu.dma_semaphore, #tpu.memory_space<semaphore_mem>> -> memref<1x!tpu.dma_semaphore, #tpu.memory_space<semaphore_mem>>
    %dma_wait3A_968 = tpu.memref_squeeze %dma_wait3A_967 : memref<1x!tpu.dma_semaphore, #tpu.memory_space<semaphore_mem>> -> memref<!tpu.dma_semaphore, #tpu.memory_space<semaphore_mem>>
    tpu.wait_indirect_dma semaphore(%dma_wait3A_968 : memref<!tpu.dma_semaphore, #tpu.memory_space<semaphore_mem>>) src(%dma_wait3A_960 : memref<64x128xf32, #tpu.memory_space<vmem>>) dst(%dma_wait3A_966 : memref<10112x128xf32, #tpu.memory_space<vmem_shared>>)
    %dma_wait3A_969 = arith.constant 1 : i32
    %dma_wait3A_970 = arith.constant 0 : i32
    %dma_wait3A_971 = arith.constant 1 : i32
    %dma_wait3A_972 = arith.constant 0 : i32
    %dma_wait3A_973 = arith.constant 0 : i32
    %dma_wait3A_974 = tpu.memref_slice %arg9[%dma_wait3A_969, %dma_wait3A_972, %dma_wait3A_973] : memref<4x64x128xf32, #tpu.memory_space<vmem>> -> memref<1x64x128xf32, #tpu.memory_space<vmem>>
    %dma_wait3A_975 = tpu.memref_squeeze %dma_wait3A_974 : memref<1x64x128xf32, #tpu.memory_space<vmem>> -> memref<64x128xf32, #tpu.memory_space<vmem>>
    %dma_wait3A_976 = arith.constant 0 : i32
    %dma_wait3A_977 = tpu.memref_slice %arg8[%dma_wait3A_970, %dma_wait3A_976] : memref<40x64xi32, #tpu.memory_space<vmem>> -> memref<1x64xi32, #tpu.memory_space<vmem>>
    %dma_wait3A_978 = tpu.memref_squeeze %dma_wait3A_977 : memref<1x64xi32, #tpu.memory_space<vmem>> -> memref<64xi32, #tpu.memory_space<vmem>>
    %dma_wait3A_979 = arith.constant 0 : i32
    %dma_wait3A_980 = arith.constant 0 : i32
    %dma_wait3A_981 = tpu.memref_slice %arg10[%dma_wait3A_979, %dma_wait3A_980] : memref<10112x128xf32, #tpu.memory_space<vmem_shared>> -> memref<10112x128xf32, #tpu.memory_space<vmem_shared>>
    %dma_wait3A_982 = tpu.memref_slice %arg12[%dma_wait3A_971] : memref<4x!tpu.dma_semaphore, #tpu.memory_space<semaphore_mem>> -> memref<1x!tpu.dma_semaphore, #tpu.memory_space<semaphore_mem>>
    %dma_wait3A_983 = tpu.memref_squeeze %dma_wait3A_982 : memref<1x!tpu.dma_semaphore, #tpu.memory_space<semaphore_mem>> -> memref<!tpu.dma_semaphore, #tpu.memory_space<semaphore_mem>>
    tpu.wait_indirect_dma semaphore(%dma_wait3A_983 : memref<!tpu.dma_semaphore, #tpu.memory_space<semaphore_mem>>) src(%dma_wait3A_975 : memref<64x128xf32, #tpu.memory_space<vmem>>) dst(%dma_wait3A_981 : memref<10112x128xf32, #tpu.memory_space<vmem_shared>>)
    %dma_wait3A_984 = arith.constant 2 : i32
    %dma_wait3A_985 = arith.constant 0 : i32
    %dma_wait3A_986 = arith.constant 2 : i32
    %dma_wait3A_987 = arith.constant 0 : i32
    %dma_wait3A_988 = arith.constant 0 : i32
    %dma_wait3A_989 = tpu.memref_slice %arg9[%dma_wait3A_984, %dma_wait3A_987, %dma_wait3A_988] : memref<4x64x128xf32, #tpu.memory_space<vmem>> -> memref<1x64x128xf32, #tpu.memory_space<vmem>>
    %dma_wait3A_990 = tpu.memref_squeeze %dma_wait3A_989 : memref<1x64x128xf32, #tpu.memory_space<vmem>> -> memref<64x128xf32, #tpu.memory_space<vmem>>
    %dma_wait3A_991 = arith.constant 0 : i32
    %dma_wait3A_992 = tpu.memref_slice %arg8[%dma_wait3A_985, %dma_wait3A_991] : memref<40x64xi32, #tpu.memory_space<vmem>> -> memref<1x64xi32, #tpu.memory_space<vmem>>
    %dma_wait3A_993 = tpu.memref_squeeze %dma_wait3A_992 : memref<1x64xi32, #tpu.memory_space<vmem>> -> memref<64xi32, #tpu.memory_space<vmem>>
    %dma_wait3A_994 = arith.constant 0 : i32
    %dma_wait3A_995 = arith.constant 0 : i32
    %dma_wait3A_996 = tpu.memref_slice %arg10[%dma_wait3A_994, %dma_wait3A_995] : memref<10112x128xf32, #tpu.memory_space<vmem_shared>> -> memref<10112x128xf32, #tpu.memory_space<vmem_shared>>
    %dma_wait3A_997 = tpu.memref_slice %arg12[%dma_wait3A_986] : memref<4x!tpu.dma_semaphore, #tpu.memory_space<semaphore_mem>> -> memref<1x!tpu.dma_semaphore, #tpu.memory_space<semaphore_mem>>
    %dma_wait3A_998 = tpu.memref_squeeze %dma_wait3A_997 : memref<1x!tpu.dma_semaphore, #tpu.memory_space<semaphore_mem>> -> memref<!tpu.dma_semaphore, #tpu.memory_space<semaphore_mem>>
    tpu.wait_indirect_dma semaphore(%dma_wait3A_998 : memref<!tpu.dma_semaphore, #tpu.memory_space<semaphore_mem>>) src(%dma_wait3A_990 : memref<64x128xf32, #tpu.memory_space<vmem>>) dst(%dma_wait3A_996 : memref<10112x128xf32, #tpu.memory_space<vmem_shared>>)
    %dma_wait3A_999 = arith.constant 3 : i32
    %dma_wait3A_1000 = arith.constant 0 : i32
    %dma_wait3A_1001 = arith.constant 3 : i32
    %dma_wait3A_1002 = arith.constant 0 : i32
    %dma_wait3A_1003 = arith.constant 0 : i32
    %dma_wait3A_1004 = tpu.memref_slice %arg9[%dma_wait3A_999, %dma_wait3A_1002, %dma_wait3A_1003] : memref<4x64x128xf32, #tpu.memory_space<vmem>> -> memref<1x64x128xf32, #tpu.memory_space<vmem>>
    %dma_wait3A_1005 = tpu.memref_squeeze %dma_wait3A_1004 : memref<1x64x128xf32, #tpu.memory_space<vmem>> -> memref<64x128xf32, #tpu.memory_space<vmem>>
    %dma_wait3A_1006 = arith.constant 0 : i32
    %dma_wait3A_1007 = tpu.memref_slice %arg8[%dma_wait3A_1000, %dma_wait3A_1006] : memref<40x64xi32, #tpu.memory_space<vmem>> -> memref<1x64xi32, #tpu.memory_space<vmem>>
    %dma_wait3A_1008 = tpu.memref_squeeze %dma_wait3A_1007 : memref<1x64xi32, #tpu.memory_space<vmem>> -> memref<64xi32, #tpu.memory_space<vmem>>
    %dma_wait3A_1009 = arith.constant 0 : i32
    %dma_wait3A_1010 = arith.constant 0 : i32
    %dma_wait3A_1011 = tpu.memref_slice %arg10[%dma_wait3A_1009, %dma_wait3A_1010] : memref<10112x128xf32, #tpu.memory_space<vmem_shared>> -> memref<10112x128xf32, #tpu.memory_space<vmem_shared>>
    %dma_wait3A_1012 = tpu.memref_slice %arg12[%dma_wait3A_1001] : memref<4x!tpu.dma_semaphore, #tpu.memory_space<semaphore_mem>> -> memref<1x!tpu.dma_semaphore, #tpu.memory_space<semaphore_mem>>
    %dma_wait3A_1013 = tpu.memref_squeeze %dma_wait3A_1012 : memref<1x!tpu.dma_semaphore, #tpu.memory_space<semaphore_mem>> -> memref<!tpu.dma_semaphore, #tpu.memory_space<semaphore_mem>>
    tpu.wait_indirect_dma semaphore(%dma_wait3A_1013 : memref<!tpu.dma_semaphore, #tpu.memory_space<semaphore_mem>>) src(%dma_wait3A_1005 : memref<64x128xf32, #tpu.memory_space<vmem>>) dst(%dma_wait3A_1011 : memref<10112x128xf32, #tpu.memory_space<vmem_shared>>)
    %barrier3A_1014 = arith.constant 0 : index
    tpu.barrier barrier_id(%barrier3A_1014)
    %mul3A_1015 = arith.constant 632 : i32
    %mul3A_1016 = arith.muli %arg1, %mul3A_1015 : i32
    %mul3A_1017 = arith.constant 632 : i32
    %mul3A_1018 = arith.muli %arg1, %mul3A_1017 : i32
    "tpu.region"() ({
      %run_scoped3A = tpu.sem_alloc : memref<!tpu.dma_semaphore, #tpu.memory_space<semaphore_mem>>
      %dma_start3A_1019 = arith.constant 0 : i32
      %dma_start3A_1020 = tpu.memref_slice %arg6[%arg0, %mul3A_1018, %dma_start3A_1019] : memref<2x10112x128xf32, #tpu.memory_space<hbm>> -> memref<1x632x128xf32, #tpu.memory_space<hbm>>
      %dma_start3A_1021 = tpu.memref_squeeze %dma_start3A_1020 : memref<1x632x128xf32, #tpu.memory_space<hbm>> -> memref<632x128xf32, #tpu.memory_space<hbm>>
      %dma_start3A_1022 = arith.constant 0 : i32
      %dma_start3A_1023 = tpu.memref_slice %arg10[%mul3A_1016, %dma_start3A_1022] : memref<10112x128xf32, #tpu.memory_space<vmem_shared>> -> memref<632x128xf32, #tpu.memory_space<vmem_shared>>
      tpu.enqueue_dma source(%dma_start3A_1023 : memref<632x128xf32, #tpu.memory_space<vmem_shared>>) target(%dma_start3A_1021 : memref<632x128xf32, #tpu.memory_space<hbm>>) target_semaphore(%run_scoped3A : memref<!tpu.dma_semaphore, #tpu.memory_space<semaphore_mem>>)
      %dma_wait3A_1024 = arith.constant 0 : i32
      %dma_wait3A_1025 = tpu.memref_slice %arg6[%arg0, %mul3A_1018, %dma_wait3A_1024] : memref<2x10112x128xf32, #tpu.memory_space<hbm>> -> memref<1x632x128xf32, #tpu.memory_space<hbm>>
      %dma_wait3A_1026 = tpu.memref_squeeze %dma_wait3A_1025 : memref<1x632x128xf32, #tpu.memory_space<hbm>> -> memref<632x128xf32, #tpu.memory_space<hbm>>
      %dma_wait3A_1027 = arith.constant 0 : i32
      %dma_wait3A_1028 = tpu.memref_slice %arg10[%mul3A_1016, %dma_wait3A_1027] : memref<10112x128xf32, #tpu.memory_space<vmem_shared>> -> memref<632x128xf32, #tpu.memory_space<vmem_shared>>
      tpu.wait_dma2 semaphore(%run_scoped3A : memref<!tpu.dma_semaphore, #tpu.memory_space<semaphore_mem>>) src(%dma_wait3A_1028 : memref<632x128xf32, #tpu.memory_space<vmem_shared>>) dst(%dma_wait3A_1026 : memref<632x128xf32, #tpu.memory_space<hbm>>)
      tpu.yield
    }) : () -> ()
    return
  }
}

module attributes {stable_mosaic.version = 14 : i64} {
  func.func @_xs_body(%arg0: memref<10112x2xf32, #tpu.memory_space<vmem>>, %arg1: memref<10000x128xf32, #tpu.memory_space<vmem>>, %arg2: memref<10000x128xf32, #tpu.memory_space<vmem>>, %arg3: memref<10000x1xf32, #tpu.memory_space<vmem>>) attributes {dimension_semantics = [], scalar_prefetch = 0 : i64, scratch_operands = 0 : i64, tpu.core_type = #tpu.core_type<tc>} {
    %get3A = arith.constant 0 : index
    %get3A_0 = arith.constant 0 : index
    %get3A_1 = vector.load %arg0[%get3A, %get3A_0] : memref<10112x2xf32, #tpu.memory_space<vmem>>, vector<10000x1xf32>
    %get3A_2 = arith.constant 0 : index
    %get3A_3 = arith.constant 1 : index
    %get3A_4 = vector.load %arg0[%get3A_2, %get3A_3] : memref<10112x2xf32, #tpu.memory_space<vmem>>, vector<10000x1xf32>
    %add3A = arith.addf %get3A_1, %get3A_4 : vector<10000x1xf32>
    %add3A_5 = arith.constant 1.000000e+00 : f32
    %add3A_6 = vector.broadcast %add3A_5 : f32 to vector<10000x1xf32>
    %add3A_7 = arith.addf %add3A, %add3A_6 : vector<10000x1xf32>
    %rsqrt3A = math.rsqrt %add3A_7 : vector<10000x1xf32>
    %swap3A = arith.constant 0 : index
    %swap3A_8 = arith.constant 0 : index
    %swap3A_9 = vector.load %arg3[%swap3A, %swap3A_8] : memref<10000x1xf32, #tpu.memory_space<vmem>>, vector<10000x1xf32>
    tpu.vector_store %arg3[%swap3A, %swap3A_8], %rsqrt3A {strides = array<i32>} : memref<10000x1xf32, #tpu.memory_space<vmem>>, vector<10000x1xf32>,
    %get3A_10 = arith.constant 0 : index
    %get3A_11 = arith.constant 0 : index
    %get3A_12 = vector.load %arg1[%get3A_10, %get3A_11] : memref<10000x128xf32, #tpu.memory_space<vmem>>, vector<10000x128xf32>
    %mul3A = vector.broadcast %rsqrt3A : vector<10000x1xf32> to vector<10000x128xf32>
    %mul3A_13 = arith.mulf %get3A_12, %mul3A : vector<10000x128xf32>
    %swap3A_14 = arith.constant 0 : index
    %swap3A_15 = arith.constant 0 : index
    %swap3A_16 = vector.load %arg2[%swap3A_14, %swap3A_15] : memref<10000x128xf32, #tpu.memory_space<vmem>>, vector<10000x128xf32>
    tpu.vector_store %arg2[%swap3A_14, %swap3A_15], %mul3A_13 {strides = array<i32>} : memref<10000x128xf32, #tpu.memory_space<vmem>>, vector<10000x128xf32>,
    return
  }
}

module attributes {stable_mosaic.version = 14 : i64} {
  func.func @_final_body(%arg0: memref<2x10112x128xf32, #tpu.memory_space<vmem>>, %arg1: memref<10000x128xf32, #tpu.memory_space<vmem>>, %arg2: memref<10000x1xf32, #tpu.memory_space<vmem>>, %arg3: memref<128x128xf32, #tpu.memory_space<vmem>>, %arg4: memref<1x128xf32, #tpu.memory_space<vmem>>, %arg5: memref<1x128xf32, #tpu.memory_space<vmem>>, %arg6: memref<10000x128xf32, #tpu.memory_space<vmem>>) attributes {dimension_semantics = [], scalar_prefetch = 0 : i64, scratch_operands = 0 : i64, tpu.core_type = #tpu.core_type<tc>} {
    %get3A = arith.constant 0 : index
    %get3A_0 = arith.constant 0 : index
    %get3A_1 = arith.constant 0 : index
    %get3A_2 = vector.load %arg0[%get3A, %get3A_0, %get3A_1] : memref<2x10112x128xf32, #tpu.memory_space<vmem>>, vector<1x10000x128xf32>
    %get3A_3 = vector.shape_cast %get3A_2 : vector<1x10000x128xf32> to vector<10000x128xf32>
    %get3A_4 = arith.constant 1 : index
    %get3A_5 = arith.constant 0 : index
    %get3A_6 = arith.constant 0 : index
    %get3A_7 = vector.load %arg0[%get3A_4, %get3A_5, %get3A_6] : memref<2x10112x128xf32, #tpu.memory_space<vmem>>, vector<1x10000x128xf32>
    %get3A_8 = vector.shape_cast %get3A_7 : vector<1x10000x128xf32> to vector<10000x128xf32>
    %add3A = arith.addf %get3A_3, %get3A_8 : vector<10000x128xf32>
    %get3A_9 = arith.constant 0 : index
    %get3A_10 = arith.constant 0 : index
    %get3A_11 = vector.load %arg1[%get3A_9, %get3A_10] : memref<10000x128xf32, #tpu.memory_space<vmem>>, vector<10000x128xf32>
    %add3A_12 = arith.addf %add3A, %get3A_11 : vector<10000x128xf32>
    %get3A_13 = arith.constant 0 : index
    %get3A_14 = arith.constant 0 : index
    %get3A_15 = vector.load %arg2[%get3A_13, %get3A_14] : memref<10000x1xf32, #tpu.memory_space<vmem>>, vector<10000x1xf32>
    %mul3A = vector.broadcast %get3A_15 : vector<10000x1xf32> to vector<10000x128xf32>
    %mul3A_16 = arith.mulf %add3A_12, %mul3A : vector<10000x128xf32>
    %get3A_17 = arith.constant 0 : index
    %get3A_18 = arith.constant 0 : index
    %get3A_19 = vector.load %arg3[%get3A_17, %get3A_18] : memref<128x128xf32, #tpu.memory_space<vmem>>, vector<128x128xf32>
    %dot_general3A = arith.constant dense<0.000000e+00> : vector<10000x128xf32>
    %dot_general3A_20 = tpu.matmul %mul3A_16, %get3A_19, %dot_general3A {dimension_numbers = #tpu.dot_dimension_numbers<[1], [0], [0], [1], [0, 0, 1, 1], [], []>, transpose_lhs_hint = false} : vector<10000x128xf32>, vector<128x128xf32>, vector<10000x128xf32> -> vector<10000x128xf32>
    %reduce_sum3A = arith.constant dense<0.000000e+00> : vector<128xf32>
    %reduce_sum3A_21 = vector.multi_reduction <add>, %dot_general3A_20, %reduce_sum3A [0] : vector<10000x128xf32> to vector<128xf32>
    %broadcast_in_dim3A = vector.shape_cast %reduce_sum3A_21 : vector<128xf32> to vector<1x128xf32>
    %div3A = arith.constant 1.000000e+04 : f32
    %div3A_22 = vector.broadcast %div3A : f32 to vector<1x128xf32>
    %div3A_23 = arith.divf %broadcast_in_dim3A, %div3A_22 : vector<1x128xf32>
    %sub3A = vector.broadcast %div3A_23 : vector<1x128xf32> to vector<10000x128xf32>
    %sub3A_24 = arith.subf %dot_general3A_20, %sub3A : vector<10000x128xf32>
    %integer_pow3A = arith.mulf %sub3A_24, %sub3A_24 : vector<10000x128xf32>
    %reduce_sum3A_25 = arith.constant dense<0.000000e+00> : vector<128xf32>
    %reduce_sum3A_26 = vector.multi_reduction <add>, %integer_pow3A, %reduce_sum3A_25 [0] : vector<10000x128xf32> to vector<128xf32>
    %broadcast_in_dim3A_27 = vector.shape_cast %reduce_sum3A_26 : vector<128xf32> to vector<1x128xf32>
    %div3A_28 = arith.constant 1.000000e+04 : f32
    %div3A_29 = vector.broadcast %div3A_28 : f32 to vector<1x128xf32>
    %div3A_30 = arith.divf %broadcast_in_dim3A_27, %div3A_29 : vector<1x128xf32>
    %sub3A_31 = vector.broadcast %div3A_23 : vector<1x128xf32> to vector<10000x128xf32>
    %sub3A_32 = arith.subf %dot_general3A_20, %sub3A_31 : vector<10000x128xf32>
    %add3A_33 = arith.constant 9.99999974E-6 : f32
    %add3A_34 = vector.broadcast %add3A_33 : f32 to vector<1x128xf32>
    %add3A_35 = arith.addf %div3A_30, %add3A_34 : vector<1x128xf32>
    %rsqrt3A = math.rsqrt %add3A_35 : vector<1x128xf32>
    %mul3A_36 = vector.broadcast %rsqrt3A : vector<1x128xf32> to vector<10000x128xf32>
    %mul3A_37 = arith.mulf %sub3A_32, %mul3A_36 : vector<10000x128xf32>
    %get3A_38 = arith.constant 0 : index
    %get3A_39 = arith.constant 0 : index
    %get3A_40 = vector.load %arg4[%get3A_38, %get3A_39] : memref<1x128xf32, #tpu.memory_space<vmem>>, vector<1x128xf32>
    %mul3A_41 = vector.broadcast %get3A_40 : vector<1x128xf32> to vector<10000x128xf32>
    %mul3A_42 = arith.mulf %mul3A_37, %mul3A_41 : vector<10000x128xf32>
    %get3A_43 = arith.constant 0 : index
    %get3A_44 = arith.constant 0 : index
    %get3A_45 = vector.load %arg5[%get3A_43, %get3A_44] : memref<1x128xf32, #tpu.memory_space<vmem>>, vector<1x128xf32>
    %add3A_46 = vector.broadcast %get3A_45 : vector<1x128xf32> to vector<10000x128xf32>
    %add3A_47 = arith.addf %mul3A_42, %add3A_46 : vector<10000x128xf32>
    %max3A = arith.constant 0.000000e+00 : f32
    %max3A_48 = vector.broadcast %max3A : f32 to vector<10000x128xf32>
    %max3A_49 = arith.maximumf %add3A_47, %max3A_48 : vector<10000x128xf32>
    %swap3A = arith.constant 0 : index
    %swap3A_50 = arith.constant 0 : index
    %swap3A_51 = vector.load %arg6[%swap3A, %swap3A_50] : memref<10000x128xf32, #tpu.memory_space<vmem>>, vector<10000x128xf32>
    tpu.vector_store %arg6[%swap3A, %swap3A_50], %max3A_49 {strides = array<i32>} : memref<10000x128xf32, #tpu.memory_space<vmem>>, vector<10000x128xf32>,
    return
  }
}

</mosaic_0001>

<sc_bundles>
// kernel: kernel.6.cloned.1.call-start
scs
__scs_entry_jumppad:
0x0: {  	(pc) =	sbr.rel $0x88, $3  }
0x1: {  	(tag) =	ssettag $0x0;
	lr =	simm.s32 $0x1  }
0x2: {  	[smem:$0x3F9C] =	sst lr;
	_ =	strace $0xD0000000  }
0x3: {  	_ = 	snop  }
0x4: {  	_ = 	snop  }
0x5: {  	_ = 	snop  }
0x6: {  	_ = 	snop  }
0x7: {  	_ = 	snop  }
__scs_overlays_trampoline_lowered:
0x8: {  	[smem:$0x3FAB] =	sst s0  }
0x9: {  	[smem:$0x3FAC] =	sst s1  }
0xa: {  	[smem:$0x3FAD] =	sst s2  }
0xb: {  	[smem:$0x3FAE] =	sst s3  }
0xc: {  	[smem:$0x3FAF] =	sst s4  }
0xd: {  	[smem:$0x3FB0] =	sst s5  }
0xe: {  	[smem:$0x3FB1] =	sst s6  }
0xf: {  	[smem:$0x3FB2] =	sst s7  }
0x10: {  	[smem:$0x3FB3] =	sst s8  }
0x11: {  	[smem:$0x3FB4] =	sst s9;
	s0 =	simm.s32 @!p0 $0x0  }
0x12: {  	s1 =	sld [smem:$0x3F9A];
	s0 =	simm.s32 @p0 $0x1  }
0x13: {  	[smem:$0x3FB5] =	sst s0;
	s0 =	simm.s32 @!p1 $0x0  }
0x14: {  	s2 =	sld [smem:$0x3F99];
	s0 =	simm.s32 @p1 $0x1  }
0x15: {  	[smem:$0x3FB6] =	sst s0;
	s0 =	simm.s32 @!p2 $0x0  }
0x16: {  	s3 =	sld [smem:$0x3FDB];
	s0 =	simm.s32 @p2 $0x1  }
0x17: {  	s4 =	simm.s32 $0x1BF5;
	[smem:$0x3FB8] =	sst s0  }
0x18: {  	s0 =	sld [smem:$0x3F9B];
	_ =	swait.ge [sflag:s4], $0x0  }
0x19: {  	s7 =	sld [smem:$0x3F9C]  }
0x1a: {  	s8 =	sadd.s32 $0xFFFFE003, lr  }
0x1b: {  	s9 =	sadd.s32 $0xFFFFFEF7, lr;
	s5 =	simm.s32 $0xFFFFFFFF;
	p2 =	slt.u32 s8, $0xFFFFF086  }
0x1c: {  	p1 =	slt.u32 s9, $0xF7A;
	s5 =	simm.s32 @!p2 $0x0  }
0x1d: {  	s5 =	simm.s32 @p1 $0x1;
	p0 =	seq.s32 s7, s2  }
0x1e: {  	s7 =	smul.u32 @!p0 $0xF7A, s2;
	p2 =	seq.s32 @!p0 s5, $0x0  }
0x1f: {  	s9 =	smul.u32 $0xF7A, s1;
	s8 =	simm.s32 @!p0 $0x1BF5;
	p2 =	por !p2, p0  }
0x20: {  	[sflag:s8] =	ssyncset.s32 @!p0 $0xFFFFF086;
	s6 =	sadd.s32 @!p0 s3, s7;
	s7 =	simm.s32 @!p0 $0x108  }
0x21: {  	s3 =	sadd.s32 s3, s9;
	s6 =	sadd.s32 @!p0 $0x88, s6;
	s7 =	simm.s32 @p2 $0x1082  }
0x22: {  	[simem:s7], [sflag:s8] =	dma.local @!p0 [hbm:s6], $0xF7A  }
0x23: {  	s9 =	sor.u32 $0xD0000000, s2;
	s6 =	simm.s32 $0x108;
	_ =	swait.ge @!p0 [sflag:s8], $0x0  }
0x24: {  	s3 =	sadd.s32 $0x88, s3;
	s6 =	simm.s32 @!p1 $0x1082;
	[sflag:s4] =	ssyncset.s32 $0xFFFFF086  }
0x25: {  	[simem:s6], [sflag:s4] =	dma.local [hbm:s3], $0xF7A  }
0x26: {  	[smem:$0x3F9C] =	sst s1;
	(tag) =	ssettag s2;
	_ =	strace s9  }
0x27: {  	s1 =	sld [smem:$0x3FAC]  }
0x28: {  	s2 =	sld [smem:$0x3FAD]  }
0x29: {  	s4 =	sld [smem:$0x3FAF]  }
0x2a: {  	p0 =	seq.s32 s5, $0x0;
	s5 =	sld [smem:$0x3FB0]  }
0x2b: {  	s6 =	sld [smem:$0x3FB1]  }
0x2c: {  	s7 =	sld [smem:$0x3FB2]  }
0x2d: {  	s3 =	simm.s32 $0x108;
	s8 =	sld [smem:$0x3FB3]  }
0x2e: {  	s3 =	simm.s32 @!p0 $0x1082;
	s9 =	sld [smem:$0x3FB4]  }
0x2f: {  	lr =	sadd.s32 s0, s3;
	s0 =	sld [smem:$0x3FAB]  }
0x30: {  	s3 =	sld [smem:$0x3FAE]  }
0x31: {  	[smem:$0x3FB7] =	sst s10  }
0x32: {  	s10 =	sld [smem:$0x3FB5];
	_ =	sdelay $0x3  }
0x33: {  	p0 =	seq.s32 s10, $0x1;
	s10 =	sld [smem:$0x3FB7];
	_ =	sdelay $0x3  }
0x34: {  	[smem:$0x3FB7] =	sst s10  }
0x35: {  	s10 =	sld [smem:$0x3FB6];
	_ =	sdelay $0x3  }
0x36: {  	p1 =	seq.s32 s10, $0x1;
	s10 =	sld [smem:$0x3FB7];
	_ =	sdelay $0x3  }
0x37: {  	[smem:$0x3FB7] =	sst s10  }
0x38: {  	s10 =	sld [smem:$0x3FB8]  }
0x39: {  	_ = 	snop;
	(pc) =	sbr.ind lr, $3  }
0x3a: {  	_ = 	snop  }
0x3b: {  	_ = 	snop  }
0x3c: {  	p2 =	seq.s32 s10, $0x1;
	s10 =	sld [smem:$0x3FB7]  }
0x3d: {  	_ =	shalt  }
0x3e: {  	_ =	shalt  }
0x3f: {  	_ =	shalt  }
0x40: {  	_ =	shalt  }
0x41: {  	_ =	shalt  }
0x42: {  	_ =	shalt  }
0x43: {  	_ =	shalt  }
0x44: {  	_ =	shalt  }
0x45: {  	_ =	shalt  }
0x46: {  	_ =	shalt  }
0x47: {  	_ =	shalt  }
0x48: {  	_ =	shalt  }
0x49: {  	_ =	shalt  }
0x4a: {  	_ =	shalt  }
0x4b: {  	_ =	shalt  }
0x4c: {  	_ =	shalt  }
0x4d: {  	_ =	shalt  }
0x4e: {  	_ =	shalt  }
0x4f: {  	_ =	shalt  }
0x50: {  	_ =	shalt  }
0x51: {  	_ =	shalt  }
0x52: {  	_ =	shalt  }
0x53: {  	_ =	shalt  }
0x54: {  	_ =	shalt  }
0x55: {  	_ =	shalt  }
0x56: {  	_ =	shalt  }
0x57: {  	_ =	shalt  }
0x58: {  	_ =	shalt  }
0x59: {  	_ =	shalt  }
0x5a: {  	_ =	shalt  }
0x5b: {  	_ =	shalt  }
0x5c: {  	_ =	shalt  }
0x5d: {  	_ =	shalt  }
0x5e: {  	_ =	shalt  }
0x5f: {  	_ =	shalt  }
0x60: {  	_ =	shalt  }
0x61: {  	_ =	shalt  }
0x62: {  	_ =	shalt  }
0x63: {  	_ =	shalt  }
0x64: {  	_ =	shalt  }
0x65: {  	_ =	shalt  }
0x66: {  	_ =	shalt  }
0x67: {  	_ =	shalt  }
0x68: {  	_ =	shalt  }
0x69: {  	_ =	shalt  }
0x6a: {  	_ =	shalt  }
0x6b: {  	_ =	shalt  }
0x6c: {  	_ =	shalt  }
0x6d: {  	_ =	shalt  }
0x6e: {  	_ =	shalt  }
0x6f: {  	_ =	shalt  }
0x70: {  	_ =	shalt  }
0x71: {  	_ =	shalt  }
0x72: {  	_ =	shalt  }
0x73: {  	_ =	shalt  }
0x74: {  	_ =	shalt  }
0x75: {  	_ =	shalt  }
0x76: {  	_ =	shalt  }
0x77: {  	_ =	shalt  }
0x78: {  	_ =	shalt  }
0x79: {  	_ =	shalt  }
0x7a: {  	_ =	shalt  }
0x7b: {  	_ =	shalt  }
0x7c: {  	_ =	shalt  }
0x7d: {  	_ =	shalt  }
0x7e: {  	_ =	shalt  }
0x7f: {  	_ =	shalt  }
0x80: {  	_ =	shalt  }
0x81: {  	_ =	shalt  }
0x82: {  	_ =	shalt  }
0x83: {  	_ =	shalt  }
0x84: {  	_ =	shalt  }
0x85: {  	_ =	shalt  }
0x86: {  	_ =	shalt  }
0x87: {  	_ =	shalt  }
.Lfunc_end0:
.L_simem_size_0:
called_computation_lowered:
.L_overlay_start_0:
0x88: {  	s2 =	sld [smem:$0x3FD9]  }
0x89: {  	s3 =	sld [smem:$0x3FFE];
	_ =	sdelay $0x1  }
0x8a: {  	s1 =	srdreg.scid  }
0x8b: {  	s0 =	sand.u32 $0x1, s1  }
0x8c: {  	s17 =	sshll.u32 s0, $0xA;
	s2 =	sadd.s32 s3, s2  }
0x8d: {  	s2 =	sadd.s32 s2, s17  }
0x8e: {  	[smem:$0x3FC3] =	sst s2  }
0x8f: {  	_ = 	snop  }
0x90: {  	s2 =	sld [smem:$0x3FD0];
	(tm) =	ssettm $0x1  }
0x91: {  	s18 =	sld [smem:$0x3FFB];
	_ =	sdelay $0x3  }
0x92: {  	_ =	strace s18  }
0x93: {  	s3 =	sld [smem:$0x3FFC];
	_ =	sdelay $0x3  }
0x94: {  	_ =	strace s3  }
0x95: {  	s3 =	sld [smem:$0x3FFD];
	_ =	sdelay $0x3  }
0x96: {  	_ =	strace s3  }
0x97: {  	_ =	strace $0x8FFFFFFF  }
0x98: {  	s19 =	sld [smem:$0x3FDB];
	_ =	sdelay $0x1  }
0x99: {  	s4 =	simm.s32 $_scs_section_size  }
0x9a: {  	s5 =	simm.s32 $_size__tile_overlayer_lowered;
	s6 =	simm.s32 $_tile_overlayer_lowered  }
0x9b: {  	s22 =	simm.s32 $0x1BFF;
	s21 =	sshll.u32 s6, $0x1;
	s3 =	sadd.s32 s4, s19  }
0x9c: {  	s7 =	simm.s32 $0x0;
	s20 =	sshll.u32 s5, $0x1;
	s5 =	sadd.s32 s21, s3  }
0x9d: {  	[timem:s7], [sflag:s22] =	dma.local [hbm:s5], s20  }
0x9e: {  	_ =	swait.ge [sflag:s22], s20  }
0x9f: {  	s4 =	ssub.s32 $0x0, s20;
	[sflag:s22] =	ssyncset.done $0x0  }
0xa0: {  	[sflag:s22] =	ssyncadd.s32 s4;
	_ =	sdelay $0x1  }
0xa1: {  	s23 =	simm.s32 $0x1B8B  }
0xa2: {  	_ =	swait.ge [sflag:s23], $0x1  }
0xa3: {  	[sflag:s23] =	ssyncset.done $0x0  }
0xa4: {  	s25 =	simm.s32 $0x1B8E;
	s24 =	sld [smem:$0x3FFE];
	[sflag:s23] =	ssyncadd.s32 $0xFFFFFFFF  }
0xa5: {  	s26 =	simm.s32 $execute0_lowered;
	[smem:$0x3FD2] =	sst s25  }
0xa6: {  	s5 =	sshll.u32 s26, $0x1;
	_ =	strace $0x80000046;
	[dreg:$0x1] =	wrdreg $0xFFFFFFFF  }
0xa7: {  	s28 =	simm.s32 $_size_execute0_lowered;
	s3 =	sadd.s32 s3, s5;
	[dreg:$0x0] =	wrdreg $0x0  }
0xa8: {  	s5 =	sshll.u32 s28, $0x1;
	[dreg:$0x2] =	wrdreg s3  }
0xa9: {  	[dreg:$0x3] =	wrdreg s5  }
0xaa: {  	[dreg:$0x4] =	wrdreg $0xC0  }
0xab: {  	_ =	task [dreg:s7], $0x5FFFF  }
0xac: {  	[dreg:$0x1] =	wrdreg $0xFFFFFFFF  }
0xad: {  	[dreg:$0x0] =	wrdreg $0x60  }
0xae: {  	[dreg:$0x2] =	wrdreg s24  }
0xaf: {  	[dreg:$0x3] =	wrdreg s2  }
0xb0: {  	[dreg:$0x4] =	wrdreg $0x50800  }
0xb1: {  	[dreg:$0x5] =	wrdreg $0x9  }
0xb2: {  	_ =	task.clear_ibuf [dreg:s7], $0x6FFFF;
	_ =	strace $0x90000046  }
0xb3: {  	s29 =	simm.s32 $0x9;
	_ =	strace $0x80000048  }
0xb4: {  	_ =	swait.ge [sflag:s29], $0x1  }
0xb5: {  	[sflag:s29] =	ssyncadd.s32 $0xFFFFFFFF  }
0xb6: {  	_ =	strace $0x90000048  }
0xb7: {  	_ =	sfence  }
0xb8: {  	s30 =	sld [smem:$0x0];
	_ =	sdelay $0x2  }
0xb9: {  	s31 =	sshll.u32 s1, $0xD;
	s1 =	sshrl.u32 s1, $0x2  }
0xba: {  	s3 =	sand.u32 $0x4000, s31;
	s1 =	sadd.s32 s1, s30  }
0xbb: {  	s0 =	sor.u32 s3, s0;
	s1 =	sshll.u32 s1, $0x11  }
0xbc: {  	s0 =	sor.u32 s1, s0  }
0xbd: {  	s0 =	sadd.s32 $0x8F2B, s0  }
0xbe: {  	[sflag:s0] =	ssyncadd.remote.s32 $0x1  }
0xbf: {  	_ =	sfence.sel $0xFFFF  }
0xc0: {  	[dreg:$0x0] =	wrdreg $0xFFFFFFFF;
	(pc) =	sbr.abs _section_cstart, $3  }
0xc1: {  	[dreg:$0x1] =	wrdreg $0xFFFFFFFF  }
0xc2: {  	_ =	task.clear_ibuf [dreg:s7], $0x2FFFF;
	_ =	strace $0x9FFFFFFF  }
0xc3: {  	(tm) =	ssettm $0x7FFFFFFF  }
tec
execute0_lowered:
.L_overlay_start_1:
0x0: {  	(tag) =	ssettag $0x1  }
0x1: {  	s3 =	rddreg [dreg:$0x0]  }
0x2: {  	s5 =	rddreg [dreg:$0x1];
	s0 =	srdreg.scid  }
0x3: {  	s7 =	stileid.u32;
	s1 =	rddreg [dreg:$0x2]  }
0x4: {  	s2 =	simm.s32 $0x0;
	s10 =	simm.s32 $0x5000;
	s11 =	simm.s32 $0x1  }
0x5: {  	s12 =	simm.s32 $0x0;
	s6 =	sand.u32 $0x1, s0;
	s0 =	rddreg [dreg:$0x3]  }
0x6: {  	s4 =	sshll.u32 s7, $0x1;
	[smem:$0x7FF] =	sst s2;
	p0 =	sne.s32 s7, $0x0  }
0x7: {  	s4 =	sor.u32 s6, s4;
	_ =	strace $0x80000047;
	s8 =	ssub.s32 $0x2, s6  }
0x8: {  	s6 =	sshll.u32 s6, $0x4;
	s4 =	smul.u32 $0xA00, s4;
	s9 =	sshrl.u32 s8, $0x1  }
0x9: {  	s7 =	sshrl.u32 @!p0 s1, $0x3;
	s5 =	sadd.s32 s5, s6;
	s8 =	ssub.s32 s8, s9  }
0xa: {  	s9 =	simm.s32 $0x40;
	s4 =	sadd.s32 s4, s3;
	s3 =	sadd.s32 $0x15800, s3  }
0xb: {  	v0 =	vimm.f32 $1.000000000e+00;
	s6 =	smax.u32 s8, $0x1;
	s8 =	simm.s32 $0x2;
	s4 =	sadd.s32 $0x1800, s4  }
.LBB2_1:
0xc: {  	[tilespmem:$0x5000] =	vst v0  }
0xd: {  	[tilespmem:$0x5010] =	vst v0  }
0xe: {  	[tilespmem:$0x5020] =	vst v0  }
0xf: {  	[tilespmem:$0x5030] =	vst v0;
	s13 =	simm.s32 @!p0 $0x1C02  }
0x10: {  	[spmem:s7], [sflag:s13] =	dma.local @!p0 [hbm:s3], $0x4F0  }
0x11: {  	s13 =	simm.s32 @!p0 $0x2  }
0x12: {  	_ =	swait.ge @!p0 [sflag:s13], $0x4F0  }
0x13: {  	[sflag:s13] =	ssyncset.done @!p0 $0x0  }
0x14: {  	[sflag:s13] =	ssyncadd.s32 @!p0 $0xFFFFFB10  }
0x15: {  	[tilespmem:s2], [sflag:$0x2] =	stream.linear.gather [hbm4b:s4+s2], $0x5000, $0x38;
	[tilespmem:$0x52F8] =	vst v63  }
0x16: {  	_ =	swait.ge [sflag:s8], $0x5000  }
0x17: {  	[sflag:s8] =	ssyncset.done $0x0  }
0x18: {  	[sflag:s8] =	ssyncadd.s32 $0xFFFFB000  }
0x19: {  	s13 =	simm.s32 $0x0;
	[bflag:$0x0] =	sbarrier.arrive $0xFFFF  }
.LBB2_2:
0x1a: {  	p1 =	sne.s32 s13, $0x13E00  }
.Ltmp0:
0x1b: {  	_ = 	snop;
	(pc) =	sbr.rel @p1 .LBB2_2-.Ltmp0, $3  }
0x1c: {  	_ =	sdelay $0x1  }
0x1d: {  	s14 =	sshra.s32 s13, $0x2;
	s13 =	sadd.s32 $0x200, s13  }
0x1e: {  	[spmem:s1] =	stream.indirect.scatter.add.f32 [tilespmem:s10], [sflag:$0x1], $0x1, s14, s9, $0xb8;
	[tilespmem:$0x52F8] =	vst v63  }
0x1f: {  	_ =	swait.ge [sflag:s11], $0x40  }
0x20: {  	s13 =	simm.s32 $0x9F;
	[sflag:s11] =	ssyncset.done $0x0  }
.LBB2_4:
0x21: {  	p1 =	sne.s32 s13, $0x1;
	s13 =	sadd.s32 $0xFFFFFFFF, s13;
	[sflag:s11] =	ssyncadd.s32 $0xFFFFFFC0  }
.Ltmp1:
0x22: {  	(pc) =	sbr.rel @p1 .LBB2_4-.Ltmp1, $3  }
0x23: {  	_ =	sdelay $0x1  }
0x24: {  	_ =	swait.ge [sflag:s11], $0x40  }
0x25: {  	[sflag:s11] =	ssyncset.done $0x0  }
0x26: {  	[sflag:s11] =	ssyncadd.s32 $0xFFFFFFC0;
	s13 =	simm.s32 @!p0 $0x1  }
0x27: {  	s14 =	simm.s32 @!p0 $0x20;
	s15 =	simm.s32 @!p0 $0x10;
	s12 =	sadd.s32 $0x1, s12  }
0x28: {  	s16 =	simm.s32 @!p0 $0x1C02;
	[bflag:$0x0] =	sbarrier.arrive $0xFFFF;
	p1 =	sne.s32 s12, s6  }
0x29: {  	[hbm:s5@s14], [sflag:s16] =	dma.strided @!p0 [spmem:s7@s15], $0x4F0, s13, $0x10   }
.Ltmp2:
0x2a: {  	_ = 	snop;
	(pc) =	sbr.rel @p1 .LBB2_1-.Ltmp2, $4  }
0x2b: {  	s13 =	simm.s32 @!p0 $0x2  }
0x2c: {  	_ =	swait.ge @!p0 [sflag:s13], $0x4F0  }
0x2d: {  	[sflag:s13] =	ssyncset.done @!p0 $0x0  }
0x2e: {  	[sflag:s13] =	ssyncadd.s32 @!p0 $0xFFFFFB10  }
0x2f: {  	_ =	sfence.sel $0x180000  }
0x30: {  	[bflag:$0x0] =	sbarrier.arrive $0xFFFF  }
0x31: {  	_ =	strace $0x90000047  }
0x32: {  	s0 =	sadd.s32 @!p0 $0x100000, s0;
	[bflag:$0x2] =	sbarrier.arrive $0xFFFF  }
0x33: {  	[sflag:s0] =	ssyncadd.tile.s32 @!p0 $0x1;
	_ =	shalt  }
.Lfunc_end2:
_tile_overlayer_lowered:
.L_overlay_start_2:
0x34: {  	(tag) =	ssettag $0x2  }
0x35: {  	s0 =	rddreg [dreg:$0x0];
	s2 =	stileid.u32  }
0x36: {  	s1 =	rddreg [dreg:$0x1];
	p0 =	sne.s32 s2, $0x0  }
0x37: {  	s3 =	rddreg [dreg:$0x2];
	[bflag:$0x3] =	sbarrier.arrive $0xFFFF;
	s2 =	simm.s32 @!p0 $0x1C02  }
0x38: {  	[timem:s3], [sflag:s2] =	dma.local @!p0 [hbm:s0], s1  }
0x39: {  	s0 =	simm.s32 @!p0 $0x2  }
0x3a: {  	_ =	swait.ge @!p0 [sflag:s0], s1  }
0x3b: {  	s1 =	ssub.s32 @!p0 $0x0, s1;
	[sflag:s0] =	ssyncset.done @!p0 $0x0  }
0x3c: {  	[sflag:s0] =	ssyncadd.s32 @!p0 s1  }
0x3d: {  	[bflag:$0x3] =	sbarrier.arrive $0xFFFF  }
0x3e: {  	_ =	shalt  }

// kernel: kernel.9.cloned.1.call-start
scs
__scs_entry_jumppad:
0x0: {  	(pc) =	sbr.rel $0x88, $3  }
0x1: {  	(tag) =	ssettag $0x0;
	lr =	simm.s32 $0x1  }
0x2: {  	[smem:$0x3F9C] =	sst lr;
	_ =	strace $0xD0000000  }
0x3: {  	_ = 	snop  }
0x4: {  	_ = 	snop  }
0x5: {  	_ = 	snop  }
0x6: {  	_ = 	snop  }
0x7: {  	_ = 	snop  }
__scs_overlays_trampoline_lowered:
0x8: {  	[smem:$0x3FAB] =	sst s0  }
0x9: {  	[smem:$0x3FAC] =	sst s1  }
0xa: {  	[smem:$0x3FAD] =	sst s2  }
0xb: {  	[smem:$0x3FAE] =	sst s3  }
0xc: {  	[smem:$0x3FAF] =	sst s4  }
0xd: {  	[smem:$0x3FB0] =	sst s5  }
0xe: {  	[smem:$0x3FB1] =	sst s6  }
0xf: {  	[smem:$0x3FB2] =	sst s7  }
0x10: {  	[smem:$0x3FB3] =	sst s8  }
0x11: {  	[smem:$0x3FB4] =	sst s9;
	s0 =	simm.s32 @!p0 $0x0  }
0x12: {  	s1 =	sld [smem:$0x3F9A];
	s0 =	simm.s32 @p0 $0x1  }
0x13: {  	[smem:$0x3FB5] =	sst s0;
	s0 =	simm.s32 @!p1 $0x0  }
0x14: {  	s2 =	sld [smem:$0x3F99];
	s0 =	simm.s32 @p1 $0x1  }
0x15: {  	[smem:$0x3FB6] =	sst s0;
	s0 =	simm.s32 @!p2 $0x0  }
0x16: {  	s3 =	sld [smem:$0x3FDB];
	s0 =	simm.s32 @p2 $0x1  }
0x17: {  	s4 =	simm.s32 $0x1BF5;
	[smem:$0x3FB8] =	sst s0  }
0x18: {  	s0 =	sld [smem:$0x3F9B];
	_ =	swait.ge [sflag:s4], $0x0  }
0x19: {  	s7 =	sld [smem:$0x3F9C]  }
0x1a: {  	s8 =	sadd.s32 $0xFFFFE003, lr  }
0x1b: {  	s9 =	sadd.s32 $0xFFFFFEF7, lr;
	s5 =	simm.s32 $0xFFFFFFFF;
	p2 =	slt.u32 s8, $0xFFFFF086  }
0x1c: {  	p1 =	slt.u32 s9, $0xF7A;
	s5 =	simm.s32 @!p2 $0x0  }
0x1d: {  	s5 =	simm.s32 @p1 $0x1;
	p0 =	seq.s32 s7, s2  }
0x1e: {  	s7 =	smul.u32 @!p0 $0xF7A, s2;
	p2 =	seq.s32 @!p0 s5, $0x0  }
0x1f: {  	s9 =	smul.u32 $0xF7A, s1;
	s8 =	simm.s32 @!p0 $0x1BF5;
	p2 =	por !p2, p0  }
0x20: {  	[sflag:s8] =	ssyncset.s32 @!p0 $0xFFFFF086;
	s6 =	sadd.s32 @!p0 s3, s7;
	s7 =	simm.s32 @!p0 $0x108  }
0x21: {  	s3 =	sadd.s32 s3, s9;
	s6 =	sadd.s32 @!p0 $0x88, s6;
	s7 =	simm.s32 @p2 $0x1082  }
0x22: {  	[simem:s7], [sflag:s8] =	dma.local @!p0 [hbm:s6], $0xF7A  }
0x23: {  	s9 =	sor.u32 $0xD0000000, s2;
	s6 =	simm.s32 $0x108;
	_ =	swait.ge @!p0 [sflag:s8], $0x0  }
0x24: {  	s3 =	sadd.s32 $0x88, s3;
	s6 =	simm.s32 @!p1 $0x1082;
	[sflag:s4] =	ssyncset.s32 $0xFFFFF086  }
0x25: {  	[simem:s6], [sflag:s4] =	dma.local [hbm:s3], $0xF7A  }
0x26: {  	[smem:$0x3F9C] =	sst s1;
	(tag) =	ssettag s2;
	_ =	strace s9  }
0x27: {  	s1 =	sld [smem:$0x3FAC]  }
0x28: {  	s2 =	sld [smem:$0x3FAD]  }
0x29: {  	s4 =	sld [smem:$0x3FAF]  }
0x2a: {  	p0 =	seq.s32 s5, $0x0;
	s5 =	sld [smem:$0x3FB0]  }
0x2b: {  	s6 =	sld [smem:$0x3FB1]  }
0x2c: {  	s7 =	sld [smem:$0x3FB2]  }
0x2d: {  	s3 =	simm.s32 $0x108;
	s8 =	sld [smem:$0x3FB3]  }
0x2e: {  	s3 =	simm.s32 @!p0 $0x1082;
	s9 =	sld [smem:$0x3FB4]  }
0x2f: {  	lr =	sadd.s32 s0, s3;
	s0 =	sld [smem:$0x3FAB]  }
0x30: {  	s3 =	sld [smem:$0x3FAE]  }
0x31: {  	[smem:$0x3FB7] =	sst s10  }
0x32: {  	s10 =	sld [smem:$0x3FB5];
	_ =	sdelay $0x3  }
0x33: {  	p0 =	seq.s32 s10, $0x1;
	s10 =	sld [smem:$0x3FB7];
	_ =	sdelay $0x3  }
0x34: {  	[smem:$0x3FB7] =	sst s10  }
0x35: {  	s10 =	sld [smem:$0x3FB6];
	_ =	sdelay $0x3  }
0x36: {  	p1 =	seq.s32 s10, $0x1;
	s10 =	sld [smem:$0x3FB7];
	_ =	sdelay $0x3  }
0x37: {  	[smem:$0x3FB7] =	sst s10  }
0x38: {  	s10 =	sld [smem:$0x3FB8]  }
0x39: {  	_ = 	snop;
	(pc) =	sbr.ind lr, $3  }
0x3a: {  	_ = 	snop  }
0x3b: {  	_ = 	snop  }
0x3c: {  	p2 =	seq.s32 s10, $0x1;
	s10 =	sld [smem:$0x3FB7]  }
0x3d: {  	_ =	shalt  }
0x3e: {  	_ =	shalt  }
0x3f: {  	_ =	shalt  }
0x40: {  	_ =	shalt  }
0x41: {  	_ =	shalt  }
0x42: {  	_ =	shalt  }
0x43: {  	_ =	shalt  }
0x44: {  	_ =	shalt  }
0x45: {  	_ =	shalt  }
0x46: {  	_ =	shalt  }
0x47: {  	_ =	shalt  }
0x48: {  	_ =	shalt  }
0x49: {  	_ =	shalt  }
0x4a: {  	_ =	shalt  }
0x4b: {  	_ =	shalt  }
0x4c: {  	_ =	shalt  }
0x4d: {  	_ =	shalt  }
0x4e: {  	_ =	shalt  }
0x4f: {  	_ =	shalt  }
0x50: {  	_ =	shalt  }
0x51: {  	_ =	shalt  }
0x52: {  	_ =	shalt  }
0x53: {  	_ =	shalt  }
0x54: {  	_ =	shalt  }
0x55: {  	_ =	shalt  }
0x56: {  	_ =	shalt  }
0x57: {  	_ =	shalt  }
0x58: {  	_ =	shalt  }
0x59: {  	_ =	shalt  }
0x5a: {  	_ =	shalt  }
0x5b: {  	_ =	shalt  }
0x5c: {  	_ =	shalt  }
0x5d: {  	_ =	shalt  }
0x5e: {  	_ =	shalt  }
0x5f: {  	_ =	shalt  }
0x60: {  	_ =	shalt  }
0x61: {  	_ =	shalt  }
0x62: {  	_ =	shalt  }
0x63: {  	_ =	shalt  }
0x64: {  	_ =	shalt  }
0x65: {  	_ =	shalt  }
0x66: {  	_ =	shalt  }
0x67: {  	_ =	shalt  }
0x68: {  	_ =	shalt  }
0x69: {  	_ =	shalt  }
0x6a: {  	_ =	shalt  }
0x6b: {  	_ =	shalt  }
0x6c: {  	_ =	shalt  }
0x6d: {  	_ =	shalt  }
0x6e: {  	_ =	shalt  }
0x6f: {  	_ =	shalt  }
0x70: {  	_ =	shalt  }
0x71: {  	_ =	shalt  }
0x72: {  	_ =	shalt  }
0x73: {  	_ =	shalt  }
0x74: {  	_ =	shalt  }
0x75: {  	_ =	shalt  }
0x76: {  	_ =	shalt  }
0x77: {  	_ =	shalt  }
0x78: {  	_ =	shalt  }
0x79: {  	_ =	shalt  }
0x7a: {  	_ =	shalt  }
0x7b: {  	_ =	shalt  }
0x7c: {  	_ =	shalt  }
0x7d: {  	_ =	shalt  }
0x7e: {  	_ =	shalt  }
0x7f: {  	_ =	shalt  }
0x80: {  	_ =	shalt  }
0x81: {  	_ =	shalt  }
0x82: {  	_ =	shalt  }
0x83: {  	_ =	shalt  }
0x84: {  	_ =	shalt  }
0x85: {  	_ =	shalt  }
0x86: {  	_ =	shalt  }
0x87: {  	_ =	shalt  }
.Lfunc_end0:
.L_simem_size_0:
called_computation.1_lowered:
.L_overlay_start_0:
0x88: {  	s2 =	sld [smem:$0x3FD9]  }
0x89: {  	s3 =	sld [smem:$0x3FFE];
	_ =	sdelay $0x1  }
0x8a: {  	s1 =	srdreg.scid  }
0x8b: {  	s0 =	sand.u32 $0x1, s1  }
0x8c: {  	s17 =	sshll.u32 s0, $0xA;
	s2 =	sadd.s32 s3, s2  }
0x8d: {  	s2 =	sadd.s32 s2, s17  }
0x8e: {  	[smem:$0x3FC3] =	sst s2  }
0x8f: {  	_ = 	snop  }
0x90: {  	s2 =	sld [smem:$0x3FD0];
	(tm) =	ssettm $0x1  }
0x91: {  	s18 =	sld [smem:$0x3FFB];
	_ =	sdelay $0x3  }
0x92: {  	_ =	strace s18  }
0x93: {  	s3 =	sld [smem:$0x3FFC];
	_ =	sdelay $0x3  }
0x94: {  	_ =	strace s3  }
0x95: {  	s3 =	sld [smem:$0x3FFD];
	_ =	sdelay $0x3  }
0x96: {  	_ =	strace s3  }
0x97: {  	_ =	strace $0x8FFFFFFF  }
0x98: {  	s19 =	sld [smem:$0x3FDB];
	_ =	sdelay $0x1  }
0x99: {  	s4 =	simm.s32 $_scs_section_size  }
0x9a: {  	s5 =	simm.s32 $_size__tile_overlayer_lowered;
	s6 =	simm.s32 $_tile_overlayer_lowered  }
0x9b: {  	s22 =	simm.s32 $0x1BFF;
	s21 =	sshll.u32 s6, $0x1;
	s3 =	sadd.s32 s4, s19  }
0x9c: {  	s7 =	simm.s32 $0x0;
	s20 =	sshll.u32 s5, $0x1;
	s5 =	sadd.s32 s21, s3  }
0x9d: {  	[timem:s7], [sflag:s22] =	dma.local [hbm:s5], s20  }
0x9e: {  	_ =	swait.ge [sflag:s22], s20  }
0x9f: {  	s4 =	ssub.s32 $0x0, s20;
	[sflag:s22] =	ssyncset.done $0x0  }
0xa0: {  	[sflag:s22] =	ssyncadd.s32 s4;
	_ =	sdelay $0x1  }
0xa1: {  	s23 =	simm.s32 $0x1B8B  }
0xa2: {  	_ =	swait.ge [sflag:s23], $0x1  }
0xa3: {  	[sflag:s23] =	ssyncset.done $0x0  }
0xa4: {  	s25 =	simm.s32 $0x1B8E;
	s24 =	sld [smem:$0x3FFE];
	[sflag:s23] =	ssyncadd.s32 $0xFFFFFFFF  }
0xa5: {  	s26 =	simm.s32 $execute0_lowered;
	[smem:$0x3FD2] =	sst s25  }
0xa6: {  	s5 =	sshll.u32 s26, $0x1;
	_ =	strace $0x80000049;
	[dreg:$0x1] =	wrdreg $0xFFFFFFFF  }
0xa7: {  	s28 =	simm.s32 $_size_execute0_lowered;
	s3 =	sadd.s32 s3, s5;
	[dreg:$0x0] =	wrdreg $0x0  }
0xa8: {  	s5 =	sshll.u32 s28, $0x1;
	[dreg:$0x2] =	wrdreg s3  }
0xa9: {  	[dreg:$0x3] =	wrdreg s5  }
0xaa: {  	[dreg:$0x4] =	wrdreg $0xC0  }
0xab: {  	_ =	task [dreg:s7], $0x5FFFF  }
0xac: {  	[dreg:$0x1] =	wrdreg $0xFFFFFFFF  }
0xad: {  	[dreg:$0x0] =	wrdreg $0x60  }
0xae: {  	[dreg:$0x2] =	wrdreg s2  }
0xaf: {  	[dreg:$0x3] =	wrdreg s24  }
0xb0: {  	[dreg:$0x4] =	wrdreg $0xA8000  }
0xb1: {  	[dreg:$0x5] =	wrdreg $0x9  }
0xb2: {  	_ =	task.clear_ibuf [dreg:s7], $0x6FFFF;
	_ =	strace $0x90000049  }
0xb3: {  	s29 =	simm.s32 $0x9;
	_ =	strace $0x8000004B  }
0xb4: {  	_ =	swait.ge [sflag:s29], $0x1  }
0xb5: {  	[sflag:s29] =	ssyncadd.s32 $0xFFFFFFFF  }
0xb6: {  	_ =	strace $0x9000004B  }
0xb7: {  	_ =	sfence  }
0xb8: {  	s30 =	sld [smem:$0x0];
	_ =	sdelay $0x2  }
0xb9: {  	s31 =	sshll.u32 s1, $0xD;
	s1 =	sshrl.u32 s1, $0x2  }
0xba: {  	s3 =	sand.u32 $0x4000, s31;
	s1 =	sadd.s32 s1, s30  }
0xbb: {  	s0 =	sor.u32 s3, s0;
	s1 =	sshll.u32 s1, $0x11  }
0xbc: {  	s0 =	sor.u32 s1, s0  }
0xbd: {  	s0 =	sadd.s32 $0x8F2B, s0  }
0xbe: {  	[sflag:s0] =	ssyncadd.remote.s32 $0x1  }
0xbf: {  	_ =	sfence.sel $0xFFFF  }
0xc0: {  	[dreg:$0x0] =	wrdreg $0xFFFFFFFF;
	(pc) =	sbr.abs _section_cstart, $3  }
0xc1: {  	[dreg:$0x1] =	wrdreg $0xFFFFFFFF  }
0xc2: {  	_ =	task.clear_ibuf [dreg:s7], $0x2FFFF;
	_ =	strace $0x9FFFFFFF  }
0xc3: {  	(tm) =	ssettm $0x7FFFFFFF  }
tec
execute0_lowered:
.L_overlay_start_1:
0x0: {  	(tag) =	ssettag $0x1  }
0x1: {  	s2 =	rddreg [dreg:$0x0]  }
0x2: {  	s0 =	rddreg [dreg:$0x1]  }
0x3: {  	s3 =	rddreg [dreg:$0x2];
	s13 =	stileid.u32;
	s4 =	simm.s32 $0x0  }
0x4: {  	s5 =	srdreg.scid;
	s28 =	simm.s32 $0x8800;
	s29 =	simm.s32 $0x1  }
0x5: {  	s30 =	simm.s32 $0x2;
	s31 =	simm.s32 $0x3;
	s1 =	smul.u32 $0x13C00, s13  }
0x6: {  	[smem:$0x7FF] =	sst s4;
	s5 =	sand.u32 $0x1, s5;
	s8 =	sadd.s32 $0x15E00, s0  }
0x7: {  	s9 =	sadd.s32 $0x1800, s0;
	s25 =	sshll.u32 s13, $0x1;
	s10 =	smul.u32 $0x4F000, s13  }
0x8: {  	s15 =	sshll.u32 s13, $0x6;
	s13 =	simm.s32 $0x0;
	_ =	strace $0x8000004A  }
0x9: {  	s7 =	smul.u32 $0x13C000, s5;
	s11 =	ssub.s32 $0x2, s5;
	s5 =	sor.u32 s5, s25  }
0xa: {  	s6 =	sshrl.u32 s1, $0x3;
	s26 =	sshrl.u32 s11, $0x1;
	s12 =	smul.u32 $0x5000, s5  }
0xb: {  	s10 =	sshrl.u32 s10, $0x2;
	s5 =	smul.u32 $0xA00, s5;
	s6 =	sadd.s32 s6, s0  }
0xc: {  	s1 =	sadd.s32 s1, s7;
	s7 =	ssub.s32 s11, s26;
	s14 =	sadd.s32 s10, s3  }
0xd: {  	s10 =	simm.s32 $0x2680;
	s11 =	simm.s32 $0x2700;
	s1 =	sshrl.u32 s1, $0x3  }
0xe: {  	s16 =	sshrl.u32 s12, $0x3;
	s6 =	sadd.s32 $0x29E00, s6;
	s18 =	sadd.s32 s8, s5  }
0xf: {  	s5 =	sadd.s32 s9, s5;
	s26 =	smax.u32 s7, $0x1;
	s7 =	simm.s32 $0x7  }
0x10: {  	s12 =	simm.s32 $0x2780;
	s0 =	sadd.s32 s1, s0;
	[dreg:$0x4] =	wrdreg s6  }
0x11: {  	s6 =	sor.u32 $0x1C09, s15;
	s17 =	sadd.s32 $0x280, s16;
	[dreg:$0x5] =	wrdreg s18  }
0x12: {  	[dreg:$0x6] =	wrdreg s5;
	s21 =	sadd.s32 $0x500, s16;
	s22 =	sadd.s32 $0x780, s16  }
0x13: {  	[dreg:$0xe] =	wrdreg s26;
	s18 =	simm.s32 $0x9;
	s19 =	sadd.s32 s8, s17  }
0x14: {  	s26 =	simm.s32 $0x180;
	s20 =	sadd.s32 s9, s17;
	[dreg:$0x7] =	wrdreg s19  }
0x15: {  	s1 =	simm.s32 $0x5;
	s23 =	sadd.s32 s8, s21;
	[dreg:$0x8] =	wrdreg s20  }
0x16: {  	s5 =	sadd.s32 s9, s21;
	s24 =	sadd.s32 s8, s22;
	[dreg:$0x9] =	wrdreg s23  }
0x17: {  	s25 =	sadd.s32 s9, s22;
	s0 =	sadd.s32 $0x51600, s0;
	[dreg:$0xa] =	wrdreg s5  }
0x18: {  	s17 =	sshrl.u32 s14, $0x3;
	s21 =	simm.s32 $0x2800;
	[dreg:$0xb] =	wrdreg s24  }
0x19: {  	s22 =	simm.s32 $0x80;
	s8 =	simm.s32 $0x8;
	[dreg:$0xc] =	wrdreg s25  }
0x1a: {  	s9 =	simm.s32 $0x2600;
	[dreg:$0xd] =	wrdreg s0;
	s19 =	simm.s32 $0x1400  }
0x1b: {  	s20 =	simm.s32 $0x40;
	s23 =	simm.s32 $0x4800;
	s24 =	simm.s32 $0x100  }
0x1c: {  	s25 =	simm.s32 $0x6800;
	s0 =	simm.s32 $0x4;
	s5 =	simm.s32 $0x6  }
.LBB2_1:
0x1d: {  	s14 =	rddreg [dreg:$0x4]  }
0x1e: {  	[spmem:s17], [sflag:s6] =	dma.local [hbm:s14], $0x2780  }
0x1f: {  	_ =	swait.ge [sflag:s18], $0x2780  }
0x20: {  	[sflag:s18] =	ssyncset.done $0x0  }
0x21: {  	[sflag:s18] =	ssyncadd.s32 $0xFFFFD880  }
0x22: {  	[bflag:$0x0] =	sbarrier.arrive $0xFFFF  }
0x23: {  	s16 =	rddreg [dreg:$0x5]  }
0x24: {  	[tilespmem:s4], [sflag:$0x9] =	stream.linear.gather [hbm4b:s16+s4], $0x1400, $0x38;
	[tilespmem:$0x1E400] =	vst v63  }
0x25: {  	_ =	swait.ge [sflag:s18], $0x1400  }
0x26: {  	[sflag:s18] =	ssyncset.done $0x0  }
0x27: {  	s15 =	rddreg [dreg:$0x6];
	[sflag:s18] =	ssyncadd.s32 $0xFFFFEC00  }
0x28: {  	[tilespmem:s19], [sflag:$0x9] =	stream.linear.gather [hbm4b:s15+s4], $0x1400, $0x38;
	[tilespmem:$0x1E400] =	vst v63  }
0x29: {  	_ =	swait.ge [sflag:s18], $0x1400  }
0x2a: {  	[sflag:s18] =	ssyncset.done $0x0  }
0x2b: {  	[sflag:s18] =	ssyncadd.s32 $0xFFFFEC00  }
0x2c: {  	[tilespmem:s21], [sflag:$0x1] =	stream.indirect.gather [hbm4b:s2+s20], $0x80, s4, s20, $0xb8;
	[tilespmem:$0x1E400] =	vst v63  }
0x2d: {  	_ = 	snop  }
0x2e: {  	[tilespmem:s23], [sflag:$0x2] =	stream.indirect.gather [hbm4b:s2+s20], $0x80, s22, s20, $0xb8;
	[tilespmem:$0x1E400] =	vst v63  }
0x2f: {  	_ = 	snop  }
0x30: {  	[tilespmem:s25], [sflag:$0x3] =	stream.indirect.gather [hbm4b:s2+s20], $0x80, s24, s20, $0xb8;
	[tilespmem:$0x1E400] =	vst v63  }
0x31: {  	_ = 	snop  }
0x32: {  	[tilespmem:s28], [sflag:$0x4] =	stream.indirect.gather [hbm4b:s2+s20], $0x80, s26, s20, $0xb8;
	[tilespmem:$0x1E400] =	vst v63  }
0x33: {  	_ =	swait.ge [sflag:s29], $0x2000  }
0x34: {  	[sflag:s29] =	ssyncset.done $0x0  }
0x35: {  	s16 =	simm.s32 $0x1400;
	[sflag:s29] =	ssyncadd.s32 $0xFFFFE000  }
0x36: {  	[spmem:s3] =	stream.indirect.scatter.add.f32 [tilespmem:s21], [sflag:$0x5], $0x80, s16, s20, $0xb8;
	[tilespmem:$0x1E400] =	vst v63  }
0x37: {  	_ =	swait.ge [sflag:s30], $0x2000  }
0x38: {  	[sflag:s30] =	ssyncset.done $0x0  }
0x39: {  	s15 =	simm.s32 $0x1480;
	[sflag:s30] =	ssyncadd.s32 $0xFFFFE000  }
0x3a: {  	[spmem:s3] =	stream.indirect.scatter.add.f32 [tilespmem:s23], [sflag:$0x6], $0x80, s15, s20, $0xb8;
	[tilespmem:$0x1E400] =	vst v63  }
0x3b: {  	_ =	swait.ge [sflag:s31], $0x2000  }
0x3c: {  	[sflag:s31] =	ssyncset.done $0x0  }
0x3d: {  	s16 =	simm.s32 $0x1500;
	[sflag:s31] =	ssyncadd.s32 $0xFFFFE000  }
0x3e: {  	[spmem:s3] =	stream.indirect.scatter.add.f32 [tilespmem:s25], [sflag:$0x7], $0x80, s16, s20, $0xb8;
	[tilespmem:$0x1E400] =	vst v63  }
0x3f: {  	_ =	swait.ge [sflag:s0], $0x2000  }
0x40: {  	[sflag:s0] =	ssyncset.done $0x0  }
0x41: {  	s15 =	simm.s32 $0x1580;
	[sflag:s0] =	ssyncadd.s32 $0xFFFFE000  }
0x42: {  	[spmem:s3] =	stream.indirect.scatter.add.f32 [tilespmem:s28], [sflag:$0x8], $0x80, s15, s20, $0xb8;
	[tilespmem:$0x1E400] =	vst v63  }
0x43: {  	_ =	swait.ge [sflag:s1], $0x2000  }
0x44: {  	[sflag:s1] =	ssyncset.done $0x0  }
0x45: {  	s16 =	simm.s32 $0x200;
	[sflag:s1] =	ssyncadd.s32 $0xFFFFE000  }
0x46: {  	[tilespmem:s21], [sflag:$0x1] =	stream.indirect.gather [hbm4b:s2+s20], $0x80, s16, s20, $0xb8;
	[tilespmem:$0x1E400] =	vst v63  }
0x47: {  	_ =	swait.ge [sflag:s5], $0x2000  }
0x48: {  	[sflag:s5] =	ssyncset.done $0x0  }
0x49: {  	s15 =	simm.s32 $0x280;
	[sflag:s5] =	ssyncadd.s32 $0xFFFFE000  }
0x4a: {  	[tilespmem:s23], [sflag:$0x2] =	stream.indirect.gather [hbm4b:s2+s20], $0x80, s15, s20, $0xb8;
	[tilespmem:$0x1E400] =	vst v63  }
0x4b: {  	_ =	swait.ge [sflag:s7], $0x2000  }
0x4c: {  	[sflag:s7] =	ssyncset.done $0x0  }
0x4d: {  	s16 =	simm.s32 $0x300;
	[sflag:s7] =	ssyncadd.s32 $0xFFFFE000  }
0x4e: {  	[tilespmem:s25], [sflag:$0x3] =	stream.indirect.gather [hbm4b:s2+s20], $0x80, s16, s20, $0xb8;
	[tilespmem:$0x1E400] =	vst v63  }
0x4f: {  	_ =	swait.ge [sflag:s8], $0x2000  }
0x50: {  	[sflag:s8] =	ssyncset.done $0x0  }
0x51: {  	s14 =	simm.s32 $0x800;
	s15 =	simm.s32 $0x380;
	[sflag:s8] =	ssyncadd.s32 $0xFFFFE000  }
.LBB2_2:
0x52: {  	[tilespmem:s28], [sflag:$0x4] =	stream.indirect.gather [hbm4b:s2+s20], $0x80, s15, s20, $0xb8;
	[tilespmem:$0x1E400] =	vst v63  }
0x53: {  	s15 =	smov.u32 s14  }
0x54: {  	p0 =	sne.s32 s14, $0x4000;
	s14 =	sadd.s32 $0x800, s14;
	_ =	swait.ge [sflag:s29], $0x2000  }
0x55: {  	s15 =	sshra.s32 s15, $0x2;
	[sflag:s29] =	ssyncset.done $0x0  }
0x56: {  	s16 =	sadd.s32 $0x1400, s15;
	[sflag:s29] =	ssyncadd.s32 $0xFFFFE000  }
0x57: {  	[spmem:s3] =	stream.indirect.scatter.add.f32 [tilespmem:s21], [sflag:$0x5], $0x80, s16, s20, $0xb8;
	[tilespmem:$0x1E400] =	vst v63  }
0x58: {  	_ =	swait.ge [sflag:s30], $0x2000  }
0x59: {  	[sflag:s30] =	ssyncset.done $0x0  }
0x5a: {  	s16 =	sadd.s32 $0x1480, s15;
	[sflag:s30] =	ssyncadd.s32 $0xFFFFE000  }
0x5b: {  	[spmem:s3] =	stream.indirect.scatter.add.f32 [tilespmem:s23], [sflag:$0x6], $0x80, s16, s20, $0xb8;
	[tilespmem:$0x1E400] =	vst v63  }
0x5c: {  	_ =	swait.ge [sflag:s31], $0x2000  }
0x5d: {  	[sflag:s31] =	ssyncset.done $0x0  }
0x5e: {  	s16 =	sadd.s32 $0x1500, s15;
	[sflag:s31] =	ssyncadd.s32 $0xFFFFE000  }
0x5f: {  	[spmem:s3] =	stream.indirect.scatter.add.f32 [tilespmem:s25], [sflag:$0x7], $0x80, s16, s20, $0xb8;
	[tilespmem:$0x1E400] =	vst v63  }
0x60: {  	_ =	swait.ge [sflag:s0], $0x2000  }
0x61: {  	[sflag:s0] =	ssyncset.done $0x0  }
0x62: {  	s16 =	sadd.s32 $0x1580, s15;
	[sflag:s0] =	ssyncadd.s32 $0xFFFFE000  }
0x63: {  	[spmem:s3] =	stream.indirect.scatter.add.f32 [tilespmem:s28], [sflag:$0x8], $0x80, s16, s20, $0xb8;
	[tilespmem:$0x1E400] =	vst v63  }
0x64: {  	_ =	swait.ge [sflag:s1], $0x2000  }
0x65: {  	[sflag:s1] =	ssyncset.done $0x0  }
0x66: {  	s16 =	sadd.s32 $0x200, s15;
	[sflag:s1] =	ssyncadd.s32 $0xFFFFE000  }
0x67: {  	[tilespmem:s21], [sflag:$0x1] =	stream.indirect.gather [hbm4b:s2+s20], $0x80, s16, s20, $0xb8;
	[tilespmem:$0x1E400] =	vst v63  }
0x68: {  	_ =	swait.ge [sflag:s5], $0x2000  }
0x69: {  	[sflag:s5] =	ssyncset.done $0x0  }
0x6a: {  	s16 =	sadd.s32 $0x280, s15;
	[sflag:s5] =	ssyncadd.s32 $0xFFFFE000  }
0x6b: {  	[tilespmem:s23], [sflag:$0x2] =	stream.indirect.gather [hbm4b:s2+s20], $0x80, s16, s20, $0xb8;
	[tilespmem:$0x1E400] =	vst v63  }
0x6c: {  	_ =	swait.ge [sflag:s7], $0x2000  }
0x6d: {  	[sflag:s7] =	ssyncset.done $0x0  }
.Ltmp0:
0x6e: {  	s16 =	sadd.s32 $0x300, s15;
	[sflag:s7] =	ssyncadd.s32 $0xFFFFE000;
	(pc) =	sbr.rel @p0 .LBB2_2-.Ltmp0, $4  }
0x6f: {  	[tilespmem:s25], [sflag:$0x3] =	stream.indirect.gather [hbm4b:s2+s20], $0x80, s16, s20, $0xb8;
	[tilespmem:$0x1E400] =	vst v63  }
0x70: {  	_ =	swait.ge [sflag:s8], $0x2000  }
0x71: {  	[sflag:s8] =	ssyncset.done $0x0  }
0x72: {  	s15 =	sadd.s32 $0x380, s15;
	[sflag:s8] =	ssyncadd.s32 $0xFFFFE000  }
0x73: {  	[tilespmem:s28], [sflag:$0x4] =	stream.indirect.gather [hbm4b:s2+s20], $0x80, s15, s20, $0xb8;
	[tilespmem:$0x1E400] =	vst v63  }
0x74: {  	_ =	swait.ge [sflag:s29], $0x2000  }
0x75: {  	[sflag:s29] =	ssyncset.done $0x0  }
0x76: {  	[sflag:s29] =	ssyncadd.s32 $0xFFFFE000  }
0x77: {  	[spmem:s3] =	stream.indirect.scatter.add.f32 [tilespmem:s21], [sflag:$0x5], $0x80, s9, s20, $0xb8;
	[tilespmem:$0x1E400] =	vst v63  }
0x78: {  	_ =	swait.ge [sflag:s30], $0x2000  }
0x79: {  	[sflag:s30] =	ssyncset.done $0x0  }
0x7a: {  	[sflag:s30] =	ssyncadd.s32 $0xFFFFE000  }
0x7b: {  	[spmem:s3] =	stream.indirect.scatter.add.f32 [tilespmem:s23], [sflag:$0x6], $0x80, s10, s20, $0xb8;
	[tilespmem:$0x1E400] =	vst v63  }
0x7c: {  	_ =	swait.ge [sflag:s31], $0x2000  }
0x7d: {  	[sflag:s31] =	ssyncset.done $0x0  }
0x7e: {  	[sflag:s31] =	ssyncadd.s32 $0xFFFFE000  }
0x7f: {  	[spmem:s3] =	stream.indirect.scatter.add.f32 [tilespmem:s25], [sflag:$0x7], $0x80, s11, s20, $0xb8;
	[tilespmem:$0x1E400] =	vst v63  }
0x80: {  	_ =	swait.ge [sflag:s0], $0x2000  }
0x81: {  	[sflag:s0] =	ssyncset.done $0x0  }
0x82: {  	[sflag:s0] =	ssyncadd.s32 $0xFFFFE000  }
0x83: {  	[spmem:s3] =	stream.indirect.scatter.add.f32 [tilespmem:s28], [sflag:$0x8], $0x80, s12, s20, $0xb8;
	[tilespmem:$0x1E400] =	vst v63  }
0x84: {  	_ =	swait.ge [sflag:s1], $0x2000  }
0x85: {  	[sflag:s1] =	ssyncset.done $0x0  }
0x86: {  	[sflag:s1] =	ssyncadd.s32 $0xFFFFE000  }
0x87: {  	_ =	swait.ge [sflag:s5], $0x2000  }
0x88: {  	[sflag:s5] =	ssyncset.done $0x0  }
0x89: {  	[sflag:s5] =	ssyncadd.s32 $0xFFFFE000  }
0x8a: {  	_ =	swait.ge [sflag:s7], $0x2000  }
0x8b: {  	[sflag:s7] =	ssyncset.done $0x0  }
0x8c: {  	[sflag:s7] =	ssyncadd.s32 $0xFFFFE000  }
0x8d: {  	_ =	swait.ge [sflag:s8], $0x2000  }
0x8e: {  	[sflag:s8] =	ssyncset.done $0x0  }
0x8f: {  	s14 =	simm.s32 $0x0;
	s16 =	rddreg [dreg:$0x7];
	[sflag:s8] =	ssyncadd.s32 $0xFFFFE000  }
0x90: {  	[tilespmem:s14], [sflag:$0x9] =	stream.linear.gather [hbm4b:s16+s14], $0x1400, $0x38;
	[tilespmem:$0x1E400] =	vst v63  }
0x91: {  	_ =	swait.ge [sflag:s18], $0x1400  }
0x92: {  	[sflag:s18] =	ssyncset.done $0x0  }
0x93: {  	s16 =	rddreg [dreg:$0x8];
	[sflag:s18] =	ssyncadd.s32 $0xFFFFEC00  }
0x94: {  	[tilespmem:s19], [sflag:$0x9] =	stream.linear.gather [hbm4b:s16+s14], $0x1400, $0x38;
	[tilespmem:$0x1E400] =	vst v63  }
0x95: {  	_ =	swait.ge [sflag:s18], $0x1400  }
0x96: {  	[sflag:s18] =	ssyncset.done $0x0  }
0x97: {  	[sflag:s18] =	ssyncadd.s32 $0xFFFFEC00  }
0x98: {  	[tilespmem:s21], [sflag:$0x1] =	stream.indirect.gather [hbm4b:s2+s20], $0x80, s14, s20, $0xb8;
	[tilespmem:$0x1E400] =	vst v63  }
0x99: {  	_ = 	snop  }
0x9a: {  	[tilespmem:s23], [sflag:$0x2] =	stream.indirect.gather [hbm4b:s2+s20], $0x80, s22, s20, $0xb8;
	[tilespmem:$0x1E400] =	vst v63  }
0x9b: {  	_ = 	snop  }
0x9c: {  	[tilespmem:s25], [sflag:$0x3] =	stream.indirect.gather [hbm4b:s2+s20], $0x80, s24, s20, $0xb8;
	[tilespmem:$0x1E400] =	vst v63  }
0x9d: {  	_ = 	snop  }
0x9e: {  	[tilespmem:s28], [sflag:$0x4] =	stream.indirect.gather [hbm4b:s2+s20], $0x80, s26, s20, $0xb8;
	[tilespmem:$0x1E400] =	vst v63  }
0x9f: {  	_ =	swait.ge [sflag:s29], $0x2000  }
0xa0: {  	[sflag:s29] =	ssyncset.done $0x0  }
0xa1: {  	s16 =	simm.s32 $0x1400;
	[sflag:s29] =	ssyncadd.s32 $0xFFFFE000  }
0xa2: {  	[spmem:s3] =	stream.indirect.scatter.add.f32 [tilespmem:s21], [sflag:$0x5], $0x80, s16, s20, $0xb8;
	[tilespmem:$0x1E400] =	vst v63  }
0xa3: {  	_ =	swait.ge [sflag:s30], $0x2000  }
0xa4: {  	[sflag:s30] =	ssyncset.done $0x0  }
0xa5: {  	s15 =	simm.s32 $0x1480;
	[sflag:s30] =	ssyncadd.s32 $0xFFFFE000  }
0xa6: {  	[spmem:s3] =	stream.indirect.scatter.add.f32 [tilespmem:s23], [sflag:$0x6], $0x80, s15, s20, $0xb8;
	[tilespmem:$0x1E400] =	vst v63  }
0xa7: {  	_ =	swait.ge [sflag:s31], $0x2000  }
0xa8: {  	[sflag:s31] =	ssyncset.done $0x0  }
0xa9: {  	s16 =	simm.s32 $0x1500;
	[sflag:s31] =	ssyncadd.s32 $0xFFFFE000  }
0xaa: {  	[spmem:s3] =	stream.indirect.scatter.add.f32 [tilespmem:s25], [sflag:$0x7], $0x80, s16, s20, $0xb8;
	[tilespmem:$0x1E400] =	vst v63  }
0xab: {  	_ =	swait.ge [sflag:s0], $0x2000  }
0xac: {  	[sflag:s0] =	ssyncset.done $0x0  }
0xad: {  	s15 =	simm.s32 $0x1580;
	[sflag:s0] =	ssyncadd.s32 $0xFFFFE000  }
0xae: {  	[spmem:s3] =	stream.indirect.scatter.add.f32 [tilespmem:s28], [sflag:$0x8], $0x80, s15, s20, $0xb8;
	[tilespmem:$0x1E400] =	vst v63  }
0xaf: {  	_ =	swait.ge [sflag:s1], $0x2000  }
0xb0: {  	[sflag:s1] =	ssyncset.done $0x0  }
0xb1: {  	s16 =	simm.s32 $0x200;
	[sflag:s1] =	ssyncadd.s32 $0xFFFFE000  }
0xb2: {  	[tilespmem:s21], [sflag:$0x1] =	stream.indirect.gather [hbm4b:s2+s20], $0x80, s16, s20, $0xb8;
	[tilespmem:$0x1E400] =	vst v63  }
0xb3: {  	_ =	swait.ge [sflag:s5], $0x2000  }
0xb4: {  	[sflag:s5] =	ssyncset.done $0x0  }
0xb5: {  	s15 =	simm.s32 $0x280;
	[sflag:s5] =	ssyncadd.s32 $0xFFFFE000  }
0xb6: {  	[tilespmem:s23], [sflag:$0x2] =	stream.indirect.gather [hbm4b:s2+s20], $0x80, s15, s20, $0xb8;
	[tilespmem:$0x1E400] =	vst v63  }
0xb7: {  	_ =	swait.ge [sflag:s7], $0x2000  }
0xb8: {  	[sflag:s7] =	ssyncset.done $0x0  }
0xb9: {  	s16 =	simm.s32 $0x300;
	[sflag:s7] =	ssyncadd.s32 $0xFFFFE000  }
0xba: {  	[tilespmem:s25], [sflag:$0x3] =	stream.indirect.gather [hbm4b:s2+s20], $0x80, s16, s20, $0xb8;
	[tilespmem:$0x1E400] =	vst v63  }
0xbb: {  	_ =	swait.ge [sflag:s8], $0x2000  }
0xbc: {  	[sflag:s8] =	ssyncset.done $0x0  }
0xbd: {  	s14 =	simm.s32 $0x800;
	s15 =	simm.s32 $0x380;
	[sflag:s8] =	ssyncadd.s32 $0xFFFFE000  }
.LBB2_4:
0xbe: {  	[tilespmem:s28], [sflag:$0x4] =	stream.indirect.gather [hbm4b:s2+s20], $0x80, s15, s20, $0xb8;
	[tilespmem:$0x1E400] =	vst v63  }
0xbf: {  	s15 =	smov.u32 s14  }
0xc0: {  	p0 =	sne.s32 s14, $0x4000;
	s14 =	sadd.s32 $0x800, s14;
	_ =	swait.ge [sflag:s29], $0x2000  }
0xc1: {  	s15 =	sshra.s32 s15, $0x2;
	[sflag:s29] =	ssyncset.done $0x0  }
0xc2: {  	s16 =	sadd.s32 $0x1400, s15;
	[sflag:s29] =	ssyncadd.s32 $0xFFFFE000  }
0xc3: {  	[spmem:s3] =	stream.indirect.scatter.add.f32 [tilespmem:s21], [sflag:$0x5], $0x80, s16, s20, $0xb8;
	[tilespmem:$0x1E400] =	vst v63  }
0xc4: {  	_ =	swait.ge [sflag:s30], $0x2000  }
0xc5: {  	[sflag:s30] =	ssyncset.done $0x0  }
0xc6: {  	s16 =	sadd.s32 $0x1480, s15;
	[sflag:s30] =	ssyncadd.s32 $0xFFFFE000  }
0xc7: {  	[spmem:s3] =	stream.indirect.scatter.add.f32 [tilespmem:s23], [sflag:$0x6], $0x80, s16, s20, $0xb8;
	[tilespmem:$0x1E400] =	vst v63  }
0xc8: {  	_ =	swait.ge [sflag:s31], $0x2000  }
0xc9: {  	[sflag:s31] =	ssyncset.done $0x0  }
0xca: {  	s16 =	sadd.s32 $0x1500, s15;
	[sflag:s31] =	ssyncadd.s32 $0xFFFFE000  }
0xcb: {  	[spmem:s3] =	stream.indirect.scatter.add.f32 [tilespmem:s25], [sflag:$0x7], $0x80, s16, s20, $0xb8;
	[tilespmem:$0x1E400] =	vst v63  }
0xcc: {  	_ =	swait.ge [sflag:s0], $0x2000  }
0xcd: {  	[sflag:s0] =	ssyncset.done $0x0  }
0xce: {  	s16 =	sadd.s32 $0x1580, s15;
	[sflag:s0] =	ssyncadd.s32 $0xFFFFE000  }
0xcf: {  	[spmem:s3] =	stream.indirect.scatter.add.f32 [tilespmem:s28], [sflag:$0x8], $0x80, s16, s20, $0xb8;
	[tilespmem:$0x1E400] =	vst v63  }
0xd0: {  	_ =	swait.ge [sflag:s1], $0x2000  }
0xd1: {  	[sflag:s1] =	ssyncset.done $0x0  }
0xd2: {  	s16 =	sadd.s32 $0x200, s15;
	[sflag:s1] =	ssyncadd.s32 $0xFFFFE000  }
0xd3: {  	[tilespmem:s21], [sflag:$0x1] =	stream.indirect.gather [hbm4b:s2+s20], $0x80, s16, s20, $0xb8;
	[tilespmem:$0x1E400] =	vst v63  }
0xd4: {  	_ =	swait.ge [sflag:s5], $0x2000  }
0xd5: {  	[sflag:s5] =	ssyncset.done $0x0  }
0xd6: {  	s16 =	sadd.s32 $0x280, s15;
	[sflag:s5] =	ssyncadd.s32 $0xFFFFE000  }
0xd7: {  	[tilespmem:s23], [sflag:$0x2] =	stream.indirect.gather [hbm4b:s2+s20], $0x80, s16, s20, $0xb8;
	[tilespmem:$0x1E400] =	vst v63  }
0xd8: {  	_ =	swait.ge [sflag:s7], $0x2000  }
0xd9: {  	[sflag:s7] =	ssyncset.done $0x0  }
.Ltmp1:
0xda: {  	s16 =	sadd.s32 $0x300, s15;
	[sflag:s7] =	ssyncadd.s32 $0xFFFFE000;
	(pc) =	sbr.rel @p0 .LBB2_4-.Ltmp1, $4  }
0xdb: {  	[tilespmem:s25], [sflag:$0x3] =	stream.indirect.gather [hbm4b:s2+s20], $0x80, s16, s20, $0xb8;
	[tilespmem:$0x1E400] =	vst v63  }
0xdc: {  	_ =	swait.ge [sflag:s8], $0x2000  }
0xdd: {  	[sflag:s8] =	ssyncset.done $0x0  }
0xde: {  	s15 =	sadd.s32 $0x380, s15;
	[sflag:s8] =	ssyncadd.s32 $0xFFFFE000  }
0xdf: {  	[tilespmem:s28], [sflag:$0x4] =	stream.indirect.gather [hbm4b:s2+s20], $0x80, s15, s20, $0xb8;
	[tilespmem:$0x1E400] =	vst v63  }
0xe0: {  	_ =	swait.ge [sflag:s29], $0x2000  }
0xe1: {  	[sflag:s29] =	ssyncset.done $0x0  }
0xe2: {  	[sflag:s29] =	ssyncadd.s32 $0xFFFFE000  }
0xe3: {  	[spmem:s3] =	stream.indirect.scatter.add.f32 [tilespmem:s21], [sflag:$0x5], $0x80, s9, s20, $0xb8;
	[tilespmem:$0x1E400] =	vst v63  }
0xe4: {  	_ =	swait.ge [sflag:s30], $0x2000  }
0xe5: {  	[sflag:s30] =	ssyncset.done $0x0  }
0xe6: {  	[sflag:s30] =	ssyncadd.s32 $0xFFFFE000  }
0xe7: {  	[spmem:s3] =	stream.indirect.scatter.add.f32 [tilespmem:s23], [sflag:$0x6], $0x80, s10, s20, $0xb8;
	[tilespmem:$0x1E400] =	vst v63  }
0xe8: {  	_ =	swait.ge [sflag:s31], $0x2000  }
0xe9: {  	[sflag:s31] =	ssyncset.done $0x0  }
0xea: {  	[sflag:s31] =	ssyncadd.s32 $0xFFFFE000  }
0xeb: {  	[spmem:s3] =	stream.indirect.scatter.add.f32 [tilespmem:s25], [sflag:$0x7], $0x80, s11, s20, $0xb8;
	[tilespmem:$0x1E400] =	vst v63  }
0xec: {  	_ =	swait.ge [sflag:s0], $0x2000  }
0xed: {  	[sflag:s0] =	ssyncset.done $0x0  }
0xee: {  	[sflag:s0] =	ssyncadd.s32 $0xFFFFE000  }
0xef: {  	[spmem:s3] =	stream.indirect.scatter.add.f32 [tilespmem:s28], [sflag:$0x8], $0x80, s12, s20, $0xb8;
	[tilespmem:$0x1E400] =	vst v63  }
0xf0: {  	_ =	swait.ge [sflag:s1], $0x2000  }
0xf1: {  	[sflag:s1] =	ssyncset.done $0x0  }
0xf2: {  	[sflag:s1] =	ssyncadd.s32 $0xFFFFE000  }
0xf3: {  	_ =	swait.ge [sflag:s5], $0x2000  }
0xf4: {  	[sflag:s5] =	ssyncset.done $0x0  }
0xf5: {  	[sflag:s5] =	ssyncadd.s32 $0xFFFFE000  }
0xf6: {  	_ =	swait.ge [sflag:s7], $0x2000  }
0xf7: {  	[sflag:s7] =	ssyncset.done $0x0  }
0xf8: {  	[sflag:s7] =	ssyncadd.s32 $0xFFFFE000  }
0xf9: {  	_ =	swait.ge [sflag:s8], $0x2000  }
0xfa: {  	[sflag:s8] =	ssyncset.done $0x0  }
0xfb: {  	s14 =	simm.s32 $0x0;
	s16 =	rddreg [dreg:$0x9];
	[sflag:s8] =	ssyncadd.s32 $0xFFFFE000  }
0xfc: {  	[tilespmem:s14], [sflag:$0x9] =	stream.linear.gather [hbm4b:s16+s14], $0x1400, $0x38;
	[tilespmem:$0x1E400] =	vst v63  }
0xfd: {  	_ =	swait.ge [sflag:s18], $0x1400  }
0xfe: {  	[sflag:s18] =	ssyncset.done $0x0  }
0xff: {  	s16 =	rddreg [dreg:$0xa];
	[sflag:s18] =	ssyncadd.s32 $0xFFFFEC00  }
0x100: {  	[tilespmem:s19], [sflag:$0x9] =	stream.linear.gather [hbm4b:s16+s14], $0x1400, $0x38;
	[tilespmem:$0x1E400] =	vst v63  }
0x101: {  	_ =	swait.ge [sflag:s18], $0x1400  }
0x102: {  	[sflag:s18] =	ssyncset.done $0x0  }
0x103: {  	[sflag:s18] =	ssyncadd.s32 $0xFFFFEC00  }
0x104: {  	[tilespmem:s21], [sflag:$0x1] =	stream.indirect.gather [hbm4b:s2+s20], $0x80, s14, s20, $0xb8;
	[tilespmem:$0x1E400] =	vst v63  }
0x105: {  	_ = 	snop  }
0x106: {  	[tilespmem:s23], [sflag:$0x2] =	stream.indirect.gather [hbm4b:s2+s20], $0x80, s22, s20, $0xb8;
	[tilespmem:$0x1E400] =	vst v63  }
0x107: {  	_ = 	snop  }
0x108: {  	[tilespmem:s25], [sflag:$0x3] =	stream.indirect.gather [hbm4b:s2+s20], $0x80, s24, s20, $0xb8;
	[tilespmem:$0x1E400] =	vst v63  }
0x109: {  	_ = 	snop  }
0x10a: {  	[tilespmem:s28], [sflag:$0x4] =	stream.indirect.gather [hbm4b:s2+s20], $0x80, s26, s20, $0xb8;
	[tilespmem:$0x1E400] =	vst v63  }
0x10b: {  	_ =	swait.ge [sflag:s29], $0x2000  }
0x10c: {  	[sflag:s29] =	ssyncset.done $0x0  }
0x10d: {  	s16 =	simm.s32 $0x1400;
	[sflag:s29] =	ssyncadd.s32 $0xFFFFE000  }
0x10e: {  	[spmem:s3] =	stream.indirect.scatter.add.f32 [tilespmem:s21], [sflag:$0x5], $0x80, s16, s20, $0xb8;
	[tilespmem:$0x1E400] =	vst v63  }
0x10f: {  	_ =	swait.ge [sflag:s30], $0x2000  }
0x110: {  	[sflag:s30] =	ssyncset.done $0x0  }
0x111: {  	s15 =	simm.s32 $0x1480;
	[sflag:s30] =	ssyncadd.s32 $0xFFFFE000  }
0x112: {  	[spmem:s3] =	stream.indirect.scatter.add.f32 [tilespmem:s23], [sflag:$0x6], $0x80, s15, s20, $0xb8;
	[tilespmem:$0x1E400] =	vst v63  }
0x113: {  	_ =	swait.ge [sflag:s31], $0x2000  }
0x114: {  	[sflag:s31] =	ssyncset.done $0x0  }
0x115: {  	s16 =	simm.s32 $0x1500;
	[sflag:s31] =	ssyncadd.s32 $0xFFFFE000  }
0x116: {  	[spmem:s3] =	stream.indirect.scatter.add.f32 [tilespmem:s25], [sflag:$0x7], $0x80, s16, s20, $0xb8;
	[tilespmem:$0x1E400] =	vst v63  }
0x117: {  	_ =	swait.ge [sflag:s0], $0x2000  }
0x118: {  	[sflag:s0] =	ssyncset.done $0x0  }
0x119: {  	s15 =	simm.s32 $0x1580;
	[sflag:s0] =	ssyncadd.s32 $0xFFFFE000  }
0x11a: {  	[spmem:s3] =	stream.indirect.scatter.add.f32 [tilespmem:s28], [sflag:$0x8], $0x80, s15, s20, $0xb8;
	[tilespmem:$0x1E400] =	vst v63  }
0x11b: {  	_ =	swait.ge [sflag:s1], $0x2000  }
0x11c: {  	[sflag:s1] =	ssyncset.done $0x0  }
0x11d: {  	s16 =	simm.s32 $0x200;
	[sflag:s1] =	ssyncadd.s32 $0xFFFFE000  }
0x11e: {  	[tilespmem:s21], [sflag:$0x1] =	stream.indirect.gather [hbm4b:s2+s20], $0x80, s16, s20, $0xb8;
	[tilespmem:$0x1E400] =	vst v63  }
0x11f: {  	_ =	swait.ge [sflag:s5], $0x2000  }
0x120: {  	[sflag:s5] =	ssyncset.done $0x0  }
0x121: {  	s15 =	simm.s32 $0x280;
	[sflag:s5] =	ssyncadd.s32 $0xFFFFE000  }
0x122: {  	[tilespmem:s23], [sflag:$0x2] =	stream.indirect.gather [hbm4b:s2+s20], $0x80, s15, s20, $0xb8;
	[tilespmem:$0x1E400] =	vst v63  }
0x123: {  	_ =	swait.ge [sflag:s7], $0x2000  }
0x124: {  	[sflag:s7] =	ssyncset.done $0x0  }
0x125: {  	s16 =	simm.s32 $0x300;
	[sflag:s7] =	ssyncadd.s32 $0xFFFFE000  }
0x126: {  	[tilespmem:s25], [sflag:$0x3] =	stream.indirect.gather [hbm4b:s2+s20], $0x80, s16, s20, $0xb8;
	[tilespmem:$0x1E400] =	vst v63  }
0x127: {  	_ =	swait.ge [sflag:s8], $0x2000  }
0x128: {  	[sflag:s8] =	ssyncset.done $0x0  }
0x129: {  	s14 =	simm.s32 $0x800;
	s15 =	simm.s32 $0x380;
	[sflag:s8] =	ssyncadd.s32 $0xFFFFE000  }
.LBB2_6:
0x12a: {  	[tilespmem:s28], [sflag:$0x4] =	stream.indirect.gather [hbm4b:s2+s20], $0x80, s15, s20, $0xb8;
	[tilespmem:$0x1E400] =	vst v63  }
0x12b: {  	s15 =	smov.u32 s14  }
0x12c: {  	p0 =	sne.s32 s14, $0x4000;
	s14 =	sadd.s32 $0x800, s14;
	_ =	swait.ge [sflag:s29], $0x2000  }
0x12d: {  	s15 =	sshra.s32 s15, $0x2;
	[sflag:s29] =	ssyncset.done $0x0  }
0x12e: {  	s16 =	sadd.s32 $0x1400, s15;
	[sflag:s29] =	ssyncadd.s32 $0xFFFFE000  }
0x12f: {  	[spmem:s3] =	stream.indirect.scatter.add.f32 [tilespmem:s21], [sflag:$0x5], $0x80, s16, s20, $0xb8;
	[tilespmem:$0x1E400] =	vst v63  }
0x130: {  	_ =	swait.ge [sflag:s30], $0x2000  }
0x131: {  	[sflag:s30] =	ssyncset.done $0x0  }
0x132: {  	s16 =	sadd.s32 $0x1480, s15;
	[sflag:s30] =	ssyncadd.s32 $0xFFFFE000  }
0x133: {  	[spmem:s3] =	stream.indirect.scatter.add.f32 [tilespmem:s23], [sflag:$0x6], $0x80, s16, s20, $0xb8;
	[tilespmem:$0x1E400] =	vst v63  }
0x134: {  	_ =	swait.ge [sflag:s31], $0x2000  }
0x135: {  	[sflag:s31] =	ssyncset.done $0x0  }
0x136: {  	s16 =	sadd.s32 $0x1500, s15;
	[sflag:s31] =	ssyncadd.s32 $0xFFFFE000  }
0x137: {  	[spmem:s3] =	stream.indirect.scatter.add.f32 [tilespmem:s25], [sflag:$0x7], $0x80, s16, s20, $0xb8;
	[tilespmem:$0x1E400] =	vst v63  }
0x138: {  	_ =	swait.ge [sflag:s0], $0x2000  }
0x139: {  	[sflag:s0] =	ssyncset.done $0x0  }
0x13a: {  	s16 =	sadd.s32 $0x1580, s15;
	[sflag:s0] =	ssyncadd.s32 $0xFFFFE000  }
0x13b: {  	[spmem:s3] =	stream.indirect.scatter.add.f32 [tilespmem:s28], [sflag:$0x8], $0x80, s16, s20, $0xb8;
	[tilespmem:$0x1E400] =	vst v63  }
0x13c: {  	_ =	swait.ge [sflag:s1], $0x2000  }
0x13d: {  	[sflag:s1] =	ssyncset.done $0x0  }
0x13e: {  	s16 =	sadd.s32 $0x200, s15;
	[sflag:s1] =	ssyncadd.s32 $0xFFFFE000  }
0x13f: {  	[tilespmem:s21], [sflag:$0x1] =	stream.indirect.gather [hbm4b:s2+s20], $0x80, s16, s20, $0xb8;
	[tilespmem:$0x1E400] =	vst v63  }
0x140: {  	_ =	swait.ge [sflag:s5], $0x2000  }
0x141: {  	[sflag:s5] =	ssyncset.done $0x0  }
0x142: {  	s16 =	sadd.s32 $0x280, s15;
	[sflag:s5] =	ssyncadd.s32 $0xFFFFE000  }
0x143: {  	[tilespmem:s23], [sflag:$0x2] =	stream.indirect.gather [hbm4b:s2+s20], $0x80, s16, s20, $0xb8;
	[tilespmem:$0x1E400] =	vst v63  }
0x144: {  	_ =	swait.ge [sflag:s7], $0x2000  }
0x145: {  	[sflag:s7] =	ssyncset.done $0x0  }
.Ltmp2:
0x146: {  	s16 =	sadd.s32 $0x300, s15;
	[sflag:s7] =	ssyncadd.s32 $0xFFFFE000;
	(pc) =	sbr.rel @p0 .LBB2_6-.Ltmp2, $4  }
0x147: {  	[tilespmem:s25], [sflag:$0x3] =	stream.indirect.gather [hbm4b:s2+s20], $0x80, s16, s20, $0xb8;
	[tilespmem:$0x1E400] =	vst v63  }
0x148: {  	_ =	swait.ge [sflag:s8], $0x2000  }
0x149: {  	[sflag:s8] =	ssyncset.done $0x0  }
0x14a: {  	s15 =	sadd.s32 $0x380, s15;
	[sflag:s8] =	ssyncadd.s32 $0xFFFFE000  }
0x14b: {  	[tilespmem:s28], [sflag:$0x4] =	stream.indirect.gather [hbm4b:s2+s20], $0x80, s15, s20, $0xb8;
	[tilespmem:$0x1E400] =	vst v63  }
0x14c: {  	_ =	swait.ge [sflag:s29], $0x2000  }
0x14d: {  	[sflag:s29] =	ssyncset.done $0x0  }
0x14e: {  	[sflag:s29] =	ssyncadd.s32 $0xFFFFE000  }
0x14f: {  	[spmem:s3] =	stream.indirect.scatter.add.f32 [tilespmem:s21], [sflag:$0x5], $0x80, s9, s20, $0xb8;
	[tilespmem:$0x1E400] =	vst v63  }
0x150: {  	_ =	swait.ge [sflag:s30], $0x2000  }
0x151: {  	[sflag:s30] =	ssyncset.done $0x0  }
0x152: {  	[sflag:s30] =	ssyncadd.s32 $0xFFFFE000  }
0x153: {  	[spmem:s3] =	stream.indirect.scatter.add.f32 [tilespmem:s23], [sflag:$0x6], $0x80, s10, s20, $0xb8;
	[tilespmem:$0x1E400] =	vst v63  }
0x154: {  	_ =	swait.ge [sflag:s31], $0x2000  }
0x155: {  	[sflag:s31] =	ssyncset.done $0x0  }
0x156: {  	[sflag:s31] =	ssyncadd.s32 $0xFFFFE000  }
0x157: {  	[spmem:s3] =	stream.indirect.scatter.add.f32 [tilespmem:s25], [sflag:$0x7], $0x80, s11, s20, $0xb8;
	[tilespmem:$0x1E400] =	vst v63  }
0x158: {  	_ =	swait.ge [sflag:s0], $0x2000  }
0x159: {  	[sflag:s0] =	ssyncset.done $0x0  }
0x15a: {  	[sflag:s0] =	ssyncadd.s32 $0xFFFFE000  }
0x15b: {  	[spmem:s3] =	stream.indirect.scatter.add.f32 [tilespmem:s28], [sflag:$0x8], $0x80, s12, s20, $0xb8;
	[tilespmem:$0x1E400] =	vst v63  }
0x15c: {  	_ =	swait.ge [sflag:s1], $0x2000  }
0x15d: {  	[sflag:s1] =	ssyncset.done $0x0  }
0x15e: {  	[sflag:s1] =	ssyncadd.s32 $0xFFFFE000  }
0x15f: {  	_ =	swait.ge [sflag:s5], $0x2000  }
0x160: {  	[sflag:s5] =	ssyncset.done $0x0  }
0x161: {  	[sflag:s5] =	ssyncadd.s32 $0xFFFFE000  }
0x162: {  	_ =	swait.ge [sflag:s7], $0x2000  }
0x163: {  	[sflag:s7] =	ssyncset.done $0x0  }
0x164: {  	[sflag:s7] =	ssyncadd.s32 $0xFFFFE000  }
0x165: {  	_ =	swait.ge [sflag:s8], $0x2000  }
0x166: {  	[sflag:s8] =	ssyncset.done $0x0  }
0x167: {  	s14 =	simm.s32 $0x0;
	s16 =	rddreg [dreg:$0xb];
	[sflag:s8] =	ssyncadd.s32 $0xFFFFE000  }
0x168: {  	[tilespmem:s14], [sflag:$0x9] =	stream.linear.gather [hbm4b:s16+s14], $0x1400, $0x38;
	[tilespmem:$0x1E400] =	vst v63  }
0x169: {  	_ =	swait.ge [sflag:s18], $0x1400  }
0x16a: {  	[sflag:s18] =	ssyncset.done $0x0  }
0x16b: {  	s16 =	rddreg [dreg:$0xc];
	[sflag:s18] =	ssyncadd.s32 $0xFFFFEC00  }
0x16c: {  	[tilespmem:s19], [sflag:$0x9] =	stream.linear.gather [hbm4b:s16+s14], $0x1400, $0x38;
	[tilespmem:$0x1E400] =	vst v63  }
0x16d: {  	_ =	swait.ge [sflag:s18], $0x1400  }
0x16e: {  	[sflag:s18] =	ssyncset.done $0x0  }
0x16f: {  	[sflag:s18] =	ssyncadd.s32 $0xFFFFEC00  }
0x170: {  	[tilespmem:s21], [sflag:$0x1] =	stream.indirect.gather [hbm4b:s2+s20], $0x80, s14, s20, $0xb8;
	[tilespmem:$0x1E400] =	vst v63  }
0x171: {  	_ = 	snop  }
0x172: {  	[tilespmem:s23], [sflag:$0x2] =	stream.indirect.gather [hbm4b:s2+s20], $0x80, s22, s20, $0xb8;
	[tilespmem:$0x1E400] =	vst v63  }
0x173: {  	_ = 	snop  }
0x174: {  	[tilespmem:s25], [sflag:$0x3] =	stream.indirect.gather [hbm4b:s2+s20], $0x80, s24, s20, $0xb8;
	[tilespmem:$0x1E400] =	vst v63  }
0x175: {  	_ = 	snop  }
0x176: {  	[tilespmem:s28], [sflag:$0x4] =	stream.indirect.gather [hbm4b:s2+s20], $0x80, s26, s20, $0xb8;
	[tilespmem:$0x1E400] =	vst v63  }
0x177: {  	_ =	swait.ge [sflag:s29], $0x2000  }
0x178: {  	[sflag:s29] =	ssyncset.done $0x0  }
0x179: {  	s16 =	simm.s32 $0x1400;
	[sflag:s29] =	ssyncadd.s32 $0xFFFFE000  }
0x17a: {  	[spmem:s3] =	stream.indirect.scatter.add.f32 [tilespmem:s21], [sflag:$0x5], $0x80, s16, s20, $0xb8;
	[tilespmem:$0x1E400] =	vst v63  }
0x17b: {  	_ =	swait.ge [sflag:s30], $0x2000  }
0x17c: {  	[sflag:s30] =	ssyncset.done $0x0  }
0x17d: {  	s15 =	simm.s32 $0x1480;
	[sflag:s30] =	ssyncadd.s32 $0xFFFFE000  }
0x17e: {  	[spmem:s3] =	stream.indirect.scatter.add.f32 [tilespmem:s23], [sflag:$0x6], $0x80, s15, s20, $0xb8;
	[tilespmem:$0x1E400] =	vst v63  }
0x17f: {  	_ =	swait.ge [sflag:s31], $0x2000  }
0x180: {  	[sflag:s31] =	ssyncset.done $0x0  }
0x181: {  	s16 =	simm.s32 $0x1500;
	[sflag:s31] =	ssyncadd.s32 $0xFFFFE000  }
0x182: {  	[spmem:s3] =	stream.indirect.scatter.add.f32 [tilespmem:s25], [sflag:$0x7], $0x80, s16, s20, $0xb8;
	[tilespmem:$0x1E400] =	vst v63  }
0x183: {  	_ =	swait.ge [sflag:s0], $0x2000  }
0x184: {  	[sflag:s0] =	ssyncset.done $0x0  }
0x185: {  	s15 =	simm.s32 $0x1580;
	[sflag:s0] =	ssyncadd.s32 $0xFFFFE000  }
0x186: {  	[spmem:s3] =	stream.indirect.scatter.add.f32 [tilespmem:s28], [sflag:$0x8], $0x80, s15, s20, $0xb8;
	[tilespmem:$0x1E400] =	vst v63  }
0x187: {  	_ =	swait.ge [sflag:s1], $0x2000  }
0x188: {  	[sflag:s1] =	ssyncset.done $0x0  }
0x189: {  	s16 =	simm.s32 $0x200;
	[sflag:s1] =	ssyncadd.s32 $0xFFFFE000  }
0x18a: {  	[tilespmem:s21], [sflag:$0x1] =	stream.indirect.gather [hbm4b:s2+s20], $0x80, s16, s20, $0xb8;
	[tilespmem:$0x1E400] =	vst v63  }
0x18b: {  	_ =	swait.ge [sflag:s5], $0x2000  }
0x18c: {  	[sflag:s5] =	ssyncset.done $0x0  }
0x18d: {  	s15 =	simm.s32 $0x280;
	[sflag:s5] =	ssyncadd.s32 $0xFFFFE000  }
0x18e: {  	[tilespmem:s23], [sflag:$0x2] =	stream.indirect.gather [hbm4b:s2+s20], $0x80, s15, s20, $0xb8;
	[tilespmem:$0x1E400] =	vst v63  }
0x18f: {  	_ =	swait.ge [sflag:s7], $0x2000  }
0x190: {  	[sflag:s7] =	ssyncset.done $0x0  }
0x191: {  	s16 =	simm.s32 $0x300;
	[sflag:s7] =	ssyncadd.s32 $0xFFFFE000  }
0x192: {  	[tilespmem:s25], [sflag:$0x3] =	stream.indirect.gather [hbm4b:s2+s20], $0x80, s16, s20, $0xb8;
	[tilespmem:$0x1E400] =	vst v63  }
0x193: {  	_ =	swait.ge [sflag:s8], $0x2000  }
0x194: {  	[sflag:s8] =	ssyncset.done $0x0  }
0x195: {  	s14 =	simm.s32 $0x800;
	s15 =	simm.s32 $0x380;
	[sflag:s8] =	ssyncadd.s32 $0xFFFFE000  }
.LBB2_8:
0x196: {  	[tilespmem:s28], [sflag:$0x4] =	stream.indirect.gather [hbm4b:s2+s20], $0x80, s15, s20, $0xb8;
	[tilespmem:$0x1E400] =	vst v63  }
0x197: {  	s15 =	smov.u32 s14  }
0x198: {  	p0 =	sne.s32 s14, $0x4000;
	s14 =	sadd.s32 $0x800, s14;
	_ =	swait.ge [sflag:s29], $0x2000  }
0x199: {  	s15 =	sshra.s32 s15, $0x2;
	[sflag:s29] =	ssyncset.done $0x0  }
0x19a: {  	s16 =	sadd.s32 $0x1400, s15;
	[sflag:s29] =	ssyncadd.s32 $0xFFFFE000  }
0x19b: {  	[spmem:s3] =	stream.indirect.scatter.add.f32 [tilespmem:s21], [sflag:$0x5], $0x80, s16, s20, $0xb8;
	[tilespmem:$0x1E400] =	vst v63  }
0x19c: {  	_ =	swait.ge [sflag:s30], $0x2000  }
0x19d: {  	[sflag:s30] =	ssyncset.done $0x0  }
0x19e: {  	s16 =	sadd.s32 $0x1480, s15;
	[sflag:s30] =	ssyncadd.s32 $0xFFFFE000  }
0x19f: {  	[spmem:s3] =	stream.indirect.scatter.add.f32 [tilespmem:s23], [sflag:$0x6], $0x80, s16, s20, $0xb8;
	[tilespmem:$0x1E400] =	vst v63  }
0x1a0: {  	_ =	swait.ge [sflag:s31], $0x2000  }
0x1a1: {  	[sflag:s31] =	ssyncset.done $0x0  }
0x1a2: {  	s16 =	sadd.s32 $0x1500, s15;
	[sflag:s31] =	ssyncadd.s32 $0xFFFFE000  }
0x1a3: {  	[spmem:s3] =	stream.indirect.scatter.add.f32 [tilespmem:s25], [sflag:$0x7], $0x80, s16, s20, $0xb8;
	[tilespmem:$0x1E400] =	vst v63  }
0x1a4: {  	_ =	swait.ge [sflag:s0], $0x2000  }
0x1a5: {  	[sflag:s0] =	ssyncset.done $0x0  }
0x1a6: {  	s16 =	sadd.s32 $0x1580, s15;
	[sflag:s0] =	ssyncadd.s32 $0xFFFFE000  }
0x1a7: {  	[spmem:s3] =	stream.indirect.scatter.add.f32 [tilespmem:s28], [sflag:$0x8], $0x80, s16, s20, $0xb8;
	[tilespmem:$0x1E400] =	vst v63  }
0x1a8: {  	_ =	swait.ge [sflag:s1], $0x2000  }
0x1a9: {  	[sflag:s1] =	ssyncset.done $0x0  }
0x1aa: {  	s16 =	sadd.s32 $0x200, s15;
	[sflag:s1] =	ssyncadd.s32 $0xFFFFE000  }
0x1ab: {  	[tilespmem:s21], [sflag:$0x1] =	stream.indirect.gather [hbm4b:s2+s20], $0x80, s16, s20, $0xb8;
	[tilespmem:$0x1E400] =	vst v63  }
0x1ac: {  	_ =	swait.ge [sflag:s5], $0x2000  }
0x1ad: {  	[sflag:s5] =	ssyncset.done $0x0  }
0x1ae: {  	s16 =	sadd.s32 $0x280, s15;
	[sflag:s5] =	ssyncadd.s32 $0xFFFFE000  }
0x1af: {  	[tilespmem:s23], [sflag:$0x2] =	stream.indirect.gather [hbm4b:s2+s20], $0x80, s16, s20, $0xb8;
	[tilespmem:$0x1E400] =	vst v63  }
0x1b0: {  	_ =	swait.ge [sflag:s7], $0x2000  }
0x1b1: {  	[sflag:s7] =	ssyncset.done $0x0  }
.Ltmp3:
0x1b2: {  	s16 =	sadd.s32 $0x300, s15;
	[sflag:s7] =	ssyncadd.s32 $0xFFFFE000;
	(pc) =	sbr.rel @p0 .LBB2_8-.Ltmp3, $4  }
0x1b3: {  	[tilespmem:s25], [sflag:$0x3] =	stream.indirect.gather [hbm4b:s2+s20], $0x80, s16, s20, $0xb8;
	[tilespmem:$0x1E400] =	vst v63  }
0x1b4: {  	_ =	swait.ge [sflag:s8], $0x2000  }
0x1b5: {  	[sflag:s8] =	ssyncset.done $0x0  }
0x1b6: {  	s15 =	sadd.s32 $0x380, s15;
	[sflag:s8] =	ssyncadd.s32 $0xFFFFE000  }
0x1b7: {  	[tilespmem:s28], [sflag:$0x4] =	stream.indirect.gather [hbm4b:s2+s20], $0x80, s15, s20, $0xb8;
	[tilespmem:$0x1E400] =	vst v63  }
0x1b8: {  	_ =	swait.ge [sflag:s29], $0x2000  }
0x1b9: {  	[sflag:s29] =	ssyncset.done $0x0  }
0x1ba: {  	[sflag:s29] =	ssyncadd.s32 $0xFFFFE000  }
0x1bb: {  	[spmem:s3] =	stream.indirect.scatter.add.f32 [tilespmem:s21], [sflag:$0x5], $0x80, s9, s20, $0xb8;
	[tilespmem:$0x1E400] =	vst v63  }
0x1bc: {  	_ =	swait.ge [sflag:s30], $0x2000  }
0x1bd: {  	[sflag:s30] =	ssyncset.done $0x0  }
0x1be: {  	[sflag:s30] =	ssyncadd.s32 $0xFFFFE000  }
0x1bf: {  	[spmem:s3] =	stream.indirect.scatter.add.f32 [tilespmem:s23], [sflag:$0x6], $0x80, s10, s20, $0xb8;
	[tilespmem:$0x1E400] =	vst v63  }
0x1c0: {  	_ =	swait.ge [sflag:s31], $0x2000  }
0x1c1: {  	[sflag:s31] =	ssyncset.done $0x0  }
0x1c2: {  	[sflag:s31] =	ssyncadd.s32 $0xFFFFE000  }
0x1c3: {  	[spmem:s3] =	stream.indirect.scatter.add.f32 [tilespmem:s25], [sflag:$0x7], $0x80, s11, s20, $0xb8;
	[tilespmem:$0x1E400] =	vst v63  }
0x1c4: {  	_ =	swait.ge [sflag:s0], $0x2000  }
0x1c5: {  	[sflag:s0] =	ssyncset.done $0x0  }
0x1c6: {  	[sflag:s0] =	ssyncadd.s32 $0xFFFFE000  }
0x1c7: {  	[spmem:s3] =	stream.indirect.scatter.add.f32 [tilespmem:s28], [sflag:$0x8], $0x80, s12, s20, $0xb8;
	[tilespmem:$0x1E400] =	vst v63  }
0x1c8: {  	_ =	swait.ge [sflag:s1], $0x2000  }
0x1c9: {  	[sflag:s1] =	ssyncset.done $0x0  }
0x1ca: {  	[sflag:s1] =	ssyncadd.s32 $0xFFFFE000  }
0x1cb: {  	_ =	swait.ge [sflag:s5], $0x2000  }
0x1cc: {  	[sflag:s5] =	ssyncset.done $0x0  }
0x1cd: {  	[sflag:s5] =	ssyncadd.s32 $0xFFFFE000  }
0x1ce: {  	_ =	swait.ge [sflag:s7], $0x2000  }
0x1cf: {  	[sflag:s7] =	ssyncset.done $0x0  }
0x1d0: {  	[sflag:s7] =	ssyncadd.s32 $0xFFFFE000  }
0x1d1: {  	_ =	swait.ge [sflag:s8], $0x2000  }
0x1d2: {  	[sflag:s8] =	ssyncset.done $0x0  }
0x1d3: {  	[sflag:s8] =	ssyncadd.s32 $0xFFFFE000  }
0x1d4: {  	[bflag:$0x0] =	sbarrier.arrive $0xFFFF  }
0x1d5: {  	s14 =	rddreg [dreg:$0xd]  }
0x1d6: {  	[hbm:s14], [sflag:s6] =	dma.local [spmem:s17], $0x2780  }
0x1d7: {  	_ =	swait.ge [sflag:s18], $0x2780  }
0x1d8: {  	s13 =	sadd.s32 $0x1, s13;
	s16 =	rddreg [dreg:$0xe]  }
0x1d9: {  	p0 =	sne.s32 s13, s16  }
.Ltmp4:
0x1da: {  	_ = 	snop;
	(pc) =	sbr.rel @p0 .LBB2_1-.Ltmp4, $3  }
0x1db: {  	_ =	sdelay $0x1  }
0x1dc: {  	[sflag:s18] =	ssyncset.done $0x0  }
0x1dd: {  	[sflag:s18] =	ssyncadd.s32 $0xFFFFD880  }
0x1de: {  	_ =	sfence.sel $0x180000  }
0x1df: {  	[bflag:$0x0] =	sbarrier.arrive $0xFFFF  }
0x1e0: {  	_ =	strace $0x9000004A  }
0x1e1: {  	s0 =	stileid.u32;
	[bflag:$0x2] =	sbarrier.arrive $0xFFFF  }
0x1e2: {  	p0 =	sne.s32 s0, $0x0;
	s0 =	rddreg [dreg:$0x3]  }
0x1e3: {  	s0 =	sadd.s32 @!p0 $0x100000, s0  }
0x1e4: {  	[sflag:s0] =	ssyncadd.tile.s32 @!p0 $0x1;
	_ =	shalt  }
.Lfunc_end2:
_tile_overlayer_lowered:
.L_overlay_start_2:
0x1e5: {  	(tag) =	ssettag $0x2  }
0x1e6: {  	s0 =	rddreg [dreg:$0x0];
	s2 =	stileid.u32  }
0x1e7: {  	s1 =	rddreg [dreg:$0x1];
	p0 =	sne.s32 s2, $0x0  }
0x1e8: {  	s3 =	rddreg [dreg:$0x2];
	[bflag:$0x3] =	sbarrier.arrive $0xFFFF;
	s2 =	simm.s32 @!p0 $0x1C09  }
0x1e9: {  	[timem:s3], [sflag:s2] =	dma.local @!p0 [hbm:s0], s1  }
0x1ea: {  	s0 =	simm.s32 @!p0 $0x9  }
0x1eb: {  	_ =	swait.ge @!p0 [sflag:s0], s1  }
0x1ec: {  	s1 =	ssub.s32 @!p0 $0x0, s1;
	[sflag:s0] =	ssyncset.done @!p0 $0x0  }
0x1ed: {  	[sflag:s0] =	ssyncadd.s32 @!p0 s1  }
0x1ee: {  	[bflag:$0x3] =	sbarrier.arrive $0xFFFF  }
0x1ef: {  	_ =	shalt  }

</sc_bundles>
